<compile_context>
chip_gen: v7x
topology: tpu7x:2x2x1
jax: 0.10.2.dev20260603
libtpu: 0.0.44.dev20260713+nightly
codegen_flags: <defaults>
</compile_context>

<pallas_src>
import functools

import jax
import jax.numpy as jnp
from jax import lax
from jax.experimental import pallas as pl
from jax.experimental.pallas import tpu as pltpu
from jax.experimental.pallas import tpu_sc as plsc

N_NODES = 10000
N_EDGES = 320000
D_FEAT = 128

NC = 2
NS = 16
L = 16
NW = NC * NS
EDGES_PER_TILE = N_EDGES // NW
BLK = 40
NBUF = 5
NBLK = EDGES_PER_TILE // BLK
NSUP = NBLK // NBUF
ROW_CHUNK = 624
ROW_TAIL = N_NODES - NS * ROW_CHUNK

_mesh = plsc.VectorSubcoreMesh(core_axis_name="c", subcore_axis_name="s")


@functools.partial(
    pl.kernel,
    out_type=jax.ShapeDtypeStruct((NC, N_NODES, D_FEAT), jnp.float32),
    mesh=_mesh,
    scratch_types=[
        pltpu.VMEM((EDGES_PER_TILE,), jnp.int32),
        pltpu.VMEM((EDGES_PER_TILE,), jnp.float32),
        [pltpu.VMEM((BLK,), jnp.int32) for _ in range(NBUF)],
        [pltpu.VMEM((BLK, D_FEAT), jnp.float32) for _ in range(NBUF)],
        pltpu.VMEM_SHARED((N_NODES, D_FEAT), jnp.float32),
        [pltpu.SemaphoreType.DMA for _ in range(NBUF)],
        [pltpu.SemaphoreType.DMA for _ in range(NBUF)],
        [pltpu.SemaphoreType.DMA for _ in range(NBUF)],
    ],
    compiler_params=pltpu.CompilerParams(needs_layout_passes=False),
)
def _sc_aggregate(node_hbm, zeros_hbm, src_hbm, dst_hbm, attr_hbm, part_hbm,
                  srcv, attrv, dstv, rows, accum, gsem, dsem, ssem):
    c = lax.axis_index("c")
    s = lax.axis_index("s")
    wid = c * NS + s

    rsl = pl.ds(s * ROW_CHUNK, ROW_CHUNK)
    tsl = pl.ds(NS * ROW_CHUNK, ROW_TAIL)

    @pl.when(c == 0)
    def _():
        pltpu.sync_copy(node_hbm.at[rsl], accum.at[rsl])

        @pl.when(s == 0)
        def _():
            pltpu.sync_copy(node_hbm.at[tsl], accum.at[tsl])

    @pl.when(c != 0)
    def _():
        pltpu.sync_copy(zeros_hbm.at[rsl], accum.at[rsl])

        @pl.when(s == 0)
        def _():
            pltpu.sync_copy(zeros_hbm.at[tsl], accum.at[tsl])

    ebase = wid * EDGES_PER_TILE
    pltpu.sync_copy(src_hbm.at[pl.ds(ebase, EDGES_PER_TILE)], srcv)
    pltpu.sync_copy(attr_hbm.at[pl.ds(ebase, EDGES_PER_TILE)], attrv)

    plsc.subcore_barrier()

    def start_block(j, k):
        off = j * BLK
        pltpu.async_copy(dst_hbm.at[pl.ds(ebase + off, BLK)], dstv[k], dsem[k])
        pltpu.async_copy(node_hbm.at[srcv.at[pl.ds(off, BLK)]], rows[k],
                         gsem[k])

    def finish_block(j, k):
        off = j * BLK
        pltpu.make_async_copy(node_hbm.at[srcv.at[pl.ds(off, BLK)]], rows[k],
                              gsem[k]).wait()

        @plsc.parallel_loop(0, BLK, unroll=8)
        def _scale(e):
            bc = plsc.load_gather(
                attrv, [jnp.full((L,), off, jnp.int32) + e])
            for cc in range(D_FEAT // L):
                sl = pl.ds(cc * L, L)
                rows[k][e, sl] = rows[k][e, sl] * bc

        pltpu.make_async_copy(dst_hbm.at[pl.ds(ebase + off, BLK)], dstv[k],
                              dsem[k]).wait()
        pltpu.async_copy(rows[k], accum.at[dstv[k]], ssem[k], add=True)

    def drain_scatter(k):
        pltpu.make_async_copy(rows[k], accum.at[dstv[k]], ssem[k]).wait()

    for k in range(NBUF):
        start_block(k, k)

    @pl.loop(0, NSUP - 1)
    def _super(t):
        j0 = t * NBUF
        for k in range(NBUF):
            finish_block(j0 + k, k)
        for k in range(NBUF):
            drain_scatter(k)
            start_block(j0 + NBUF + k, k)

    for k in range(NBUF):
        finish_block((NSUP - 1) * NBUF + k, k)
    for k in range(NBUF):
        drain_scatter(k)

    plsc.subcore_barrier()
    pltpu.sync_copy(accum.at[rsl], part_hbm.at[c, rsl])

    @pl.when(s == 0)
    def _():
        pltpu.sync_copy(accum.at[tsl], part_hbm.at[c, tsl])


def _combine_body(p_ref, o_ref):
    o_ref[...] = p_ref[0] + p_ref[1]


_combine = pl.pallas_call(
    _combine_body,
    out_shape=jax.ShapeDtypeStruct((N_NODES, D_FEAT), jnp.float32),
    grid=(10,),
    in_specs=[pl.BlockSpec((NC, N_NODES // 10, D_FEAT), lambda i: (0, i, 0))],
    out_specs=pl.BlockSpec((N_NODES // 10, D_FEAT), lambda i: (i, 0)),
)


@jax.jit
def kernel(node_feat, edge_index, edge_attr):
    src = edge_index[0].astype(jnp.int32)
    dst = edge_index[1].astype(jnp.int32)
    zeros = jnp.zeros_like(node_feat)
    part = _sc_aggregate(node_feat, zeros, src, dst, edge_attr)
    return _combine(part)

# --- scband reference (transcript-rebuilt; emitter-appended) ---
"""Pipeline reference for scband-hetero-message-passing-8211977470436 (READ-ONLY COPY).

The authoritative reference and input builder live on the scoring server;
editing this copy changes nothing except your own understanding.
"""

import jax, jax.numpy as jnp
import numpy as np

N_NODES = 10000
N_EDGES = 320000
D_FEAT = 128


def setup_inputs(seed: int = 0) -> dict:
    key = jax.random.key(seed)
    k1, k2, k3 = jax.random.split(key, 3)
    node_feat = jax.random.normal(k1, (N_NODES, D_FEAT), dtype=jnp.float32)
    edge_index = jax.random.randint(k2, (2, N_EDGES), 0, N_NODES, dtype=jnp.int64)
    edge_attr = jax.random.normal(k3, (N_EDGES,), dtype=jnp.float32)
    return {"node_feat": node_feat, "edge_index": edge_index, "edge_attr": edge_attr}


def reference(node_feat, edge_index, edge_attr):
    # message: gather source-node features along edges, scale by scalar edge weight
    src_feat = jnp.take(node_feat, edge_index[0], axis=0)          # [E, d]
    messages = src_feat * edge_attr[:, None]                        # [E, d]
    # aggregate: scatter-add messages into destination nodes
    aggr_out = jnp.zeros((node_feat.shape[0], messages.shape[-1]), dtype=messages.dtype)
    aggr_out = aggr_out.at[edge_index[1]].add(messages)             # [N, d]
    # update: residual add of original node features
    return aggr_out + node_feat

if __name__ == "__main__":
    import jax
    _d = setup_inputs()
    print(jax.jit(kernel)(*tuple(_d.values())))

</pallas_src>

<mosaic_0001>
#map = affine_map<(d0, d1) -> (0, 0)>
#map1 = affine_map<(d0, d1) -> (0)>
#map2 = affine_map<(d0, d1) -> (0, 0, 0)>
module attributes {stable_mosaic.version = 14 : i64} {
  func.func @_sc_aggregate(%arg0: i32, %arg1: i32, %arg2: memref<10000x128xf32, #tpu.memory_space<hbm>>, %arg3: memref<10000x128xf32, #tpu.memory_space<hbm>>, %arg4: memref<320000xi32, #tpu.memory_space<hbm>>, %arg5: memref<320000xi32, #tpu.memory_space<hbm>>, %arg6: memref<320000xf32, #tpu.memory_space<hbm>>, %arg7: memref<2x10000x128xf32, #tpu.memory_space<hbm>>, %arg8: memref<10000xi32, #tpu.memory_space<vmem>>, %arg9: memref<10000xf32, #tpu.memory_space<vmem>>, %arg10: memref<40xi32, #tpu.memory_space<vmem>>, %arg11: memref<40xi32, #tpu.memory_space<vmem>>, %arg12: memref<40xi32, #tpu.memory_space<vmem>>, %arg13: memref<40xi32, #tpu.memory_space<vmem>>, %arg14: memref<40xi32, #tpu.memory_space<vmem>>, %arg15: memref<40x128xf32, #tpu.memory_space<vmem>>, %arg16: memref<40x128xf32, #tpu.memory_space<vmem>>, %arg17: memref<40x128xf32, #tpu.memory_space<vmem>>, %arg18: memref<40x128xf32, #tpu.memory_space<vmem>>, %arg19: memref<40x128xf32, #tpu.memory_space<vmem>>, %arg20: memref<10000x128xf32, #tpu.memory_space<vmem_shared>>, %arg21: memref<!tpu.dma_semaphore, #tpu.memory_space<semaphore_mem>>, %arg22: memref<!tpu.dma_semaphore, #tpu.memory_space<semaphore_mem>>, %arg23: memref<!tpu.dma_semaphore, #tpu.memory_space<semaphore_mem>>, %arg24: memref<!tpu.dma_semaphore, #tpu.memory_space<semaphore_mem>>, %arg25: memref<!tpu.dma_semaphore, #tpu.memory_space<semaphore_mem>>, %arg26: memref<!tpu.dma_semaphore, #tpu.memory_space<semaphore_mem>>, %arg27: memref<!tpu.dma_semaphore, #tpu.memory_space<semaphore_mem>>, %arg28: memref<!tpu.dma_semaphore, #tpu.memory_space<semaphore_mem>>, %arg29: memref<!tpu.dma_semaphore, #tpu.memory_space<semaphore_mem>>, %arg30: memref<!tpu.dma_semaphore, #tpu.memory_space<semaphore_mem>>, %arg31: memref<!tpu.dma_semaphore, #tpu.memory_space<semaphore_mem>>, %arg32: memref<!tpu.dma_semaphore, #tpu.memory_space<semaphore_mem>>, %arg33: memref<!tpu.dma_semaphore, #tpu.memory_space<semaphore_mem>>, %arg34: memref<!tpu.dma_semaphore, #tpu.memory_space<semaphore_mem>>, %arg35: memref<!tpu.dma_semaphore, #tpu.memory_space<semaphore_mem>>) attributes {dimension_semantics = [#tpu.dimension_semantics<core_parallel>, #tpu.dimension_semantics<subcore_parallel>], iteration_bounds = array<i64: 2, 16>, scalar_prefetch = 0 : i64, scratch_operands = 28 : i64, tpu.core_type = #tpu.core_type<sc_vector_subcore>, window_params = [{transform_indices = #map}, {transform_indices = #map}, {transform_indices = #map1}, {transform_indices = #map1}, {transform_indices = #map1}, {transform_indices = #map2}]} {
    %mul3A = arith.constant 16 : i32
    %mul3A_0 = arith.muli %arg0, %mul3A : i32
    %add3A = arith.addi %mul3A_0, %arg1 : i32
    %mul3A_1 = arith.constant 624 : i32
    %mul3A_2 = arith.muli %arg1, %mul3A_1 : i32
    %eq3A = arith.constant 0 : i32
    %eq3A_3 = arith.cmpi eq, %arg0, %eq3A : i32
    %convert_element_type3A = arith.extui %eq3A_3 : i1 to i32
    %cond3A = arith.constant 0 : i32
    %cond3A_4 = arith.cmpi ne, %convert_element_type3A, %cond3A : i32
    scf.if %cond3A_4 {
      "tpu.region"() ({
        %run_scoped3A = tpu.sem_alloc : memref<!tpu.dma_semaphore, #tpu.memory_space<semaphore_mem>>
        %dma_start3A_158 = arith.constant 0 : i32
        %dma_start3A_159 = tpu.memref_slice %arg20[%mul3A_2, %dma_start3A_158] : memref<10000x128xf32, #tpu.memory_space<vmem_shared>> -> memref<624x128xf32, #tpu.memory_space<vmem_shared>>
        %dma_start3A_160 = arith.constant 0 : i32
        %dma_start3A_161 = tpu.memref_slice %arg2[%mul3A_2, %dma_start3A_160] : memref<10000x128xf32, #tpu.memory_space<hbm>> -> memref<624x128xf32, #tpu.memory_space<hbm>>
        tpu.enqueue_dma source(%dma_start3A_161 : memref<624x128xf32, #tpu.memory_space<hbm>>) target(%dma_start3A_159 : memref<624x128xf32, #tpu.memory_space<vmem_shared>>) target_semaphore(%run_scoped3A : memref<!tpu.dma_semaphore, #tpu.memory_space<semaphore_mem>>)
        %dma_wait3A_162 = arith.constant 0 : i32
        %dma_wait3A_163 = tpu.memref_slice %arg20[%mul3A_2, %dma_wait3A_162] : memref<10000x128xf32, #tpu.memory_space<vmem_shared>> -> memref<624x128xf32, #tpu.memory_space<vmem_shared>>
        %dma_wait3A_164 = arith.constant 0 : i32
        %dma_wait3A_165 = tpu.memref_slice %arg2[%mul3A_2, %dma_wait3A_164] : memref<10000x128xf32, #tpu.memory_space<hbm>> -> memref<624x128xf32, #tpu.memory_space<hbm>>
        tpu.wait_dma2 semaphore(%run_scoped3A : memref<!tpu.dma_semaphore, #tpu.memory_space<semaphore_mem>>) src(%dma_wait3A_165 : memref<624x128xf32, #tpu.memory_space<hbm>>) dst(%dma_wait3A_163 : memref<624x128xf32, #tpu.memory_space<vmem_shared>>)
        tpu.yield
      }) : () -> ()
      %eq3A_153 = arith.constant 0 : i32
      %eq3A_154 = arith.cmpi eq, %arg1, %eq3A_153 : i32
      %convert_element_type3A_155 = arith.extui %eq3A_154 : i1 to i32
      %cond3A_156 = arith.constant 0 : i32
      %cond3A_157 = arith.cmpi ne, %convert_element_type3A_155, %cond3A_156 : i32
      scf.if %cond3A_157 {
        "tpu.region"() ({
          %run_scoped3A = tpu.sem_alloc : memref<!tpu.dma_semaphore, #tpu.memory_space<semaphore_mem>>
          %dma_start3A_158 = arith.constant 9984 : i32
          %dma_start3A_159 = arith.constant 0 : i32
          %dma_start3A_160 = tpu.memref_slice %arg20[%dma_start3A_158, %dma_start3A_159] : memref<10000x128xf32, #tpu.memory_space<vmem_shared>> -> memref<16x128xf32, #tpu.memory_space<vmem_shared>>
          %dma_start3A_161 = arith.constant 9984 : i32
          %dma_start3A_162 = arith.constant 0 : i32
          %dma_start3A_163 = tpu.memref_slice %arg2[%dma_start3A_161, %dma_start3A_162] : memref<10000x128xf32, #tpu.memory_space<hbm>> -> memref<16x128xf32, #tpu.memory_space<hbm>>
          tpu.enqueue_dma source(%dma_start3A_163 : memref<16x128xf32, #tpu.memory_space<hbm>>) target(%dma_start3A_160 : memref<16x128xf32, #tpu.memory_space<vmem_shared>>) target_semaphore(%run_scoped3A : memref<!tpu.dma_semaphore, #tpu.memory_space<semaphore_mem>>)
          %dma_wait3A_164 = arith.constant 9984 : i32
          %dma_wait3A_165 = arith.constant 0 : i32
          %dma_wait3A_166 = tpu.memref_slice %arg20[%dma_wait3A_164, %dma_wait3A_165] : memref<10000x128xf32, #tpu.memory_space<vmem_shared>> -> memref<16x128xf32, #tpu.memory_space<vmem_shared>>
          %dma_wait3A_167 = arith.constant 9984 : i32
          %dma_wait3A_168 = arith.constant 0 : i32
          %dma_wait3A_169 = tpu.memref_slice %arg2[%dma_wait3A_167, %dma_wait3A_168] : memref<10000x128xf32, #tpu.memory_space<hbm>> -> memref<16x128xf32, #tpu.memory_space<hbm>>
          tpu.wait_dma2 semaphore(%run_scoped3A : memref<!tpu.dma_semaphore, #tpu.memory_space<semaphore_mem>>) src(%dma_wait3A_169 : memref<16x128xf32, #tpu.memory_space<hbm>>) dst(%dma_wait3A_166 : memref<16x128xf32, #tpu.memory_space<vmem_shared>>)
          tpu.yield
        }) : () -> ()
      } else {
      }
    } else {
    }
    %ne3A = arith.constant 0 : i32
    %ne3A_5 = arith.cmpi ne, %arg0, %ne3A : i32
    %convert_element_type3A_6 = arith.extui %ne3A_5 : i1 to i32
    %cond3A_7 = arith.constant 0 : i32
    %cond3A_8 = arith.cmpi ne, %convert_element_type3A_6, %cond3A_7 : i32
    scf.if %cond3A_8 {
      "tpu.region"() ({
        %run_scoped3A = tpu.sem_alloc : memref<!tpu.dma_semaphore, #tpu.memory_space<semaphore_mem>>
        %dma_start3A_158 = arith.constant 0 : i32
        %dma_start3A_159 = tpu.memref_slice %arg20[%mul3A_2, %dma_start3A_158] : memref<10000x128xf32, #tpu.memory_space<vmem_shared>> -> memref<624x128xf32, #tpu.memory_space<vmem_shared>>
        %dma_start3A_160 = arith.constant 0 : i32
        %dma_start3A_161 = tpu.memref_slice %arg3[%mul3A_2, %dma_start3A_160] : memref<10000x128xf32, #tpu.memory_space<hbm>> -> memref<624x128xf32, #tpu.memory_space<hbm>>
        tpu.enqueue_dma source(%dma_start3A_161 : memref<624x128xf32, #tpu.memory_space<hbm>>) target(%dma_start3A_159 : memref<624x128xf32, #tpu.memory_space<vmem_shared>>) target_semaphore(%run_scoped3A : memref<!tpu.dma_semaphore, #tpu.memory_space<semaphore_mem>>)
        %dma_wait3A_162 = arith.constant 0 : i32
        %dma_wait3A_163 = tpu.memref_slice %arg20[%mul3A_2, %dma_wait3A_162] : memref<10000x128xf32, #tpu.memory_space<vmem_shared>> -> memref<624x128xf32, #tpu.memory_space<vmem_shared>>
        %dma_wait3A_164 = arith.constant 0 : i32
        %dma_wait3A_165 = tpu.memref_slice %arg3[%mul3A_2, %dma_wait3A_164] : memref<10000x128xf32, #tpu.memory_space<hbm>> -> memref<624x128xf32, #tpu.memory_space<hbm>>
        tpu.wait_dma2 semaphore(%run_scoped3A : memref<!tpu.dma_semaphore, #tpu.memory_space<semaphore_mem>>) src(%dma_wait3A_165 : memref<624x128xf32, #tpu.memory_space<hbm>>) dst(%dma_wait3A_163 : memref<624x128xf32, #tpu.memory_space<vmem_shared>>)
        tpu.yield
      }) : () -> ()
      %eq3A_153 = arith.constant 0 : i32
      %eq3A_154 = arith.cmpi eq, %arg1, %eq3A_153 : i32
      %convert_element_type3A_155 = arith.extui %eq3A_154 : i1 to i32
      %cond3A_156 = arith.constant 0 : i32
      %cond3A_157 = arith.cmpi ne, %convert_element_type3A_155, %cond3A_156 : i32
      scf.if %cond3A_157 {
        "tpu.region"() ({
          %run_scoped3A = tpu.sem_alloc : memref<!tpu.dma_semaphore, #tpu.memory_space<semaphore_mem>>
          %dma_start3A_158 = arith.constant 9984 : i32
          %dma_start3A_159 = arith.constant 0 : i32
          %dma_start3A_160 = tpu.memref_slice %arg20[%dma_start3A_158, %dma_start3A_159] : memref<10000x128xf32, #tpu.memory_space<vmem_shared>> -> memref<16x128xf32, #tpu.memory_space<vmem_shared>>
          %dma_start3A_161 = arith.constant 9984 : i32
          %dma_start3A_162 = arith.constant 0 : i32
          %dma_start3A_163 = tpu.memref_slice %arg3[%dma_start3A_161, %dma_start3A_162] : memref<10000x128xf32, #tpu.memory_space<hbm>> -> memref<16x128xf32, #tpu.memory_space<hbm>>
          tpu.enqueue_dma source(%dma_start3A_163 : memref<16x128xf32, #tpu.memory_space<hbm>>) target(%dma_start3A_160 : memref<16x128xf32, #tpu.memory_space<vmem_shared>>) target_semaphore(%run_scoped3A : memref<!tpu.dma_semaphore, #tpu.memory_space<semaphore_mem>>)
          %dma_wait3A_164 = arith.constant 9984 : i32
          %dma_wait3A_165 = arith.constant 0 : i32
          %dma_wait3A_166 = tpu.memref_slice %arg20[%dma_wait3A_164, %dma_wait3A_165] : memref<10000x128xf32, #tpu.memory_space<vmem_shared>> -> memref<16x128xf32, #tpu.memory_space<vmem_shared>>
          %dma_wait3A_167 = arith.constant 9984 : i32
          %dma_wait3A_168 = arith.constant 0 : i32
          %dma_wait3A_169 = tpu.memref_slice %arg3[%dma_wait3A_167, %dma_wait3A_168] : memref<10000x128xf32, #tpu.memory_space<hbm>> -> memref<16x128xf32, #tpu.memory_space<hbm>>
          tpu.wait_dma2 semaphore(%run_scoped3A : memref<!tpu.dma_semaphore, #tpu.memory_space<semaphore_mem>>) src(%dma_wait3A_169 : memref<16x128xf32, #tpu.memory_space<hbm>>) dst(%dma_wait3A_166 : memref<16x128xf32, #tpu.memory_space<vmem_shared>>)
          tpu.yield
        }) : () -> ()
      } else {
      }
    } else {
    }
    %mul3A_9 = arith.constant 10000 : i32
    %mul3A_10 = arith.muli %add3A, %mul3A_9 : i32
    "tpu.region"() ({
      %run_scoped3A = tpu.sem_alloc : memref<!tpu.dma_semaphore, #tpu.memory_space<semaphore_mem>>
      %dma_start3A_153 = tpu.memref_slice %arg4[%mul3A_10] : memref<320000xi32, #tpu.memory_space<hbm>> -> memref<10000xi32, #tpu.memory_space<hbm>>
      %dma_start3A_154 = tpu.memref_slice %arg4[%mul3A_10] : memref<320000xi32, #tpu.memory_space<hbm>> -> memref<10000xi32, #tpu.memory_space<hbm>>
      tpu.enqueue_dma source(%dma_start3A_154 : memref<10000xi32, #tpu.memory_space<hbm>>) target(%arg8 : memref<10000xi32, #tpu.memory_space<vmem>>) target_semaphore(%run_scoped3A : memref<!tpu.dma_semaphore, #tpu.memory_space<semaphore_mem>>)
      %dma_wait3A_155 = tpu.memref_slice %arg4[%mul3A_10] : memref<320000xi32, #tpu.memory_space<hbm>> -> memref<10000xi32, #tpu.memory_space<hbm>>
      %dma_wait3A_156 = tpu.memref_slice %arg4[%mul3A_10] : memref<320000xi32, #tpu.memory_space<hbm>> -> memref<10000xi32, #tpu.memory_space<hbm>>
      tpu.wait_dma2 semaphore(%run_scoped3A : memref<!tpu.dma_semaphore, #tpu.memory_space<semaphore_mem>>) src(%dma_wait3A_156 : memref<10000xi32, #tpu.memory_space<hbm>>) dst(%arg8 : memref<10000xi32, #tpu.memory_space<vmem>>)
      tpu.yield
    }) : () -> ()
    "tpu.region"() ({
      %run_scoped3A = tpu.sem_alloc : memref<!tpu.dma_semaphore, #tpu.memory_space<semaphore_mem>>
      %dma_start3A_153 = tpu.memref_slice %arg6[%mul3A_10] : memref<320000xf32, #tpu.memory_space<hbm>> -> memref<10000xf32, #tpu.memory_space<hbm>>
      %dma_start3A_154 = tpu.memref_slice %arg6[%mul3A_10] : memref<320000xf32, #tpu.memory_space<hbm>> -> memref<10000xf32, #tpu.memory_space<hbm>>
      tpu.enqueue_dma source(%dma_start3A_154 : memref<10000xf32, #tpu.memory_space<hbm>>) target(%arg9 : memref<10000xf32, #tpu.memory_space<vmem>>) target_semaphore(%run_scoped3A : memref<!tpu.dma_semaphore, #tpu.memory_space<semaphore_mem>>)
      %dma_wait3A_155 = tpu.memref_slice %arg6[%mul3A_10] : memref<320000xf32, #tpu.memory_space<hbm>> -> memref<10000xf32, #tpu.memory_space<hbm>>
      %dma_wait3A_156 = tpu.memref_slice %arg6[%mul3A_10] : memref<320000xf32, #tpu.memory_space<hbm>> -> memref<10000xf32, #tpu.memory_space<hbm>>
      tpu.wait_dma2 semaphore(%run_scoped3A : memref<!tpu.dma_semaphore, #tpu.memory_space<semaphore_mem>>) src(%dma_wait3A_156 : memref<10000xf32, #tpu.memory_space<hbm>>) dst(%arg9 : memref<10000xf32, #tpu.memory_space<vmem>>)
      tpu.yield
    }) : () -> ()
    %barrier3A = arith.constant 0 : index
    tpu.barrier barrier_id(%barrier3A)
    %add3A_11 = arith.constant 0 : i32
    %add3A_12 = arith.addi %mul3A_10, %add3A_11 : i32
    %dma_start3A = tpu.memref_slice %arg5[%add3A_12] : memref<320000xi32, #tpu.memory_space<hbm>> -> memref<40xi32, #tpu.memory_space<hbm>>
    %dma_start3A_13 = tpu.memref_slice %arg5[%add3A_12] : memref<320000xi32, #tpu.memory_space<hbm>> -> memref<40xi32, #tpu.memory_space<hbm>>
    tpu.enqueue_dma source(%dma_start3A_13 : memref<40xi32, #tpu.memory_space<hbm>>) target(%arg10 : memref<40xi32, #tpu.memory_space<vmem>>) target_semaphore(%arg26 : memref<!tpu.dma_semaphore, #tpu.memory_space<semaphore_mem>>)
    %dma_start3A_14 = arith.constant 0 : i32
    %dma_start3A_15 = tpu.memref_slice %arg8[%dma_start3A_14] : memref<10000xi32, #tpu.memory_space<vmem>> -> memref<40xi32, #tpu.memory_space<vmem>>
    %dma_start3A_16 = arith.constant 0 : i32
    %dma_start3A_17 = arith.constant 0 : i32
    %dma_start3A_18 = tpu.memref_slice %arg2[%dma_start3A_16, %dma_start3A_17] : memref<10000x128xf32, #tpu.memory_space<hbm>> -> memref<10000x128xf32, #tpu.memory_space<hbm>>
    tpu.enqueue_indirect_dma source(%dma_start3A_18 : memref<10000x128xf32, #tpu.memory_space<hbm>>) target(%arg15 : memref<40x128xf32, #tpu.memory_space<vmem>>) offsets(%dma_start3A_15 : memref<40xi32, #tpu.memory_space<vmem>>) semaphore(%arg21 : memref<!tpu.dma_semaphore, #tpu.memory_space<semaphore_mem>>)
    %add3A_19 = arith.constant 40 : i32
    %add3A_20 = arith.addi %mul3A_10, %add3A_19 : i32
    %dma_start3A_21 = tpu.memref_slice %arg5[%add3A_20] : memref<320000xi32, #tpu.memory_space<hbm>> -> memref<40xi32, #tpu.memory_space<hbm>>
    %dma_start3A_22 = tpu.memref_slice %arg5[%add3A_20] : memref<320000xi32, #tpu.memory_space<hbm>> -> memref<40xi32, #tpu.memory_space<hbm>>
    tpu.enqueue_dma source(%dma_start3A_22 : memref<40xi32, #tpu.memory_space<hbm>>) target(%arg11 : memref<40xi32, #tpu.memory_space<vmem>>) target_semaphore(%arg27 : memref<!tpu.dma_semaphore, #tpu.memory_space<semaphore_mem>>)
    %dma_start3A_23 = arith.constant 40 : i32
    %dma_start3A_24 = tpu.memref_slice %arg8[%dma_start3A_23] : memref<10000xi32, #tpu.memory_space<vmem>> -> memref<40xi32, #tpu.memory_space<vmem>>
    %dma_start3A_25 = arith.constant 0 : i32
    %dma_start3A_26 = arith.constant 0 : i32
    %dma_start3A_27 = tpu.memref_slice %arg2[%dma_start3A_25, %dma_start3A_26] : memref<10000x128xf32, #tpu.memory_space<hbm>> -> memref<10000x128xf32, #tpu.memory_space<hbm>>
    tpu.enqueue_indirect_dma source(%dma_start3A_27 : memref<10000x128xf32, #tpu.memory_space<hbm>>) target(%arg16 : memref<40x128xf32, #tpu.memory_space<vmem>>) offsets(%dma_start3A_24 : memref<40xi32, #tpu.memory_space<vmem>>) semaphore(%arg22 : memref<!tpu.dma_semaphore, #tpu.memory_space<semaphore_mem>>)
    %add3A_28 = arith.constant 80 : i32
    %add3A_29 = arith.addi %mul3A_10, %add3A_28 : i32
    %dma_start3A_30 = tpu.memref_slice %arg5[%add3A_29] : memref<320000xi32, #tpu.memory_space<hbm>> -> memref<40xi32, #tpu.memory_space<hbm>>
    %dma_start3A_31 = tpu.memref_slice %arg5[%add3A_29] : memref<320000xi32, #tpu.memory_space<hbm>> -> memref<40xi32, #tpu.memory_space<hbm>>
    tpu.enqueue_dma source(%dma_start3A_31 : memref<40xi32, #tpu.memory_space<hbm>>) target(%arg12 : memref<40xi32, #tpu.memory_space<vmem>>) target_semaphore(%arg28 : memref<!tpu.dma_semaphore, #tpu.memory_space<semaphore_mem>>)
    %dma_start3A_32 = arith.constant 80 : i32
    %dma_start3A_33 = tpu.memref_slice %arg8[%dma_start3A_32] : memref<10000xi32, #tpu.memory_space<vmem>> -> memref<40xi32, #tpu.memory_space<vmem>>
    %dma_start3A_34 = arith.constant 0 : i32
    %dma_start3A_35 = arith.constant 0 : i32
    %dma_start3A_36 = tpu.memref_slice %arg2[%dma_start3A_34, %dma_start3A_35] : memref<10000x128xf32, #tpu.memory_space<hbm>> -> memref<10000x128xf32, #tpu.memory_space<hbm>>
    tpu.enqueue_indirect_dma source(%dma_start3A_36 : memref<10000x128xf32, #tpu.memory_space<hbm>>) target(%arg17 : memref<40x128xf32, #tpu.memory_space<vmem>>) offsets(%dma_start3A_33 : memref<40xi32, #tpu.memory_space<vmem>>) semaphore(%arg23 : memref<!tpu.dma_semaphore, #tpu.memory_space<semaphore_mem>>)
    %add3A_37 = arith.constant 120 : i32
    %add3A_38 = arith.addi %mul3A_10, %add3A_37 : i32
    %dma_start3A_39 = tpu.memref_slice %arg5[%add3A_38] : memref<320000xi32, #tpu.memory_space<hbm>> -> memref<40xi32, #tpu.memory_space<hbm>>
    %dma_start3A_40 = tpu.memref_slice %arg5[%add3A_38] : memref<320000xi32, #tpu.memory_space<hbm>> -> memref<40xi32, #tpu.memory_space<hbm>>
    tpu.enqueue_dma source(%dma_start3A_40 : memref<40xi32, #tpu.memory_space<hbm>>) target(%arg13 : memref<40xi32, #tpu.memory_space<vmem>>) target_semaphore(%arg29 : memref<!tpu.dma_semaphore, #tpu.memory_space<semaphore_mem>>)
    %dma_start3A_41 = arith.constant 120 : i32
    %dma_start3A_42 = tpu.memref_slice %arg8[%dma_start3A_41] : memref<10000xi32, #tpu.memory_space<vmem>> -> memref<40xi32, #tpu.memory_space<vmem>>
    %dma_start3A_43 = arith.constant 0 : i32
    %dma_start3A_44 = arith.constant 0 : i32
    %dma_start3A_45 = tpu.memref_slice %arg2[%dma_start3A_43, %dma_start3A_44] : memref<10000x128xf32, #tpu.memory_space<hbm>> -> memref<10000x128xf32, #tpu.memory_space<hbm>>
    tpu.enqueue_indirect_dma source(%dma_start3A_45 : memref<10000x128xf32, #tpu.memory_space<hbm>>) target(%arg18 : memref<40x128xf32, #tpu.memory_space<vmem>>) offsets(%dma_start3A_42 : memref<40xi32, #tpu.memory_space<vmem>>) semaphore(%arg24 : memref<!tpu.dma_semaphore, #tpu.memory_space<semaphore_mem>>)
    %add3A_46 = arith.constant 160 : i32
    %add3A_47 = arith.addi %mul3A_10, %add3A_46 : i32
    %dma_start3A_48 = tpu.memref_slice %arg5[%add3A_47] : memref<320000xi32, #tpu.memory_space<hbm>> -> memref<40xi32, #tpu.memory_space<hbm>>
    %dma_start3A_49 = tpu.memref_slice %arg5[%add3A_47] : memref<320000xi32, #tpu.memory_space<hbm>> -> memref<40xi32, #tpu.memory_space<hbm>>
    tpu.enqueue_dma source(%dma_start3A_49 : memref<40xi32, #tpu.memory_space<hbm>>) target(%arg14 : memref<40xi32, #tpu.memory_space<vmem>>) target_semaphore(%arg30 : memref<!tpu.dma_semaphore, #tpu.memory_space<semaphore_mem>>)
    %dma_start3A_50 = arith.constant 160 : i32
    %dma_start3A_51 = tpu.memref_slice %arg8[%dma_start3A_50] : memref<10000xi32, #tpu.memory_space<vmem>> -> memref<40xi32, #tpu.memory_space<vmem>>
    %dma_start3A_52 = arith.constant 0 : i32
    %dma_start3A_53 = arith.constant 0 : i32
    %dma_start3A_54 = tpu.memref_slice %arg2[%dma_start3A_52, %dma_start3A_53] : memref<10000x128xf32, #tpu.memory_space<hbm>> -> memref<10000x128xf32, #tpu.memory_space<hbm>>
    tpu.enqueue_indirect_dma source(%dma_start3A_54 : memref<10000x128xf32, #tpu.memory_space<hbm>>) target(%arg19 : memref<40x128xf32, #tpu.memory_space<vmem>>) offsets(%dma_start3A_51 : memref<40xi32, #tpu.memory_space<vmem>>) semaphore(%arg25 : memref<!tpu.dma_semaphore, #tpu.memory_space<semaphore_mem>>)
    %scan3A = arith.constant 0 : i32
    %scan3A_55 = arith.constant 49 : i32
    %scan3A_56 = arith.addi %scan3A, %scan3A_55 : i32
    %scan3A_57 = arith.constant 1 : i32
    scf.for %scan3A_153 = %scan3A to %scan3A_56 step %scan3A_57  : i32 {
      %mul3A_154 = arith.constant 1 : i32
      %mul3A_155 = arith.muli %scan3A_153, %mul3A_154 : i32
      %add3A_156 = arith.constant 0 : i32
      %add3A_157 = arith.addi %add3A_156, %mul3A_155 : i32
      %mul3A_158 = arith.constant 5 : i32
      %mul3A_159 = arith.muli %add3A_157, %mul3A_158 : i32
      %add3A_160 = arith.constant 0 : i32
      %add3A_161 = arith.addi %mul3A_159, %add3A_160 : i32
      %mul3A_162 = arith.constant 40 : i32
      %mul3A_163 = arith.muli %add3A_161, %mul3A_162 : i32
      %dma_wait3A_164 = tpu.memref_slice %arg8[%mul3A_163] : memref<10000xi32, #tpu.memory_space<vmem>> -> memref<40xi32, #tpu.memory_space<vmem>>
      %dma_wait3A_165 = arith.constant 0 : i32
      %dma_wait3A_166 = arith.constant 0 : i32
      %dma_wait3A_167 = tpu.memref_slice %arg2[%dma_wait3A_165, %dma_wait3A_166] : memref<10000x128xf32, #tpu.memory_space<hbm>> -> memref<10000x128xf32, #tpu.memory_space<hbm>>
      tpu.wait_indirect_dma semaphore(%arg21 : memref<!tpu.dma_semaphore, #tpu.memory_space<semaphore_mem>>) src(%dma_wait3A_167 : memref<10000x128xf32, #tpu.memory_space<hbm>>) dst(%arg15 : memref<40x128xf32, #tpu.memory_space<vmem>>)
      %parallel_loop3A_168 = arith.constant 0 : i32
      %parallel_loop3A_169 = arith.constant 40 : i32
      %parallel_loop3A_170 = arith.constant 1 : i32
      scf.for %parallel_loop3A_325 = %parallel_loop3A_168 to %parallel_loop3A_169 step %parallel_loop3A_170  : i32 {
        %parallel_loop3A_326 = vector.broadcast %mul3A_163 : i32 to vector<16xi32>
        %parallel_loop3A_327 = vector.broadcast %parallel_loop3A_325 : i32 to vector<16xi32>
        %parallel_loop3A_328 = arith.addi %parallel_loop3A_326, %parallel_loop3A_327 : vector<16xi32>
        %parallel_loop3A_329 = tpu.vector_load_idx %arg9[%parallel_loop3A_328] : memref<10000xf32, #tpu.memory_space<vmem>>[vector<16xi32>], vector<16xf32>,
        %parallel_loop3A_330 = arith.index_cast %parallel_loop3A_325 : i32 to index
        %parallel_loop3A_331 = arith.constant 0 : index
        %parallel_loop3A_332 = tpu.vector_load %arg15[%parallel_loop3A_330, %parallel_loop3A_331] {strides = array<i32>} : memref<40x128xf32, #tpu.memory_space<vmem>>, vector<16xf32>,
        %parallel_loop3A_333 = arith.mulf %parallel_loop3A_332, %parallel_loop3A_329 : vector<16xf32>
        %parallel_loop3A_334 = arith.index_cast %parallel_loop3A_325 : i32 to index
        %parallel_loop3A_335 = arith.constant 0 : index
        %parallel_loop3A_336 = tpu.vector_load %arg15[%parallel_loop3A_334, %parallel_loop3A_335] {strides = array<i32>} : memref<40x128xf32, #tpu.memory_space<vmem>>, vector<16xf32>,
        tpu.vector_store %arg15[%parallel_loop3A_334, %parallel_loop3A_335], %parallel_loop3A_333 {strides = array<i32>} : memref<40x128xf32, #tpu.memory_space<vmem>>, vector<16xf32>,
        %parallel_loop3A_337 = arith.index_cast %parallel_loop3A_325 : i32 to index
        %parallel_loop3A_338 = arith.constant 16 : index
        %parallel_loop3A_339 = tpu.vector_load %arg15[%parallel_loop3A_337, %parallel_loop3A_338] {strides = array<i32>} : memref<40x128xf32, #tpu.memory_space<vmem>>, vector<16xf32>,
        %parallel_loop3A_340 = arith.mulf %parallel_loop3A_339, %parallel_loop3A_329 : vector<16xf32>
        %parallel_loop3A_341 = arith.index_cast %parallel_loop3A_325 : i32 to index
        %parallel_loop3A_342 = arith.constant 16 : index
        %parallel_loop3A_343 = tpu.vector_load %arg15[%parallel_loop3A_341, %parallel_loop3A_342] {strides = array<i32>} : memref<40x128xf32, #tpu.memory_space<vmem>>, vector<16xf32>,
        tpu.vector_store %arg15[%parallel_loop3A_341, %parallel_loop3A_342], %parallel_loop3A_340 {strides = array<i32>} : memref<40x128xf32, #tpu.memory_space<vmem>>, vector<16xf32>,
        %parallel_loop3A_344 = arith.index_cast %parallel_loop3A_325 : i32 to index
        %parallel_loop3A_345 = arith.constant 32 : index
        %parallel_loop3A_346 = tpu.vector_load %arg15[%parallel_loop3A_344, %parallel_loop3A_345] {strides = array<i32>} : memref<40x128xf32, #tpu.memory_space<vmem>>, vector<16xf32>,
        %parallel_loop3A_347 = arith.mulf %parallel_loop3A_346, %parallel_loop3A_329 : vector<16xf32>
        %parallel_loop3A_348 = arith.index_cast %parallel_loop3A_325 : i32 to index
        %parallel_loop3A_349 = arith.constant 32 : index
        %parallel_loop3A_350 = tpu.vector_load %arg15[%parallel_loop3A_348, %parallel_loop3A_349] {strides = array<i32>} : memref<40x128xf32, #tpu.memory_space<vmem>>, vector<16xf32>,
        tpu.vector_store %arg15[%parallel_loop3A_348, %parallel_loop3A_349], %parallel_loop3A_347 {strides = array<i32>} : memref<40x128xf32, #tpu.memory_space<vmem>>, vector<16xf32>,
        %parallel_loop3A_351 = arith.index_cast %parallel_loop3A_325 : i32 to index
        %parallel_loop3A_352 = arith.constant 48 : index
        %parallel_loop3A_353 = tpu.vector_load %arg15[%parallel_loop3A_351, %parallel_loop3A_352] {strides = array<i32>} : memref<40x128xf32, #tpu.memory_space<vmem>>, vector<16xf32>,
        %parallel_loop3A_354 = arith.mulf %parallel_loop3A_353, %parallel_loop3A_329 : vector<16xf32>
        %parallel_loop3A_355 = arith.index_cast %parallel_loop3A_325 : i32 to index
        %parallel_loop3A_356 = arith.constant 48 : index
        %parallel_loop3A_357 = tpu.vector_load %arg15[%parallel_loop3A_355, %parallel_loop3A_356] {strides = array<i32>} : memref<40x128xf32, #tpu.memory_space<vmem>>, vector<16xf32>,
        tpu.vector_store %arg15[%parallel_loop3A_355, %parallel_loop3A_356], %parallel_loop3A_354 {strides = array<i32>} : memref<40x128xf32, #tpu.memory_space<vmem>>, vector<16xf32>,
        %parallel_loop3A_358 = arith.index_cast %parallel_loop3A_325 : i32 to index
        %parallel_loop3A_359 = arith.constant 64 : index
        %parallel_loop3A_360 = tpu.vector_load %arg15[%parallel_loop3A_358, %parallel_loop3A_359] {strides = array<i32>} : memref<40x128xf32, #tpu.memory_space<vmem>>, vector<16xf32>,
        %parallel_loop3A_361 = arith.mulf %parallel_loop3A_360, %parallel_loop3A_329 : vector<16xf32>
        %parallel_loop3A_362 = arith.index_cast %parallel_loop3A_325 : i32 to index
        %parallel_loop3A_363 = arith.constant 64 : index
        %parallel_loop3A_364 = tpu.vector_load %arg15[%parallel_loop3A_362, %parallel_loop3A_363] {strides = array<i32>} : memref<40x128xf32, #tpu.memory_space<vmem>>, vector<16xf32>,
        tpu.vector_store %arg15[%parallel_loop3A_362, %parallel_loop3A_363], %parallel_loop3A_361 {strides = array<i32>} : memref<40x128xf32, #tpu.memory_space<vmem>>, vector<16xf32>,
        %parallel_loop3A_365 = arith.index_cast %parallel_loop3A_325 : i32 to index
        %parallel_loop3A_366 = arith.constant 80 : index
        %parallel_loop3A_367 = tpu.vector_load %arg15[%parallel_loop3A_365, %parallel_loop3A_366] {strides = array<i32>} : memref<40x128xf32, #tpu.memory_space<vmem>>, vector<16xf32>,
        %parallel_loop3A_368 = arith.mulf %parallel_loop3A_367, %parallel_loop3A_329 : vector<16xf32>
        %parallel_loop3A_369 = arith.index_cast %parallel_loop3A_325 : i32 to index
        %parallel_loop3A_370 = arith.constant 80 : index
        %parallel_loop3A_371 = tpu.vector_load %arg15[%parallel_loop3A_369, %parallel_loop3A_370] {strides = array<i32>} : memref<40x128xf32, #tpu.memory_space<vmem>>, vector<16xf32>,
        tpu.vector_store %arg15[%parallel_loop3A_369, %parallel_loop3A_370], %parallel_loop3A_368 {strides = array<i32>} : memref<40x128xf32, #tpu.memory_space<vmem>>, vector<16xf32>,
        %parallel_loop3A_372 = arith.index_cast %parallel_loop3A_325 : i32 to index
        %parallel_loop3A_373 = arith.constant 96 : index
        %parallel_loop3A_374 = tpu.vector_load %arg15[%parallel_loop3A_372, %parallel_loop3A_373] {strides = array<i32>} : memref<40x128xf32, #tpu.memory_space<vmem>>, vector<16xf32>,
        %parallel_loop3A_375 = arith.mulf %parallel_loop3A_374, %parallel_loop3A_329 : vector<16xf32>
        %parallel_loop3A_376 = arith.index_cast %parallel_loop3A_325 : i32 to index
        %parallel_loop3A_377 = arith.constant 96 : index
        %parallel_loop3A_378 = tpu.vector_load %arg15[%parallel_loop3A_376, %parallel_loop3A_377] {strides = array<i32>} : memref<40x128xf32, #tpu.memory_space<vmem>>, vector<16xf32>,
        tpu.vector_store %arg15[%parallel_loop3A_376, %parallel_loop3A_377], %parallel_loop3A_375 {strides = array<i32>} : memref<40x128xf32, #tpu.memory_space<vmem>>, vector<16xf32>,
        %parallel_loop3A_379 = arith.index_cast %parallel_loop3A_325 : i32 to index
        %parallel_loop3A_380 = arith.constant 112 : index
        %parallel_loop3A_381 = tpu.vector_load %arg15[%parallel_loop3A_379, %parallel_loop3A_380] {strides = array<i32>} : memref<40x128xf32, #tpu.memory_space<vmem>>, vector<16xf32>,
        %parallel_loop3A_382 = arith.mulf %parallel_loop3A_381, %parallel_loop3A_329 : vector<16xf32>
        %parallel_loop3A_383 = arith.index_cast %parallel_loop3A_325 : i32 to index
        %parallel_loop3A_384 = arith.constant 112 : index
        %parallel_loop3A_385 = tpu.vector_load %arg15[%parallel_loop3A_383, %parallel_loop3A_384] {strides = array<i32>} : memref<40x128xf32, #tpu.memory_space<vmem>>, vector<16xf32>,
        tpu.vector_store %arg15[%parallel_loop3A_383, %parallel_loop3A_384], %parallel_loop3A_382 {strides = array<i32>} : memref<40x128xf32, #tpu.memory_space<vmem>>, vector<16xf32>,
      } {sc.loop_unroll_factor = 8 : i64, sc.parallel_access}
      %add3A_171 = arith.addi %mul3A_10, %mul3A_163 : i32
      %dma_wait3A_172 = tpu.memref_slice %arg5[%add3A_171] : memref<320000xi32, #tpu.memory_space<hbm>> -> memref<40xi32, #tpu.memory_space<hbm>>
      %dma_wait3A_173 = tpu.memref_slice %arg5[%add3A_171] : memref<320000xi32, #tpu.memory_space<hbm>> -> memref<40xi32, #tpu.memory_space<hbm>>
      tpu.wait_dma2 semaphore(%arg26 : memref<!tpu.dma_semaphore, #tpu.memory_space<semaphore_mem>>) src(%dma_wait3A_173 : memref<40xi32, #tpu.memory_space<hbm>>) dst(%arg10 : memref<40xi32, #tpu.memory_space<vmem>>)
      %dma_start3A_174 = arith.constant 0 : i32
      %dma_start3A_175 = arith.constant 0 : i32
      %dma_start3A_176 = tpu.memref_slice %arg20[%dma_start3A_174, %dma_start3A_175] : memref<10000x128xf32, #tpu.memory_space<vmem_shared>> -> memref<10000x128xf32, #tpu.memory_space<vmem_shared>>
      tpu.enqueue_indirect_dma source(%arg15 : memref<40x128xf32, #tpu.memory_space<vmem>>) target(%dma_start3A_176 : memref<10000x128xf32, #tpu.memory_space<vmem_shared>>) offsets(%arg10 : memref<40xi32, #tpu.memory_space<vmem>>) semaphore(%arg31 : memref<!tpu.dma_semaphore, #tpu.memory_space<semaphore_mem>>) {add = true}
      %add3A_177 = arith.constant 1 : i32
      %add3A_178 = arith.addi %mul3A_159, %add3A_177 : i32
      %mul3A_179 = arith.constant 40 : i32
      %mul3A_180 = arith.muli %add3A_178, %mul3A_179 : i32
      %dma_wait3A_181 = tpu.memref_slice %arg8[%mul3A_180] : memref<10000xi32, #tpu.memory_space<vmem>> -> memref<40xi32, #tpu.memory_space<vmem>>
      %dma_wait3A_182 = arith.constant 0 : i32
      %dma_wait3A_183 = arith.constant 0 : i32
      %dma_wait3A_184 = tpu.memref_slice %arg2[%dma_wait3A_182, %dma_wait3A_183] : memref<10000x128xf32, #tpu.memory_space<hbm>> -> memref<10000x128xf32, #tpu.memory_space<hbm>>
      tpu.wait_indirect_dma semaphore(%arg22 : memref<!tpu.dma_semaphore, #tpu.memory_space<semaphore_mem>>) src(%dma_wait3A_184 : memref<10000x128xf32, #tpu.memory_space<hbm>>) dst(%arg16 : memref<40x128xf32, #tpu.memory_space<vmem>>)
      %parallel_loop3A_185 = arith.constant 0 : i32
      %parallel_loop3A_186 = arith.constant 40 : i32
      %parallel_loop3A_187 = arith.constant 1 : i32
      scf.for %parallel_loop3A_325 = %parallel_loop3A_185 to %parallel_loop3A_186 step %parallel_loop3A_187  : i32 {
        %parallel_loop3A_326 = vector.broadcast %mul3A_180 : i32 to vector<16xi32>
        %parallel_loop3A_327 = vector.broadcast %parallel_loop3A_325 : i32 to vector<16xi32>
        %parallel_loop3A_328 = arith.addi %parallel_loop3A_326, %parallel_loop3A_327 : vector<16xi32>
        %parallel_loop3A_329 = tpu.vector_load_idx %arg9[%parallel_loop3A_328] : memref<10000xf32, #tpu.memory_space<vmem>>[vector<16xi32>], vector<16xf32>,
        %parallel_loop3A_330 = arith.index_cast %parallel_loop3A_325 : i32 to index
        %parallel_loop3A_331 = arith.constant 0 : index
        %parallel_loop3A_332 = tpu.vector_load %arg16[%parallel_loop3A_330, %parallel_loop3A_331] {strides = array<i32>} : memref<40x128xf32, #tpu.memory_space<vmem>>, vector<16xf32>,
        %parallel_loop3A_333 = arith.mulf %parallel_loop3A_332, %parallel_loop3A_329 : vector<16xf32>
        %parallel_loop3A_334 = arith.index_cast %parallel_loop3A_325 : i32 to index
        %parallel_loop3A_335 = arith.constant 0 : index
        %parallel_loop3A_336 = tpu.vector_load %arg16[%parallel_loop3A_334, %parallel_loop3A_335] {strides = array<i32>} : memref<40x128xf32, #tpu.memory_space<vmem>>, vector<16xf32>,
        tpu.vector_store %arg16[%parallel_loop3A_334, %parallel_loop3A_335], %parallel_loop3A_333 {strides = array<i32>} : memref<40x128xf32, #tpu.memory_space<vmem>>, vector<16xf32>,
        %parallel_loop3A_337 = arith.index_cast %parallel_loop3A_325 : i32 to index
        %parallel_loop3A_338 = arith.constant 16 : index
        %parallel_loop3A_339 = tpu.vector_load %arg16[%parallel_loop3A_337, %parallel_loop3A_338] {strides = array<i32>} : memref<40x128xf32, #tpu.memory_space<vmem>>, vector<16xf32>,
        %parallel_loop3A_340 = arith.mulf %parallel_loop3A_339, %parallel_loop3A_329 : vector<16xf32>
        %parallel_loop3A_341 = arith.index_cast %parallel_loop3A_325 : i32 to index
        %parallel_loop3A_342 = arith.constant 16 : index
        %parallel_loop3A_343 = tpu.vector_load %arg16[%parallel_loop3A_341, %parallel_loop3A_342] {strides = array<i32>} : memref<40x128xf32, #tpu.memory_space<vmem>>, vector<16xf32>,
        tpu.vector_store %arg16[%parallel_loop3A_341, %parallel_loop3A_342], %parallel_loop3A_340 {strides = array<i32>} : memref<40x128xf32, #tpu.memory_space<vmem>>, vector<16xf32>,
        %parallel_loop3A_344 = arith.index_cast %parallel_loop3A_325 : i32 to index
        %parallel_loop3A_345 = arith.constant 32 : index
        %parallel_loop3A_346 = tpu.vector_load %arg16[%parallel_loop3A_344, %parallel_loop3A_345] {strides = array<i32>} : memref<40x128xf32, #tpu.memory_space<vmem>>, vector<16xf32>,
        %parallel_loop3A_347 = arith.mulf %parallel_loop3A_346, %parallel_loop3A_329 : vector<16xf32>
        %parallel_loop3A_348 = arith.index_cast %parallel_loop3A_325 : i32 to index
        %parallel_loop3A_349 = arith.constant 32 : index
        %parallel_loop3A_350 = tpu.vector_load %arg16[%parallel_loop3A_348, %parallel_loop3A_349] {strides = array<i32>} : memref<40x128xf32, #tpu.memory_space<vmem>>, vector<16xf32>,
        tpu.vector_store %arg16[%parallel_loop3A_348, %parallel_loop3A_349], %parallel_loop3A_347 {strides = array<i32>} : memref<40x128xf32, #tpu.memory_space<vmem>>, vector<16xf32>,
        %parallel_loop3A_351 = arith.index_cast %parallel_loop3A_325 : i32 to index
        %parallel_loop3A_352 = arith.constant 48 : index
        %parallel_loop3A_353 = tpu.vector_load %arg16[%parallel_loop3A_351, %parallel_loop3A_352] {strides = array<i32>} : memref<40x128xf32, #tpu.memory_space<vmem>>, vector<16xf32>,
        %parallel_loop3A_354 = arith.mulf %parallel_loop3A_353, %parallel_loop3A_329 : vector<16xf32>
        %parallel_loop3A_355 = arith.index_cast %parallel_loop3A_325 : i32 to index
        %parallel_loop3A_356 = arith.constant 48 : index
        %parallel_loop3A_357 = tpu.vector_load %arg16[%parallel_loop3A_355, %parallel_loop3A_356] {strides = array<i32>} : memref<40x128xf32, #tpu.memory_space<vmem>>, vector<16xf32>,
        tpu.vector_store %arg16[%parallel_loop3A_355, %parallel_loop3A_356], %parallel_loop3A_354 {strides = array<i32>} : memref<40x128xf32, #tpu.memory_space<vmem>>, vector<16xf32>,
        %parallel_loop3A_358 = arith.index_cast %parallel_loop3A_325 : i32 to index
        %parallel_loop3A_359 = arith.constant 64 : index
        %parallel_loop3A_360 = tpu.vector_load %arg16[%parallel_loop3A_358, %parallel_loop3A_359] {strides = array<i32>} : memref<40x128xf32, #tpu.memory_space<vmem>>, vector<16xf32>,
        %parallel_loop3A_361 = arith.mulf %parallel_loop3A_360, %parallel_loop3A_329 : vector<16xf32>
        %parallel_loop3A_362 = arith.index_cast %parallel_loop3A_325 : i32 to index
        %parallel_loop3A_363 = arith.constant 64 : index
        %parallel_loop3A_364 = tpu.vector_load %arg16[%parallel_loop3A_362, %parallel_loop3A_363] {strides = array<i32>} : memref<40x128xf32, #tpu.memory_space<vmem>>, vector<16xf32>,
        tpu.vector_store %arg16[%parallel_loop3A_362, %parallel_loop3A_363], %parallel_loop3A_361 {strides = array<i32>} : memref<40x128xf32, #tpu.memory_space<vmem>>, vector<16xf32>,
        %parallel_loop3A_365 = arith.index_cast %parallel_loop3A_325 : i32 to index
        %parallel_loop3A_366 = arith.constant 80 : index
        %parallel_loop3A_367 = tpu.vector_load %arg16[%parallel_loop3A_365, %parallel_loop3A_366] {strides = array<i32>} : memref<40x128xf32, #tpu.memory_space<vmem>>, vector<16xf32>,
        %parallel_loop3A_368 = arith.mulf %parallel_loop3A_367, %parallel_loop3A_329 : vector<16xf32>
        %parallel_loop3A_369 = arith.index_cast %parallel_loop3A_325 : i32 to index
        %parallel_loop3A_370 = arith.constant 80 : index
        %parallel_loop3A_371 = tpu.vector_load %arg16[%parallel_loop3A_369, %parallel_loop3A_370] {strides = array<i32>} : memref<40x128xf32, #tpu.memory_space<vmem>>, vector<16xf32>,
        tpu.vector_store %arg16[%parallel_loop3A_369, %parallel_loop3A_370], %parallel_loop3A_368 {strides = array<i32>} : memref<40x128xf32, #tpu.memory_space<vmem>>, vector<16xf32>,
        %parallel_loop3A_372 = arith.index_cast %parallel_loop3A_325 : i32 to index
        %parallel_loop3A_373 = arith.constant 96 : index
        %parallel_loop3A_374 = tpu.vector_load %arg16[%parallel_loop3A_372, %parallel_loop3A_373] {strides = array<i32>} : memref<40x128xf32, #tpu.memory_space<vmem>>, vector<16xf32>,
        %parallel_loop3A_375 = arith.mulf %parallel_loop3A_374, %parallel_loop3A_329 : vector<16xf32>
        %parallel_loop3A_376 = arith.index_cast %parallel_loop3A_325 : i32 to index
        %parallel_loop3A_377 = arith.constant 96 : index
        %parallel_loop3A_378 = tpu.vector_load %arg16[%parallel_loop3A_376, %parallel_loop3A_377] {strides = array<i32>} : memref<40x128xf32, #tpu.memory_space<vmem>>, vector<16xf32>,
        tpu.vector_store %arg16[%parallel_loop3A_376, %parallel_loop3A_377], %parallel_loop3A_375 {strides = array<i32>} : memref<40x128xf32, #tpu.memory_space<vmem>>, vector<16xf32>,
        %parallel_loop3A_379 = arith.index_cast %parallel_loop3A_325 : i32 to index
        %parallel_loop3A_380 = arith.constant 112 : index
        %parallel_loop3A_381 = tpu.vector_load %arg16[%parallel_loop3A_379, %parallel_loop3A_380] {strides = array<i32>} : memref<40x128xf32, #tpu.memory_space<vmem>>, vector<16xf32>,
        %parallel_loop3A_382 = arith.mulf %parallel_loop3A_381, %parallel_loop3A_329 : vector<16xf32>
        %parallel_loop3A_383 = arith.index_cast %parallel_loop3A_325 : i32 to index
        %parallel_loop3A_384 = arith.constant 112 : index
        %parallel_loop3A_385 = tpu.vector_load %arg16[%parallel_loop3A_383, %parallel_loop3A_384] {strides = array<i32>} : memref<40x128xf32, #tpu.memory_space<vmem>>, vector<16xf32>,
        tpu.vector_store %arg16[%parallel_loop3A_383, %parallel_loop3A_384], %parallel_loop3A_382 {strides = array<i32>} : memref<40x128xf32, #tpu.memory_space<vmem>>, vector<16xf32>,
      } {sc.loop_unroll_factor = 8 : i64, sc.parallel_access}
      %add3A_188 = arith.addi %mul3A_10, %mul3A_180 : i32
      %dma_wait3A_189 = tpu.memref_slice %arg5[%add3A_188] : memref<320000xi32, #tpu.memory_space<hbm>> -> memref<40xi32, #tpu.memory_space<hbm>>
      %dma_wait3A_190 = tpu.memref_slice %arg5[%add3A_188] : memref<320000xi32, #tpu.memory_space<hbm>> -> memref<40xi32, #tpu.memory_space<hbm>>
      tpu.wait_dma2 semaphore(%arg27 : memref<!tpu.dma_semaphore, #tpu.memory_space<semaphore_mem>>) src(%dma_wait3A_190 : memref<40xi32, #tpu.memory_space<hbm>>) dst(%arg11 : memref<40xi32, #tpu.memory_space<vmem>>)
      %dma_start3A_191 = arith.constant 0 : i32
      %dma_start3A_192 = arith.constant 0 : i32
      %dma_start3A_193 = tpu.memref_slice %arg20[%dma_start3A_191, %dma_start3A_192] : memref<10000x128xf32, #tpu.memory_space<vmem_shared>> -> memref<10000x128xf32, #tpu.memory_space<vmem_shared>>
      tpu.enqueue_indirect_dma source(%arg16 : memref<40x128xf32, #tpu.memory_space<vmem>>) target(%dma_start3A_193 : memref<10000x128xf32, #tpu.memory_space<vmem_shared>>) offsets(%arg11 : memref<40xi32, #tpu.memory_space<vmem>>) semaphore(%arg32 : memref<!tpu.dma_semaphore, #tpu.memory_space<semaphore_mem>>) {add = true}
      %add3A_194 = arith.constant 2 : i32
      %add3A_195 = arith.addi %mul3A_159, %add3A_194 : i32
      %mul3A_196 = arith.constant 40 : i32
      %mul3A_197 = arith.muli %add3A_195, %mul3A_196 : i32
      %dma_wait3A_198 = tpu.memref_slice %arg8[%mul3A_197] : memref<10000xi32, #tpu.memory_space<vmem>> -> memref<40xi32, #tpu.memory_space<vmem>>
      %dma_wait3A_199 = arith.constant 0 : i32
      %dma_wait3A_200 = arith.constant 0 : i32
      %dma_wait3A_201 = tpu.memref_slice %arg2[%dma_wait3A_199, %dma_wait3A_200] : memref<10000x128xf32, #tpu.memory_space<hbm>> -> memref<10000x128xf32, #tpu.memory_space<hbm>>
      tpu.wait_indirect_dma semaphore(%arg23 : memref<!tpu.dma_semaphore, #tpu.memory_space<semaphore_mem>>) src(%dma_wait3A_201 : memref<10000x128xf32, #tpu.memory_space<hbm>>) dst(%arg17 : memref<40x128xf32, #tpu.memory_space<vmem>>)
      %parallel_loop3A_202 = arith.constant 0 : i32
      %parallel_loop3A_203 = arith.constant 40 : i32
      %parallel_loop3A_204 = arith.constant 1 : i32
      scf.for %parallel_loop3A_325 = %parallel_loop3A_202 to %parallel_loop3A_203 step %parallel_loop3A_204  : i32 {
        %parallel_loop3A_326 = vector.broadcast %mul3A_197 : i32 to vector<16xi32>
        %parallel_loop3A_327 = vector.broadcast %parallel_loop3A_325 : i32 to vector<16xi32>
        %parallel_loop3A_328 = arith.addi %parallel_loop3A_326, %parallel_loop3A_327 : vector<16xi32>
        %parallel_loop3A_329 = tpu.vector_load_idx %arg9[%parallel_loop3A_328] : memref<10000xf32, #tpu.memory_space<vmem>>[vector<16xi32>], vector<16xf32>,
        %parallel_loop3A_330 = arith.index_cast %parallel_loop3A_325 : i32 to index
        %parallel_loop3A_331 = arith.constant 0 : index
        %parallel_loop3A_332 = tpu.vector_load %arg17[%parallel_loop3A_330, %parallel_loop3A_331] {strides = array<i32>} : memref<40x128xf32, #tpu.memory_space<vmem>>, vector<16xf32>,
        %parallel_loop3A_333 = arith.mulf %parallel_loop3A_332, %parallel_loop3A_329 : vector<16xf32>
        %parallel_loop3A_334 = arith.index_cast %parallel_loop3A_325 : i32 to index
        %parallel_loop3A_335 = arith.constant 0 : index
        %parallel_loop3A_336 = tpu.vector_load %arg17[%parallel_loop3A_334, %parallel_loop3A_335] {strides = array<i32>} : memref<40x128xf32, #tpu.memory_space<vmem>>, vector<16xf32>,
        tpu.vector_store %arg17[%parallel_loop3A_334, %parallel_loop3A_335], %parallel_loop3A_333 {strides = array<i32>} : memref<40x128xf32, #tpu.memory_space<vmem>>, vector<16xf32>,
        %parallel_loop3A_337 = arith.index_cast %parallel_loop3A_325 : i32 to index
        %parallel_loop3A_338 = arith.constant 16 : index
        %parallel_loop3A_339 = tpu.vector_load %arg17[%parallel_loop3A_337, %parallel_loop3A_338] {strides = array<i32>} : memref<40x128xf32, #tpu.memory_space<vmem>>, vector<16xf32>,
        %parallel_loop3A_340 = arith.mulf %parallel_loop3A_339, %parallel_loop3A_329 : vector<16xf32>
        %parallel_loop3A_341 = arith.index_cast %parallel_loop3A_325 : i32 to index
        %parallel_loop3A_342 = arith.constant 16 : index
        %parallel_loop3A_343 = tpu.vector_load %arg17[%parallel_loop3A_341, %parallel_loop3A_342] {strides = array<i32>} : memref<40x128xf32, #tpu.memory_space<vmem>>, vector<16xf32>,
        tpu.vector_store %arg17[%parallel_loop3A_341, %parallel_loop3A_342], %parallel_loop3A_340 {strides = array<i32>} : memref<40x128xf32, #tpu.memory_space<vmem>>, vector<16xf32>,
        %parallel_loop3A_344 = arith.index_cast %parallel_loop3A_325 : i32 to index
        %parallel_loop3A_345 = arith.constant 32 : index
        %parallel_loop3A_346 = tpu.vector_load %arg17[%parallel_loop3A_344, %parallel_loop3A_345] {strides = array<i32>} : memref<40x128xf32, #tpu.memory_space<vmem>>, vector<16xf32>,
        %parallel_loop3A_347 = arith.mulf %parallel_loop3A_346, %parallel_loop3A_329 : vector<16xf32>
        %parallel_loop3A_348 = arith.index_cast %parallel_loop3A_325 : i32 to index
        %parallel_loop3A_349 = arith.constant 32 : index
        %parallel_loop3A_350 = tpu.vector_load %arg17[%parallel_loop3A_348, %parallel_loop3A_349] {strides = array<i32>} : memref<40x128xf32, #tpu.memory_space<vmem>>, vector<16xf32>,
        tpu.vector_store %arg17[%parallel_loop3A_348, %parallel_loop3A_349], %parallel_loop3A_347 {strides = array<i32>} : memref<40x128xf32, #tpu.memory_space<vmem>>, vector<16xf32>,
        %parallel_loop3A_351 = arith.index_cast %parallel_loop3A_325 : i32 to index
        %parallel_loop3A_352 = arith.constant 48 : index
        %parallel_loop3A_353 = tpu.vector_load %arg17[%parallel_loop3A_351, %parallel_loop3A_352] {strides = array<i32>} : memref<40x128xf32, #tpu.memory_space<vmem>>, vector<16xf32>,
        %parallel_loop3A_354 = arith.mulf %parallel_loop3A_353, %parallel_loop3A_329 : vector<16xf32>
        %parallel_loop3A_355 = arith.index_cast %parallel_loop3A_325 : i32 to index
        %parallel_loop3A_356 = arith.constant 48 : index
        %parallel_loop3A_357 = tpu.vector_load %arg17[%parallel_loop3A_355, %parallel_loop3A_356] {strides = array<i32>} : memref<40x128xf32, #tpu.memory_space<vmem>>, vector<16xf32>,
        tpu.vector_store %arg17[%parallel_loop3A_355, %parallel_loop3A_356], %parallel_loop3A_354 {strides = array<i32>} : memref<40x128xf32, #tpu.memory_space<vmem>>, vector<16xf32>,
        %parallel_loop3A_358 = arith.index_cast %parallel_loop3A_325 : i32 to index
        %parallel_loop3A_359 = arith.constant 64 : index
        %parallel_loop3A_360 = tpu.vector_load %arg17[%parallel_loop3A_358, %parallel_loop3A_359] {strides = array<i32>} : memref<40x128xf32, #tpu.memory_space<vmem>>, vector<16xf32>,
        %parallel_loop3A_361 = arith.mulf %parallel_loop3A_360, %parallel_loop3A_329 : vector<16xf32>
        %parallel_loop3A_362 = arith.index_cast %parallel_loop3A_325 : i32 to index
        %parallel_loop3A_363 = arith.constant 64 : index
        %parallel_loop3A_364 = tpu.vector_load %arg17[%parallel_loop3A_362, %parallel_loop3A_363] {strides = array<i32>} : memref<40x128xf32, #tpu.memory_space<vmem>>, vector<16xf32>,
        tpu.vector_store %arg17[%parallel_loop3A_362, %parallel_loop3A_363], %parallel_loop3A_361 {strides = array<i32>} : memref<40x128xf32, #tpu.memory_space<vmem>>, vector<16xf32>,
        %parallel_loop3A_365 = arith.index_cast %parallel_loop3A_325 : i32 to index
        %parallel_loop3A_366 = arith.constant 80 : index
        %parallel_loop3A_367 = tpu.vector_load %arg17[%parallel_loop3A_365, %parallel_loop3A_366] {strides = array<i32>} : memref<40x128xf32, #tpu.memory_space<vmem>>, vector<16xf32>,
        %parallel_loop3A_368 = arith.mulf %parallel_loop3A_367, %parallel_loop3A_329 : vector<16xf32>
        %parallel_loop3A_369 = arith.index_cast %parallel_loop3A_325 : i32 to index
        %parallel_loop3A_370 = arith.constant 80 : index
        %parallel_loop3A_371 = tpu.vector_load %arg17[%parallel_loop3A_369, %parallel_loop3A_370] {strides = array<i32>} : memref<40x128xf32, #tpu.memory_space<vmem>>, vector<16xf32>,
        tpu.vector_store %arg17[%parallel_loop3A_369, %parallel_loop3A_370], %parallel_loop3A_368 {strides = array<i32>} : memref<40x128xf32, #tpu.memory_space<vmem>>, vector<16xf32>,
        %parallel_loop3A_372 = arith.index_cast %parallel_loop3A_325 : i32 to index
        %parallel_loop3A_373 = arith.constant 96 : index
        %parallel_loop3A_374 = tpu.vector_load %arg17[%parallel_loop3A_372, %parallel_loop3A_373] {strides = array<i32>} : memref<40x128xf32, #tpu.memory_space<vmem>>, vector<16xf32>,
        %parallel_loop3A_375 = arith.mulf %parallel_loop3A_374, %parallel_loop3A_329 : vector<16xf32>
        %parallel_loop3A_376 = arith.index_cast %parallel_loop3A_325 : i32 to index
        %parallel_loop3A_377 = arith.constant 96 : index
        %parallel_loop3A_378 = tpu.vector_load %arg17[%parallel_loop3A_376, %parallel_loop3A_377] {strides = array<i32>} : memref<40x128xf32, #tpu.memory_space<vmem>>, vector<16xf32>,
        tpu.vector_store %arg17[%parallel_loop3A_376, %parallel_loop3A_377], %parallel_loop3A_375 {strides = array<i32>} : memref<40x128xf32, #tpu.memory_space<vmem>>, vector<16xf32>,
        %parallel_loop3A_379 = arith.index_cast %parallel_loop3A_325 : i32 to index
        %parallel_loop3A_380 = arith.constant 112 : index
        %parallel_loop3A_381 = tpu.vector_load %arg17[%parallel_loop3A_379, %parallel_loop3A_380] {strides = array<i32>} : memref<40x128xf32, #tpu.memory_space<vmem>>, vector<16xf32>,
        %parallel_loop3A_382 = arith.mulf %parallel_loop3A_381, %parallel_loop3A_329 : vector<16xf32>
        %parallel_loop3A_383 = arith.index_cast %parallel_loop3A_325 : i32 to index
        %parallel_loop3A_384 = arith.constant 112 : index
        %parallel_loop3A_385 = tpu.vector_load %arg17[%parallel_loop3A_383, %parallel_loop3A_384] {strides = array<i32>} : memref<40x128xf32, #tpu.memory_space<vmem>>, vector<16xf32>,
        tpu.vector_store %arg17[%parallel_loop3A_383, %parallel_loop3A_384], %parallel_loop3A_382 {strides = array<i32>} : memref<40x128xf32, #tpu.memory_space<vmem>>, vector<16xf32>,
      } {sc.loop_unroll_factor = 8 : i64, sc.parallel_access}
      %add3A_205 = arith.addi %mul3A_10, %mul3A_197 : i32
      %dma_wait3A_206 = tpu.memref_slice %arg5[%add3A_205] : memref<320000xi32, #tpu.memory_space<hbm>> -> memref<40xi32, #tpu.memory_space<hbm>>
      %dma_wait3A_207 = tpu.memref_slice %arg5[%add3A_205] : memref<320000xi32, #tpu.memory_space<hbm>> -> memref<40xi32, #tpu.memory_space<hbm>>
      tpu.wait_dma2 semaphore(%arg28 : memref<!tpu.dma_semaphore, #tpu.memory_space<semaphore_mem>>) src(%dma_wait3A_207 : memref<40xi32, #tpu.memory_space<hbm>>) dst(%arg12 : memref<40xi32, #tpu.memory_space<vmem>>)
      %dma_start3A_208 = arith.constant 0 : i32
      %dma_start3A_209 = arith.constant 0 : i32
      %dma_start3A_210 = tpu.memref_slice %arg20[%dma_start3A_208, %dma_start3A_209] : memref<10000x128xf32, #tpu.memory_space<vmem_shared>> -> memref<10000x128xf32, #tpu.memory_space<vmem_shared>>
      tpu.enqueue_indirect_dma source(%arg17 : memref<40x128xf32, #tpu.memory_space<vmem>>) target(%dma_start3A_210 : memref<10000x128xf32, #tpu.memory_space<vmem_shared>>) offsets(%arg12 : memref<40xi32, #tpu.memory_space<vmem>>) semaphore(%arg33 : memref<!tpu.dma_semaphore, #tpu.memory_space<semaphore_mem>>) {add = true}
      %add3A_211 = arith.constant 3 : i32
      %add3A_212 = arith.addi %mul3A_159, %add3A_211 : i32
      %mul3A_213 = arith.constant 40 : i32
      %mul3A_214 = arith.muli %add3A_212, %mul3A_213 : i32
      %dma_wait3A_215 = tpu.memref_slice %arg8[%mul3A_214] : memref<10000xi32, #tpu.memory_space<vmem>> -> memref<40xi32, #tpu.memory_space<vmem>>
      %dma_wait3A_216 = arith.constant 0 : i32
      %dma_wait3A_217 = arith.constant 0 : i32
      %dma_wait3A_218 = tpu.memref_slice %arg2[%dma_wait3A_216, %dma_wait3A_217] : memref<10000x128xf32, #tpu.memory_space<hbm>> -> memref<10000x128xf32, #tpu.memory_space<hbm>>
      tpu.wait_indirect_dma semaphore(%arg24 : memref<!tpu.dma_semaphore, #tpu.memory_space<semaphore_mem>>) src(%dma_wait3A_218 : memref<10000x128xf32, #tpu.memory_space<hbm>>) dst(%arg18 : memref<40x128xf32, #tpu.memory_space<vmem>>)
      %parallel_loop3A_219 = arith.constant 0 : i32
      %parallel_loop3A_220 = arith.constant 40 : i32
      %parallel_loop3A_221 = arith.constant 1 : i32
      scf.for %parallel_loop3A_325 = %parallel_loop3A_219 to %parallel_loop3A_220 step %parallel_loop3A_221  : i32 {
        %parallel_loop3A_326 = vector.broadcast %mul3A_214 : i32 to vector<16xi32>
        %parallel_loop3A_327 = vector.broadcast %parallel_loop3A_325 : i32 to vector<16xi32>
        %parallel_loop3A_328 = arith.addi %parallel_loop3A_326, %parallel_loop3A_327 : vector<16xi32>
        %parallel_loop3A_329 = tpu.vector_load_idx %arg9[%parallel_loop3A_328] : memref<10000xf32, #tpu.memory_space<vmem>>[vector<16xi32>], vector<16xf32>,
        %parallel_loop3A_330 = arith.index_cast %parallel_loop3A_325 : i32 to index
        %parallel_loop3A_331 = arith.constant 0 : index
        %parallel_loop3A_332 = tpu.vector_load %arg18[%parallel_loop3A_330, %parallel_loop3A_331] {strides = array<i32>} : memref<40x128xf32, #tpu.memory_space<vmem>>, vector<16xf32>,
        %parallel_loop3A_333 = arith.mulf %parallel_loop3A_332, %parallel_loop3A_329 : vector<16xf32>
        %parallel_loop3A_334 = arith.index_cast %parallel_loop3A_325 : i32 to index
        %parallel_loop3A_335 = arith.constant 0 : index
        %parallel_loop3A_336 = tpu.vector_load %arg18[%parallel_loop3A_334, %parallel_loop3A_335] {strides = array<i32>} : memref<40x128xf32, #tpu.memory_space<vmem>>, vector<16xf32>,
        tpu.vector_store %arg18[%parallel_loop3A_334, %parallel_loop3A_335], %parallel_loop3A_333 {strides = array<i32>} : memref<40x128xf32, #tpu.memory_space<vmem>>, vector<16xf32>,
        %parallel_loop3A_337 = arith.index_cast %parallel_loop3A_325 : i32 to index
        %parallel_loop3A_338 = arith.constant 16 : index
        %parallel_loop3A_339 = tpu.vector_load %arg18[%parallel_loop3A_337, %parallel_loop3A_338] {strides = array<i32>} : memref<40x128xf32, #tpu.memory_space<vmem>>, vector<16xf32>,
        %parallel_loop3A_340 = arith.mulf %parallel_loop3A_339, %parallel_loop3A_329 : vector<16xf32>
        %parallel_loop3A_341 = arith.index_cast %parallel_loop3A_325 : i32 to index
        %parallel_loop3A_342 = arith.constant 16 : index
        %parallel_loop3A_343 = tpu.vector_load %arg18[%parallel_loop3A_341, %parallel_loop3A_342] {strides = array<i32>} : memref<40x128xf32, #tpu.memory_space<vmem>>, vector<16xf32>,
        tpu.vector_store %arg18[%parallel_loop3A_341, %parallel_loop3A_342], %parallel_loop3A_340 {strides = array<i32>} : memref<40x128xf32, #tpu.memory_space<vmem>>, vector<16xf32>,
        %parallel_loop3A_344 = arith.index_cast %parallel_loop3A_325 : i32 to index
        %parallel_loop3A_345 = arith.constant 32 : index
        %parallel_loop3A_346 = tpu.vector_load %arg18[%parallel_loop3A_344, %parallel_loop3A_345] {strides = array<i32>} : memref<40x128xf32, #tpu.memory_space<vmem>>, vector<16xf32>,
        %parallel_loop3A_347 = arith.mulf %parallel_loop3A_346, %parallel_loop3A_329 : vector<16xf32>
        %parallel_loop3A_348 = arith.index_cast %parallel_loop3A_325 : i32 to index
        %parallel_loop3A_349 = arith.constant 32 : index
        %parallel_loop3A_350 = tpu.vector_load %arg18[%parallel_loop3A_348, %parallel_loop3A_349] {strides = array<i32>} : memref<40x128xf32, #tpu.memory_space<vmem>>, vector<16xf32>,
        tpu.vector_store %arg18[%parallel_loop3A_348, %parallel_loop3A_349], %parallel_loop3A_347 {strides = array<i32>} : memref<40x128xf32, #tpu.memory_space<vmem>>, vector<16xf32>,
        %parallel_loop3A_351 = arith.index_cast %parallel_loop3A_325 : i32 to index
        %parallel_loop3A_352 = arith.constant 48 : index
        %parallel_loop3A_353 = tpu.vector_load %arg18[%parallel_loop3A_351, %parallel_loop3A_352] {strides = array<i32>} : memref<40x128xf32, #tpu.memory_space<vmem>>, vector<16xf32>,
        %parallel_loop3A_354 = arith.mulf %parallel_loop3A_353, %parallel_loop3A_329 : vector<16xf32>
        %parallel_loop3A_355 = arith.index_cast %parallel_loop3A_325 : i32 to index
        %parallel_loop3A_356 = arith.constant 48 : index
        %parallel_loop3A_357 = tpu.vector_load %arg18[%parallel_loop3A_355, %parallel_loop3A_356] {strides = array<i32>} : memref<40x128xf32, #tpu.memory_space<vmem>>, vector<16xf32>,
        tpu.vector_store %arg18[%parallel_loop3A_355, %parallel_loop3A_356], %parallel_loop3A_354 {strides = array<i32>} : memref<40x128xf32, #tpu.memory_space<vmem>>, vector<16xf32>,
        %parallel_loop3A_358 = arith.index_cast %parallel_loop3A_325 : i32 to index
        %parallel_loop3A_359 = arith.constant 64 : index
        %parallel_loop3A_360 = tpu.vector_load %arg18[%parallel_loop3A_358, %parallel_loop3A_359] {strides = array<i32>} : memref<40x128xf32, #tpu.memory_space<vmem>>, vector<16xf32>,
        %parallel_loop3A_361 = arith.mulf %parallel_loop3A_360, %parallel_loop3A_329 : vector<16xf32>
        %parallel_loop3A_362 = arith.index_cast %parallel_loop3A_325 : i32 to index
        %parallel_loop3A_363 = arith.constant 64 : index
        %parallel_loop3A_364 = tpu.vector_load %arg18[%parallel_loop3A_362, %parallel_loop3A_363] {strides = array<i32>} : memref<40x128xf32, #tpu.memory_space<vmem>>, vector<16xf32>,
        tpu.vector_store %arg18[%parallel_loop3A_362, %parallel_loop3A_363], %parallel_loop3A_361 {strides = array<i32>} : memref<40x128xf32, #tpu.memory_space<vmem>>, vector<16xf32>,
        %parallel_loop3A_365 = arith.index_cast %parallel_loop3A_325 : i32 to index
        %parallel_loop3A_366 = arith.constant 80 : index
        %parallel_loop3A_367 = tpu.vector_load %arg18[%parallel_loop3A_365, %parallel_loop3A_366] {strides = array<i32>} : memref<40x128xf32, #tpu.memory_space<vmem>>, vector<16xf32>,
        %parallel_loop3A_368 = arith.mulf %parallel_loop3A_367, %parallel_loop3A_329 : vector<16xf32>
        %parallel_loop3A_369 = arith.index_cast %parallel_loop3A_325 : i32 to index
        %parallel_loop3A_370 = arith.constant 80 : index
        %parallel_loop3A_371 = tpu.vector_load %arg18[%parallel_loop3A_369, %parallel_loop3A_370] {strides = array<i32>} : memref<40x128xf32, #tpu.memory_space<vmem>>, vector<16xf32>,
        tpu.vector_store %arg18[%parallel_loop3A_369, %parallel_loop3A_370], %parallel_loop3A_368 {strides = array<i32>} : memref<40x128xf32, #tpu.memory_space<vmem>>, vector<16xf32>,
        %parallel_loop3A_372 = arith.index_cast %parallel_loop3A_325 : i32 to index
        %parallel_loop3A_373 = arith.constant 96 : index
        %parallel_loop3A_374 = tpu.vector_load %arg18[%parallel_loop3A_372, %parallel_loop3A_373] {strides = array<i32>} : memref<40x128xf32, #tpu.memory_space<vmem>>, vector<16xf32>,
        %parallel_loop3A_375 = arith.mulf %parallel_loop3A_374, %parallel_loop3A_329 : vector<16xf32>
        %parallel_loop3A_376 = arith.index_cast %parallel_loop3A_325 : i32 to index
        %parallel_loop3A_377 = arith.constant 96 : index
        %parallel_loop3A_378 = tpu.vector_load %arg18[%parallel_loop3A_376, %parallel_loop3A_377] {strides = array<i32>} : memref<40x128xf32, #tpu.memory_space<vmem>>, vector<16xf32>,
        tpu.vector_store %arg18[%parallel_loop3A_376, %parallel_loop3A_377], %parallel_loop3A_375 {strides = array<i32>} : memref<40x128xf32, #tpu.memory_space<vmem>>, vector<16xf32>,
        %parallel_loop3A_379 = arith.index_cast %parallel_loop3A_325 : i32 to index
        %parallel_loop3A_380 = arith.constant 112 : index
        %parallel_loop3A_381 = tpu.vector_load %arg18[%parallel_loop3A_379, %parallel_loop3A_380] {strides = array<i32>} : memref<40x128xf32, #tpu.memory_space<vmem>>, vector<16xf32>,
        %parallel_loop3A_382 = arith.mulf %parallel_loop3A_381, %parallel_loop3A_329 : vector<16xf32>
        %parallel_loop3A_383 = arith.index_cast %parallel_loop3A_325 : i32 to index
        %parallel_loop3A_384 = arith.constant 112 : index
        %parallel_loop3A_385 = tpu.vector_load %arg18[%parallel_loop3A_383, %parallel_loop3A_384] {strides = array<i32>} : memref<40x128xf32, #tpu.memory_space<vmem>>, vector<16xf32>,
        tpu.vector_store %arg18[%parallel_loop3A_383, %parallel_loop3A_384], %parallel_loop3A_382 {strides = array<i32>} : memref<40x128xf32, #tpu.memory_space<vmem>>, vector<16xf32>,
      } {sc.loop_unroll_factor = 8 : i64, sc.parallel_access}
      %add3A_222 = arith.addi %mul3A_10, %mul3A_214 : i32
      %dma_wait3A_223 = tpu.memref_slice %arg5[%add3A_222] : memref<320000xi32, #tpu.memory_space<hbm>> -> memref<40xi32, #tpu.memory_space<hbm>>
      %dma_wait3A_224 = tpu.memref_slice %arg5[%add3A_222] : memref<320000xi32, #tpu.memory_space<hbm>> -> memref<40xi32, #tpu.memory_space<hbm>>
      tpu.wait_dma2 semaphore(%arg29 : memref<!tpu.dma_semaphore, #tpu.memory_space<semaphore_mem>>) src(%dma_wait3A_224 : memref<40xi32, #tpu.memory_space<hbm>>) dst(%arg13 : memref<40xi32, #tpu.memory_space<vmem>>)
      %dma_start3A_225 = arith.constant 0 : i32
      %dma_start3A_226 = arith.constant 0 : i32
      %dma_start3A_227 = tpu.memref_slice %arg20[%dma_start3A_225, %dma_start3A_226] : memref<10000x128xf32, #tpu.memory_space<vmem_shared>> -> memref<10000x128xf32, #tpu.memory_space<vmem_shared>>
      tpu.enqueue_indirect_dma source(%arg18 : memref<40x128xf32, #tpu.memory_space<vmem>>) target(%dma_start3A_227 : memref<10000x128xf32, #tpu.memory_space<vmem_shared>>) offsets(%arg13 : memref<40xi32, #tpu.memory_space<vmem>>) semaphore(%arg34 : memref<!tpu.dma_semaphore, #tpu.memory_space<semaphore_mem>>) {add = true}
      %add3A_228 = arith.constant 4 : i32
      %add3A_229 = arith.addi %mul3A_159, %add3A_228 : i32
      %mul3A_230 = arith.constant 40 : i32
      %mul3A_231 = arith.muli %add3A_229, %mul3A_230 : i32
      %dma_wait3A_232 = tpu.memref_slice %arg8[%mul3A_231] : memref<10000xi32, #tpu.memory_space<vmem>> -> memref<40xi32, #tpu.memory_space<vmem>>
      %dma_wait3A_233 = arith.constant 0 : i32
      %dma_wait3A_234 = arith.constant 0 : i32
      %dma_wait3A_235 = tpu.memref_slice %arg2[%dma_wait3A_233, %dma_wait3A_234] : memref<10000x128xf32, #tpu.memory_space<hbm>> -> memref<10000x128xf32, #tpu.memory_space<hbm>>
      tpu.wait_indirect_dma semaphore(%arg25 : memref<!tpu.dma_semaphore, #tpu.memory_space<semaphore_mem>>) src(%dma_wait3A_235 : memref<10000x128xf32, #tpu.memory_space<hbm>>) dst(%arg19 : memref<40x128xf32, #tpu.memory_space<vmem>>)
      %parallel_loop3A_236 = arith.constant 0 : i32
      %parallel_loop3A_237 = arith.constant 40 : i32
      %parallel_loop3A_238 = arith.constant 1 : i32
      scf.for %parallel_loop3A_325 = %parallel_loop3A_236 to %parallel_loop3A_237 step %parallel_loop3A_238  : i32 {
        %parallel_loop3A_326 = vector.broadcast %mul3A_231 : i32 to vector<16xi32>
        %parallel_loop3A_327 = vector.broadcast %parallel_loop3A_325 : i32 to vector<16xi32>
        %parallel_loop3A_328 = arith.addi %parallel_loop3A_326, %parallel_loop3A_327 : vector<16xi32>
        %parallel_loop3A_329 = tpu.vector_load_idx %arg9[%parallel_loop3A_328] : memref<10000xf32, #tpu.memory_space<vmem>>[vector<16xi32>], vector<16xf32>,
        %parallel_loop3A_330 = arith.index_cast %parallel_loop3A_325 : i32 to index
        %parallel_loop3A_331 = arith.constant 0 : index
        %parallel_loop3A_332 = tpu.vector_load %arg19[%parallel_loop3A_330, %parallel_loop3A_331] {strides = array<i32>} : memref<40x128xf32, #tpu.memory_space<vmem>>, vector<16xf32>,
        %parallel_loop3A_333 = arith.mulf %parallel_loop3A_332, %parallel_loop3A_329 : vector<16xf32>
        %parallel_loop3A_334 = arith.index_cast %parallel_loop3A_325 : i32 to index
        %parallel_loop3A_335 = arith.constant 0 : index
        %parallel_loop3A_336 = tpu.vector_load %arg19[%parallel_loop3A_334, %parallel_loop3A_335] {strides = array<i32>} : memref<40x128xf32, #tpu.memory_space<vmem>>, vector<16xf32>,
        tpu.vector_store %arg19[%parallel_loop3A_334, %parallel_loop3A_335], %parallel_loop3A_333 {strides = array<i32>} : memref<40x128xf32, #tpu.memory_space<vmem>>, vector<16xf32>,
        %parallel_loop3A_337 = arith.index_cast %parallel_loop3A_325 : i32 to index
        %parallel_loop3A_338 = arith.constant 16 : index
        %parallel_loop3A_339 = tpu.vector_load %arg19[%parallel_loop3A_337, %parallel_loop3A_338] {strides = array<i32>} : memref<40x128xf32, #tpu.memory_space<vmem>>, vector<16xf32>,
        %parallel_loop3A_340 = arith.mulf %parallel_loop3A_339, %parallel_loop3A_329 : vector<16xf32>
        %parallel_loop3A_341 = arith.index_cast %parallel_loop3A_325 : i32 to index
        %parallel_loop3A_342 = arith.constant 16 : index
        %parallel_loop3A_343 = tpu.vector_load %arg19[%parallel_loop3A_341, %parallel_loop3A_342] {strides = array<i32>} : memref<40x128xf32, #tpu.memory_space<vmem>>, vector<16xf32>,
        tpu.vector_store %arg19[%parallel_loop3A_341, %parallel_loop3A_342], %parallel_loop3A_340 {strides = array<i32>} : memref<40x128xf32, #tpu.memory_space<vmem>>, vector<16xf32>,
        %parallel_loop3A_344 = arith.index_cast %parallel_loop3A_325 : i32 to index
        %parallel_loop3A_345 = arith.constant 32 : index
        %parallel_loop3A_346 = tpu.vector_load %arg19[%parallel_loop3A_344, %parallel_loop3A_345] {strides = array<i32>} : memref<40x128xf32, #tpu.memory_space<vmem>>, vector<16xf32>,
        %parallel_loop3A_347 = arith.mulf %parallel_loop3A_346, %parallel_loop3A_329 : vector<16xf32>
        %parallel_loop3A_348 = arith.index_cast %parallel_loop3A_325 : i32 to index
        %parallel_loop3A_349 = arith.constant 32 : index
        %parallel_loop3A_350 = tpu.vector_load %arg19[%parallel_loop3A_348, %parallel_loop3A_349] {strides = array<i32>} : memref<40x128xf32, #tpu.memory_space<vmem>>, vector<16xf32>,
        tpu.vector_store %arg19[%parallel_loop3A_348, %parallel_loop3A_349], %parallel_loop3A_347 {strides = array<i32>} : memref<40x128xf32, #tpu.memory_space<vmem>>, vector<16xf32>,
        %parallel_loop3A_351 = arith.index_cast %parallel_loop3A_325 : i32 to index
        %parallel_loop3A_352 = arith.constant 48 : index
        %parallel_loop3A_353 = tpu.vector_load %arg19[%parallel_loop3A_351, %parallel_loop3A_352] {strides = array<i32>} : memref<40x128xf32, #tpu.memory_space<vmem>>, vector<16xf32>,
        %parallel_loop3A_354 = arith.mulf %parallel_loop3A_353, %parallel_loop3A_329 : vector<16xf32>
        %parallel_loop3A_355 = arith.index_cast %parallel_loop3A_325 : i32 to index
        %parallel_loop3A_356 = arith.constant 48 : index
        %parallel_loop3A_357 = tpu.vector_load %arg19[%parallel_loop3A_355, %parallel_loop3A_356] {strides = array<i32>} : memref<40x128xf32, #tpu.memory_space<vmem>>, vector<16xf32>,
        tpu.vector_store %arg19[%parallel_loop3A_355, %parallel_loop3A_356], %parallel_loop3A_354 {strides = array<i32>} : memref<40x128xf32, #tpu.memory_space<vmem>>, vector<16xf32>,
        %parallel_loop3A_358 = arith.index_cast %parallel_loop3A_325 : i32 to index
        %parallel_loop3A_359 = arith.constant 64 : index
        %parallel_loop3A_360 = tpu.vector_load %arg19[%parallel_loop3A_358, %parallel_loop3A_359] {strides = array<i32>} : memref<40x128xf32, #tpu.memory_space<vmem>>, vector<16xf32>,
        %parallel_loop3A_361 = arith.mulf %parallel_loop3A_360, %parallel_loop3A_329 : vector<16xf32>
        %parallel_loop3A_362 = arith.index_cast %parallel_loop3A_325 : i32 to index
        %parallel_loop3A_363 = arith.constant 64 : index
        %parallel_loop3A_364 = tpu.vector_load %arg19[%parallel_loop3A_362, %parallel_loop3A_363] {strides = array<i32>} : memref<40x128xf32, #tpu.memory_space<vmem>>, vector<16xf32>,
        tpu.vector_store %arg19[%parallel_loop3A_362, %parallel_loop3A_363], %parallel_loop3A_361 {strides = array<i32>} : memref<40x128xf32, #tpu.memory_space<vmem>>, vector<16xf32>,
        %parallel_loop3A_365 = arith.index_cast %parallel_loop3A_325 : i32 to index
        %parallel_loop3A_366 = arith.constant 80 : index
        %parallel_loop3A_367 = tpu.vector_load %arg19[%parallel_loop3A_365, %parallel_loop3A_366] {strides = array<i32>} : memref<40x128xf32, #tpu.memory_space<vmem>>, vector<16xf32>,
        %parallel_loop3A_368 = arith.mulf %parallel_loop3A_367, %parallel_loop3A_329 : vector<16xf32>
        %parallel_loop3A_369 = arith.index_cast %parallel_loop3A_325 : i32 to index
        %parallel_loop3A_370 = arith.constant 80 : index
        %parallel_loop3A_371 = tpu.vector_load %arg19[%parallel_loop3A_369, %parallel_loop3A_370] {strides = array<i32>} : memref<40x128xf32, #tpu.memory_space<vmem>>, vector<16xf32>,
        tpu.vector_store %arg19[%parallel_loop3A_369, %parallel_loop3A_370], %parallel_loop3A_368 {strides = array<i32>} : memref<40x128xf32, #tpu.memory_space<vmem>>, vector<16xf32>,
        %parallel_loop3A_372 = arith.index_cast %parallel_loop3A_325 : i32 to index
        %parallel_loop3A_373 = arith.constant 96 : index
        %parallel_loop3A_374 = tpu.vector_load %arg19[%parallel_loop3A_372, %parallel_loop3A_373] {strides = array<i32>} : memref<40x128xf32, #tpu.memory_space<vmem>>, vector<16xf32>,
        %parallel_loop3A_375 = arith.mulf %parallel_loop3A_374, %parallel_loop3A_329 : vector<16xf32>
        %parallel_loop3A_376 = arith.index_cast %parallel_loop3A_325 : i32 to index
        %parallel_loop3A_377 = arith.constant 96 : index
        %parallel_loop3A_378 = tpu.vector_load %arg19[%parallel_loop3A_376, %parallel_loop3A_377] {strides = array<i32>} : memref<40x128xf32, #tpu.memory_space<vmem>>, vector<16xf32>,
        tpu.vector_store %arg19[%parallel_loop3A_376, %parallel_loop3A_377], %parallel_loop3A_375 {strides = array<i32>} : memref<40x128xf32, #tpu.memory_space<vmem>>, vector<16xf32>,
        %parallel_loop3A_379 = arith.index_cast %parallel_loop3A_325 : i32 to index
        %parallel_loop3A_380 = arith.constant 112 : index
        %parallel_loop3A_381 = tpu.vector_load %arg19[%parallel_loop3A_379, %parallel_loop3A_380] {strides = array<i32>} : memref<40x128xf32, #tpu.memory_space<vmem>>, vector<16xf32>,
        %parallel_loop3A_382 = arith.mulf %parallel_loop3A_381, %parallel_loop3A_329 : vector<16xf32>
        %parallel_loop3A_383 = arith.index_cast %parallel_loop3A_325 : i32 to index
        %parallel_loop3A_384 = arith.constant 112 : index
        %parallel_loop3A_385 = tpu.vector_load %arg19[%parallel_loop3A_383, %parallel_loop3A_384] {strides = array<i32>} : memref<40x128xf32, #tpu.memory_space<vmem>>, vector<16xf32>,
        tpu.vector_store %arg19[%parallel_loop3A_383, %parallel_loop3A_384], %parallel_loop3A_382 {strides = array<i32>} : memref<40x128xf32, #tpu.memory_space<vmem>>, vector<16xf32>,
      } {sc.loop_unroll_factor = 8 : i64, sc.parallel_access}
      %add3A_239 = arith.addi %mul3A_10, %mul3A_231 : i32
      %dma_wait3A_240 = tpu.memref_slice %arg5[%add3A_239] : memref<320000xi32, #tpu.memory_space<hbm>> -> memref<40xi32, #tpu.memory_space<hbm>>
      %dma_wait3A_241 = tpu.memref_slice %arg5[%add3A_239] : memref<320000xi32, #tpu.memory_space<hbm>> -> memref<40xi32, #tpu.memory_space<hbm>>
      tpu.wait_dma2 semaphore(%arg30 : memref<!tpu.dma_semaphore, #tpu.memory_space<semaphore_mem>>) src(%dma_wait3A_241 : memref<40xi32, #tpu.memory_space<hbm>>) dst(%arg14 : memref<40xi32, #tpu.memory_space<vmem>>)
      %dma_start3A_242 = arith.constant 0 : i32
      %dma_start3A_243 = arith.constant 0 : i32
      %dma_start3A_244 = tpu.memref_slice %arg20[%dma_start3A_242, %dma_start3A_243] : memref<10000x128xf32, #tpu.memory_space<vmem_shared>> -> memref<10000x128xf32, #tpu.memory_space<vmem_shared>>
      tpu.enqueue_indirect_dma source(%arg19 : memref<40x128xf32, #tpu.memory_space<vmem>>) target(%dma_start3A_244 : memref<10000x128xf32, #tpu.memory_space<vmem_shared>>) offsets(%arg14 : memref<40xi32, #tpu.memory_space<vmem>>) semaphore(%arg35 : memref<!tpu.dma_semaphore, #tpu.memory_space<semaphore_mem>>) {add = true}
      %dma_wait3A_245 = arith.constant 0 : i32
      %dma_wait3A_246 = arith.constant 0 : i32
      %dma_wait3A_247 = tpu.memref_slice %arg20[%dma_wait3A_245, %dma_wait3A_246] : memref<10000x128xf32, #tpu.memory_space<vmem_shared>> -> memref<10000x128xf32, #tpu.memory_space<vmem_shared>>
      tpu.wait_indirect_dma semaphore(%arg31 : memref<!tpu.dma_semaphore, #tpu.memory_space<semaphore_mem>>) src(%arg15 : memref<40x128xf32, #tpu.memory_space<vmem>>) dst(%dma_wait3A_247 : memref<10000x128xf32, #tpu.memory_space<vmem_shared>>)
      %add3A_248 = arith.constant 5 : i32
      %add3A_249 = arith.addi %mul3A_159, %add3A_248 : i32
      %add3A_250 = arith.constant 0 : i32
      %add3A_251 = arith.addi %add3A_249, %add3A_250 : i32
      %mul3A_252 = arith.constant 40 : i32
      %mul3A_253 = arith.muli %add3A_251, %mul3A_252 : i32
      %add3A_254 = arith.addi %mul3A_10, %mul3A_253 : i32
      %dma_start3A_255 = tpu.memref_slice %arg5[%add3A_254] : memref<320000xi32, #tpu.memory_space<hbm>> -> memref<40xi32, #tpu.memory_space<hbm>>
      %dma_start3A_256 = tpu.memref_slice %arg5[%add3A_254] : memref<320000xi32, #tpu.memory_space<hbm>> -> memref<40xi32, #tpu.memory_space<hbm>>
      tpu.enqueue_dma source(%dma_start3A_256 : memref<40xi32, #tpu.memory_space<hbm>>) target(%arg10 : memref<40xi32, #tpu.memory_space<vmem>>) target_semaphore(%arg26 : memref<!tpu.dma_semaphore, #tpu.memory_space<semaphore_mem>>)
      %dma_start3A_257 = tpu.memref_slice %arg8[%mul3A_253] : memref<10000xi32, #tpu.memory_space<vmem>> -> memref<40xi32, #tpu.memory_space<vmem>>
      %dma_start3A_258 = arith.constant 0 : i32
      %dma_start3A_259 = arith.constant 0 : i32
      %dma_start3A_260 = tpu.memref_slice %arg2[%dma_start3A_258, %dma_start3A_259] : memref<10000x128xf32, #tpu.memory_space<hbm>> -> memref<10000x128xf32, #tpu.memory_space<hbm>>
      tpu.enqueue_indirect_dma source(%dma_start3A_260 : memref<10000x128xf32, #tpu.memory_space<hbm>>) target(%arg15 : memref<40x128xf32, #tpu.memory_space<vmem>>) offsets(%dma_start3A_257 : memref<40xi32, #tpu.memory_space<vmem>>) semaphore(%arg21 : memref<!tpu.dma_semaphore, #tpu.memory_space<semaphore_mem>>)
      %dma_wait3A_261 = arith.constant 0 : i32
      %dma_wait3A_262 = arith.constant 0 : i32
      %dma_wait3A_263 = tpu.memref_slice %arg20[%dma_wait3A_261, %dma_wait3A_262] : memref<10000x128xf32, #tpu.memory_space<vmem_shared>> -> memref<10000x128xf32, #tpu.memory_space<vmem_shared>>
      tpu.wait_indirect_dma semaphore(%arg32 : memref<!tpu.dma_semaphore, #tpu.memory_space<semaphore_mem>>) src(%arg16 : memref<40x128xf32, #tpu.memory_space<vmem>>) dst(%dma_wait3A_263 : memref<10000x128xf32, #tpu.memory_space<vmem_shared>>)
      %add3A_264 = arith.constant 5 : i32
      %add3A_265 = arith.addi %mul3A_159, %add3A_264 : i32
      %add3A_266 = arith.constant 1 : i32
      %add3A_267 = arith.addi %add3A_265, %add3A_266 : i32
      %mul3A_268 = arith.constant 40 : i32
      %mul3A_269 = arith.muli %add3A_267, %mul3A_268 : i32
      %add3A_270 = arith.addi %mul3A_10, %mul3A_269 : i32
      %dma_start3A_271 = tpu.memref_slice %arg5[%add3A_270] : memref<320000xi32, #tpu.memory_space<hbm>> -> memref<40xi32, #tpu.memory_space<hbm>>
      %dma_start3A_272 = tpu.memref_slice %arg5[%add3A_270] : memref<320000xi32, #tpu.memory_space<hbm>> -> memref<40xi32, #tpu.memory_space<hbm>>
      tpu.enqueue_dma source(%dma_start3A_272 : memref<40xi32, #tpu.memory_space<hbm>>) target(%arg11 : memref<40xi32, #tpu.memory_space<vmem>>) target_semaphore(%arg27 : memref<!tpu.dma_semaphore, #tpu.memory_space<semaphore_mem>>)
      %dma_start3A_273 = tpu.memref_slice %arg8[%mul3A_269] : memref<10000xi32, #tpu.memory_space<vmem>> -> memref<40xi32, #tpu.memory_space<vmem>>
      %dma_start3A_274 = arith.constant 0 : i32
      %dma_start3A_275 = arith.constant 0 : i32
      %dma_start3A_276 = tpu.memref_slice %arg2[%dma_start3A_274, %dma_start3A_275] : memref<10000x128xf32, #tpu.memory_space<hbm>> -> memref<10000x128xf32, #tpu.memory_space<hbm>>
      tpu.enqueue_indirect_dma source(%dma_start3A_276 : memref<10000x128xf32, #tpu.memory_space<hbm>>) target(%arg16 : memref<40x128xf32, #tpu.memory_space<vmem>>) offsets(%dma_start3A_273 : memref<40xi32, #tpu.memory_space<vmem>>) semaphore(%arg22 : memref<!tpu.dma_semaphore, #tpu.memory_space<semaphore_mem>>)
      %dma_wait3A_277 = arith.constant 0 : i32
      %dma_wait3A_278 = arith.constant 0 : i32
      %dma_wait3A_279 = tpu.memref_slice %arg20[%dma_wait3A_277, %dma_wait3A_278] : memref<10000x128xf32, #tpu.memory_space<vmem_shared>> -> memref<10000x128xf32, #tpu.memory_space<vmem_shared>>
      tpu.wait_indirect_dma semaphore(%arg33 : memref<!tpu.dma_semaphore, #tpu.memory_space<semaphore_mem>>) src(%arg17 : memref<40x128xf32, #tpu.memory_space<vmem>>) dst(%dma_wait3A_279 : memref<10000x128xf32, #tpu.memory_space<vmem_shared>>)
      %add3A_280 = arith.constant 5 : i32
      %add3A_281 = arith.addi %mul3A_159, %add3A_280 : i32
      %add3A_282 = arith.constant 2 : i32
      %add3A_283 = arith.addi %add3A_281, %add3A_282 : i32
      %mul3A_284 = arith.constant 40 : i32
      %mul3A_285 = arith.muli %add3A_283, %mul3A_284 : i32
      %add3A_286 = arith.addi %mul3A_10, %mul3A_285 : i32
      %dma_start3A_287 = tpu.memref_slice %arg5[%add3A_286] : memref<320000xi32, #tpu.memory_space<hbm>> -> memref<40xi32, #tpu.memory_space<hbm>>
      %dma_start3A_288 = tpu.memref_slice %arg5[%add3A_286] : memref<320000xi32, #tpu.memory_space<hbm>> -> memref<40xi32, #tpu.memory_space<hbm>>
      tpu.enqueue_dma source(%dma_start3A_288 : memref<40xi32, #tpu.memory_space<hbm>>) target(%arg12 : memref<40xi32, #tpu.memory_space<vmem>>) target_semaphore(%arg28 : memref<!tpu.dma_semaphore, #tpu.memory_space<semaphore_mem>>)
      %dma_start3A_289 = tpu.memref_slice %arg8[%mul3A_285] : memref<10000xi32, #tpu.memory_space<vmem>> -> memref<40xi32, #tpu.memory_space<vmem>>
      %dma_start3A_290 = arith.constant 0 : i32
      %dma_start3A_291 = arith.constant 0 : i32
      %dma_start3A_292 = tpu.memref_slice %arg2[%dma_start3A_290, %dma_start3A_291] : memref<10000x128xf32, #tpu.memory_space<hbm>> -> memref<10000x128xf32, #tpu.memory_space<hbm>>
      tpu.enqueue_indirect_dma source(%dma_start3A_292 : memref<10000x128xf32, #tpu.memory_space<hbm>>) target(%arg17 : memref<40x128xf32, #tpu.memory_space<vmem>>) offsets(%dma_start3A_289 : memref<40xi32, #tpu.memory_space<vmem>>) semaphore(%arg23 : memref<!tpu.dma_semaphore, #tpu.memory_space<semaphore_mem>>)
      %dma_wait3A_293 = arith.constant 0 : i32
      %dma_wait3A_294 = arith.constant 0 : i32
      %dma_wait3A_295 = tpu.memref_slice %arg20[%dma_wait3A_293, %dma_wait3A_294] : memref<10000x128xf32, #tpu.memory_space<vmem_shared>> -> memref<10000x128xf32, #tpu.memory_space<vmem_shared>>
      tpu.wait_indirect_dma semaphore(%arg34 : memref<!tpu.dma_semaphore, #tpu.memory_space<semaphore_mem>>) src(%arg18 : memref<40x128xf32, #tpu.memory_space<vmem>>) dst(%dma_wait3A_295 : memref<10000x128xf32, #tpu.memory_space<vmem_shared>>)
      %add3A_296 = arith.constant 5 : i32
      %add3A_297 = arith.addi %mul3A_159, %add3A_296 : i32
      %add3A_298 = arith.constant 3 : i32
      %add3A_299 = arith.addi %add3A_297, %add3A_298 : i32
      %mul3A_300 = arith.constant 40 : i32
      %mul3A_301 = arith.muli %add3A_299, %mul3A_300 : i32
      %add3A_302 = arith.addi %mul3A_10, %mul3A_301 : i32
      %dma_start3A_303 = tpu.memref_slice %arg5[%add3A_302] : memref<320000xi32, #tpu.memory_space<hbm>> -> memref<40xi32, #tpu.memory_space<hbm>>
      %dma_start3A_304 = tpu.memref_slice %arg5[%add3A_302] : memref<320000xi32, #tpu.memory_space<hbm>> -> memref<40xi32, #tpu.memory_space<hbm>>
      tpu.enqueue_dma source(%dma_start3A_304 : memref<40xi32, #tpu.memory_space<hbm>>) target(%arg13 : memref<40xi32, #tpu.memory_space<vmem>>) target_semaphore(%arg29 : memref<!tpu.dma_semaphore, #tpu.memory_space<semaphore_mem>>)
      %dma_start3A_305 = tpu.memref_slice %arg8[%mul3A_301] : memref<10000xi32, #tpu.memory_space<vmem>> -> memref<40xi32, #tpu.memory_space<vmem>>
      %dma_start3A_306 = arith.constant 0 : i32
      %dma_start3A_307 = arith.constant 0 : i32
      %dma_start3A_308 = tpu.memref_slice %arg2[%dma_start3A_306, %dma_start3A_307] : memref<10000x128xf32, #tpu.memory_space<hbm>> -> memref<10000x128xf32, #tpu.memory_space<hbm>>
      tpu.enqueue_indirect_dma source(%dma_start3A_308 : memref<10000x128xf32, #tpu.memory_space<hbm>>) target(%arg18 : memref<40x128xf32, #tpu.memory_space<vmem>>) offsets(%dma_start3A_305 : memref<40xi32, #tpu.memory_space<vmem>>) semaphore(%arg24 : memref<!tpu.dma_semaphore, #tpu.memory_space<semaphore_mem>>)
      %dma_wait3A_309 = arith.constant 0 : i32
      %dma_wait3A_310 = arith.constant 0 : i32
      %dma_wait3A_311 = tpu.memref_slice %arg20[%dma_wait3A_309, %dma_wait3A_310] : memref<10000x128xf32, #tpu.memory_space<vmem_shared>> -> memref<10000x128xf32, #tpu.memory_space<vmem_shared>>
      tpu.wait_indirect_dma semaphore(%arg35 : memref<!tpu.dma_semaphore, #tpu.memory_space<semaphore_mem>>) src(%arg19 : memref<40x128xf32, #tpu.memory_space<vmem>>) dst(%dma_wait3A_311 : memref<10000x128xf32, #tpu.memory_space<vmem_shared>>)
      %add3A_312 = arith.constant 5 : i32
      %add3A_313 = arith.addi %mul3A_159, %add3A_312 : i32
      %add3A_314 = arith.constant 4 : i32
      %add3A_315 = arith.addi %add3A_313, %add3A_314 : i32
      %mul3A_316 = arith.constant 40 : i32
      %mul3A_317 = arith.muli %add3A_315, %mul3A_316 : i32
      %add3A_318 = arith.addi %mul3A_10, %mul3A_317 : i32
      %dma_start3A_319 = tpu.memref_slice %arg5[%add3A_318] : memref<320000xi32, #tpu.memory_space<hbm>> -> memref<40xi32, #tpu.memory_space<hbm>>
      %dma_start3A_320 = tpu.memref_slice %arg5[%add3A_318] : memref<320000xi32, #tpu.memory_space<hbm>> -> memref<40xi32, #tpu.memory_space<hbm>>
      tpu.enqueue_dma source(%dma_start3A_320 : memref<40xi32, #tpu.memory_space<hbm>>) target(%arg14 : memref<40xi32, #tpu.memory_space<vmem>>) target_semaphore(%arg30 : memref<!tpu.dma_semaphore, #tpu.memory_space<semaphore_mem>>)
      %dma_start3A_321 = tpu.memref_slice %arg8[%mul3A_317] : memref<10000xi32, #tpu.memory_space<vmem>> -> memref<40xi32, #tpu.memory_space<vmem>>
      %dma_start3A_322 = arith.constant 0 : i32
      %dma_start3A_323 = arith.constant 0 : i32
      %dma_start3A_324 = tpu.memref_slice %arg2[%dma_start3A_322, %dma_start3A_323] : memref<10000x128xf32, #tpu.memory_space<hbm>> -> memref<10000x128xf32, #tpu.memory_space<hbm>>
      tpu.enqueue_indirect_dma source(%dma_start3A_324 : memref<10000x128xf32, #tpu.memory_space<hbm>>) target(%arg19 : memref<40x128xf32, #tpu.memory_space<vmem>>) offsets(%dma_start3A_321 : memref<40xi32, #tpu.memory_space<vmem>>) semaphore(%arg25 : memref<!tpu.dma_semaphore, #tpu.memory_space<semaphore_mem>>)
    }
    %scan3A_58 = arith.constant 49 : i32
    %dma_wait3A = arith.constant 9800 : i32
    %dma_wait3A_59 = tpu.memref_slice %arg8[%dma_wait3A] : memref<10000xi32, #tpu.memory_space<vmem>> -> memref<40xi32, #tpu.memory_space<vmem>>
    %dma_wait3A_60 = arith.constant 0 : i32
    %dma_wait3A_61 = arith.constant 0 : i32
    %dma_wait3A_62 = tpu.memref_slice %arg2[%dma_wait3A_60, %dma_wait3A_61] : memref<10000x128xf32, #tpu.memory_space<hbm>> -> memref<10000x128xf32, #tpu.memory_space<hbm>>
    tpu.wait_indirect_dma semaphore(%arg21 : memref<!tpu.dma_semaphore, #tpu.memory_space<semaphore_mem>>) src(%dma_wait3A_62 : memref<10000x128xf32, #tpu.memory_space<hbm>>) dst(%arg15 : memref<40x128xf32, #tpu.memory_space<vmem>>)
    %parallel_loop3A = arith.constant 0 : i32
    %parallel_loop3A_63 = arith.constant 40 : i32
    %parallel_loop3A_64 = arith.constant 1 : i32
    scf.for %parallel_loop3A_153 = %parallel_loop3A to %parallel_loop3A_63 step %parallel_loop3A_64  : i32 {
      %parallel_loop3A_154 = arith.constant 9800 : i32
      %parallel_loop3A_155 = vector.broadcast %parallel_loop3A_154 : i32 to vector<16xi32>
      %parallel_loop3A_156 = vector.broadcast %parallel_loop3A_153 : i32 to vector<16xi32>
      %parallel_loop3A_157 = arith.addi %parallel_loop3A_155, %parallel_loop3A_156 : vector<16xi32>
      %parallel_loop3A_158 = tpu.vector_load_idx %arg9[%parallel_loop3A_157] : memref<10000xf32, #tpu.memory_space<vmem>>[vector<16xi32>], vector<16xf32>,
      %parallel_loop3A_159 = arith.index_cast %parallel_loop3A_153 : i32 to index
      %parallel_loop3A_160 = arith.constant 0 : index
      %parallel_loop3A_161 = tpu.vector_load %arg15[%parallel_loop3A_159, %parallel_loop3A_160] {strides = array<i32>} : memref<40x128xf32, #tpu.memory_space<vmem>>, vector<16xf32>,
      %parallel_loop3A_162 = arith.mulf %parallel_loop3A_161, %parallel_loop3A_158 : vector<16xf32>
      %parallel_loop3A_163 = arith.index_cast %parallel_loop3A_153 : i32 to index
      %parallel_loop3A_164 = arith.constant 0 : index
      %parallel_loop3A_165 = tpu.vector_load %arg15[%parallel_loop3A_163, %parallel_loop3A_164] {strides = array<i32>} : memref<40x128xf32, #tpu.memory_space<vmem>>, vector<16xf32>,
      tpu.vector_store %arg15[%parallel_loop3A_163, %parallel_loop3A_164], %parallel_loop3A_162 {strides = array<i32>} : memref<40x128xf32, #tpu.memory_space<vmem>>, vector<16xf32>,
      %parallel_loop3A_166 = arith.index_cast %parallel_loop3A_153 : i32 to index
      %parallel_loop3A_167 = arith.constant 16 : index
      %parallel_loop3A_168 = tpu.vector_load %arg15[%parallel_loop3A_166, %parallel_loop3A_167] {strides = array<i32>} : memref<40x128xf32, #tpu.memory_space<vmem>>, vector<16xf32>,
      %parallel_loop3A_169 = arith.mulf %parallel_loop3A_168, %parallel_loop3A_158 : vector<16xf32>
      %parallel_loop3A_170 = arith.index_cast %parallel_loop3A_153 : i32 to index
      %parallel_loop3A_171 = arith.constant 16 : index
      %parallel_loop3A_172 = tpu.vector_load %arg15[%parallel_loop3A_170, %parallel_loop3A_171] {strides = array<i32>} : memref<40x128xf32, #tpu.memory_space<vmem>>, vector<16xf32>,
      tpu.vector_store %arg15[%parallel_loop3A_170, %parallel_loop3A_171], %parallel_loop3A_169 {strides = array<i32>} : memref<40x128xf32, #tpu.memory_space<vmem>>, vector<16xf32>,
      %parallel_loop3A_173 = arith.index_cast %parallel_loop3A_153 : i32 to index
      %parallel_loop3A_174 = arith.constant 32 : index
      %parallel_loop3A_175 = tpu.vector_load %arg15[%parallel_loop3A_173, %parallel_loop3A_174] {strides = array<i32>} : memref<40x128xf32, #tpu.memory_space<vmem>>, vector<16xf32>,
      %parallel_loop3A_176 = arith.mulf %parallel_loop3A_175, %parallel_loop3A_158 : vector<16xf32>
      %parallel_loop3A_177 = arith.index_cast %parallel_loop3A_153 : i32 to index
      %parallel_loop3A_178 = arith.constant 32 : index
      %parallel_loop3A_179 = tpu.vector_load %arg15[%parallel_loop3A_177, %parallel_loop3A_178] {strides = array<i32>} : memref<40x128xf32, #tpu.memory_space<vmem>>, vector<16xf32>,
      tpu.vector_store %arg15[%parallel_loop3A_177, %parallel_loop3A_178], %parallel_loop3A_176 {strides = array<i32>} : memref<40x128xf32, #tpu.memory_space<vmem>>, vector<16xf32>,
      %parallel_loop3A_180 = arith.index_cast %parallel_loop3A_153 : i32 to index
      %parallel_loop3A_181 = arith.constant 48 : index
      %parallel_loop3A_182 = tpu.vector_load %arg15[%parallel_loop3A_180, %parallel_loop3A_181] {strides = array<i32>} : memref<40x128xf32, #tpu.memory_space<vmem>>, vector<16xf32>,
      %parallel_loop3A_183 = arith.mulf %parallel_loop3A_182, %parallel_loop3A_158 : vector<16xf32>
      %parallel_loop3A_184 = arith.index_cast %parallel_loop3A_153 : i32 to index
      %parallel_loop3A_185 = arith.constant 48 : index
      %parallel_loop3A_186 = tpu.vector_load %arg15[%parallel_loop3A_184, %parallel_loop3A_185] {strides = array<i32>} : memref<40x128xf32, #tpu.memory_space<vmem>>, vector<16xf32>,
      tpu.vector_store %arg15[%parallel_loop3A_184, %parallel_loop3A_185], %parallel_loop3A_183 {strides = array<i32>} : memref<40x128xf32, #tpu.memory_space<vmem>>, vector<16xf32>,
      %parallel_loop3A_187 = arith.index_cast %parallel_loop3A_153 : i32 to index
      %parallel_loop3A_188 = arith.constant 64 : index
      %parallel_loop3A_189 = tpu.vector_load %arg15[%parallel_loop3A_187, %parallel_loop3A_188] {strides = array<i32>} : memref<40x128xf32, #tpu.memory_space<vmem>>, vector<16xf32>,
      %parallel_loop3A_190 = arith.mulf %parallel_loop3A_189, %parallel_loop3A_158 : vector<16xf32>
      %parallel_loop3A_191 = arith.index_cast %parallel_loop3A_153 : i32 to index
      %parallel_loop3A_192 = arith.constant 64 : index
      %parallel_loop3A_193 = tpu.vector_load %arg15[%parallel_loop3A_191, %parallel_loop3A_192] {strides = array<i32>} : memref<40x128xf32, #tpu.memory_space<vmem>>, vector<16xf32>,
      tpu.vector_store %arg15[%parallel_loop3A_191, %parallel_loop3A_192], %parallel_loop3A_190 {strides = array<i32>} : memref<40x128xf32, #tpu.memory_space<vmem>>, vector<16xf32>,
      %parallel_loop3A_194 = arith.index_cast %parallel_loop3A_153 : i32 to index
      %parallel_loop3A_195 = arith.constant 80 : index
      %parallel_loop3A_196 = tpu.vector_load %arg15[%parallel_loop3A_194, %parallel_loop3A_195] {strides = array<i32>} : memref<40x128xf32, #tpu.memory_space<vmem>>, vector<16xf32>,
      %parallel_loop3A_197 = arith.mulf %parallel_loop3A_196, %parallel_loop3A_158 : vector<16xf32>
      %parallel_loop3A_198 = arith.index_cast %parallel_loop3A_153 : i32 to index
      %parallel_loop3A_199 = arith.constant 80 : index
      %parallel_loop3A_200 = tpu.vector_load %arg15[%parallel_loop3A_198, %parallel_loop3A_199] {strides = array<i32>} : memref<40x128xf32, #tpu.memory_space<vmem>>, vector<16xf32>,
      tpu.vector_store %arg15[%parallel_loop3A_198, %parallel_loop3A_199], %parallel_loop3A_197 {strides = array<i32>} : memref<40x128xf32, #tpu.memory_space<vmem>>, vector<16xf32>,
      %parallel_loop3A_201 = arith.index_cast %parallel_loop3A_153 : i32 to index
      %parallel_loop3A_202 = arith.constant 96 : index
      %parallel_loop3A_203 = tpu.vector_load %arg15[%parallel_loop3A_201, %parallel_loop3A_202] {strides = array<i32>} : memref<40x128xf32, #tpu.memory_space<vmem>>, vector<16xf32>,
      %parallel_loop3A_204 = arith.mulf %parallel_loop3A_203, %parallel_loop3A_158 : vector<16xf32>
      %parallel_loop3A_205 = arith.index_cast %parallel_loop3A_153 : i32 to index
      %parallel_loop3A_206 = arith.constant 96 : index
      %parallel_loop3A_207 = tpu.vector_load %arg15[%parallel_loop3A_205, %parallel_loop3A_206] {strides = array<i32>} : memref<40x128xf32, #tpu.memory_space<vmem>>, vector<16xf32>,
      tpu.vector_store %arg15[%parallel_loop3A_205, %parallel_loop3A_206], %parallel_loop3A_204 {strides = array<i32>} : memref<40x128xf32, #tpu.memory_space<vmem>>, vector<16xf32>,
      %parallel_loop3A_208 = arith.index_cast %parallel_loop3A_153 : i32 to index
      %parallel_loop3A_209 = arith.constant 112 : index
      %parallel_loop3A_210 = tpu.vector_load %arg15[%parallel_loop3A_208, %parallel_loop3A_209] {strides = array<i32>} : memref<40x128xf32, #tpu.memory_space<vmem>>, vector<16xf32>,
      %parallel_loop3A_211 = arith.mulf %parallel_loop3A_210, %parallel_loop3A_158 : vector<16xf32>
      %parallel_loop3A_212 = arith.index_cast %parallel_loop3A_153 : i32 to index
      %parallel_loop3A_213 = arith.constant 112 : index
      %parallel_loop3A_214 = tpu.vector_load %arg15[%parallel_loop3A_212, %parallel_loop3A_213] {strides = array<i32>} : memref<40x128xf32, #tpu.memory_space<vmem>>, vector<16xf32>,
      tpu.vector_store %arg15[%parallel_loop3A_212, %parallel_loop3A_213], %parallel_loop3A_211 {strides = array<i32>} : memref<40x128xf32, #tpu.memory_space<vmem>>, vector<16xf32>,
    } {sc.loop_unroll_factor = 8 : i64, sc.parallel_access}
    %add3A_65 = arith.constant 9800 : i32
    %add3A_66 = arith.addi %mul3A_10, %add3A_65 : i32
    %dma_wait3A_67 = tpu.memref_slice %arg5[%add3A_66] : memref<320000xi32, #tpu.memory_space<hbm>> -> memref<40xi32, #tpu.memory_space<hbm>>
    %dma_wait3A_68 = tpu.memref_slice %arg5[%add3A_66] : memref<320000xi32, #tpu.memory_space<hbm>> -> memref<40xi32, #tpu.memory_space<hbm>>
    tpu.wait_dma2 semaphore(%arg26 : memref<!tpu.dma_semaphore, #tpu.memory_space<semaphore_mem>>) src(%dma_wait3A_68 : memref<40xi32, #tpu.memory_space<hbm>>) dst(%arg10 : memref<40xi32, #tpu.memory_space<vmem>>)
    %dma_start3A_69 = arith.constant 0 : i32
    %dma_start3A_70 = arith.constant 0 : i32
    %dma_start3A_71 = tpu.memref_slice %arg20[%dma_start3A_69, %dma_start3A_70] : memref<10000x128xf32, #tpu.memory_space<vmem_shared>> -> memref<10000x128xf32, #tpu.memory_space<vmem_shared>>
    tpu.enqueue_indirect_dma source(%arg15 : memref<40x128xf32, #tpu.memory_space<vmem>>) target(%dma_start3A_71 : memref<10000x128xf32, #tpu.memory_space<vmem_shared>>) offsets(%arg10 : memref<40xi32, #tpu.memory_space<vmem>>) semaphore(%arg31 : memref<!tpu.dma_semaphore, #tpu.memory_space<semaphore_mem>>) {add = true}
    %dma_wait3A_72 = arith.constant 9840 : i32
    %dma_wait3A_73 = tpu.memref_slice %arg8[%dma_wait3A_72] : memref<10000xi32, #tpu.memory_space<vmem>> -> memref<40xi32, #tpu.memory_space<vmem>>
    %dma_wait3A_74 = arith.constant 0 : i32
    %dma_wait3A_75 = arith.constant 0 : i32
    %dma_wait3A_76 = tpu.memref_slice %arg2[%dma_wait3A_74, %dma_wait3A_75] : memref<10000x128xf32, #tpu.memory_space<hbm>> -> memref<10000x128xf32, #tpu.memory_space<hbm>>
    tpu.wait_indirect_dma semaphore(%arg22 : memref<!tpu.dma_semaphore, #tpu.memory_space<semaphore_mem>>) src(%dma_wait3A_76 : memref<10000x128xf32, #tpu.memory_space<hbm>>) dst(%arg16 : memref<40x128xf32, #tpu.memory_space<vmem>>)
    %parallel_loop3A_77 = arith.constant 0 : i32
    %parallel_loop3A_78 = arith.constant 40 : i32
    %parallel_loop3A_79 = arith.constant 1 : i32
    scf.for %parallel_loop3A_153 = %parallel_loop3A_77 to %parallel_loop3A_78 step %parallel_loop3A_79  : i32 {
      %parallel_loop3A_154 = arith.constant 9840 : i32
      %parallel_loop3A_155 = vector.broadcast %parallel_loop3A_154 : i32 to vector<16xi32>
      %parallel_loop3A_156 = vector.broadcast %parallel_loop3A_153 : i32 to vector<16xi32>
      %parallel_loop3A_157 = arith.addi %parallel_loop3A_155, %parallel_loop3A_156 : vector<16xi32>
      %parallel_loop3A_158 = tpu.vector_load_idx %arg9[%parallel_loop3A_157] : memref<10000xf32, #tpu.memory_space<vmem>>[vector<16xi32>], vector<16xf32>,
      %parallel_loop3A_159 = arith.index_cast %parallel_loop3A_153 : i32 to index
      %parallel_loop3A_160 = arith.constant 0 : index
      %parallel_loop3A_161 = tpu.vector_load %arg16[%parallel_loop3A_159, %parallel_loop3A_160] {strides = array<i32>} : memref<40x128xf32, #tpu.memory_space<vmem>>, vector<16xf32>,
      %parallel_loop3A_162 = arith.mulf %parallel_loop3A_161, %parallel_loop3A_158 : vector<16xf32>
      %parallel_loop3A_163 = arith.index_cast %parallel_loop3A_153 : i32 to index
      %parallel_loop3A_164 = arith.constant 0 : index
      %parallel_loop3A_165 = tpu.vector_load %arg16[%parallel_loop3A_163, %parallel_loop3A_164] {strides = array<i32>} : memref<40x128xf32, #tpu.memory_space<vmem>>, vector<16xf32>,
      tpu.vector_store %arg16[%parallel_loop3A_163, %parallel_loop3A_164], %parallel_loop3A_162 {strides = array<i32>} : memref<40x128xf32, #tpu.memory_space<vmem>>, vector<16xf32>,
      %parallel_loop3A_166 = arith.index_cast %parallel_loop3A_153 : i32 to index
      %parallel_loop3A_167 = arith.constant 16 : index
      %parallel_loop3A_168 = tpu.vector_load %arg16[%parallel_loop3A_166, %parallel_loop3A_167] {strides = array<i32>} : memref<40x128xf32, #tpu.memory_space<vmem>>, vector<16xf32>,
      %parallel_loop3A_169 = arith.mulf %parallel_loop3A_168, %parallel_loop3A_158 : vector<16xf32>
      %parallel_loop3A_170 = arith.index_cast %parallel_loop3A_153 : i32 to index
      %parallel_loop3A_171 = arith.constant 16 : index
      %parallel_loop3A_172 = tpu.vector_load %arg16[%parallel_loop3A_170, %parallel_loop3A_171] {strides = array<i32>} : memref<40x128xf32, #tpu.memory_space<vmem>>, vector<16xf32>,
      tpu.vector_store %arg16[%parallel_loop3A_170, %parallel_loop3A_171], %parallel_loop3A_169 {strides = array<i32>} : memref<40x128xf32, #tpu.memory_space<vmem>>, vector<16xf32>,
      %parallel_loop3A_173 = arith.index_cast %parallel_loop3A_153 : i32 to index
      %parallel_loop3A_174 = arith.constant 32 : index
      %parallel_loop3A_175 = tpu.vector_load %arg16[%parallel_loop3A_173, %parallel_loop3A_174] {strides = array<i32>} : memref<40x128xf32, #tpu.memory_space<vmem>>, vector<16xf32>,
      %parallel_loop3A_176 = arith.mulf %parallel_loop3A_175, %parallel_loop3A_158 : vector<16xf32>
      %parallel_loop3A_177 = arith.index_cast %parallel_loop3A_153 : i32 to index
      %parallel_loop3A_178 = arith.constant 32 : index
      %parallel_loop3A_179 = tpu.vector_load %arg16[%parallel_loop3A_177, %parallel_loop3A_178] {strides = array<i32>} : memref<40x128xf32, #tpu.memory_space<vmem>>, vector<16xf32>,
      tpu.vector_store %arg16[%parallel_loop3A_177, %parallel_loop3A_178], %parallel_loop3A_176 {strides = array<i32>} : memref<40x128xf32, #tpu.memory_space<vmem>>, vector<16xf32>,
      %parallel_loop3A_180 = arith.index_cast %parallel_loop3A_153 : i32 to index
      %parallel_loop3A_181 = arith.constant 48 : index
      %parallel_loop3A_182 = tpu.vector_load %arg16[%parallel_loop3A_180, %parallel_loop3A_181] {strides = array<i32>} : memref<40x128xf32, #tpu.memory_space<vmem>>, vector<16xf32>,
      %parallel_loop3A_183 = arith.mulf %parallel_loop3A_182, %parallel_loop3A_158 : vector<16xf32>
      %parallel_loop3A_184 = arith.index_cast %parallel_loop3A_153 : i32 to index
      %parallel_loop3A_185 = arith.constant 48 : index
      %parallel_loop3A_186 = tpu.vector_load %arg16[%parallel_loop3A_184, %parallel_loop3A_185] {strides = array<i32>} : memref<40x128xf32, #tpu.memory_space<vmem>>, vector<16xf32>,
      tpu.vector_store %arg16[%parallel_loop3A_184, %parallel_loop3A_185], %parallel_loop3A_183 {strides = array<i32>} : memref<40x128xf32, #tpu.memory_space<vmem>>, vector<16xf32>,
      %parallel_loop3A_187 = arith.index_cast %parallel_loop3A_153 : i32 to index
      %parallel_loop3A_188 = arith.constant 64 : index
      %parallel_loop3A_189 = tpu.vector_load %arg16[%parallel_loop3A_187, %parallel_loop3A_188] {strides = array<i32>} : memref<40x128xf32, #tpu.memory_space<vmem>>, vector<16xf32>,
      %parallel_loop3A_190 = arith.mulf %parallel_loop3A_189, %parallel_loop3A_158 : vector<16xf32>
      %parallel_loop3A_191 = arith.index_cast %parallel_loop3A_153 : i32 to index
      %parallel_loop3A_192 = arith.constant 64 : index
      %parallel_loop3A_193 = tpu.vector_load %arg16[%parallel_loop3A_191, %parallel_loop3A_192] {strides = array<i32>} : memref<40x128xf32, #tpu.memory_space<vmem>>, vector<16xf32>,
      tpu.vector_store %arg16[%parallel_loop3A_191, %parallel_loop3A_192], %parallel_loop3A_190 {strides = array<i32>} : memref<40x128xf32, #tpu.memory_space<vmem>>, vector<16xf32>,
      %parallel_loop3A_194 = arith.index_cast %parallel_loop3A_153 : i32 to index
      %parallel_loop3A_195 = arith.constant 80 : index
      %parallel_loop3A_196 = tpu.vector_load %arg16[%parallel_loop3A_194, %parallel_loop3A_195] {strides = array<i32>} : memref<40x128xf32, #tpu.memory_space<vmem>>, vector<16xf32>,
      %parallel_loop3A_197 = arith.mulf %parallel_loop3A_196, %parallel_loop3A_158 : vector<16xf32>
      %parallel_loop3A_198 = arith.index_cast %parallel_loop3A_153 : i32 to index
      %parallel_loop3A_199 = arith.constant 80 : index
      %parallel_loop3A_200 = tpu.vector_load %arg16[%parallel_loop3A_198, %parallel_loop3A_199] {strides = array<i32>} : memref<40x128xf32, #tpu.memory_space<vmem>>, vector<16xf32>,
      tpu.vector_store %arg16[%parallel_loop3A_198, %parallel_loop3A_199], %parallel_loop3A_197 {strides = array<i32>} : memref<40x128xf32, #tpu.memory_space<vmem>>, vector<16xf32>,
      %parallel_loop3A_201 = arith.index_cast %parallel_loop3A_153 : i32 to index
      %parallel_loop3A_202 = arith.constant 96 : index
      %parallel_loop3A_203 = tpu.vector_load %arg16[%parallel_loop3A_201, %parallel_loop3A_202] {strides = array<i32>} : memref<40x128xf32, #tpu.memory_space<vmem>>, vector<16xf32>,
      %parallel_loop3A_204 = arith.mulf %parallel_loop3A_203, %parallel_loop3A_158 : vector<16xf32>
      %parallel_loop3A_205 = arith.index_cast %parallel_loop3A_153 : i32 to index
      %parallel_loop3A_206 = arith.constant 96 : index
      %parallel_loop3A_207 = tpu.vector_load %arg16[%parallel_loop3A_205, %parallel_loop3A_206] {strides = array<i32>} : memref<40x128xf32, #tpu.memory_space<vmem>>, vector<16xf32>,
      tpu.vector_store %arg16[%parallel_loop3A_205, %parallel_loop3A_206], %parallel_loop3A_204 {strides = array<i32>} : memref<40x128xf32, #tpu.memory_space<vmem>>, vector<16xf32>,
      %parallel_loop3A_208 = arith.index_cast %parallel_loop3A_153 : i32 to index
      %parallel_loop3A_209 = arith.constant 112 : index
      %parallel_loop3A_210 = tpu.vector_load %arg16[%parallel_loop3A_208, %parallel_loop3A_209] {strides = array<i32>} : memref<40x128xf32, #tpu.memory_space<vmem>>, vector<16xf32>,
      %parallel_loop3A_211 = arith.mulf %parallel_loop3A_210, %parallel_loop3A_158 : vector<16xf32>
      %parallel_loop3A_212 = arith.index_cast %parallel_loop3A_153 : i32 to index
      %parallel_loop3A_213 = arith.constant 112 : index
      %parallel_loop3A_214 = tpu.vector_load %arg16[%parallel_loop3A_212, %parallel_loop3A_213] {strides = array<i32>} : memref<40x128xf32, #tpu.memory_space<vmem>>, vector<16xf32>,
      tpu.vector_store %arg16[%parallel_loop3A_212, %parallel_loop3A_213], %parallel_loop3A_211 {strides = array<i32>} : memref<40x128xf32, #tpu.memory_space<vmem>>, vector<16xf32>,
    } {sc.loop_unroll_factor = 8 : i64, sc.parallel_access}
    %add3A_80 = arith.constant 9840 : i32
    %add3A_81 = arith.addi %mul3A_10, %add3A_80 : i32
    %dma_wait3A_82 = tpu.memref_slice %arg5[%add3A_81] : memref<320000xi32, #tpu.memory_space<hbm>> -> memref<40xi32, #tpu.memory_space<hbm>>
    %dma_wait3A_83 = tpu.memref_slice %arg5[%add3A_81] : memref<320000xi32, #tpu.memory_space<hbm>> -> memref<40xi32, #tpu.memory_space<hbm>>
    tpu.wait_dma2 semaphore(%arg27 : memref<!tpu.dma_semaphore, #tpu.memory_space<semaphore_mem>>) src(%dma_wait3A_83 : memref<40xi32, #tpu.memory_space<hbm>>) dst(%arg11 : memref<40xi32, #tpu.memory_space<vmem>>)
    %dma_start3A_84 = arith.constant 0 : i32
    %dma_start3A_85 = arith.constant 0 : i32
    %dma_start3A_86 = tpu.memref_slice %arg20[%dma_start3A_84, %dma_start3A_85] : memref<10000x128xf32, #tpu.memory_space<vmem_shared>> -> memref<10000x128xf32, #tpu.memory_space<vmem_shared>>
    tpu.enqueue_indirect_dma source(%arg16 : memref<40x128xf32, #tpu.memory_space<vmem>>) target(%dma_start3A_86 : memref<10000x128xf32, #tpu.memory_space<vmem_shared>>) offsets(%arg11 : memref<40xi32, #tpu.memory_space<vmem>>) semaphore(%arg32 : memref<!tpu.dma_semaphore, #tpu.memory_space<semaphore_mem>>) {add = true}
    %dma_wait3A_87 = arith.constant 9880 : i32
    %dma_wait3A_88 = tpu.memref_slice %arg8[%dma_wait3A_87] : memref<10000xi32, #tpu.memory_space<vmem>> -> memref<40xi32, #tpu.memory_space<vmem>>
    %dma_wait3A_89 = arith.constant 0 : i32
    %dma_wait3A_90 = arith.constant 0 : i32
    %dma_wait3A_91 = tpu.memref_slice %arg2[%dma_wait3A_89, %dma_wait3A_90] : memref<10000x128xf32, #tpu.memory_space<hbm>> -> memref<10000x128xf32, #tpu.memory_space<hbm>>
    tpu.wait_indirect_dma semaphore(%arg23 : memref<!tpu.dma_semaphore, #tpu.memory_space<semaphore_mem>>) src(%dma_wait3A_91 : memref<10000x128xf32, #tpu.memory_space<hbm>>) dst(%arg17 : memref<40x128xf32, #tpu.memory_space<vmem>>)
    %parallel_loop3A_92 = arith.constant 0 : i32
    %parallel_loop3A_93 = arith.constant 40 : i32
    %parallel_loop3A_94 = arith.constant 1 : i32
    scf.for %parallel_loop3A_153 = %parallel_loop3A_92 to %parallel_loop3A_93 step %parallel_loop3A_94  : i32 {
      %parallel_loop3A_154 = arith.constant 9880 : i32
      %parallel_loop3A_155 = vector.broadcast %parallel_loop3A_154 : i32 to vector<16xi32>
      %parallel_loop3A_156 = vector.broadcast %parallel_loop3A_153 : i32 to vector<16xi32>
      %parallel_loop3A_157 = arith.addi %parallel_loop3A_155, %parallel_loop3A_156 : vector<16xi32>
      %parallel_loop3A_158 = tpu.vector_load_idx %arg9[%parallel_loop3A_157] : memref<10000xf32, #tpu.memory_space<vmem>>[vector<16xi32>], vector<16xf32>,
      %parallel_loop3A_159 = arith.index_cast %parallel_loop3A_153 : i32 to index
      %parallel_loop3A_160 = arith.constant 0 : index
      %parallel_loop3A_161 = tpu.vector_load %arg17[%parallel_loop3A_159, %parallel_loop3A_160] {strides = array<i32>} : memref<40x128xf32, #tpu.memory_space<vmem>>, vector<16xf32>,
      %parallel_loop3A_162 = arith.mulf %parallel_loop3A_161, %parallel_loop3A_158 : vector<16xf32>
      %parallel_loop3A_163 = arith.index_cast %parallel_loop3A_153 : i32 to index
      %parallel_loop3A_164 = arith.constant 0 : index
      %parallel_loop3A_165 = tpu.vector_load %arg17[%parallel_loop3A_163, %parallel_loop3A_164] {strides = array<i32>} : memref<40x128xf32, #tpu.memory_space<vmem>>, vector<16xf32>,
      tpu.vector_store %arg17[%parallel_loop3A_163, %parallel_loop3A_164], %parallel_loop3A_162 {strides = array<i32>} : memref<40x128xf32, #tpu.memory_space<vmem>>, vector<16xf32>,
      %parallel_loop3A_166 = arith.index_cast %parallel_loop3A_153 : i32 to index
      %parallel_loop3A_167 = arith.constant 16 : index
      %parallel_loop3A_168 = tpu.vector_load %arg17[%parallel_loop3A_166, %parallel_loop3A_167] {strides = array<i32>} : memref<40x128xf32, #tpu.memory_space<vmem>>, vector<16xf32>,
      %parallel_loop3A_169 = arith.mulf %parallel_loop3A_168, %parallel_loop3A_158 : vector<16xf32>
      %parallel_loop3A_170 = arith.index_cast %parallel_loop3A_153 : i32 to index
      %parallel_loop3A_171 = arith.constant 16 : index
      %parallel_loop3A_172 = tpu.vector_load %arg17[%parallel_loop3A_170, %parallel_loop3A_171] {strides = array<i32>} : memref<40x128xf32, #tpu.memory_space<vmem>>, vector<16xf32>,
      tpu.vector_store %arg17[%parallel_loop3A_170, %parallel_loop3A_171], %parallel_loop3A_169 {strides = array<i32>} : memref<40x128xf32, #tpu.memory_space<vmem>>, vector<16xf32>,
      %parallel_loop3A_173 = arith.index_cast %parallel_loop3A_153 : i32 to index
      %parallel_loop3A_174 = arith.constant 32 : index
      %parallel_loop3A_175 = tpu.vector_load %arg17[%parallel_loop3A_173, %parallel_loop3A_174] {strides = array<i32>} : memref<40x128xf32, #tpu.memory_space<vmem>>, vector<16xf32>,
      %parallel_loop3A_176 = arith.mulf %parallel_loop3A_175, %parallel_loop3A_158 : vector<16xf32>
      %parallel_loop3A_177 = arith.index_cast %parallel_loop3A_153 : i32 to index
      %parallel_loop3A_178 = arith.constant 32 : index
      %parallel_loop3A_179 = tpu.vector_load %arg17[%parallel_loop3A_177, %parallel_loop3A_178] {strides = array<i32>} : memref<40x128xf32, #tpu.memory_space<vmem>>, vector<16xf32>,
      tpu.vector_store %arg17[%parallel_loop3A_177, %parallel_loop3A_178], %parallel_loop3A_176 {strides = array<i32>} : memref<40x128xf32, #tpu.memory_space<vmem>>, vector<16xf32>,
      %parallel_loop3A_180 = arith.index_cast %parallel_loop3A_153 : i32 to index
      %parallel_loop3A_181 = arith.constant 48 : index
      %parallel_loop3A_182 = tpu.vector_load %arg17[%parallel_loop3A_180, %parallel_loop3A_181] {strides = array<i32>} : memref<40x128xf32, #tpu.memory_space<vmem>>, vector<16xf32>,
      %parallel_loop3A_183 = arith.mulf %parallel_loop3A_182, %parallel_loop3A_158 : vector<16xf32>
      %parallel_loop3A_184 = arith.index_cast %parallel_loop3A_153 : i32 to index
      %parallel_loop3A_185 = arith.constant 48 : index
      %parallel_loop3A_186 = tpu.vector_load %arg17[%parallel_loop3A_184, %parallel_loop3A_185] {strides = array<i32>} : memref<40x128xf32, #tpu.memory_space<vmem>>, vector<16xf32>,
      tpu.vector_store %arg17[%parallel_loop3A_184, %parallel_loop3A_185], %parallel_loop3A_183 {strides = array<i32>} : memref<40x128xf32, #tpu.memory_space<vmem>>, vector<16xf32>,
      %parallel_loop3A_187 = arith.index_cast %parallel_loop3A_153 : i32 to index
      %parallel_loop3A_188 = arith.constant 64 : index
      %parallel_loop3A_189 = tpu.vector_load %arg17[%parallel_loop3A_187, %parallel_loop3A_188] {strides = array<i32>} : memref<40x128xf32, #tpu.memory_space<vmem>>, vector<16xf32>,
      %parallel_loop3A_190 = arith.mulf %parallel_loop3A_189, %parallel_loop3A_158 : vector<16xf32>
      %parallel_loop3A_191 = arith.index_cast %parallel_loop3A_153 : i32 to index
      %parallel_loop3A_192 = arith.constant 64 : index
      %parallel_loop3A_193 = tpu.vector_load %arg17[%parallel_loop3A_191, %parallel_loop3A_192] {strides = array<i32>} : memref<40x128xf32, #tpu.memory_space<vmem>>, vector<16xf32>,
      tpu.vector_store %arg17[%parallel_loop3A_191, %parallel_loop3A_192], %parallel_loop3A_190 {strides = array<i32>} : memref<40x128xf32, #tpu.memory_space<vmem>>, vector<16xf32>,
      %parallel_loop3A_194 = arith.index_cast %parallel_loop3A_153 : i32 to index
      %parallel_loop3A_195 = arith.constant 80 : index
      %parallel_loop3A_196 = tpu.vector_load %arg17[%parallel_loop3A_194, %parallel_loop3A_195] {strides = array<i32>} : memref<40x128xf32, #tpu.memory_space<vmem>>, vector<16xf32>,
      %parallel_loop3A_197 = arith.mulf %parallel_loop3A_196, %parallel_loop3A_158 : vector<16xf32>
      %parallel_loop3A_198 = arith.index_cast %parallel_loop3A_153 : i32 to index
      %parallel_loop3A_199 = arith.constant 80 : index
      %parallel_loop3A_200 = tpu.vector_load %arg17[%parallel_loop3A_198, %parallel_loop3A_199] {strides = array<i32>} : memref<40x128xf32, #tpu.memory_space<vmem>>, vector<16xf32>,
      tpu.vector_store %arg17[%parallel_loop3A_198, %parallel_loop3A_199], %parallel_loop3A_197 {strides = array<i32>} : memref<40x128xf32, #tpu.memory_space<vmem>>, vector<16xf32>,
      %parallel_loop3A_201 = arith.index_cast %parallel_loop3A_153 : i32 to index
      %parallel_loop3A_202 = arith.constant 96 : index
      %parallel_loop3A_203 = tpu.vector_load %arg17[%parallel_loop3A_201, %parallel_loop3A_202] {strides = array<i32>} : memref<40x128xf32, #tpu.memory_space<vmem>>, vector<16xf32>,
      %parallel_loop3A_204 = arith.mulf %parallel_loop3A_203, %parallel_loop3A_158 : vector<16xf32>
      %parallel_loop3A_205 = arith.index_cast %parallel_loop3A_153 : i32 to index
      %parallel_loop3A_206 = arith.constant 96 : index
      %parallel_loop3A_207 = tpu.vector_load %arg17[%parallel_loop3A_205, %parallel_loop3A_206] {strides = array<i32>} : memref<40x128xf32, #tpu.memory_space<vmem>>, vector<16xf32>,
      tpu.vector_store %arg17[%parallel_loop3A_205, %parallel_loop3A_206], %parallel_loop3A_204 {strides = array<i32>} : memref<40x128xf32, #tpu.memory_space<vmem>>, vector<16xf32>,
      %parallel_loop3A_208 = arith.index_cast %parallel_loop3A_153 : i32 to index
      %parallel_loop3A_209 = arith.constant 112 : index
      %parallel_loop3A_210 = tpu.vector_load %arg17[%parallel_loop3A_208, %parallel_loop3A_209] {strides = array<i32>} : memref<40x128xf32, #tpu.memory_space<vmem>>, vector<16xf32>,
      %parallel_loop3A_211 = arith.mulf %parallel_loop3A_210, %parallel_loop3A_158 : vector<16xf32>
      %parallel_loop3A_212 = arith.index_cast %parallel_loop3A_153 : i32 to index
      %parallel_loop3A_213 = arith.constant 112 : index
      %parallel_loop3A_214 = tpu.vector_load %arg17[%parallel_loop3A_212, %parallel_loop3A_213] {strides = array<i32>} : memref<40x128xf32, #tpu.memory_space<vmem>>, vector<16xf32>,
      tpu.vector_store %arg17[%parallel_loop3A_212, %parallel_loop3A_213], %parallel_loop3A_211 {strides = array<i32>} : memref<40x128xf32, #tpu.memory_space<vmem>>, vector<16xf32>,
    } {sc.loop_unroll_factor = 8 : i64, sc.parallel_access}
    %add3A_95 = arith.constant 9880 : i32
    %add3A_96 = arith.addi %mul3A_10, %add3A_95 : i32
    %dma_wait3A_97 = tpu.memref_slice %arg5[%add3A_96] : memref<320000xi32, #tpu.memory_space<hbm>> -> memref<40xi32, #tpu.memory_space<hbm>>
    %dma_wait3A_98 = tpu.memref_slice %arg5[%add3A_96] : memref<320000xi32, #tpu.memory_space<hbm>> -> memref<40xi32, #tpu.memory_space<hbm>>
    tpu.wait_dma2 semaphore(%arg28 : memref<!tpu.dma_semaphore, #tpu.memory_space<semaphore_mem>>) src(%dma_wait3A_98 : memref<40xi32, #tpu.memory_space<hbm>>) dst(%arg12 : memref<40xi32, #tpu.memory_space<vmem>>)
    %dma_start3A_99 = arith.constant 0 : i32
    %dma_start3A_100 = arith.constant 0 : i32
    %dma_start3A_101 = tpu.memref_slice %arg20[%dma_start3A_99, %dma_start3A_100] : memref<10000x128xf32, #tpu.memory_space<vmem_shared>> -> memref<10000x128xf32, #tpu.memory_space<vmem_shared>>
    tpu.enqueue_indirect_dma source(%arg17 : memref<40x128xf32, #tpu.memory_space<vmem>>) target(%dma_start3A_101 : memref<10000x128xf32, #tpu.memory_space<vmem_shared>>) offsets(%arg12 : memref<40xi32, #tpu.memory_space<vmem>>) semaphore(%arg33 : memref<!tpu.dma_semaphore, #tpu.memory_space<semaphore_mem>>) {add = true}
    %dma_wait3A_102 = arith.constant 9920 : i32
    %dma_wait3A_103 = tpu.memref_slice %arg8[%dma_wait3A_102] : memref<10000xi32, #tpu.memory_space<vmem>> -> memref<40xi32, #tpu.memory_space<vmem>>
    %dma_wait3A_104 = arith.constant 0 : i32
    %dma_wait3A_105 = arith.constant 0 : i32
    %dma_wait3A_106 = tpu.memref_slice %arg2[%dma_wait3A_104, %dma_wait3A_105] : memref<10000x128xf32, #tpu.memory_space<hbm>> -> memref<10000x128xf32, #tpu.memory_space<hbm>>
    tpu.wait_indirect_dma semaphore(%arg24 : memref<!tpu.dma_semaphore, #tpu.memory_space<semaphore_mem>>) src(%dma_wait3A_106 : memref<10000x128xf32, #tpu.memory_space<hbm>>) dst(%arg18 : memref<40x128xf32, #tpu.memory_space<vmem>>)
    %parallel_loop3A_107 = arith.constant 0 : i32
    %parallel_loop3A_108 = arith.constant 40 : i32
    %parallel_loop3A_109 = arith.constant 1 : i32
    scf.for %parallel_loop3A_153 = %parallel_loop3A_107 to %parallel_loop3A_108 step %parallel_loop3A_109  : i32 {
      %parallel_loop3A_154 = arith.constant 9920 : i32
      %parallel_loop3A_155 = vector.broadcast %parallel_loop3A_154 : i32 to vector<16xi32>
      %parallel_loop3A_156 = vector.broadcast %parallel_loop3A_153 : i32 to vector<16xi32>
      %parallel_loop3A_157 = arith.addi %parallel_loop3A_155, %parallel_loop3A_156 : vector<16xi32>
      %parallel_loop3A_158 = tpu.vector_load_idx %arg9[%parallel_loop3A_157] : memref<10000xf32, #tpu.memory_space<vmem>>[vector<16xi32>], vector<16xf32>,
      %parallel_loop3A_159 = arith.index_cast %parallel_loop3A_153 : i32 to index
      %parallel_loop3A_160 = arith.constant 0 : index
      %parallel_loop3A_161 = tpu.vector_load %arg18[%parallel_loop3A_159, %parallel_loop3A_160] {strides = array<i32>} : memref<40x128xf32, #tpu.memory_space<vmem>>, vector<16xf32>,
      %parallel_loop3A_162 = arith.mulf %parallel_loop3A_161, %parallel_loop3A_158 : vector<16xf32>
      %parallel_loop3A_163 = arith.index_cast %parallel_loop3A_153 : i32 to index
      %parallel_loop3A_164 = arith.constant 0 : index
      %parallel_loop3A_165 = tpu.vector_load %arg18[%parallel_loop3A_163, %parallel_loop3A_164] {strides = array<i32>} : memref<40x128xf32, #tpu.memory_space<vmem>>, vector<16xf32>,
      tpu.vector_store %arg18[%parallel_loop3A_163, %parallel_loop3A_164], %parallel_loop3A_162 {strides = array<i32>} : memref<40x128xf32, #tpu.memory_space<vmem>>, vector<16xf32>,
      %parallel_loop3A_166 = arith.index_cast %parallel_loop3A_153 : i32 to index
      %parallel_loop3A_167 = arith.constant 16 : index
      %parallel_loop3A_168 = tpu.vector_load %arg18[%parallel_loop3A_166, %parallel_loop3A_167] {strides = array<i32>} : memref<40x128xf32, #tpu.memory_space<vmem>>, vector<16xf32>,
      %parallel_loop3A_169 = arith.mulf %parallel_loop3A_168, %parallel_loop3A_158 : vector<16xf32>
      %parallel_loop3A_170 = arith.index_cast %parallel_loop3A_153 : i32 to index
      %parallel_loop3A_171 = arith.constant 16 : index
      %parallel_loop3A_172 = tpu.vector_load %arg18[%parallel_loop3A_170, %parallel_loop3A_171] {strides = array<i32>} : memref<40x128xf32, #tpu.memory_space<vmem>>, vector<16xf32>,
      tpu.vector_store %arg18[%parallel_loop3A_170, %parallel_loop3A_171], %parallel_loop3A_169 {strides = array<i32>} : memref<40x128xf32, #tpu.memory_space<vmem>>, vector<16xf32>,
      %parallel_loop3A_173 = arith.index_cast %parallel_loop3A_153 : i32 to index
      %parallel_loop3A_174 = arith.constant 32 : index
      %parallel_loop3A_175 = tpu.vector_load %arg18[%parallel_loop3A_173, %parallel_loop3A_174] {strides = array<i32>} : memref<40x128xf32, #tpu.memory_space<vmem>>, vector<16xf32>,
      %parallel_loop3A_176 = arith.mulf %parallel_loop3A_175, %parallel_loop3A_158 : vector<16xf32>
      %parallel_loop3A_177 = arith.index_cast %parallel_loop3A_153 : i32 to index
      %parallel_loop3A_178 = arith.constant 32 : index
      %parallel_loop3A_179 = tpu.vector_load %arg18[%parallel_loop3A_177, %parallel_loop3A_178] {strides = array<i32>} : memref<40x128xf32, #tpu.memory_space<vmem>>, vector<16xf32>,
      tpu.vector_store %arg18[%parallel_loop3A_177, %parallel_loop3A_178], %parallel_loop3A_176 {strides = array<i32>} : memref<40x128xf32, #tpu.memory_space<vmem>>, vector<16xf32>,
      %parallel_loop3A_180 = arith.index_cast %parallel_loop3A_153 : i32 to index
      %parallel_loop3A_181 = arith.constant 48 : index
      %parallel_loop3A_182 = tpu.vector_load %arg18[%parallel_loop3A_180, %parallel_loop3A_181] {strides = array<i32>} : memref<40x128xf32, #tpu.memory_space<vmem>>, vector<16xf32>,
      %parallel_loop3A_183 = arith.mulf %parallel_loop3A_182, %parallel_loop3A_158 : vector<16xf32>
      %parallel_loop3A_184 = arith.index_cast %parallel_loop3A_153 : i32 to index
      %parallel_loop3A_185 = arith.constant 48 : index
      %parallel_loop3A_186 = tpu.vector_load %arg18[%parallel_loop3A_184, %parallel_loop3A_185] {strides = array<i32>} : memref<40x128xf32, #tpu.memory_space<vmem>>, vector<16xf32>,
      tpu.vector_store %arg18[%parallel_loop3A_184, %parallel_loop3A_185], %parallel_loop3A_183 {strides = array<i32>} : memref<40x128xf32, #tpu.memory_space<vmem>>, vector<16xf32>,
      %parallel_loop3A_187 = arith.index_cast %parallel_loop3A_153 : i32 to index
      %parallel_loop3A_188 = arith.constant 64 : index
      %parallel_loop3A_189 = tpu.vector_load %arg18[%parallel_loop3A_187, %parallel_loop3A_188] {strides = array<i32>} : memref<40x128xf32, #tpu.memory_space<vmem>>, vector<16xf32>,
      %parallel_loop3A_190 = arith.mulf %parallel_loop3A_189, %parallel_loop3A_158 : vector<16xf32>
      %parallel_loop3A_191 = arith.index_cast %parallel_loop3A_153 : i32 to index
      %parallel_loop3A_192 = arith.constant 64 : index
      %parallel_loop3A_193 = tpu.vector_load %arg18[%parallel_loop3A_191, %parallel_loop3A_192] {strides = array<i32>} : memref<40x128xf32, #tpu.memory_space<vmem>>, vector<16xf32>,
      tpu.vector_store %arg18[%parallel_loop3A_191, %parallel_loop3A_192], %parallel_loop3A_190 {strides = array<i32>} : memref<40x128xf32, #tpu.memory_space<vmem>>, vector<16xf32>,
      %parallel_loop3A_194 = arith.index_cast %parallel_loop3A_153 : i32 to index
      %parallel_loop3A_195 = arith.constant 80 : index
      %parallel_loop3A_196 = tpu.vector_load %arg18[%parallel_loop3A_194, %parallel_loop3A_195] {strides = array<i32>} : memref<40x128xf32, #tpu.memory_space<vmem>>, vector<16xf32>,
      %parallel_loop3A_197 = arith.mulf %parallel_loop3A_196, %parallel_loop3A_158 : vector<16xf32>
      %parallel_loop3A_198 = arith.index_cast %parallel_loop3A_153 : i32 to index
      %parallel_loop3A_199 = arith.constant 80 : index
      %parallel_loop3A_200 = tpu.vector_load %arg18[%parallel_loop3A_198, %parallel_loop3A_199] {strides = array<i32>} : memref<40x128xf32, #tpu.memory_space<vmem>>, vector<16xf32>,
      tpu.vector_store %arg18[%parallel_loop3A_198, %parallel_loop3A_199], %parallel_loop3A_197 {strides = array<i32>} : memref<40x128xf32, #tpu.memory_space<vmem>>, vector<16xf32>,
      %parallel_loop3A_201 = arith.index_cast %parallel_loop3A_153 : i32 to index
      %parallel_loop3A_202 = arith.constant 96 : index
      %parallel_loop3A_203 = tpu.vector_load %arg18[%parallel_loop3A_201, %parallel_loop3A_202] {strides = array<i32>} : memref<40x128xf32, #tpu.memory_space<vmem>>, vector<16xf32>,
      %parallel_loop3A_204 = arith.mulf %parallel_loop3A_203, %parallel_loop3A_158 : vector<16xf32>
      %parallel_loop3A_205 = arith.index_cast %parallel_loop3A_153 : i32 to index
      %parallel_loop3A_206 = arith.constant 96 : index
      %parallel_loop3A_207 = tpu.vector_load %arg18[%parallel_loop3A_205, %parallel_loop3A_206] {strides = array<i32>} : memref<40x128xf32, #tpu.memory_space<vmem>>, vector<16xf32>,
      tpu.vector_store %arg18[%parallel_loop3A_205, %parallel_loop3A_206], %parallel_loop3A_204 {strides = array<i32>} : memref<40x128xf32, #tpu.memory_space<vmem>>, vector<16xf32>,
      %parallel_loop3A_208 = arith.index_cast %parallel_loop3A_153 : i32 to index
      %parallel_loop3A_209 = arith.constant 112 : index
      %parallel_loop3A_210 = tpu.vector_load %arg18[%parallel_loop3A_208, %parallel_loop3A_209] {strides = array<i32>} : memref<40x128xf32, #tpu.memory_space<vmem>>, vector<16xf32>,
      %parallel_loop3A_211 = arith.mulf %parallel_loop3A_210, %parallel_loop3A_158 : vector<16xf32>
      %parallel_loop3A_212 = arith.index_cast %parallel_loop3A_153 : i32 to index
      %parallel_loop3A_213 = arith.constant 112 : index
      %parallel_loop3A_214 = tpu.vector_load %arg18[%parallel_loop3A_212, %parallel_loop3A_213] {strides = array<i32>} : memref<40x128xf32, #tpu.memory_space<vmem>>, vector<16xf32>,
      tpu.vector_store %arg18[%parallel_loop3A_212, %parallel_loop3A_213], %parallel_loop3A_211 {strides = array<i32>} : memref<40x128xf32, #tpu.memory_space<vmem>>, vector<16xf32>,
    } {sc.loop_unroll_factor = 8 : i64, sc.parallel_access}
    %add3A_110 = arith.constant 9920 : i32
    %add3A_111 = arith.addi %mul3A_10, %add3A_110 : i32
    %dma_wait3A_112 = tpu.memref_slice %arg5[%add3A_111] : memref<320000xi32, #tpu.memory_space<hbm>> -> memref<40xi32, #tpu.memory_space<hbm>>
    %dma_wait3A_113 = tpu.memref_slice %arg5[%add3A_111] : memref<320000xi32, #tpu.memory_space<hbm>> -> memref<40xi32, #tpu.memory_space<hbm>>
    tpu.wait_dma2 semaphore(%arg29 : memref<!tpu.dma_semaphore, #tpu.memory_space<semaphore_mem>>) src(%dma_wait3A_113 : memref<40xi32, #tpu.memory_space<hbm>>) dst(%arg13 : memref<40xi32, #tpu.memory_space<vmem>>)
    %dma_start3A_114 = arith.constant 0 : i32
    %dma_start3A_115 = arith.constant 0 : i32
    %dma_start3A_116 = tpu.memref_slice %arg20[%dma_start3A_114, %dma_start3A_115] : memref<10000x128xf32, #tpu.memory_space<vmem_shared>> -> memref<10000x128xf32, #tpu.memory_space<vmem_shared>>
    tpu.enqueue_indirect_dma source(%arg18 : memref<40x128xf32, #tpu.memory_space<vmem>>) target(%dma_start3A_116 : memref<10000x128xf32, #tpu.memory_space<vmem_shared>>) offsets(%arg13 : memref<40xi32, #tpu.memory_space<vmem>>) semaphore(%arg34 : memref<!tpu.dma_semaphore, #tpu.memory_space<semaphore_mem>>) {add = true}
    %dma_wait3A_117 = arith.constant 9960 : i32
    %dma_wait3A_118 = tpu.memref_slice %arg8[%dma_wait3A_117] : memref<10000xi32, #tpu.memory_space<vmem>> -> memref<40xi32, #tpu.memory_space<vmem>>
    %dma_wait3A_119 = arith.constant 0 : i32
    %dma_wait3A_120 = arith.constant 0 : i32
    %dma_wait3A_121 = tpu.memref_slice %arg2[%dma_wait3A_119, %dma_wait3A_120] : memref<10000x128xf32, #tpu.memory_space<hbm>> -> memref<10000x128xf32, #tpu.memory_space<hbm>>
    tpu.wait_indirect_dma semaphore(%arg25 : memref<!tpu.dma_semaphore, #tpu.memory_space<semaphore_mem>>) src(%dma_wait3A_121 : memref<10000x128xf32, #tpu.memory_space<hbm>>) dst(%arg19 : memref<40x128xf32, #tpu.memory_space<vmem>>)
    %parallel_loop3A_122 = arith.constant 0 : i32
    %parallel_loop3A_123 = arith.constant 40 : i32
    %parallel_loop3A_124 = arith.constant 1 : i32
    scf.for %parallel_loop3A_153 = %parallel_loop3A_122 to %parallel_loop3A_123 step %parallel_loop3A_124  : i32 {
      %parallel_loop3A_154 = arith.constant 9960 : i32
      %parallel_loop3A_155 = vector.broadcast %parallel_loop3A_154 : i32 to vector<16xi32>
      %parallel_loop3A_156 = vector.broadcast %parallel_loop3A_153 : i32 to vector<16xi32>
      %parallel_loop3A_157 = arith.addi %parallel_loop3A_155, %parallel_loop3A_156 : vector<16xi32>
      %parallel_loop3A_158 = tpu.vector_load_idx %arg9[%parallel_loop3A_157] : memref<10000xf32, #tpu.memory_space<vmem>>[vector<16xi32>], vector<16xf32>,
      %parallel_loop3A_159 = arith.index_cast %parallel_loop3A_153 : i32 to index
      %parallel_loop3A_160 = arith.constant 0 : index
      %parallel_loop3A_161 = tpu.vector_load %arg19[%parallel_loop3A_159, %parallel_loop3A_160] {strides = array<i32>} : memref<40x128xf32, #tpu.memory_space<vmem>>, vector<16xf32>,
      %parallel_loop3A_162 = arith.mulf %parallel_loop3A_161, %parallel_loop3A_158 : vector<16xf32>
      %parallel_loop3A_163 = arith.index_cast %parallel_loop3A_153 : i32 to index
      %parallel_loop3A_164 = arith.constant 0 : index
      %parallel_loop3A_165 = tpu.vector_load %arg19[%parallel_loop3A_163, %parallel_loop3A_164] {strides = array<i32>} : memref<40x128xf32, #tpu.memory_space<vmem>>, vector<16xf32>,
      tpu.vector_store %arg19[%parallel_loop3A_163, %parallel_loop3A_164], %parallel_loop3A_162 {strides = array<i32>} : memref<40x128xf32, #tpu.memory_space<vmem>>, vector<16xf32>,
      %parallel_loop3A_166 = arith.index_cast %parallel_loop3A_153 : i32 to index
      %parallel_loop3A_167 = arith.constant 16 : index
      %parallel_loop3A_168 = tpu.vector_load %arg19[%parallel_loop3A_166, %parallel_loop3A_167] {strides = array<i32>} : memref<40x128xf32, #tpu.memory_space<vmem>>, vector<16xf32>,
      %parallel_loop3A_169 = arith.mulf %parallel_loop3A_168, %parallel_loop3A_158 : vector<16xf32>
      %parallel_loop3A_170 = arith.index_cast %parallel_loop3A_153 : i32 to index
      %parallel_loop3A_171 = arith.constant 16 : index
      %parallel_loop3A_172 = tpu.vector_load %arg19[%parallel_loop3A_170, %parallel_loop3A_171] {strides = array<i32>} : memref<40x128xf32, #tpu.memory_space<vmem>>, vector<16xf32>,
      tpu.vector_store %arg19[%parallel_loop3A_170, %parallel_loop3A_171], %parallel_loop3A_169 {strides = array<i32>} : memref<40x128xf32, #tpu.memory_space<vmem>>, vector<16xf32>,
      %parallel_loop3A_173 = arith.index_cast %parallel_loop3A_153 : i32 to index
      %parallel_loop3A_174 = arith.constant 32 : index
      %parallel_loop3A_175 = tpu.vector_load %arg19[%parallel_loop3A_173, %parallel_loop3A_174] {strides = array<i32>} : memref<40x128xf32, #tpu.memory_space<vmem>>, vector<16xf32>,
      %parallel_loop3A_176 = arith.mulf %parallel_loop3A_175, %parallel_loop3A_158 : vector<16xf32>
      %parallel_loop3A_177 = arith.index_cast %parallel_loop3A_153 : i32 to index
      %parallel_loop3A_178 = arith.constant 32 : index
      %parallel_loop3A_179 = tpu.vector_load %arg19[%parallel_loop3A_177, %parallel_loop3A_178] {strides = array<i32>} : memref<40x128xf32, #tpu.memory_space<vmem>>, vector<16xf32>,
      tpu.vector_store %arg19[%parallel_loop3A_177, %parallel_loop3A_178], %parallel_loop3A_176 {strides = array<i32>} : memref<40x128xf32, #tpu.memory_space<vmem>>, vector<16xf32>,
      %parallel_loop3A_180 = arith.index_cast %parallel_loop3A_153 : i32 to index
      %parallel_loop3A_181 = arith.constant 48 : index
      %parallel_loop3A_182 = tpu.vector_load %arg19[%parallel_loop3A_180, %parallel_loop3A_181] {strides = array<i32>} : memref<40x128xf32, #tpu.memory_space<vmem>>, vector<16xf32>,
      %parallel_loop3A_183 = arith.mulf %parallel_loop3A_182, %parallel_loop3A_158 : vector<16xf32>
      %parallel_loop3A_184 = arith.index_cast %parallel_loop3A_153 : i32 to index
      %parallel_loop3A_185 = arith.constant 48 : index
      %parallel_loop3A_186 = tpu.vector_load %arg19[%parallel_loop3A_184, %parallel_loop3A_185] {strides = array<i32>} : memref<40x128xf32, #tpu.memory_space<vmem>>, vector<16xf32>,
      tpu.vector_store %arg19[%parallel_loop3A_184, %parallel_loop3A_185], %parallel_loop3A_183 {strides = array<i32>} : memref<40x128xf32, #tpu.memory_space<vmem>>, vector<16xf32>,
      %parallel_loop3A_187 = arith.index_cast %parallel_loop3A_153 : i32 to index
      %parallel_loop3A_188 = arith.constant 64 : index
      %parallel_loop3A_189 = tpu.vector_load %arg19[%parallel_loop3A_187, %parallel_loop3A_188] {strides = array<i32>} : memref<40x128xf32, #tpu.memory_space<vmem>>, vector<16xf32>,
      %parallel_loop3A_190 = arith.mulf %parallel_loop3A_189, %parallel_loop3A_158 : vector<16xf32>
      %parallel_loop3A_191 = arith.index_cast %parallel_loop3A_153 : i32 to index
      %parallel_loop3A_192 = arith.constant 64 : index
      %parallel_loop3A_193 = tpu.vector_load %arg19[%parallel_loop3A_191, %parallel_loop3A_192] {strides = array<i32>} : memref<40x128xf32, #tpu.memory_space<vmem>>, vector<16xf32>,
      tpu.vector_store %arg19[%parallel_loop3A_191, %parallel_loop3A_192], %parallel_loop3A_190 {strides = array<i32>} : memref<40x128xf32, #tpu.memory_space<vmem>>, vector<16xf32>,
      %parallel_loop3A_194 = arith.index_cast %parallel_loop3A_153 : i32 to index
      %parallel_loop3A_195 = arith.constant 80 : index
      %parallel_loop3A_196 = tpu.vector_load %arg19[%parallel_loop3A_194, %parallel_loop3A_195] {strides = array<i32>} : memref<40x128xf32, #tpu.memory_space<vmem>>, vector<16xf32>,
      %parallel_loop3A_197 = arith.mulf %parallel_loop3A_196, %parallel_loop3A_158 : vector<16xf32>
      %parallel_loop3A_198 = arith.index_cast %parallel_loop3A_153 : i32 to index
      %parallel_loop3A_199 = arith.constant 80 : index
      %parallel_loop3A_200 = tpu.vector_load %arg19[%parallel_loop3A_198, %parallel_loop3A_199] {strides = array<i32>} : memref<40x128xf32, #tpu.memory_space<vmem>>, vector<16xf32>,
      tpu.vector_store %arg19[%parallel_loop3A_198, %parallel_loop3A_199], %parallel_loop3A_197 {strides = array<i32>} : memref<40x128xf32, #tpu.memory_space<vmem>>, vector<16xf32>,
      %parallel_loop3A_201 = arith.index_cast %parallel_loop3A_153 : i32 to index
      %parallel_loop3A_202 = arith.constant 96 : index
      %parallel_loop3A_203 = tpu.vector_load %arg19[%parallel_loop3A_201, %parallel_loop3A_202] {strides = array<i32>} : memref<40x128xf32, #tpu.memory_space<vmem>>, vector<16xf32>,
      %parallel_loop3A_204 = arith.mulf %parallel_loop3A_203, %parallel_loop3A_158 : vector<16xf32>
      %parallel_loop3A_205 = arith.index_cast %parallel_loop3A_153 : i32 to index
      %parallel_loop3A_206 = arith.constant 96 : index
      %parallel_loop3A_207 = tpu.vector_load %arg19[%parallel_loop3A_205, %parallel_loop3A_206] {strides = array<i32>} : memref<40x128xf32, #tpu.memory_space<vmem>>, vector<16xf32>,
      tpu.vector_store %arg19[%parallel_loop3A_205, %parallel_loop3A_206], %parallel_loop3A_204 {strides = array<i32>} : memref<40x128xf32, #tpu.memory_space<vmem>>, vector<16xf32>,
      %parallel_loop3A_208 = arith.index_cast %parallel_loop3A_153 : i32 to index
      %parallel_loop3A_209 = arith.constant 112 : index
      %parallel_loop3A_210 = tpu.vector_load %arg19[%parallel_loop3A_208, %parallel_loop3A_209] {strides = array<i32>} : memref<40x128xf32, #tpu.memory_space<vmem>>, vector<16xf32>,
      %parallel_loop3A_211 = arith.mulf %parallel_loop3A_210, %parallel_loop3A_158 : vector<16xf32>
      %parallel_loop3A_212 = arith.index_cast %parallel_loop3A_153 : i32 to index
      %parallel_loop3A_213 = arith.constant 112 : index
      %parallel_loop3A_214 = tpu.vector_load %arg19[%parallel_loop3A_212, %parallel_loop3A_213] {strides = array<i32>} : memref<40x128xf32, #tpu.memory_space<vmem>>, vector<16xf32>,
      tpu.vector_store %arg19[%parallel_loop3A_212, %parallel_loop3A_213], %parallel_loop3A_211 {strides = array<i32>} : memref<40x128xf32, #tpu.memory_space<vmem>>, vector<16xf32>,
    } {sc.loop_unroll_factor = 8 : i64, sc.parallel_access}
    %add3A_125 = arith.constant 9960 : i32
    %add3A_126 = arith.addi %mul3A_10, %add3A_125 : i32
    %dma_wait3A_127 = tpu.memref_slice %arg5[%add3A_126] : memref<320000xi32, #tpu.memory_space<hbm>> -> memref<40xi32, #tpu.memory_space<hbm>>
    %dma_wait3A_128 = tpu.memref_slice %arg5[%add3A_126] : memref<320000xi32, #tpu.memory_space<hbm>> -> memref<40xi32, #tpu.memory_space<hbm>>
    tpu.wait_dma2 semaphore(%arg30 : memref<!tpu.dma_semaphore, #tpu.memory_space<semaphore_mem>>) src(%dma_wait3A_128 : memref<40xi32, #tpu.memory_space<hbm>>) dst(%arg14 : memref<40xi32, #tpu.memory_space<vmem>>)
    %dma_start3A_129 = arith.constant 0 : i32
    %dma_start3A_130 = arith.constant 0 : i32
    %dma_start3A_131 = tpu.memref_slice %arg20[%dma_start3A_129, %dma_start3A_130] : memref<10000x128xf32, #tpu.memory_space<vmem_shared>> -> memref<10000x128xf32, #tpu.memory_space<vmem_shared>>
    tpu.enqueue_indirect_dma source(%arg19 : memref<40x128xf32, #tpu.memory_space<vmem>>) target(%dma_start3A_131 : memref<10000x128xf32, #tpu.memory_space<vmem_shared>>) offsets(%arg14 : memref<40xi32, #tpu.memory_space<vmem>>) semaphore(%arg35 : memref<!tpu.dma_semaphore, #tpu.memory_space<semaphore_mem>>) {add = true}
    %dma_wait3A_132 = arith.constant 0 : i32
    %dma_wait3A_133 = arith.constant 0 : i32
    %dma_wait3A_134 = tpu.memref_slice %arg20[%dma_wait3A_132, %dma_wait3A_133] : memref<10000x128xf32, #tpu.memory_space<vmem_shared>> -> memref<10000x128xf32, #tpu.memory_space<vmem_shared>>
    tpu.wait_indirect_dma semaphore(%arg31 : memref<!tpu.dma_semaphore, #tpu.memory_space<semaphore_mem>>) src(%arg15 : memref<40x128xf32, #tpu.memory_space<vmem>>) dst(%dma_wait3A_134 : memref<10000x128xf32, #tpu.memory_space<vmem_shared>>)
    %dma_wait3A_135 = arith.constant 0 : i32
    %dma_wait3A_136 = arith.constant 0 : i32
    %dma_wait3A_137 = tpu.memref_slice %arg20[%dma_wait3A_135, %dma_wait3A_136] : memref<10000x128xf32, #tpu.memory_space<vmem_shared>> -> memref<10000x128xf32, #tpu.memory_space<vmem_shared>>
    tpu.wait_indirect_dma semaphore(%arg32 : memref<!tpu.dma_semaphore, #tpu.memory_space<semaphore_mem>>) src(%arg16 : memref<40x128xf32, #tpu.memory_space<vmem>>) dst(%dma_wait3A_137 : memref<10000x128xf32, #tpu.memory_space<vmem_shared>>)
    %dma_wait3A_138 = arith.constant 0 : i32
    %dma_wait3A_139 = arith.constant 0 : i32
    %dma_wait3A_140 = tpu.memref_slice %arg20[%dma_wait3A_138, %dma_wait3A_139] : memref<10000x128xf32, #tpu.memory_space<vmem_shared>> -> memref<10000x128xf32, #tpu.memory_space<vmem_shared>>
    tpu.wait_indirect_dma semaphore(%arg33 : memref<!tpu.dma_semaphore, #tpu.memory_space<semaphore_mem>>) src(%arg17 : memref<40x128xf32, #tpu.memory_space<vmem>>) dst(%dma_wait3A_140 : memref<10000x128xf32, #tpu.memory_space<vmem_shared>>)
    %dma_wait3A_141 = arith.constant 0 : i32
    %dma_wait3A_142 = arith.constant 0 : i32
    %dma_wait3A_143 = tpu.memref_slice %arg20[%dma_wait3A_141, %dma_wait3A_142] : memref<10000x128xf32, #tpu.memory_space<vmem_shared>> -> memref<10000x128xf32, #tpu.memory_space<vmem_shared>>
    tpu.wait_indirect_dma semaphore(%arg34 : memref<!tpu.dma_semaphore, #tpu.memory_space<semaphore_mem>>) src(%arg18 : memref<40x128xf32, #tpu.memory_space<vmem>>) dst(%dma_wait3A_143 : memref<10000x128xf32, #tpu.memory_space<vmem_shared>>)
    %dma_wait3A_144 = arith.constant 0 : i32
    %dma_wait3A_145 = arith.constant 0 : i32
    %dma_wait3A_146 = tpu.memref_slice %arg20[%dma_wait3A_144, %dma_wait3A_145] : memref<10000x128xf32, #tpu.memory_space<vmem_shared>> -> memref<10000x128xf32, #tpu.memory_space<vmem_shared>>
    tpu.wait_indirect_dma semaphore(%arg35 : memref<!tpu.dma_semaphore, #tpu.memory_space<semaphore_mem>>) src(%arg19 : memref<40x128xf32, #tpu.memory_space<vmem>>) dst(%dma_wait3A_146 : memref<10000x128xf32, #tpu.memory_space<vmem_shared>>)
    %barrier3A_147 = arith.constant 0 : index
    tpu.barrier barrier_id(%barrier3A_147)
    "tpu.region"() ({
      %run_scoped3A = tpu.sem_alloc : memref<!tpu.dma_semaphore, #tpu.memory_space<semaphore_mem>>
      %dma_start3A_153 = arith.constant 0 : i32
      %dma_start3A_154 = tpu.memref_slice %arg7[%arg0, %mul3A_2, %dma_start3A_153] : memref<2x10000x128xf32, #tpu.memory_space<hbm>> -> memref<1x624x128xf32, #tpu.memory_space<hbm>>
      %dma_start3A_155 = tpu.memref_squeeze %dma_start3A_154 : memref<1x624x128xf32, #tpu.memory_space<hbm>> -> memref<624x128xf32, #tpu.memory_space<hbm>>
      %dma_start3A_156 = arith.constant 0 : i32
      %dma_start3A_157 = tpu.memref_slice %arg20[%mul3A_2, %dma_start3A_156] : memref<10000x128xf32, #tpu.memory_space<vmem_shared>> -> memref<624x128xf32, #tpu.memory_space<vmem_shared>>
      tpu.enqueue_dma source(%dma_start3A_157 : memref<624x128xf32, #tpu.memory_space<vmem_shared>>) target(%dma_start3A_155 : memref<624x128xf32, #tpu.memory_space<hbm>>) target_semaphore(%run_scoped3A : memref<!tpu.dma_semaphore, #tpu.memory_space<semaphore_mem>>)
      %dma_wait3A_158 = arith.constant 0 : i32
      %dma_wait3A_159 = tpu.memref_slice %arg7[%arg0, %mul3A_2, %dma_wait3A_158] : memref<2x10000x128xf32, #tpu.memory_space<hbm>> -> memref<1x624x128xf32, #tpu.memory_space<hbm>>
      %dma_wait3A_160 = tpu.memref_squeeze %dma_wait3A_159 : memref<1x624x128xf32, #tpu.memory_space<hbm>> -> memref<624x128xf32, #tpu.memory_space<hbm>>
      %dma_wait3A_161 = arith.constant 0 : i32
      %dma_wait3A_162 = tpu.memref_slice %arg20[%mul3A_2, %dma_wait3A_161] : memref<10000x128xf32, #tpu.memory_space<vmem_shared>> -> memref<624x128xf32, #tpu.memory_space<vmem_shared>>
      tpu.wait_dma2 semaphore(%run_scoped3A : memref<!tpu.dma_semaphore, #tpu.memory_space<semaphore_mem>>) src(%dma_wait3A_162 : memref<624x128xf32, #tpu.memory_space<vmem_shared>>) dst(%dma_wait3A_160 : memref<624x128xf32, #tpu.memory_space<hbm>>)
      tpu.yield
    }) : () -> ()
    %eq3A_148 = arith.constant 0 : i32
    %eq3A_149 = arith.cmpi eq, %arg1, %eq3A_148 : i32
    %convert_element_type3A_150 = arith.extui %eq3A_149 : i1 to i32
    %cond3A_151 = arith.constant 0 : i32
    %cond3A_152 = arith.cmpi ne, %convert_element_type3A_150, %cond3A_151 : i32
    scf.if %cond3A_152 {
      "tpu.region"() ({
        %run_scoped3A = tpu.sem_alloc : memref<!tpu.dma_semaphore, #tpu.memory_space<semaphore_mem>>
        %dma_start3A_153 = arith.constant 9984 : i32
        %dma_start3A_154 = arith.constant 0 : i32
        %dma_start3A_155 = tpu.memref_slice %arg7[%arg0, %dma_start3A_153, %dma_start3A_154] : memref<2x10000x128xf32, #tpu.memory_space<hbm>> -> memref<1x16x128xf32, #tpu.memory_space<hbm>>
        %dma_start3A_156 = tpu.memref_squeeze %dma_start3A_155 : memref<1x16x128xf32, #tpu.memory_space<hbm>> -> memref<16x128xf32, #tpu.memory_space<hbm>>
        %dma_start3A_157 = arith.constant 9984 : i32
        %dma_start3A_158 = arith.constant 0 : i32
        %dma_start3A_159 = tpu.memref_slice %arg20[%dma_start3A_157, %dma_start3A_158] : memref<10000x128xf32, #tpu.memory_space<vmem_shared>> -> memref<16x128xf32, #tpu.memory_space<vmem_shared>>
        tpu.enqueue_dma source(%dma_start3A_159 : memref<16x128xf32, #tpu.memory_space<vmem_shared>>) target(%dma_start3A_156 : memref<16x128xf32, #tpu.memory_space<hbm>>) target_semaphore(%run_scoped3A : memref<!tpu.dma_semaphore, #tpu.memory_space<semaphore_mem>>)
        %dma_wait3A_160 = arith.constant 9984 : i32
        %dma_wait3A_161 = arith.constant 0 : i32
        %dma_wait3A_162 = tpu.memref_slice %arg7[%arg0, %dma_wait3A_160, %dma_wait3A_161] : memref<2x10000x128xf32, #tpu.memory_space<hbm>> -> memref<1x16x128xf32, #tpu.memory_space<hbm>>
        %dma_wait3A_163 = tpu.memref_squeeze %dma_wait3A_162 : memref<1x16x128xf32, #tpu.memory_space<hbm>> -> memref<16x128xf32, #tpu.memory_space<hbm>>
        %dma_wait3A_164 = arith.constant 9984 : i32
        %dma_wait3A_165 = arith.constant 0 : i32
        %dma_wait3A_166 = tpu.memref_slice %arg20[%dma_wait3A_164, %dma_wait3A_165] : memref<10000x128xf32, #tpu.memory_space<vmem_shared>> -> memref<16x128xf32, #tpu.memory_space<vmem_shared>>
        tpu.wait_dma2 semaphore(%run_scoped3A : memref<!tpu.dma_semaphore, #tpu.memory_space<semaphore_mem>>) src(%dma_wait3A_166 : memref<16x128xf32, #tpu.memory_space<vmem_shared>>) dst(%dma_wait3A_163 : memref<16x128xf32, #tpu.memory_space<hbm>>)
        tpu.yield
      }) : () -> ()
    } else {
    }
    return
  }
}

module attributes {stable_mosaic.version = 14 : i64} {
  func.func @_combine_body(%arg0: i32, %arg1: memref<2x1000x128xf32, #tpu.memory_space<vmem>>, %arg2: memref<1000x128xf32, #tpu.memory_space<vmem>>) attributes {dimension_semantics = [#tpu.dimension_semantics<arbitrary>], iteration_bounds = array<i64: 10>, scalar_prefetch = 0 : i64, scratch_operands = 0 : i64, tpu.core_type = #tpu.core_type<tc>, window_params = [{transform_indices = @transform_0, window_bounds = array<i64: 2, 1000, 128>}, {transform_indices = @transform_1, window_bounds = array<i64: 1000, 128>}]} {
    %get3A = arith.constant 0 : index
    %get3A_0 = arith.constant 0 : index
    %get3A_1 = arith.constant 0 : index
    %get3A_2 = vector.load %arg1[%get3A, %get3A_0, %get3A_1] : memref<2x1000x128xf32, #tpu.memory_space<vmem>>, vector<1x1000x128xf32>
    %get3A_3 = vector.shape_cast %get3A_2 : vector<1x1000x128xf32> to vector<1000x128xf32>
    %get3A_4 = arith.constant 1 : index
    %get3A_5 = arith.constant 0 : index
    %get3A_6 = arith.constant 0 : index
    %get3A_7 = vector.load %arg1[%get3A_4, %get3A_5, %get3A_6] : memref<2x1000x128xf32, #tpu.memory_space<vmem>>, vector<1x1000x128xf32>
    %get3A_8 = vector.shape_cast %get3A_7 : vector<1x1000x128xf32> to vector<1000x128xf32>
    %add3A = arith.addf %get3A_3, %get3A_8 : vector<1000x128xf32>
    %swap3A = arith.constant 0 : index
    %swap3A_9 = arith.constant 0 : index
    %swap3A_10 = vector.load %arg2[%swap3A, %swap3A_9] : memref<1000x128xf32, #tpu.memory_space<vmem>>, vector<1000x128xf32>
    tpu.vector_store %arg2[%swap3A, %swap3A_9], %add3A {strides = array<i32>} : memref<1000x128xf32, #tpu.memory_space<vmem>>, vector<1000x128xf32>,
    return
  }
  func.func @transform_0(%arg0: i32) -> (i32, i32, i32) {
    %c0_i32 = arith.constant 0 : i32
    %c0_i32_0 = arith.constant 0 : i32
    %c0_i32_1 = arith.constant 0 : i32
    return %c0_i32, %arg0, %c0_i32_0 : i32, i32, i32
  }
  func.func @transform_1(%arg0: i32) -> (i32, i32) {
    %c0_i32 = arith.constant 0 : i32
    %c0_i32_0 = arith.constant 0 : i32
    return %arg0, %c0_i32 : i32, i32
  }
}

</mosaic_0001>

<sc_bundles>
// kernel: kernel.4.cloned.1.call-start
scs
__scs_entry_jumppad:
0x0: {  	(pc) =	sbr.rel $0x88, $3  }
0x1: {  	(tag) =	ssettag $0x0;
	lr =	simm.s32 $0x1  }
0x2: {  	[smem:$0x3F9E] =	sst lr;
	_ =	strace $0xD0000000  }
0x3: {  	_ = 	snop  }
0x4: {  	_ = 	snop  }
0x5: {  	_ = 	snop  }
0x6: {  	_ = 	snop  }
0x7: {  	_ = 	snop  }
__scs_overlays_trampoline_lowered:
0x8: {  	[smem:$0x3FAD] =	sst s0  }
0x9: {  	[smem:$0x3FAE] =	sst s1  }
0xa: {  	[smem:$0x3FAF] =	sst s2  }
0xb: {  	[smem:$0x3FB0] =	sst s3  }
0xc: {  	[smem:$0x3FB1] =	sst s4  }
0xd: {  	[smem:$0x3FB2] =	sst s5  }
0xe: {  	[smem:$0x3FB3] =	sst s6  }
0xf: {  	[smem:$0x3FB4] =	sst s7  }
0x10: {  	[smem:$0x3FB5] =	sst s8  }
0x11: {  	[smem:$0x3FB6] =	sst s9;
	s0 =	simm.s32 @!p0 $0x0  }
0x12: {  	s1 =	sld [smem:$0x3F9C];
	s0 =	simm.s32 @p0 $0x1  }
0x13: {  	[smem:$0x3FB7] =	sst s0;
	s0 =	simm.s32 @!p1 $0x0  }
0x14: {  	s2 =	sld [smem:$0x3F9B];
	s0 =	simm.s32 @p1 $0x1  }
0x15: {  	[smem:$0x3FB8] =	sst s0;
	s0 =	simm.s32 @!p2 $0x0  }
0x16: {  	s3 =	sld [smem:$0x3FDB];
	s0 =	simm.s32 @p2 $0x1  }
0x17: {  	s4 =	simm.s32 $0x1BF5;
	[smem:$0x3FBA] =	sst s0  }
0x18: {  	s0 =	sld [smem:$0x3F9D];
	_ =	swait.ge [sflag:s4], $0x0  }
0x19: {  	s7 =	sld [smem:$0x3F9E]  }
0x1a: {  	s8 =	sadd.s32 $0xFFFFE003, lr  }
0x1b: {  	s9 =	sadd.s32 $0xFFFFFEF7, lr;
	s5 =	simm.s32 $0xFFFFFFFF;
	p2 =	slt.u32 s8, $0xFFFFF086  }
0x1c: {  	p1 =	slt.u32 s9, $0xF7A;
	s5 =	simm.s32 @!p2 $0x0  }
0x1d: {  	s5 =	simm.s32 @p1 $0x1;
	p0 =	seq.s32 s7, s2  }
0x1e: {  	s7 =	smul.u32 @!p0 $0xF7A, s2;
	p2 =	seq.s32 @!p0 s5, $0x0  }
0x1f: {  	s9 =	smul.u32 $0xF7A, s1;
	s8 =	simm.s32 @!p0 $0x1BF5;
	p2 =	por !p2, p0  }
0x20: {  	[sflag:s8] =	ssyncset.s32 @!p0 $0xFFFFF086;
	s6 =	sadd.s32 @!p0 s3, s7;
	s7 =	simm.s32 @!p0 $0x108  }
0x21: {  	s3 =	sadd.s32 s3, s9;
	s6 =	sadd.s32 @!p0 $0x88, s6;
	s7 =	simm.s32 @p2 $0x1082  }
0x22: {  	[simem:s7], [sflag:s8] =	dma.local @!p0 [hbm:s6], $0xF7A  }
0x23: {  	s9 =	sor.u32 $0xD0000000, s2;
	s6 =	simm.s32 $0x108;
	_ =	swait.ge @!p0 [sflag:s8], $0x0  }
0x24: {  	s3 =	sadd.s32 $0x88, s3;
	s6 =	simm.s32 @!p1 $0x1082;
	[sflag:s4] =	ssyncset.s32 $0xFFFFF086  }
0x25: {  	[simem:s6], [sflag:s4] =	dma.local [hbm:s3], $0xF7A  }
0x26: {  	[smem:$0x3F9E] =	sst s1;
	(tag) =	ssettag s2;
	_ =	strace s9  }
0x27: {  	s1 =	sld [smem:$0x3FAE]  }
0x28: {  	s2 =	sld [smem:$0x3FAF]  }
0x29: {  	s4 =	sld [smem:$0x3FB1]  }
0x2a: {  	p0 =	seq.s32 s5, $0x0;
	s5 =	sld [smem:$0x3FB2]  }
0x2b: {  	s6 =	sld [smem:$0x3FB3]  }
0x2c: {  	s7 =	sld [smem:$0x3FB4]  }
0x2d: {  	s3 =	simm.s32 $0x108;
	s8 =	sld [smem:$0x3FB5]  }
0x2e: {  	s3 =	simm.s32 @!p0 $0x1082;
	s9 =	sld [smem:$0x3FB6]  }
0x2f: {  	lr =	sadd.s32 s0, s3;
	s0 =	sld [smem:$0x3FAD]  }
0x30: {  	s3 =	sld [smem:$0x3FB0]  }
0x31: {  	[smem:$0x3FB9] =	sst s10  }
0x32: {  	s10 =	sld [smem:$0x3FB7];
	_ =	sdelay $0x3  }
0x33: {  	p0 =	seq.s32 s10, $0x1;
	s10 =	sld [smem:$0x3FB9];
	_ =	sdelay $0x3  }
0x34: {  	[smem:$0x3FB9] =	sst s10  }
0x35: {  	s10 =	sld [smem:$0x3FB8];
	_ =	sdelay $0x3  }
0x36: {  	p1 =	seq.s32 s10, $0x1;
	s10 =	sld [smem:$0x3FB9];
	_ =	sdelay $0x3  }
0x37: {  	[smem:$0x3FB9] =	sst s10  }
0x38: {  	s10 =	sld [smem:$0x3FBA]  }
0x39: {  	_ = 	snop;
	(pc) =	sbr.ind lr, $3  }
0x3a: {  	_ = 	snop  }
0x3b: {  	_ = 	snop  }
0x3c: {  	p2 =	seq.s32 s10, $0x1;
	s10 =	sld [smem:$0x3FB9]  }
0x3d: {  	_ =	shalt  }
0x3e: {  	_ =	shalt  }
0x3f: {  	_ =	shalt  }
0x40: {  	_ =	shalt  }
0x41: {  	_ =	shalt  }
0x42: {  	_ =	shalt  }
0x43: {  	_ =	shalt  }
0x44: {  	_ =	shalt  }
0x45: {  	_ =	shalt  }
0x46: {  	_ =	shalt  }
0x47: {  	_ =	shalt  }
0x48: {  	_ =	shalt  }
0x49: {  	_ =	shalt  }
0x4a: {  	_ =	shalt  }
0x4b: {  	_ =	shalt  }
0x4c: {  	_ =	shalt  }
0x4d: {  	_ =	shalt  }
0x4e: {  	_ =	shalt  }
0x4f: {  	_ =	shalt  }
0x50: {  	_ =	shalt  }
0x51: {  	_ =	shalt  }
0x52: {  	_ =	shalt  }
0x53: {  	_ =	shalt  }
0x54: {  	_ =	shalt  }
0x55: {  	_ =	shalt  }
0x56: {  	_ =	shalt  }
0x57: {  	_ =	shalt  }
0x58: {  	_ =	shalt  }
0x59: {  	_ =	shalt  }
0x5a: {  	_ =	shalt  }
0x5b: {  	_ =	shalt  }
0x5c: {  	_ =	shalt  }
0x5d: {  	_ =	shalt  }
0x5e: {  	_ =	shalt  }
0x5f: {  	_ =	shalt  }
0x60: {  	_ =	shalt  }
0x61: {  	_ =	shalt  }
0x62: {  	_ =	shalt  }
0x63: {  	_ =	shalt  }
0x64: {  	_ =	shalt  }
0x65: {  	_ =	shalt  }
0x66: {  	_ =	shalt  }
0x67: {  	_ =	shalt  }
0x68: {  	_ =	shalt  }
0x69: {  	_ =	shalt  }
0x6a: {  	_ =	shalt  }
0x6b: {  	_ =	shalt  }
0x6c: {  	_ =	shalt  }
0x6d: {  	_ =	shalt  }
0x6e: {  	_ =	shalt  }
0x6f: {  	_ =	shalt  }
0x70: {  	_ =	shalt  }
0x71: {  	_ =	shalt  }
0x72: {  	_ =	shalt  }
0x73: {  	_ =	shalt  }
0x74: {  	_ =	shalt  }
0x75: {  	_ =	shalt  }
0x76: {  	_ =	shalt  }
0x77: {  	_ =	shalt  }
0x78: {  	_ =	shalt  }
0x79: {  	_ =	shalt  }
0x7a: {  	_ =	shalt  }
0x7b: {  	_ =	shalt  }
0x7c: {  	_ =	shalt  }
0x7d: {  	_ =	shalt  }
0x7e: {  	_ =	shalt  }
0x7f: {  	_ =	shalt  }
0x80: {  	_ =	shalt  }
0x81: {  	_ =	shalt  }
0x82: {  	_ =	shalt  }
0x83: {  	_ =	shalt  }
0x84: {  	_ =	shalt  }
0x85: {  	_ =	shalt  }
0x86: {  	_ =	shalt  }
0x87: {  	_ =	shalt  }
.Lfunc_end0:
.L_simem_size_0:
called_computation_lowered:
.L_overlay_start_0:
0x88: {  	s2 =	sld [smem:$0x3FD9]  }
0x89: {  	s3 =	sld [smem:$0x3FFE];
	_ =	sdelay $0x1  }
0x8a: {  	s1 =	srdreg.scid  }
0x8b: {  	s0 =	sand.u32 $0x1, s1  }
0x8c: {  	s17 =	sshll.u32 s0, $0xA;
	s2 =	sadd.s32 s3, s2  }
0x8d: {  	s2 =	sadd.s32 s2, s17  }
0x8e: {  	[smem:$0x3FC5] =	sst s2  }
0x8f: {  	_ = 	snop  }
0x90: {  	s2 =	sld [smem:$0x3FC9]  }
0x91: {  	s18 =	sld [smem:$0x3FC7]  }
0x92: {  	s4 =	sld [smem:$0x3FD0];
	(tm) =	ssettm $0x1  }
0x93: {  	s5 =	sld [smem:$0x3FFB];
	_ =	sdelay $0x3  }
0x94: {  	_ =	strace s5  }
0x95: {  	s5 =	sld [smem:$0x3FFC];
	_ =	sdelay $0x3  }
0x96: {  	_ =	strace s5  }
0x97: {  	s5 =	sld [smem:$0x3FFD];
	_ =	sdelay $0x3  }
0x98: {  	_ =	strace s5  }
0x99: {  	_ =	strace $0x8FFFFFFF  }
0x9a: {  	s19 =	sld [smem:$0x3FDB];
	_ =	sdelay $0x1  }
0x9b: {  	s6 =	simm.s32 $_scs_section_size  }
0x9c: {  	s7 =	simm.s32 $_size__tile_overlayer_lowered;
	s8 =	simm.s32 $_tile_overlayer_lowered  }
0x9d: {  	s22 =	simm.s32 $0x1BFF;
	s21 =	sshll.u32 s8, $0x1;
	s5 =	sadd.s32 s6, s19  }
0x9e: {  	s9 =	simm.s32 $0x0;
	s20 =	sshll.u32 s7, $0x1;
	s7 =	sadd.s32 s21, s5  }
0x9f: {  	[timem:s9], [sflag:s22] =	dma.local [hbm:s7], s20  }
0xa0: {  	_ =	swait.ge [sflag:s22], s20  }
0xa1: {  	s6 =	ssub.s32 $0x0, s20;
	[sflag:s22] =	ssyncset.done $0x0  }
0xa2: {  	[sflag:s22] =	ssyncadd.s32 s6;
	_ =	sdelay $0x1  }
0xa3: {  	s23 =	simm.s32 $0x1B8B  }
0xa4: {  	_ =	swait.ge [sflag:s23], $0x1  }
0xa5: {  	[sflag:s23] =	ssyncset.done $0x0  }
0xa6: {  	s25 =	simm.s32 $0x1B8E;
	s24 =	sld [smem:$0x3FFE];
	[sflag:s23] =	ssyncadd.s32 $0xFFFFFFFF  }
0xa7: {  	s26 =	simm.s32 $execute0_lowered;
	[smem:$0x3FD2] =	sst s25  }
0xa8: {  	s7 =	sshll.u32 s26, $0x1;
	_ =	strace $0x80000046;
	[dreg:$0x1] =	wrdreg $0xFFFFFFFF  }
0xa9: {  	s28 =	simm.s32 $_size_execute0_lowered;
	s5 =	sadd.s32 s5, s7;
	[dreg:$0x0] =	wrdreg $0x0  }
0xaa: {  	s7 =	sshll.u32 s28, $0x1;
	[dreg:$0x2] =	wrdreg s5  }
0xab: {  	[dreg:$0x3] =	wrdreg s7  }
0xac: {  	[dreg:$0x4] =	wrdreg $0xC0  }
0xad: {  	_ =	task [dreg:s9], $0x5FFFF  }
0xae: {  	[dreg:$0x1] =	wrdreg $0xFFFFFFFF  }
0xaf: {  	[dreg:$0x0] =	wrdreg $0x60  }
0xb0: {  	[dreg:$0x2] =	wrdreg s2  }
0xb1: {  	[dreg:$0x3] =	wrdreg s4  }
0xb2: {  	[dreg:$0x4] =	wrdreg s24  }
0xb3: {  	[dreg:$0x5] =	wrdreg s18  }
0xb4: {  	[dreg:$0x6] =	wrdreg $0xB5800  }
0xb5: {  	[dreg:$0x7] =	wrdreg $0x9  }
0xb6: {  	_ =	task.clear_ibuf [dreg:s9], $0x8FFFF;
	_ =	strace $0x90000046  }
0xb7: {  	s29 =	simm.s32 $0x9;
	_ =	strace $0x80000048  }
0xb8: {  	_ =	swait.ge [sflag:s29], $0x1  }
0xb9: {  	[sflag:s29] =	ssyncadd.s32 $0xFFFFFFFF  }
0xba: {  	_ =	strace $0x90000048  }
0xbb: {  	_ =	sfence  }
0xbc: {  	s30 =	sld [smem:$0x0];
	_ =	sdelay $0x2  }
0xbd: {  	s31 =	sshll.u32 s1, $0xD;
	s1 =	sshrl.u32 s1, $0x2  }
0xbe: {  	s3 =	sand.u32 $0x4000, s31;
	s1 =	sadd.s32 s1, s30  }
0xbf: {  	s0 =	sor.u32 s3, s0;
	s1 =	sshll.u32 s1, $0x11  }
0xc0: {  	s0 =	sor.u32 s1, s0  }
0xc1: {  	s0 =	sadd.s32 $0x8F2B, s0  }
0xc2: {  	[sflag:s0] =	ssyncadd.remote.s32 $0x1  }
0xc3: {  	_ =	sfence.sel $0xFFFF  }
0xc4: {  	[dreg:$0x0] =	wrdreg $0xFFFFFFFF;
	(pc) =	sbr.abs _section_cstart, $3  }
0xc5: {  	[dreg:$0x1] =	wrdreg $0xFFFFFFFF  }
0xc6: {  	_ =	task.clear_ibuf [dreg:s9], $0x2FFFF;
	_ =	strace $0x9FFFFFFF  }
0xc7: {  	(tm) =	ssettm $0x7FFFFFFF  }
tec
execute0_lowered:
.L_overlay_start_1:
0x0: {  	(tag) =	ssettag $0x1  }
0x1: {  	s1 =	rddreg [dreg:$0x0]  }
0x2: {  	s13 =	rddreg [dreg:$0x1]  }
0x3: {  	s3 =	rddreg [dreg:$0x2]  }
0x4: {  	s0 =	rddreg [dreg:$0x3]  }
0x5: {  	s4 =	rddreg [dreg:$0x4]  }
0x6: {  	s2 =	srdreg.scid;
	s7 =	stileid.u32  }
0x7: {  	s5 =	simm.s32 $0x0;
	s29 =	simm.s32 $0xA180;
	s8 =	smul.u32 $0x4E000, s7  }
0x8: {  	s2 =	sand.u32 $0x1, s2;
	[smem:$0x7FF] =	sst s5;
	s10 =	smul.u32 $0x2700, s7  }
0x9: {  	s12 =	sadd.s32 $0x13C00, s3;
	s15 =	sadd.s32 $0x138000, s4;
	s20 =	smul.u32 $0x13800, s7  }
0xa: {  	p2 =	seq.s32 s7, $0x0;
	p1 =	sne.s32 s7, $0x0;
	s6 =	sshll.u32 s2, $0x4  }
0xb: {  	s9 =	ssub.s32 $0x2, s2;
	_ =	strace $0x80000047;
	[dreg:$0x7] =	wrdreg s15  }
0xc: {  	s18 =	smul.u32 $0x138800, s2;
	p0 =	sne.s32 s2, $0x0;
	s15 =	simm.s32 $0x7  }
0xd: {  	s6 =	sor.u32 s7, s6;
	s11 =	sshrl.u32 s9, $0x1;
	s8 =	sshrl.u32 s8, $0x2  }
0xe: {  	s30 =	sadd.s32 s13, s10;
	s10 =	sadd.s32 s1, s10;
	s13 =	simm.s32 $0x4F00  }
0xf: {  	s6 =	smul.u32 $0x2710, s6;
	s9 =	ssub.s32 s9, s11;
	[dreg:$0x6] =	wrdreg s30  }
0x10: {  	s8 =	sadd.s32 s8, s4;
	[dreg:$0x8] =	wrdreg s10;
	s10 =	sadd.s32 s20, s18  }
0x11: {  	s23 =	sshrl.u32 s18, $0x3;
	s11 =	simm.s32 $0x10;
	s18 =	simm.s32 $0x4  }
0x12: {  	s20 =	simm.s32 $0xC;
	s24 =	sshrl.u32 s10, $0x3;
	s25 =	sadd.s32 s12, s23  }
0x13: {  	s30 =	smax.u32 s9, $0x1;
	s9 =	sshrl.u32 s8, $0x3;
	s10 =	simm.s32 $0xA  }
0x14: {  	s8 =	simm.s32 $0xB;
	s23 =	simm.s32 $0xE;
	[dreg:$0x12] =	wrdreg s30  }
0x15: {  	s31 =	sshrl.u32 s6, $0x3;
	s28 =	sadd.s32 $0x27000, s25;
	[dreg:$0x15] =	wrdreg s9  }
0x16: {  	s17 =	sadd.s32 $0x28, s6;
	s0 =	sadd.s32 s0, s31;
	[dreg:$0x11] =	wrdreg s28  }
0x17: {  	s22 =	sadd.s32 $0x78, s6;
	s14 =	sadd.s32 s3, s31;
	[dreg:$0xb] =	wrdreg s0  }
0x18: {  	s25 =	simm.s32 $0xF;
	s31 =	sshll.u32 s7, $0x6;
	[dreg:$0x9] =	wrdreg s14  }
0x19: {  	s19 =	sshrl.u32 s17, $0x3;
	s16 =	sadd.s32 $0x9E00, s14;
	[dreg:$0x13] =	wrdreg s31  }
0x1a: {  	s17 =	simm.s32 $0x8;
	s0 =	sadd.s32 s3, s19;
	[dreg:$0xa] =	wrdreg s16  }
0x1b: {  	s7 =	simm.s32 $0x0;
	s21 =	sadd.s32 $0xA, s14;
	[dreg:$0xc] =	wrdreg s0  }
0x1c: {  	s26 =	sadd.s32 $0x14, s14;
	s14 =	simm.s32 $0x2;
	[dreg:$0xd] =	wrdreg s21  }
0x1d: {  	s19 =	simm.s32 $0x9;
	s0 =	sshrl.u32 s22, $0x3;
	[dreg:$0xf] =	wrdreg s26  }
0x1e: {  	s26 =	simm.s32 $0x28;
	s16 =	simm.s32 $0x3;
	s0 =	sadd.s32 s3, s0  }
0x1f: {  	s21 =	simm.s32 $0x5;
	[dreg:$0xe] =	wrdreg s0;
	s0 =	sadd.s32 s12, s24  }
0x20: {  	s22 =	simm.s32 $0xD;
	[dreg:$0x10] =	wrdreg s0;
	s0 =	sor.u32 $0x1C10, s31  }
0x21: {  	s24 =	simm.s32 $0x2780;
	s12 =	simm.s32 $0x5100;
	[dreg:$0x14] =	wrdreg s0  }
.LBB2_1:
.Ltmp0:
0x22: {  	(pc) =	sbr.rel @p0 .LBB2_3-.Ltmp0, $2  }
0x23: {  	_ =	sdelay $0x2  }
0x24: {  	[dreg:$0x16] =	wrdreg s7  }
0x25: {  	s0 =	rddreg [dreg:$0x8]  }
0x26: {  	s7 =	rddreg [dreg:$0x14]  }
0x27: {  	[spmem:s9], [sflag:s7] =	dma.local [hbm:s0], $0x2700  }
.Ltmp1:
0x28: {  	_ = 	snop;
	(pc) =	sbr.rel @!p2 .LBB2_5-.Ltmp1, $4  }
.Ltmp2:
0x29: {  	_ = 	snop;
	(pc) =	sbr.rel @p2 .LBB2_4-.Ltmp2, $4  }
0x2a: {  	_ =	swait.ge [sflag:s11], $0x2700  }
0x2b: {  	[sflag:s11] =	ssyncset.done $0x0  }
0x2c: {  	s2 =	smov.u32 s1;
	s0 =	smov.u32 s7;
	[sflag:s11] =	ssyncadd.s32 $0xFFFFD900  }
0x2d: {  	_ = 	snop  }
.LBB2_3:
0x2e: {  	s0 =	rddreg [dreg:$0x13]  }
0x2f: {  	s2 =	rddreg [dreg:$0x6];
	s0 =	sor.u32 $0x1C10, s0  }
0x30: {  	[spmem:s9], [sflag:s0] =	dma.local [hbm:s2], $0x2700  }
.Ltmp3:
0x31: {  	_ = 	snop;
	(pc) =	sbr.rel @p1 .LBB2_5-.Ltmp3, $4  }
0x32: {  	_ =	swait.ge [sflag:s11], $0x2700  }
0x33: {  	[sflag:s11] =	ssyncset.done $0x0  }
0x34: {  	[sflag:s11] =	ssyncadd.s32 $0xFFFFD900  }
0x35: {  	s2 =	rddreg [dreg:$0x1]  }
.LBB2_4:
0x36: {  	s7 =	rddreg [dreg:$0x7]  }
0x37: {  	s2 =	sadd.s32 $0x27000, s2;
	s7 =	sshrl.u32 s7, $0x3  }
0x38: {  	[spmem:s7], [sflag:s0] =	dma.local [hbm:s2], $0x100  }
0x39: {  	_ =	swait.ge [sflag:s11], $0x100  }
0x3a: {  	[sflag:s11] =	ssyncset.done $0x0  }
0x3b: {  	[sflag:s11] =	ssyncadd.s32 $0xFFFFFF00  }
.LBB2_5:
0x3c: {  	s28 =	simm.s32 $0x0;
	s0 =	rddreg [dreg:$0xa]  }
0x3d: {  	[tilespmem:s28], [sflag:$0x10] =	stream.linear.gather [hbm4b:s0+s28], $0x2710, $0x38;
	[tilespmem:$0x1EE00] =	vst v63  }
0x3e: {  	_ =	swait.ge [sflag:s11], $0x2710  }
0x3f: {  	[sflag:s11] =	ssyncset.done $0x0  }
0x40: {  	s9 =	rddreg [dreg:$0xb];
	[sflag:s11] =	ssyncadd.s32 $0xFFFFD8F0  }
0x41: {  	[tilespmem:s24], [sflag:$0x10] =	stream.linear.gather [hbm4b:s9+s28], $0x2710, $0x38;
	[tilespmem:$0x1EE00] =	vst v63  }
0x42: {  	_ =	swait.ge [sflag:s11], $0x2710  }
0x43: {  	[sflag:s11] =	ssyncset.done $0x0  }
0x44: {  	[sflag:s11] =	ssyncadd.s32 $0xFFFFD8F0  }
0x45: {  	[bflag:$0x0] =	sbarrier.arrive $0xFFFF  }
0x46: {  	s11 =	rddreg [dreg:$0x9]  }
0x47: {  	[tilespmem:s13], [sflag:$0x6] =	stream.linear.gather [hbm4b:s11+s28], $0x28, $0x38;
	[tilespmem:$0x1EE00] =	vst v63  }
0x48: {  	s30 =	simm.s32 $0x5180  }
0x49: {  	[tilespmem:s30], [sflag:$0x1] =	stream.indirect.gather [hbm4b:s1+s26], $0x80, s28, s26, $0xb8;
	[tilespmem:$0x1EE00] =	vst v63  }
0x4a: {  	s2 =	simm.s32 $0x4F80;
	s31 =	rddreg [dreg:$0xc]  }
0x4b: {  	[tilespmem:s2], [sflag:$0x7] =	stream.linear.gather [hbm4b:s31+s28], $0x28, $0x38;
	[tilespmem:$0x1EE00] =	vst v63  }
0x4c: {  	s7 =	simm.s32 $0x6580  }
0x4d: {  	[tilespmem:s7], [sflag:$0x2] =	stream.indirect.gather [hbm4b:s1+s26], $0x80, s26, s26, $0xb8;
	[tilespmem:$0x1EE00] =	vst v63  }
0x4e: {  	s9 =	rddreg [dreg:$0xd];
	s11 =	simm.s32 $0x5000  }
0x4f: {  	[tilespmem:s11], [sflag:$0x8] =	stream.linear.gather [hbm4b:s9+s28], $0x28, $0x38;
	[tilespmem:$0x1EE00] =	vst v63  }
0x50: {  	s30 =	simm.s32 $0x50;
	s31 =	simm.s32 $0x7980  }
0x51: {  	[tilespmem:s31], [sflag:$0x3] =	stream.indirect.gather [hbm4b:s1+s26], $0x80, s30, s26, $0xb8;
	[tilespmem:$0x1EE00] =	vst v63  }
0x52: {  	s2 =	rddreg [dreg:$0xe];
	s7 =	simm.s32 $0x5080  }
0x53: {  	[tilespmem:s7], [sflag:$0x9] =	stream.linear.gather [hbm4b:s2+s28], $0x28, $0x38;
	[tilespmem:$0x1EE00] =	vst v63  }
0x54: {  	s9 =	simm.s32 $0x78;
	s11 =	simm.s32 $0x8D80  }
0x55: {  	[tilespmem:s11], [sflag:$0x4] =	stream.indirect.gather [hbm4b:s1+s26], $0x80, s9, s26, $0xb8;
	[tilespmem:$0x1EE00] =	vst v63  }
0x56: {  	s30 =	rddreg [dreg:$0xf]  }
0x57: {  	[tilespmem:s12], [sflag:$0xA] =	stream.linear.gather [hbm4b:s30+s28], $0x28, $0x38;
	[tilespmem:$0x1EE00] =	vst v63  }
0x58: {  	s31 =	simm.s32 $0xA0  }
0x59: {  	[tilespmem:s29], [sflag:$0x5] =	stream.indirect.gather [hbm4b:s1+s26], $0x80, s31, s26, $0xb8;
	[tilespmem:$0x1EE00] =	vst v63  }
.LBB2_6:
0x5a: {  	s11 =	simm.s32 $0x1  }
0x5b: {  	s29 =	smul.u32 $0xC8, s28;
	_ =	swait.ge [sflag:s11], $0x1400  }
0x5c: {  	[sflag:s11] =	ssyncset.done $0x0  }
0x5d: {  	s30 =	simm.s32 $0x5380;
	s0 =	sadd.s32 $0x0, s29;
	[sflag:s11] =	ssyncadd.s32 $0xFFFFEC00  }
0x5e: {  	v1 =	vmov s0;
	v2 =	vld [tilespmem:s30+$0x170]  }
0x5f: {  	v1 =	vand.u32 $0xFFFFFFF8, v1;
	v4 =	vld [tilespmem:s30+$0xFFFFFE00]  }
0x60: {  	v5 =	vld [tilespmem:s30+$0xFFFFFE10];
	v1 =	vbroadcast v1, $0x0  }
0x61: {  	s2 =	sadd.s32 $0x6, s0;
	v6 =	vld [tilespmem:s30+$0xFFFFFE20]  }
0x62: {  	s12 =	sadd.s32 $0x1, s0;
	v0 =	vmov s2;
	v7 =	vld [tilespmem:s30+$0xFFFFFE30]  }
0x63: {  	v3 =	vmov s12;
	v8 =	vld [tilespmem:s30+$0xFFFFFE40];
	v0 =	vand.u32 $0xFFFFFFFE, v0  }
0x64: {  	v9 =	vld [tilespmem:s30+$0xFFFFFE50];
	v3 =	vand.u32 $0xFFFFFFF9, v3;
	v0 =	vbroadcast v0, $0x0  }
0x65: {  	v10 =	vld [tilespmem:s30+$0xFFFFFE60];
	v3 =	vbroadcast v3, $0x0  }
0x66: {  	v1 =	vld.idx.msk [tilespmem:v1+s24+$0x0], $0xffff  }
0x67: {  	v11 =	vld [tilespmem:s30+$0xFFFFFE70]  }
0x68: {  	v12 =	vld [tilespmem:s30+$0xFFFFFE80]  }
0x69: {  	v13 =	vld [tilespmem:s30+$0xFFFFFE90]  }
0x6a: {  	v0 =	vld.idx.msk [tilespmem:v0+s24+$0x0], $0xffff  }
0x6b: {  	v3 =	vld.idx.msk [tilespmem:v3+s24+$0x0], $0xffff;
	v4 =	vmul.f32 v4, v1  }
0x6c: {  	v14 =	vld [tilespmem:s30+$0xFFFFFEA0];
	v5 =	vmul.f32 v5, v1  }
0x6d: {  	v15 =	vld [tilespmem:s30+$0xFFFFFEB0];
	v7 =	vmul.f32 v7, v1;
	[tilespmem:s30+$0xFFFFFE00] =	vst v4  }
0x6e: {  	s7 =	sadd.s32 $0x2, s0;
	v58 =	vld [tilespmem:s30+$0xFFFFFED0];
	v8 =	vmul.f32 v8, v1;
	[tilespmem:s30+$0xFFFFFE10] =	vst v5  }
0x6f: {  	v59 =	vld [tilespmem:s30+$0xFFFFFF30];
	v2 =	vmul.f32 v2, v0;
	v4 =	vmov s7;
	[tilespmem:s30+$0xFFFFFE30] =	vst v7  }
0x70: {  	v60 =	vld [tilespmem:s30+$0xFFFFFF40];
	v5 =	vmul.f32 v12, v3;
	[tilespmem:s30+$0xFFFFFE40] =	vst v8;
	v4 =	vand.u32 $0xFFFFFFFA, v4  }
0x71: {  	v61 =	vld [tilespmem:s30+$0xFFFFFFB0];
	v7 =	vmul.f32 v9, v1;
	[tilespmem:s30+$0x170] =	vst v2;
	v4 =	vbroadcast v4, $0x0  }
0x72: {  	v62 =	vld [tilespmem:s30+$0xFFFFFFC0];
	v8 =	vmul.f32 v10, v1;
	[tilespmem:s30+$0xFFFFFE80] =	vst v5  }
0x73: {  	v9 =	vld [tilespmem:s30+$0xFFFFFEF0];
	v2 =	vmul.f32 v6, v1;
	[tilespmem:s30+$0xFFFFFE50] =	vst v7  }
0x74: {  	s9 =	sadd.s32 $0x3, s0;
	v12 =	vmul.f32 v58, v3;
	v6 =	vld [tilespmem:s30+$0xFFFFFEC0];
	[tilespmem:s30+$0xFFFFFE60] =	vst v8  }
0x75: {  	v1 =	vmul.f32 v11, v1;
	v5 =	vmov s9;
	[tilespmem:s30+$0xFFFFFE20] =	vst v2;
	v2 =	vld [tilespmem:s30+$0xFFFFFEE0]  }
0x76: {  	v10 =	vld [tilespmem:s30+$0xFFFFFF00];
	v8 =	vmul.f32 v13, v3;
	[tilespmem:s30+$0xFFFFFED0] =	vst v12;
	v5 =	vand.u32 $0xFFFFFFFB, v5  }
0x77: {  	[tilespmem:s30+$0xFFFFFE70] =	vst v1;
	v1 =	vmul.f32 v14, v3;
	v5 =	vbroadcast v5, $0x0;
	v4 =	vld.idx.msk [tilespmem:v4+s24+$0x0], $0xffff  }
0x78: {  	v7 =	vld [tilespmem:s30+$0xFFFFFF10];
	[tilespmem:s30+$0xFFFFFE90] =	vst v8;
	v8 =	vmul.f32 v15, v3  }
0x79: {  	v11 =	vld [tilespmem:s30+$0xFFFFFF20];
	[tilespmem:s30+$0xFFFFFEA0] =	vst v1;
	v6 =	vmul.f32 v6, v3  }
0x7a: {  	[tilespmem:s30+$0xFFFFFEB0] =	vst v8;
	v8 =	vld [tilespmem:s30+$0xFFFFFF60];
	v2 =	vmul.f32 v2, v3  }
0x7b: {  	v63 =	vld [tilespmem:s30+$0x30];
	[tilespmem:s30+$0xFFFFFEC0] =	vst v6;
	v3 =	vmul.f32 v9, v3  }
0x7c: {  	v9 =	vld [tilespmem:s30+$0xFFFFFF80];
	[tilespmem:s30+$0xFFFFFEE0] =	vst v2;
	v1 =	vmul.f32 v10, v4  }
0x7d: {  	v5 =	vld.idx.msk [tilespmem:v5+s24+$0x0], $0xffff;
	[tilespmem:s30+$0xFFFFFEF0] =	vst v3;
	v2 =	vmul.f32 v7, v4  }
0x7e: {  	s11 =	sadd.s32 $0x4, s0;
	v10 =	vld [tilespmem:s30+$0xFFFFFF50];
	v3 =	vmul.f32 v11, v4;
	[tilespmem:s30+$0xFFFFFF00] =	vst v1  }
0x7f: {  	v6 =	vld [tilespmem:s30+$0xFFFFFF70];
	v8 =	vmul.f32 v8, v4;
	v1 =	vmov s11;
	[tilespmem:s30+$0xFFFFFF10] =	vst v2  }
0x80: {  	v7 =	vld [tilespmem:s30+$0xFFFFFF90];
	v2 =	vmul.f32 v59, v4;
	[tilespmem:s30+$0xFFFFFF20] =	vst v3;
	v1 =	vand.u32 $0xFFFFFFFC, v1  }
0x81: {  	v11 =	vld [tilespmem:s30+$0xFFFFFFA0];
	v3 =	vmul.f32 v60, v4;
	[tilespmem:s30+$0xFFFFFF60] =	vst v8;
	v1 =	vbroadcast v1, $0x0  }
0x82: {  	v8 =	vld [tilespmem:s30+$0x0];
	[tilespmem:s30+$0xFFFFFF30] =	vst v2;
	v2 =	vmul.f32 v9, v5  }
0x83: {  	s12 =	sadd.s32 $0x5, s0;
	v9 =	vld [tilespmem:s30+$0xFFFFFFD0];
	[tilespmem:s30+$0xFFFFFF40] =	vst v3;
	v10 =	vmul.f32 v10, v4  }
0x84: {  	v3 =	vld [tilespmem:s30+$0xFFFFFFE0];
	v4 =	vmul.f32 v6, v4;
	[tilespmem:s30+$0xFFFFFF80] =	vst v2;
	v2 =	vmov s12  }
0x85: {  	v6 =	vld [tilespmem:s30+$0xFFFFFFF0];
	v7 =	vmul.f32 v7, v5;
	[tilespmem:s30+$0xFFFFFF50] =	vst v10;
	v2 =	vand.u32 $0xFFFFFFFD, v2  }
0x86: {  	[tilespmem:s30+$0xFFFFFF70] =	vst v4;
	v4 =	vmul.f32 v11, v5;
	v10 =	vld [tilespmem:s30+$0x10];
	v2 =	vbroadcast v2, $0x0  }
0x87: {  	[tilespmem:s30+$0xFFFFFF90] =	vst v7;
	v7 =	vmul.f32 v61, v5;
	v1 =	vld.idx.msk [tilespmem:v1+s24+$0x0], $0xffff  }
0x88: {  	v11 =	vld [tilespmem:s30+$0x20];
	[tilespmem:s30+$0xFFFFFFA0] =	vst v4;
	v4 =	vmul.f32 v62, v5  }
0x89: {  	[tilespmem:s30+$0xFFFFFFB0] =	vst v7;
	v7 =	vmul.f32 v9, v5;
	v9 =	vld [tilespmem:s30+$0x40]  }
0x8a: {  	v3 =	vmul.f32 v3, v5;
	v5 =	vmul.f32 v6, v5;
	v6 =	vld [tilespmem:s30+$0x80];
	[tilespmem:s30+$0xFFFFFFC0] =	vst v4  }
0x8b: {  	[tilespmem:s30+$0xFFFFFFD0] =	vst v7;
	v7 =	vld [tilespmem:s30+$0x60]  }
0x8c: {  	[tilespmem:s30+$0xFFFFFFE0] =	vst v3;
	v2 =	vld.idx.msk [tilespmem:v2+s24+$0x0], $0xffff;
	v4 =	vmul.f32 v8, v1  }
0x8d: {  	[tilespmem:s30+$0xFFFFFFF0] =	vst v5;
	v8 =	vld [tilespmem:s30+$0x50];
	v5 =	vmul.f32 v11, v1  }
0x8e: {  	v3 =	vmul.f32 v10, v1;
	v10 =	vld [tilespmem:s30+$0x90];
	[tilespmem:s30+$0x0] =	vst v4  }
0x8f: {  	s0 =	sadd.s32 $0x7, s0;
	v4 =	vld [tilespmem:s30+$0x70];
	[tilespmem:s30+$0x20] =	vst v5;
	v5 =	vmul.f32 v9, v1  }
0x90: {  	v11 =	vmov s0;
	[tilespmem:s30+$0x10] =	vst v3;
	v3 =	vmul.f32 v63, v1;
	v9 =	vld [tilespmem:s30+$0xA0]  }
0x91: {  	[tilespmem:s30+$0x40] =	vst v5;
	v5 =	vmul.f32 v7, v1;
	v7 =	vld [tilespmem:s30+$0xC0]  }
0x92: {  	[tilespmem:s30+$0x30] =	vst v3;
	v3 =	vmul.f32 v8, v1;
	v8 =	vld [tilespmem:s30+$0xB0]  }
0x93: {  	v10 =	vmul.f32 v10, v2;
	[tilespmem:s30+$0x60] =	vst v5;
	v5 =	vld [tilespmem:s30+$0xE0]  }
0x94: {  	[tilespmem:s30+$0x50] =	vst v3;
	v3 =	vmul.f32 v6, v2;
	v6 =	vld [tilespmem:s30+$0xD0]  }
0x95: {  	v4 =	vmul.f32 v4, v1;
	v1 =	vld.idx.msk [tilespmem:v11+s24+$0x0], $0xffff;
	[tilespmem:s30+$0x90] =	vst v10  }
0x96: {  	[tilespmem:s30+$0x80] =	vst v3;
	v3 =	vmul.f32 v9, v2;
	v9 =	vld [tilespmem:s30+$0xF0]  }
0x97: {  	v10 =	vld [tilespmem:s30+$0x100];
	[tilespmem:s30+$0x70] =	vst v4;
	v4 =	vmul.f32 v8, v2  }
0x98: {  	[tilespmem:s30+$0xA0] =	vst v3;
	v3 =	vmul.f32 v7, v2;
	v7 =	vld [tilespmem:s30+$0x110]  }
0x99: {  	v11 =	vmul.f32 v5, v2;
	v5 =	vld [tilespmem:s30+$0x140];
	[tilespmem:s30+$0xB0] =	vst v4  }
0x9a: {  	v6 =	vmul.f32 v6, v2;
	v4 =	vld [tilespmem:s30+$0x120];
	[tilespmem:s30+$0xC0] =	vst v3  }
0x9b: {  	v3 =	vld [tilespmem:s30+$0x130];
	[tilespmem:s30+$0xE0] =	vst v11;
	v8 =	vmul.f32 v9, v2  }
0x9c: {  	s31 =	simm.s32 $0x5380;
	s2 =	simm.s32 $0x10;
	s7 =	sadd.s32 $0x8, s29;
	[tilespmem:s30+$0xD0] =	vst v6;
	v2 =	vmul.f32 v10, v0;
	v6 =	vld [tilespmem:s30+$0x150]  }
.LBB2_7:
0x9d: {  	p3 =	slt.u32 s2, $0x20;
	v9 =	vmov s7;
	s0 =	sadd.s32 $0x1, s7;
	s9 =	sadd.s32 $0x6, s7;
	[tilespmem:s30+$0xF0] =	vst v8;
	v7 =	vmul.f32 v7, v0;
	v8 =	vld [tilespmem:s30+$0x160]  }
0x9e: {  	s11 =	sadd.s32 $0x3, s7;
	s12 =	sadd.s32 $0x4, s7;
	v9 =	vand.u32 $0xFFFFFFF8, v9;
	v10 =	vmov s0;
	s0 =	sadd.s32 $0x2, s7;
	v11 =	vmov s9;
	[tilespmem:s30+$0x100] =	vst v2;
	v2 =	vld [tilespmem:s30+$0x180]  }
0x9f: {  	v13 =	vmov s11;
	v12 =	vmov s0;
	s0 =	sadd.s32 $0x5, s7;
	v11 =	vand.u32 $0xFFFFFFFE, v11;
	s7 =	sadd.s32 $0x7, s7;
	[tilespmem:s30+$0x110] =	vst v7;
	v7 =	vld [tilespmem:s30+$0x190]  }
0xa0: {  	v14 =	vmov s12;
	v15 =	vmov s0;
	v11 =	vbroadcast v11, $0x0;
	v16 =	vld [tilespmem:s30+$0x1A0]  }
0xa1: {  	v10 =	vand.u32 $0xFFFFFFF9, v10;
	v13 =	vand.u32 $0xFFFFFFFB, v13;
	v12 =	vand.u32 $0xFFFFFFFA, v12;
	v17 =	vld [tilespmem:s30+$0x1B0]  }
0xa2: {  	v14 =	vand.u32 $0xFFFFFFFC, v14;
	v10 =	vbroadcast v10, $0x0;
	v15 =	vand.u32 $0xFFFFFFFD, v15;
	v18 =	vld [tilespmem:s30+$0x1C0]  }
0xa3: {  	v13 =	vbroadcast v13, $0x0;
	v19 =	vmov s7;
	v12 =	vbroadcast v12, $0x0;
	v20 =	vld [tilespmem:s30+$0x1D0]  }
0xa4: {  	v14 =	vbroadcast v14, $0x0;
	v15 =	vbroadcast v15, $0x0;
	v21 =	vld [tilespmem:s30+$0x1E0]  }
0xa5: {  	v4 =	vmul.f32 v4, v0;
	v9 =	vbroadcast v9, $0x0;
	v22 =	vld [tilespmem:s30+$0x1F0]  }
0xa6: {  	v3 =	vmul.f32 v3, v0;
	v23 =	vmul.f32 v5, v0;
	s30 =	sadd.s32 $0x400, s30;
	v11 =	vld.idx.msk [tilespmem:v11+s24+$0x0], $0xffff  }
0xa7: {  	v6 =	vmul.f32 v6, v0;
	v0 =	vmul.f32 v8, v0;
	v24 =	vld [tilespmem:s30+$0x170];
	[tilespmem:s31+$0x120] =	vst v4  }
0xa8: {  	v7 =	vmul.f32 v7, v1;
	v8 =	vld.idx.msk [tilespmem:v10+s24+$0x0], $0xffff;
	[tilespmem:s31+$0x130] =	vst v3;
	v10 =	vmul.f32 v2, v1  }
0xa9: {  	v5 =	vld.idx.msk [tilespmem:v12+s24+$0x0], $0xffff;
	[tilespmem:s31+$0x140] =	vst v23;
	v12 =	vmul.f32 v16, v1;
	v16 =	vmul.f32 v17, v1  }
0xaa: {  	v4 =	vld.idx.msk [tilespmem:v13+s24+$0x0], $0xffff;
	[tilespmem:s31+$0x150] =	vst v6;
	v6 =	vmul.f32 v18, v1;
	v13 =	vmul.f32 v20, v1  }
0xab: {  	v17 =	vmul.f32 v22, v1;
	v3 =	vld.idx.msk [tilespmem:v14+s24+$0x0], $0xffff;
	[tilespmem:s31+$0x160] =	vst v0;
	v14 =	vmul.f32 v21, v1  }
0xac: {  	v0 =	vmov v11;
	v2 =	vld.idx.msk [tilespmem:v15+s24+$0x0], $0xffff;
	v1 =	vmul.f32 v24, v11;
	[tilespmem:s31+$0x180] =	vst v10  }
0xad: {  	v9 =	vld.idx.msk [tilespmem:v9+s24+$0x0], $0xffff;
	[tilespmem:s31+$0x190] =	vst v7  }
0xae: {  	[tilespmem:s30+$0x170] =	vst v1;
	v1 =	vld.idx.msk [tilespmem:v19+s24+$0x0], $0xffff  }
0xaf: {  	v7 =	vld [tilespmem:s30+$0xFFFFFE00];
	[tilespmem:s31+$0x1A0] =	vst v12  }
0xb0: {  	v10 =	vld [tilespmem:s30+$0xFFFFFE10];
	[tilespmem:s31+$0x1B0] =	vst v16  }
0xb1: {  	v11 =	vld [tilespmem:s30+$0xFFFFFE20];
	[tilespmem:s31+$0x1C0] =	vst v6  }
0xb2: {  	v6 =	vld [tilespmem:s30+$0xFFFFFE30];
	[tilespmem:s31+$0x1D0] =	vst v13  }
0xb3: {  	v12 =	vld [tilespmem:s30+$0xFFFFFE40];
	[tilespmem:s31+$0x1E0] =	vst v14  }
0xb4: {  	v7 =	vmul.f32 v7, v9;
	v13 =	vld [tilespmem:s30+$0xFFFFFE50];
	[tilespmem:s31+$0x1F0] =	vst v17;
	s31 =	smov.u32 s30  }
0xb5: {  	v10 =	vmul.f32 v10, v9;
	v14 =	vld [tilespmem:s30+$0xFFFFFE60]  }
0xb6: {  	[tilespmem:s30+$0xFFFFFE00] =	vst v7;
	v7 =	vmul.f32 v11, v9;
	v11 =	vld [tilespmem:s30+$0xFFFFFE70]  }
0xb7: {  	[tilespmem:s30+$0xFFFFFE10] =	vst v10;
	v6 =	vmul.f32 v6, v9;
	v10 =	vld [tilespmem:s30+$0xFFFFFE80]  }
0xb8: {  	[tilespmem:s30+$0xFFFFFE20] =	vst v7;
	v7 =	vmul.f32 v12, v9;
	v12 =	vld [tilespmem:s30+$0xFFFFFE90]  }
0xb9: {  	[tilespmem:s30+$0xFFFFFE30] =	vst v6;
	v6 =	vmul.f32 v13, v9;
	v13 =	vld [tilespmem:s30+$0xFFFFFEA0]  }
0xba: {  	[tilespmem:s30+$0xFFFFFE40] =	vst v7;
	v7 =	vmul.f32 v14, v9;
	v14 =	vld [tilespmem:s30+$0xFFFFFEB0]  }
0xbb: {  	[tilespmem:s30+$0xFFFFFE50] =	vst v6;
	v6 =	vmul.f32 v11, v9;
	v9 =	vld [tilespmem:s30+$0xFFFFFEC0]  }
0xbc: {  	[tilespmem:s30+$0xFFFFFE60] =	vst v7;
	v7 =	vmul.f32 v10, v8;
	v10 =	vld [tilespmem:s30+$0xFFFFFED0]  }
0xbd: {  	[tilespmem:s30+$0xFFFFFE70] =	vst v6;
	v6 =	vmul.f32 v12, v8;
	v11 =	vld [tilespmem:s30+$0xFFFFFEE0]  }
0xbe: {  	[tilespmem:s30+$0xFFFFFE80] =	vst v7;
	v7 =	vmul.f32 v13, v8;
	v12 =	vld [tilespmem:s30+$0xFFFFFEF0]  }
0xbf: {  	[tilespmem:s30+$0xFFFFFE90] =	vst v6;
	v6 =	vmul.f32 v14, v8;
	v13 =	vld [tilespmem:s30+$0xFFFFFF00]  }
0xc0: {  	[tilespmem:s30+$0xFFFFFEA0] =	vst v7;
	v7 =	vmul.f32 v9, v8;
	v9 =	vld [tilespmem:s30+$0xFFFFFF10]  }
0xc1: {  	[tilespmem:s30+$0xFFFFFEB0] =	vst v6;
	v6 =	vmul.f32 v10, v8;
	v10 =	vld [tilespmem:s30+$0xFFFFFF20]  }
0xc2: {  	[tilespmem:s30+$0xFFFFFEC0] =	vst v7;
	v7 =	vmul.f32 v11, v8;
	v11 =	vld [tilespmem:s30+$0xFFFFFF30]  }
0xc3: {  	[tilespmem:s30+$0xFFFFFED0] =	vst v6;
	v6 =	vmul.f32 v12, v8;
	v8 =	vld [tilespmem:s30+$0xFFFFFF40]  }
0xc4: {  	[tilespmem:s30+$0xFFFFFEE0] =	vst v7;
	v7 =	vmul.f32 v13, v5;
	v12 =	vld [tilespmem:s30+$0xFFFFFF50]  }
0xc5: {  	[tilespmem:s30+$0xFFFFFEF0] =	vst v6;
	v6 =	vmul.f32 v9, v5;
	v9 =	vld [tilespmem:s30+$0xFFFFFF60]  }
0xc6: {  	[tilespmem:s30+$0xFFFFFF00] =	vst v7;
	v7 =	vmul.f32 v10, v5;
	v10 =	vld [tilespmem:s30+$0xFFFFFF70]  }
0xc7: {  	[tilespmem:s30+$0xFFFFFF10] =	vst v6;
	v6 =	vmul.f32 v11, v5;
	v11 =	vld [tilespmem:s30+$0xFFFFFF80]  }
0xc8: {  	[tilespmem:s30+$0xFFFFFF20] =	vst v7;
	v7 =	vmul.f32 v8, v5;
	v8 =	vld [tilespmem:s30+$0xFFFFFF90]  }
0xc9: {  	[tilespmem:s30+$0xFFFFFF30] =	vst v6;
	v6 =	vmul.f32 v12, v5;
	v12 =	vld [tilespmem:s30+$0xFFFFFFA0]  }
0xca: {  	[tilespmem:s30+$0xFFFFFF40] =	vst v7;
	v7 =	vmul.f32 v9, v5;
	v9 =	vld [tilespmem:s30+$0xFFFFFFB0]  }
0xcb: {  	[tilespmem:s30+$0xFFFFFF50] =	vst v6;
	v5 =	vmul.f32 v10, v5;
	v6 =	vld [tilespmem:s30+$0xFFFFFFC0]  }
0xcc: {  	[tilespmem:s30+$0xFFFFFF60] =	vst v7;
	v7 =	vmul.f32 v11, v4;
	v10 =	vld [tilespmem:s30+$0xFFFFFFD0]  }
0xcd: {  	[tilespmem:s30+$0xFFFFFF70] =	vst v5;
	v5 =	vmul.f32 v8, v4;
	v8 =	vld [tilespmem:s30+$0xFFFFFFE0]  }
0xce: {  	[tilespmem:s30+$0xFFFFFF80] =	vst v7;
	v7 =	vmul.f32 v12, v4;
	v11 =	vld [tilespmem:s30+$0xFFFFFFF0]  }
0xcf: {  	[tilespmem:s30+$0xFFFFFF90] =	vst v5;
	v5 =	vmul.f32 v9, v4;
	v9 =	vld [tilespmem:s30+$0x0]  }
0xd0: {  	[tilespmem:s30+$0xFFFFFFA0] =	vst v7;
	v6 =	vmul.f32 v6, v4;
	v7 =	vld [tilespmem:s30+$0x10]  }
0xd1: {  	[tilespmem:s30+$0xFFFFFFB0] =	vst v5;
	v5 =	vmul.f32 v10, v4;
	v10 =	vld [tilespmem:s30+$0x20]  }
0xd2: {  	[tilespmem:s30+$0xFFFFFFC0] =	vst v6;
	v6 =	vmul.f32 v8, v4;
	v8 =	vld [tilespmem:s30+$0x30]  }
0xd3: {  	[tilespmem:s30+$0xFFFFFFD0] =	vst v5;
	v4 =	vmul.f32 v11, v4;
	v5 =	vld [tilespmem:s30+$0x40]  }
0xd4: {  	[tilespmem:s30+$0xFFFFFFE0] =	vst v6;
	v6 =	vmul.f32 v9, v3;
	v9 =	vld [tilespmem:s30+$0x50]  }
0xd5: {  	[tilespmem:s30+$0xFFFFFFF0] =	vst v4;
	v4 =	vmul.f32 v7, v3;
	v7 =	vld [tilespmem:s30+$0x60]  }
0xd6: {  	[tilespmem:s30+$0x0] =	vst v6;
	v6 =	vmul.f32 v10, v3;
	v10 =	vld [tilespmem:s30+$0x70]  }
0xd7: {  	[tilespmem:s30+$0x10] =	vst v4;
	v4 =	vmul.f32 v8, v3;
	v8 =	vld [tilespmem:s30+$0x80]  }
0xd8: {  	[tilespmem:s30+$0x20] =	vst v6;
	v5 =	vmul.f32 v5, v3;
	v6 =	vld [tilespmem:s30+$0x90]  }
0xd9: {  	[tilespmem:s30+$0x30] =	vst v4;
	v4 =	vmul.f32 v9, v3;
	v9 =	vld [tilespmem:s30+$0xA0]  }
0xda: {  	[tilespmem:s30+$0x40] =	vst v5;
	v5 =	vmul.f32 v7, v3;
	v7 =	vld [tilespmem:s30+$0xB0]  }
0xdb: {  	[tilespmem:s30+$0x50] =	vst v4;
	v3 =	vmul.f32 v10, v3;
	v4 =	vld [tilespmem:s30+$0xC0]  }
0xdc: {  	[tilespmem:s30+$0x60] =	vst v5;
	v5 =	vmul.f32 v8, v2;
	v8 =	vld [tilespmem:s30+$0xD0]  }
0xdd: {  	[tilespmem:s30+$0x70] =	vst v3;
	v3 =	vmul.f32 v6, v2;
	v6 =	vld [tilespmem:s30+$0xE0]  }
0xde: {  	[tilespmem:s30+$0x80] =	vst v5;
	v5 =	vmul.f32 v9, v2;
	v9 =	vld [tilespmem:s30+$0xF0]  }
0xdf: {  	[tilespmem:s30+$0x90] =	vst v3;
	v3 =	vmul.f32 v7, v2;
	v10 =	vld [tilespmem:s30+$0x100]  }
.Ltmp4:
0xe0: {  	[tilespmem:s30+$0xA0] =	vst v5;
	v5 =	vmul.f32 v4, v2;
	v7 =	vld [tilespmem:s30+$0x110];
	(pc) =	sbr.rel @p3 .LBB2_7-.Ltmp4, $4  }
0xe1: {  	[tilespmem:s30+$0xB0] =	vst v3;
	v8 =	vmul.f32 v8, v2;
	v4 =	vld [tilespmem:s30+$0x120]  }
0xe2: {  	[tilespmem:s30+$0xC0] =	vst v5;
	v6 =	vmul.f32 v6, v2;
	v3 =	vld [tilespmem:s30+$0x130]  }
0xe3: {  	[tilespmem:s30+$0xD0] =	vst v8;
	v8 =	vmul.f32 v9, v2;
	v5 =	vld [tilespmem:s30+$0x140]  }
0xe4: {  	s7 =	sadd.s32 s29, s2;
	s2 =	sadd.s32 $0x8, s2;
	[tilespmem:s30+$0xE0] =	vst v6;
	v2 =	vmul.f32 v10, v0;
	v6 =	vld [tilespmem:s30+$0x150]  }
0xe5: {  	v9 =	vld [tilespmem:s30+$0x160]  }
0xe6: {  	s0 =	sadd.s32 $0x6, s7;
	v11 =	vld [tilespmem:s30+$0x180]  }
0xe7: {  	v12 =	vld [tilespmem:s30+$0x190];
	v10 =	vmov s0  }
0xe8: {  	v14 =	vld [tilespmem:s30+$0x1A0];
	v10 =	vand.u32 $0xFFFFFFFE, v10  }
0xe9: {  	v17 =	vld [tilespmem:s30+$0x1B0];
	v10 =	vbroadcast v10, $0x0  }
0xea: {  	v19 =	vld [tilespmem:s30+$0x1C0]  }
0xeb: {  	s11 =	sadd.s32 $0x1, s7;
	v21 =	vld [tilespmem:s30+$0x1D0]  }
0xec: {  	s12 =	sadd.s32 $0x2, s7;
	v23 =	vld [tilespmem:s30+$0x1E0];
	v13 =	vmov s11;
	s11 =	sadd.s32 $0x5, s7  }
0xed: {  	[tilespmem:s30+$0xF0] =	vst v8;
	v7 =	vmul.f32 v7, v0;
	v43 =	vld [tilespmem:s30+$0x1F0];
	v16 =	vmov s12;
	s12 =	sadd.s32 $0x400, s30;
	v22 =	vmov s11  }
0xee: {  	v15 =	vmov s7;
	[tilespmem:s30+$0x100] =	vst v2;
	v4 =	vmul.f32 v4, v0;
	v47 =	vld [tilespmem:s12+$0xFFFFFE40];
	v8 =	vand.u32 $0xFFFFFFFD, v22  }
0xef: {  	v15 =	vand.u32 $0xFFFFFFF8, v15;
	[tilespmem:s30+$0x110] =	vst v7;
	v3 =	vmul.f32 v3, v0;
	v8 =	vbroadcast v8, $0x0;
	v2 =	vld.idx.msk [tilespmem:v10+s24+$0x0], $0xffff  }
0xf0: {  	v7 =	vbroadcast v15, $0x0;
	v5 =	vmul.f32 v5, v0;
	[tilespmem:s31+$0x120] =	vst v4;
	v10 =	vld [tilespmem:s12+$0x170]  }
0xf1: {  	v48 =	vld [tilespmem:s12+$0xFFFFFE50];
	v4 =	vmul.f32 v6, v0;
	[tilespmem:s31+$0x130] =	vst v3  }
0xf2: {  	v49 =	vld [tilespmem:s12+$0xFFFFFE90];
	v0 =	vmul.f32 v9, v0;
	[tilespmem:s31+$0x140] =	vst v5  }
0xf3: {  	v50 =	vld [tilespmem:s12+$0xFFFFFEA0];
	v9 =	vmul.f32 v11, v1;
	[tilespmem:s31+$0x150] =	vst v4  }
0xf4: {  	v51 =	vld [tilespmem:s12+$0xFFFFFEF0];
	v11 =	vmul.f32 v12, v1;
	[tilespmem:s31+$0x160] =	vst v0  }
0xf5: {  	v13 =	vand.u32 $0xFFFFFFF9, v13;
	[tilespmem:s31+$0x180] =	vst v9;
	v3 =	vld.idx.msk [tilespmem:v8+s24+$0x0], $0xffff;
	v8 =	vmul.f32 v10, v2  }
0xf6: {  	v13 =	vbroadcast v13, $0x0;
	v9 =	vmul.f32 v14, v1;
	[tilespmem:s31+$0x190] =	vst v11;
	v7 =	vld.idx.msk [tilespmem:v7+s24+$0x0], $0xffff  }
0xf7: {  	v10 =	vmul.f32 v17, v1;
	[tilespmem:s12+$0x170] =	vst v8;
	v8 =	vld [tilespmem:s12+$0xFFFFFE00]  }
0xf8: {  	v11 =	vmul.f32 v19, v1;
	[tilespmem:s31+$0x1A0] =	vst v9;
	v9 =	vld [tilespmem:s12+$0xFFFFFE10]  }
0xf9: {  	v45 =	vmul.f32 v21, v1;
	[tilespmem:s31+$0x1B0] =	vst v10;
	v10 =	vld [tilespmem:s12+$0xFFFFFE20]  }
0xfa: {  	v46 =	vmul.f32 v23, v1;
	[tilespmem:s31+$0x1C0] =	vst v11;
	v11 =	vld [tilespmem:s12+$0xFFFFFE30]  }
0xfb: {  	s2 =	sadd.s32 $0x3, s7;
	s9 =	sadd.s32 $0x4, s7;
	s7 =	sadd.s32 $0x7, s7;
	v52 =	vld [tilespmem:s12+$0xFFFFFF40];
	[tilespmem:s31+$0x1D0] =	vst v45;
	v1 =	vmul.f32 v43, v1  }
0xfc: {  	v44 =	vmov s7;
	[tilespmem:s31+$0x1E0] =	vst v46;
	v13 =	vld.idx.msk [tilespmem:v13+s24+$0x0], $0xffff;
	v8 =	vmul.f32 v8, v7  }
0xfd: {  	[tilespmem:s31+$0x1F0] =	vst v1;
	v1 =	vmul.f32 v9, v7;
	v9 =	vld [tilespmem:s12+$0xFFFFFE60]  }
0xfe: {  	[tilespmem:s12+$0xFFFFFE00] =	vst v8;
	v8 =	vmul.f32 v10, v7;
	v10 =	vld [tilespmem:s12+$0xFFFFFE70]  }
0xff: {  	v16 =	vand.u32 $0xFFFFFFFA, v16;
	[tilespmem:s12+$0xFFFFFE10] =	vst v1;
	v1 =	vmul.f32 v11, v7;
	v11 =	vld [tilespmem:s12+$0xFFFFFE80]  }
0x100: {  	v53 =	vld [tilespmem:s12+$0xFFFFFF90];
	v16 =	vbroadcast v16, $0x0;
	[tilespmem:s12+$0xFFFFFE20] =	vst v8;
	v8 =	vmul.f32 v47, v7  }
0x101: {  	v0 =	vld.idx.msk [tilespmem:v44+s24+$0x0], $0xffff;
	[tilespmem:s12+$0xFFFFFE30] =	vst v1;
	v1 =	vmul.f32 v48, v7  }
0x102: {  	[tilespmem:s12+$0xFFFFFE40] =	vst v8;
	v8 =	vmul.f32 v9, v7;
	v9 =	vld [tilespmem:s12+$0xFFFFFEB0]  }
0x103: {  	v18 =	vmov s2;
	[tilespmem:s12+$0xFFFFFE50] =	vst v1;
	v1 =	vmul.f32 v10, v7;
	v7 =	vld [tilespmem:s12+$0xFFFFFEC0]  }
0x104: {  	v18 =	vand.u32 $0xFFFFFFFB, v18;
	v10 =	vld [tilespmem:s12+$0xFFFFFED0];
	[tilespmem:s12+$0xFFFFFE60] =	vst v8;
	v8 =	vmul.f32 v11, v13  }
0x105: {  	v18 =	vbroadcast v18, $0x0;
	v11 =	vld [tilespmem:s12+$0xFFFFFEE0];
	[tilespmem:s12+$0xFFFFFE70] =	vst v1;
	v1 =	vmul.f32 v49, v13  }
0x106: {  	v6 =	vld.idx.msk [tilespmem:v16+s24+$0x0], $0xffff;
	[tilespmem:s12+$0xFFFFFE80] =	vst v8;
	v8 =	vmul.f32 v50, v13  }
0x107: {  	[tilespmem:s12+$0xFFFFFE90] =	vst v1;
	v1 =	vmul.f32 v9, v13;
	v9 =	vld [tilespmem:s12+$0xFFFFFF00]  }
0x108: {  	v20 =	vmov s9;
	[tilespmem:s12+$0xFFFFFEA0] =	vst v8;
	v7 =	vmul.f32 v7, v13;
	v8 =	vld [tilespmem:s12+$0xFFFFFF10]  }
0x109: {  	v20 =	vand.u32 $0xFFFFFFFC, v20;
	[tilespmem:s12+$0xFFFFFEB0] =	vst v1;
	v1 =	vmul.f32 v10, v13;
	v10 =	vld [tilespmem:s12+$0xFFFFFF20]  }
0x10a: {  	v20 =	vbroadcast v20, $0x0;
	[tilespmem:s12+$0xFFFFFEC0] =	vst v7;
	v7 =	vmul.f32 v11, v13;
	v11 =	vld [tilespmem:s12+$0xFFFFFF30]  }
0x10b: {  	v5 =	vld.idx.msk [tilespmem:v18+s24+$0x0], $0xffff;
	[tilespmem:s12+$0xFFFFFED0] =	vst v1;
	v1 =	vmul.f32 v51, v13  }
0x10c: {  	[tilespmem:s12+$0xFFFFFEE0] =	vst v7;
	v7 =	vmul.f32 v9, v6;
	v9 =	vld [tilespmem:s12+$0xFFFFFF50]  }
0x10d: {  	[tilespmem:s12+$0xFFFFFEF0] =	vst v1;
	v1 =	vmul.f32 v8, v6;
	v8 =	vld [tilespmem:s12+$0xFFFFFF60]  }
0x10e: {  	[tilespmem:s12+$0xFFFFFF00] =	vst v7;
	v7 =	vmul.f32 v10, v6;
	v10 =	vld [tilespmem:s12+$0xFFFFFF70]  }
0x10f: {  	[tilespmem:s12+$0xFFFFFF10] =	vst v1;
	v1 =	vmul.f32 v11, v6;
	v11 =	vld [tilespmem:s12+$0xFFFFFF80]  }
0x110: {  	v4 =	vld.idx.msk [tilespmem:v20+s24+$0x0], $0xffff;
	[tilespmem:s12+$0xFFFFFF20] =	vst v7;
	v7 =	vmul.f32 v52, v6  }
0x111: {  	[tilespmem:s12+$0xFFFFFF30] =	vst v1;
	v1 =	vmul.f32 v9, v6;
	v9 =	vld [tilespmem:s12+$0xFFFFFFA0]  }
0x112: {  	[tilespmem:s12+$0xFFFFFF40] =	vst v7;
	v7 =	vmul.f32 v8, v6;
	v8 =	vld [tilespmem:s12+$0xFFFFFFB0]  }
0x113: {  	[tilespmem:s12+$0xFFFFFF50] =	vst v1;
	v1 =	vmul.f32 v10, v6;
	v6 =	vld [tilespmem:s12+$0xFFFFFFC0]  }
0x114: {  	v10 =	vld [tilespmem:s12+$0xFFFFFFD0];
	[tilespmem:s12+$0xFFFFFF60] =	vst v7;
	v7 =	vmul.f32 v11, v5  }
0x115: {  	v11 =	vld [tilespmem:s12+$0xFFFFFFE0];
	[tilespmem:s12+$0xFFFFFF70] =	vst v1;
	v1 =	vmul.f32 v53, v5  }
0x116: {  	[tilespmem:s12+$0xFFFFFF80] =	vst v7;
	v7 =	vmul.f32 v9, v5;
	v9 =	vld [tilespmem:s12+$0xFFFFFFF0]  }
0x117: {  	[tilespmem:s12+$0xFFFFFF90] =	vst v1;
	v1 =	vmul.f32 v8, v5;
	v8 =	vld [tilespmem:s12+$0x0]  }
0x118: {  	[tilespmem:s12+$0xFFFFFFA0] =	vst v7;
	v6 =	vmul.f32 v6, v5;
	v7 =	vld [tilespmem:s12+$0x10]  }
0x119: {  	[tilespmem:s12+$0xFFFFFFB0] =	vst v1;
	v1 =	vmul.f32 v10, v5;
	v10 =	vld [tilespmem:s12+$0x20]  }
0x11a: {  	[tilespmem:s12+$0xFFFFFFC0] =	vst v6;
	v6 =	vmul.f32 v11, v5;
	v11 =	vld [tilespmem:s12+$0x30]  }
0x11b: {  	[tilespmem:s12+$0xFFFFFFD0] =	vst v1;
	v1 =	vmul.f32 v9, v5;
	v5 =	vld [tilespmem:s12+$0x40]  }
0x11c: {  	[tilespmem:s12+$0xFFFFFFE0] =	vst v6;
	v6 =	vmul.f32 v8, v4;
	v8 =	vld [tilespmem:s12+$0x50]  }
0x11d: {  	[tilespmem:s12+$0xFFFFFFF0] =	vst v1;
	v1 =	vmul.f32 v7, v4;
	v7 =	vld [tilespmem:s12+$0x60]  }
0x11e: {  	v9 =	vld [tilespmem:s12+$0x70];
	[tilespmem:s12+$0x0] =	vst v6;
	v6 =	vmul.f32 v10, v4  }
0x11f: {  	v10 =	vld [tilespmem:s12+$0x80];
	[tilespmem:s12+$0x10] =	vst v1;
	v1 =	vmul.f32 v11, v4  }
0x120: {  	[tilespmem:s12+$0x20] =	vst v6;
	v5 =	vmul.f32 v5, v4;
	v6 =	vld [tilespmem:s12+$0x90]  }
0x121: {  	[tilespmem:s12+$0x30] =	vst v1;
	v1 =	vmul.f32 v8, v4;
	v8 =	vld [tilespmem:s12+$0xA0]  }
0x122: {  	[tilespmem:s12+$0x40] =	vst v5;
	v5 =	vmul.f32 v7, v4;
	v7 =	vld [tilespmem:s12+$0xB0]  }
0x123: {  	[tilespmem:s12+$0x50] =	vst v1;
	v1 =	vmul.f32 v9, v4;
	v4 =	vld [tilespmem:s12+$0xC0]  }
0x124: {  	v9 =	vld [tilespmem:s12+$0xD0];
	[tilespmem:s12+$0x60] =	vst v5;
	v5 =	vmul.f32 v10, v3  }
0x125: {  	[tilespmem:s12+$0x70] =	vst v1;
	v1 =	vmul.f32 v6, v3;
	v6 =	vld [tilespmem:s12+$0xE0]  }
0x126: {  	[tilespmem:s12+$0x80] =	vst v5;
	v5 =	vmul.f32 v8, v3;
	v8 =	vld [tilespmem:s12+$0xF0]  }
0x127: {  	[tilespmem:s12+$0x90] =	vst v1;
	v1 =	vmul.f32 v7, v3;
	v7 =	vld [tilespmem:s12+$0x100]  }
0x128: {  	[tilespmem:s12+$0xA0] =	vst v5;
	v4 =	vmul.f32 v4, v3;
	v5 =	vld [tilespmem:s12+$0x110]  }
0x129: {  	[tilespmem:s12+$0xB0] =	vst v1;
	v1 =	vmul.f32 v9, v3;
	v9 =	vld [tilespmem:s12+$0x120]  }
0x12a: {  	[tilespmem:s12+$0xC0] =	vst v4;
	v4 =	vmul.f32 v6, v3;
	v6 =	vld [tilespmem:s12+$0x130]  }
0x12b: {  	[tilespmem:s12+$0xD0] =	vst v1;
	v1 =	vmul.f32 v8, v3;
	v3 =	vld [tilespmem:s12+$0x140]  }
0x12c: {  	[tilespmem:s12+$0xE0] =	vst v4;
	v4 =	vmul.f32 v7, v2;
	v7 =	vld [tilespmem:s12+$0x150]  }
0x12d: {  	[tilespmem:s12+$0xF0] =	vst v1;
	v1 =	vmul.f32 v5, v2;
	v5 =	vld [tilespmem:s12+$0x160]  }
0x12e: {  	[tilespmem:s12+$0x100] =	vst v4;
	v4 =	vld [tilespmem:s12+$0x180];
	v8 =	vmul.f32 v9, v2  }
0x12f: {  	v9 =	vld [tilespmem:s12+$0x1A0];
	[tilespmem:s12+$0x110] =	vst v1;
	v6 =	vmul.f32 v6, v2  }
0x130: {  	v1 =	vld [tilespmem:s12+$0x190];
	v3 =	vmul.f32 v3, v2;
	[tilespmem:s12+$0x120] =	vst v8  }
0x131: {  	v8 =	vld [tilespmem:s12+$0x1B0];
	v7 =	vmul.f32 v7, v2;
	[tilespmem:s12+$0x130] =	vst v6  }
0x132: {  	v6 =	vld [tilespmem:s12+$0x1C0];
	v2 =	vmul.f32 v5, v2;
	[tilespmem:s12+$0x140] =	vst v3  }
0x133: {  	v3 =	vld [tilespmem:s12+$0x1D0];
	v4 =	vmul.f32 v4, v0;
	[tilespmem:s12+$0x150] =	vst v7  }
0x134: {  	v5 =	vld [tilespmem:s12+$0x1E0];
	v7 =	vmul.f32 v9, v0;
	[tilespmem:s12+$0x160] =	vst v2  }
0x135: {  	v1 =	vmul.f32 v1, v0;
	v2 =	vld [tilespmem:s12+$0x1F0];
	[tilespmem:s12+$0x180] =	vst v4  }
0x136: {  	v4 =	vmul.f32 v8, v0;
	[tilespmem:s12+$0x1A0] =	vst v7  }
0x137: {  	[tilespmem:s12+$0x190] =	vst v1;
	v1 =	vmul.f32 v6, v0  }
0x138: {  	v3 =	vmul.f32 v3, v0;
	[tilespmem:s12+$0x1B0] =	vst v4  }
0x139: {  	s31 =	sadd.s32 $0x28, s29;
	v4 =	vmul.f32 v5, v0;
	[tilespmem:s12+$0x1C0] =	vst v1  }
0x13a: {  	s2 =	sadd.s32 $0x0, s31;
	v0 =	vmul.f32 v2, v0;
	[tilespmem:s12+$0x1D0] =	vst v3  }
0x13b: {  	s9 =	sadd.s32 $0x6, s2;
	[tilespmem:s12+$0x1E0] =	vst v4  }
0x13c: {  	s11 =	simm.s32 $0x6;
	[tilespmem:s12+$0x1F0] =	vst v0;
	v0 =	vmov s9  }
0x13d: {  	_ =	swait.ge [sflag:s11], $0x28;
	v0 =	vand.u32 $0xFFFFFFFE, v0  }
0x13e: {  	v1 =	vmov s2;
	[sflag:s11] =	ssyncset.done $0x0;
	v0 =	vbroadcast v0, $0x0  }
0x13f: {  	v1 =	vand.u32 $0xFFFFFFF8, v1;
	s12 =	simm.s32 $0x5180;
	[sflag:s11] =	ssyncadd.s32 $0xFFFFFFD8  }
0x140: {  	v1 =	vbroadcast v1, $0x0;
	[spmem:s4] =	stream.indirect.scatter.add.f32 [tilespmem:s12], [sflag:$0xB], $0x80, s13, s26, $0xb8;
	[tilespmem:$0x1EE00] =	vst v63  }
0x141: {  	_ =	swait.ge [sflag:s14], $0x1400  }
0x142: {  	[sflag:s14] =	ssyncset.done $0x0  }
0x143: {  	[sflag:s14] =	ssyncadd.s32 $0xFFFFEC00  }
0x144: {  	s30 =	simm.s32 $0x6780;
	v0 =	vld.idx.msk [tilespmem:v0+s24+$0x0], $0xffff  }
0x145: {  	v2 =	vld [tilespmem:s30+$0x170]  }
0x146: {  	v1 =	vld.idx.msk [tilespmem:v1+s24+$0x0], $0xffff  }
0x147: {  	v4 =	vld [tilespmem:s30+$0xFFFFFE00]  }
0x148: {  	v5 =	vld [tilespmem:s30+$0xFFFFFE10]  }
0x149: {  	v6 =	vld [tilespmem:s30+$0xFFFFFE20]  }
0x14a: {  	v7 =	vld [tilespmem:s30+$0xFFFFFE30]  }
0x14b: {  	s13 =	sadd.s32 $0x1, s2;
	v8 =	vld [tilespmem:s30+$0xFFFFFE40]  }
0x14c: {  	v3 =	vmov s13;
	v9 =	vld [tilespmem:s30+$0xFFFFFE50]  }
0x14d: {  	v3 =	vand.u32 $0xFFFFFFF9, v3;
	v10 =	vld [tilespmem:s30+$0xFFFFFE60]  }
0x14e: {  	v3 =	vbroadcast v3, $0x0;
	v11 =	vld [tilespmem:s30+$0xFFFFFE70]  }
0x14f: {  	v54 =	vld [tilespmem:s30+$0xFFFFFE80]  }
0x150: {  	v55 =	vld [tilespmem:s30+$0xFFFFFE90]  }
0x151: {  	v56 =	vld [tilespmem:s30+$0xFFFFFEA0];
	v4 =	vmul.f32 v4, v1  }
0x152: {  	v57 =	vld [tilespmem:s30+$0xFFFFFEB0];
	v2 =	vmul.f32 v2, v0  }
0x153: {  	v58 =	vld [tilespmem:s30+$0xFFFFFED0];
	v5 =	vmul.f32 v5, v1;
	[tilespmem:s30+$0xFFFFFE00] =	vst v4  }
0x154: {  	s7 =	sadd.s32 $0x2, s2;
	v3 =	vld.idx.msk [tilespmem:v3+s24+$0x0], $0xffff;
	v7 =	vmul.f32 v7, v1;
	[tilespmem:s30+$0x170] =	vst v2  }
0x155: {  	v59 =	vld [tilespmem:s30+$0xFFFFFF30];
	v8 =	vmul.f32 v8, v1;
	v4 =	vmov s7;
	[tilespmem:s30+$0xFFFFFE10] =	vst v5  }
0x156: {  	v60 =	vld [tilespmem:s30+$0xFFFFFF40];
	v2 =	vmul.f32 v6, v1;
	[tilespmem:s30+$0xFFFFFE30] =	vst v7;
	v4 =	vand.u32 $0xFFFFFFFA, v4  }
0x157: {  	v61 =	vld [tilespmem:s30+$0xFFFFFFB0];
	v7 =	vmul.f32 v9, v1;
	[tilespmem:s30+$0xFFFFFE40] =	vst v8;
	v4 =	vbroadcast v4, $0x0  }
0x158: {  	v62 =	vld [tilespmem:s30+$0xFFFFFFC0];
	v8 =	vmul.f32 v10, v1;
	[tilespmem:s30+$0xFFFFFE20] =	vst v2  }
0x159: {  	v6 =	vld [tilespmem:s30+$0xFFFFFEC0];
	[tilespmem:s30+$0xFFFFFE50] =	vst v7;
	v5 =	vmul.f32 v54, v3  }
0x15a: {  	s9 =	sadd.s32 $0x3, s2;
	v9 =	vld [tilespmem:s30+$0xFFFFFEF0];
	v1 =	vmul.f32 v11, v1;
	[tilespmem:s30+$0xFFFFFE60] =	vst v8  }
0x15b: {  	v2 =	vld [tilespmem:s30+$0xFFFFFEE0];
	v8 =	vmul.f32 v55, v3;
	[tilespmem:s30+$0xFFFFFE80] =	vst v5;
	v5 =	vmov s9  }
0x15c: {  	v10 =	vld [tilespmem:s30+$0xFFFFFF00];
	[tilespmem:s30+$0xFFFFFE70] =	vst v1;
	v1 =	vmul.f32 v56, v3;
	v5 =	vand.u32 $0xFFFFFFFB, v5  }
0x15d: {  	v12 =	vmul.f32 v58, v3;
	[tilespmem:s30+$0xFFFFFE90] =	vst v8;
	v5 =	vbroadcast v5, $0x0;
	v4 =	vld.idx.msk [tilespmem:v4+s24+$0x0], $0xffff  }
0x15e: {  	v7 =	vld [tilespmem:s30+$0xFFFFFF10];
	v8 =	vmul.f32 v57, v3;
	[tilespmem:s30+$0xFFFFFEA0] =	vst v1  }
0x15f: {  	v11 =	vld [tilespmem:s30+$0xFFFFFF20];
	v6 =	vmul.f32 v6, v3;
	[tilespmem:s30+$0xFFFFFED0] =	vst v12  }
0x160: {  	[tilespmem:s30+$0xFFFFFEB0] =	vst v8;
	v8 =	vld [tilespmem:s30+$0xFFFFFF60];
	v2 =	vmul.f32 v2, v3  }
0x161: {  	v63 =	vld [tilespmem:s30+$0x30];
	[tilespmem:s30+$0xFFFFFEC0] =	vst v6;
	v3 =	vmul.f32 v9, v3  }
0x162: {  	v9 =	vld [tilespmem:s30+$0xFFFFFF80];
	[tilespmem:s30+$0xFFFFFEE0] =	vst v2;
	v1 =	vmul.f32 v10, v4  }
0x163: {  	[tilespmem:s30+$0xFFFFFEF0] =	vst v3;
	v5 =	vld.idx.msk [tilespmem:v5+s24+$0x0], $0xffff;
	v2 =	vmul.f32 v7, v4  }
0x164: {  	s11 =	sadd.s32 $0x4, s2;
	v10 =	vld [tilespmem:s30+$0xFFFFFF50];
	v3 =	vmul.f32 v11, v4;
	[tilespmem:s30+$0xFFFFFF00] =	vst v1  }
0x165: {  	v6 =	vld [tilespmem:s30+$0xFFFFFF70];
	v8 =	vmul.f32 v8, v4;
	v1 =	vmov s11;
	[tilespmem:s30+$0xFFFFFF10] =	vst v2  }
0x166: {  	v7 =	vld [tilespmem:s30+$0xFFFFFF90];
	v2 =	vmul.f32 v59, v4;
	[tilespmem:s30+$0xFFFFFF20] =	vst v3;
	v1 =	vand.u32 $0xFFFFFFFC, v1  }
0x167: {  	v11 =	vld [tilespmem:s30+$0xFFFFFFA0];
	v3 =	vmul.f32 v60, v4;
	[tilespmem:s30+$0xFFFFFF60] =	vst v8;
	v1 =	vbroadcast v1, $0x0  }
0x168: {  	v8 =	vld [tilespmem:s30+$0x0];
	[tilespmem:s30+$0xFFFFFF30] =	vst v2;
	v2 =	vmul.f32 v9, v5  }
0x169: {  	[tilespmem:s30+$0xFFFFFF40] =	vst v3;
	v3 =	vld [tilespmem:s30+$0xFFFFFFE0];
	v10 =	vmul.f32 v10, v4  }
0x16a: {  	s12 =	sadd.s32 $0x5, s2;
	v9 =	vld [tilespmem:s30+$0xFFFFFFD0];
	v4 =	vmul.f32 v6, v4;
	[tilespmem:s30+$0xFFFFFF80] =	vst v2  }
0x16b: {  	v6 =	vld [tilespmem:s30+$0xFFFFFFF0];
	v7 =	vmul.f32 v7, v5;
	v2 =	vmov s12;
	[tilespmem:s30+$0xFFFFFF50] =	vst v10  }
0x16c: {  	[tilespmem:s30+$0xFFFFFF70] =	vst v4;
	v4 =	vmul.f32 v11, v5;
	v10 =	vld [tilespmem:s30+$0x10];
	v2 =	vand.u32 $0xFFFFFFFD, v2  }
0x16d: {  	[tilespmem:s30+$0xFFFFFF90] =	vst v7;
	v7 =	vmul.f32 v61, v5;
	v2 =	vbroadcast v2, $0x0;
	v1 =	vld.idx.msk [tilespmem:v1+s24+$0x0], $0xffff  }
0x16e: {  	v11 =	vld [tilespmem:s30+$0x20];
	[tilespmem:s30+$0xFFFFFFA0] =	vst v4;
	v4 =	vmul.f32 v62, v5  }
0x16f: {  	[tilespmem:s30+$0xFFFFFFB0] =	vst v7;
	v7 =	vmul.f32 v9, v5;
	v9 =	vld [tilespmem:s30+$0x40]  }
0x170: {  	v3 =	vmul.f32 v3, v5;
	v5 =	vmul.f32 v6, v5;
	v6 =	vld [tilespmem:s30+$0x80];
	[tilespmem:s30+$0xFFFFFFC0] =	vst v4  }
0x171: {  	[tilespmem:s30+$0xFFFFFFD0] =	vst v7;
	v7 =	vld [tilespmem:s30+$0x60]  }
0x172: {  	[tilespmem:s30+$0xFFFFFFE0] =	vst v3;
	v4 =	vmul.f32 v8, v1;
	v8 =	vld [tilespmem:s30+$0x50]  }
0x173: {  	[tilespmem:s30+$0xFFFFFFF0] =	vst v5;
	v2 =	vld.idx.msk [tilespmem:v2+s24+$0x0], $0xffff;
	v5 =	vmul.f32 v11, v1  }
0x174: {  	v3 =	vmul.f32 v10, v1;
	v10 =	vld [tilespmem:s30+$0x90];
	[tilespmem:s30+$0x0] =	vst v4  }
0x175: {  	s13 =	sadd.s32 $0x7, s2;
	v4 =	vld [tilespmem:s30+$0x70];
	[tilespmem:s30+$0x20] =	vst v5;
	v5 =	vmul.f32 v9, v1  }
0x176: {  	v11 =	vmov s13;
	[tilespmem:s30+$0x10] =	vst v3;
	v3 =	vmul.f32 v63, v1;
	v9 =	vld [tilespmem:s30+$0xA0]  }
0x177: {  	[tilespmem:s30+$0x40] =	vst v5;
	v5 =	vmul.f32 v7, v1;
	v7 =	vld [tilespmem:s30+$0xC0]  }
0x178: {  	[tilespmem:s30+$0x30] =	vst v3;
	v3 =	vmul.f32 v8, v1;
	v8 =	vld [tilespmem:s30+$0xB0]  }
0x179: {  	v10 =	vmul.f32 v10, v2;
	[tilespmem:s30+$0x60] =	vst v5;
	v5 =	vld [tilespmem:s30+$0xE0]  }
0x17a: {  	[tilespmem:s30+$0x50] =	vst v3;
	v3 =	vmul.f32 v6, v2;
	v6 =	vld [tilespmem:s30+$0xD0]  }
0x17b: {  	v4 =	vmul.f32 v4, v1;
	v1 =	vld.idx.msk [tilespmem:v11+s24+$0x0], $0xffff;
	[tilespmem:s30+$0x90] =	vst v10  }
0x17c: {  	[tilespmem:s30+$0x80] =	vst v3;
	v3 =	vmul.f32 v9, v2;
	v9 =	vld [tilespmem:s30+$0xF0]  }
0x17d: {  	v10 =	vld [tilespmem:s30+$0x100];
	[tilespmem:s30+$0x70] =	vst v4;
	v4 =	vmul.f32 v8, v2  }
0x17e: {  	[tilespmem:s30+$0xA0] =	vst v3;
	v3 =	vmul.f32 v7, v2;
	v7 =	vld [tilespmem:s30+$0x110]  }
0x17f: {  	v11 =	vmul.f32 v5, v2;
	v5 =	vld [tilespmem:s30+$0x140];
	[tilespmem:s30+$0xB0] =	vst v4  }
0x180: {  	v6 =	vmul.f32 v6, v2;
	v4 =	vld [tilespmem:s30+$0x120];
	[tilespmem:s30+$0xC0] =	vst v3  }
0x181: {  	v3 =	vld [tilespmem:s30+$0x130];
	[tilespmem:s30+$0xE0] =	vst v11;
	v8 =	vmul.f32 v9, v2  }
0x182: {  	s0 =	simm.s32 $0x10;
	s2 =	simm.s32 $0x6780;
	s7 =	sadd.s32 $0x8, s31;
	[tilespmem:s30+$0xD0] =	vst v6;
	v2 =	vmul.f32 v10, v0;
	v6 =	vld [tilespmem:s30+$0x150]  }
.LBB2_9:
0x183: {  	p3 =	slt.u32 s0, $0x20;
	v9 =	vmov s7;
	s9 =	sadd.s32 $0x1, s7;
	s11 =	sadd.s32 $0x6, s7;
	[tilespmem:s30+$0xF0] =	vst v8;
	v7 =	vmul.f32 v7, v0;
	v8 =	vld [tilespmem:s30+$0x160]  }
0x184: {  	s12 =	sadd.s32 $0x3, s7;
	s13 =	sadd.s32 $0x4, s7;
	v9 =	vand.u32 $0xFFFFFFF8, v9;
	v10 =	vmov s9;
	s9 =	sadd.s32 $0x2, s7;
	v11 =	vmov s11;
	[tilespmem:s30+$0x100] =	vst v2;
	v2 =	vld [tilespmem:s30+$0x180]  }
0x185: {  	v13 =	vmov s12;
	v12 =	vmov s9;
	s9 =	sadd.s32 $0x5, s7;
	v11 =	vand.u32 $0xFFFFFFFE, v11;
	s7 =	sadd.s32 $0x7, s7;
	[tilespmem:s30+$0x110] =	vst v7;
	v7 =	vld [tilespmem:s30+$0x190]  }
0x186: {  	v14 =	vmov s13;
	v15 =	vmov s9;
	v11 =	vbroadcast v11, $0x0;
	v16 =	vld [tilespmem:s30+$0x1A0]  }
0x187: {  	v10 =	vand.u32 $0xFFFFFFF9, v10;
	v13 =	vand.u32 $0xFFFFFFFB, v13;
	v12 =	vand.u32 $0xFFFFFFFA, v12;
	v17 =	vld [tilespmem:s30+$0x1B0]  }
0x188: {  	v14 =	vand.u32 $0xFFFFFFFC, v14;
	v10 =	vbroadcast v10, $0x0;
	v15 =	vand.u32 $0xFFFFFFFD, v15;
	v18 =	vld [tilespmem:s30+$0x1C0]  }
0x189: {  	v13 =	vbroadcast v13, $0x0;
	v19 =	vmov s7;
	v12 =	vbroadcast v12, $0x0;
	v20 =	vld [tilespmem:s30+$0x1D0]  }
0x18a: {  	v14 =	vbroadcast v14, $0x0;
	v15 =	vbroadcast v15, $0x0;
	v21 =	vld [tilespmem:s30+$0x1E0]  }
0x18b: {  	v4 =	vmul.f32 v4, v0;
	v9 =	vbroadcast v9, $0x0;
	v22 =	vld [tilespmem:s30+$0x1F0]  }
0x18c: {  	v3 =	vmul.f32 v3, v0;
	v23 =	vmul.f32 v5, v0;
	s30 =	sadd.s32 $0x400, s30;
	v11 =	vld.idx.msk [tilespmem:v11+s24+$0x0], $0xffff  }
0x18d: {  	v6 =	vmul.f32 v6, v0;
	v0 =	vmul.f32 v8, v0;
	v24 =	vld [tilespmem:s30+$0x170];
	[tilespmem:s2+$0x120] =	vst v4  }
0x18e: {  	v7 =	vmul.f32 v7, v1;
	v8 =	vld.idx.msk [tilespmem:v10+s24+$0x0], $0xffff;
	[tilespmem:s2+$0x130] =	vst v3;
	v10 =	vmul.f32 v2, v1  }
0x18f: {  	v5 =	vld.idx.msk [tilespmem:v12+s24+$0x0], $0xffff;
	[tilespmem:s2+$0x140] =	vst v23;
	v12 =	vmul.f32 v16, v1;
	v16 =	vmul.f32 v17, v1  }
0x190: {  	v4 =	vld.idx.msk [tilespmem:v13+s24+$0x0], $0xffff;
	[tilespmem:s2+$0x150] =	vst v6;
	v6 =	vmul.f32 v18, v1;
	v13 =	vmul.f32 v20, v1  }
0x191: {  	v17 =	vmul.f32 v22, v1;
	v3 =	vld.idx.msk [tilespmem:v14+s24+$0x0], $0xffff;
	[tilespmem:s2+$0x160] =	vst v0;
	v14 =	vmul.f32 v21, v1  }
0x192: {  	v0 =	vmov v11;
	v2 =	vld.idx.msk [tilespmem:v15+s24+$0x0], $0xffff;
	v1 =	vmul.f32 v24, v11;
	[tilespmem:s2+$0x180] =	vst v10  }
0x193: {  	v9 =	vld.idx.msk [tilespmem:v9+s24+$0x0], $0xffff;
	[tilespmem:s2+$0x190] =	vst v7  }
0x194: {  	[tilespmem:s30+$0x170] =	vst v1;
	v1 =	vld.idx.msk [tilespmem:v19+s24+$0x0], $0xffff  }
0x195: {  	v7 =	vld [tilespmem:s30+$0xFFFFFE00];
	[tilespmem:s2+$0x1A0] =	vst v12  }
0x196: {  	v10 =	vld [tilespmem:s30+$0xFFFFFE10];
	[tilespmem:s2+$0x1B0] =	vst v16  }
0x197: {  	v11 =	vld [tilespmem:s30+$0xFFFFFE20];
	[tilespmem:s2+$0x1C0] =	vst v6  }
0x198: {  	v6 =	vld [tilespmem:s30+$0xFFFFFE30];
	[tilespmem:s2+$0x1D0] =	vst v13  }
0x199: {  	v12 =	vld [tilespmem:s30+$0xFFFFFE40];
	[tilespmem:s2+$0x1E0] =	vst v14  }
0x19a: {  	v7 =	vmul.f32 v7, v9;
	v13 =	vld [tilespmem:s30+$0xFFFFFE50];
	[tilespmem:s2+$0x1F0] =	vst v17;
	s2 =	smov.u32 s30  }
0x19b: {  	v10 =	vmul.f32 v10, v9;
	v14 =	vld [tilespmem:s30+$0xFFFFFE60]  }
0x19c: {  	[tilespmem:s30+$0xFFFFFE00] =	vst v7;
	v7 =	vmul.f32 v11, v9;
	v11 =	vld [tilespmem:s30+$0xFFFFFE70]  }
0x19d: {  	[tilespmem:s30+$0xFFFFFE10] =	vst v10;
	v6 =	vmul.f32 v6, v9;
	v10 =	vld [tilespmem:s30+$0xFFFFFE80]  }
0x19e: {  	[tilespmem:s30+$0xFFFFFE20] =	vst v7;
	v7 =	vmul.f32 v12, v9;
	v12 =	vld [tilespmem:s30+$0xFFFFFE90]  }
0x19f: {  	[tilespmem:s30+$0xFFFFFE30] =	vst v6;
	v6 =	vmul.f32 v13, v9;
	v13 =	vld [tilespmem:s30+$0xFFFFFEA0]  }
0x1a0: {  	[tilespmem:s30+$0xFFFFFE40] =	vst v7;
	v7 =	vmul.f32 v14, v9;
	v14 =	vld [tilespmem:s30+$0xFFFFFEB0]  }
0x1a1: {  	[tilespmem:s30+$0xFFFFFE50] =	vst v6;
	v6 =	vmul.f32 v11, v9;
	v9 =	vld [tilespmem:s30+$0xFFFFFEC0]  }
0x1a2: {  	[tilespmem:s30+$0xFFFFFE60] =	vst v7;
	v7 =	vmul.f32 v10, v8;
	v10 =	vld [tilespmem:s30+$0xFFFFFED0]  }
0x1a3: {  	[tilespmem:s30+$0xFFFFFE70] =	vst v6;
	v6 =	vmul.f32 v12, v8;
	v11 =	vld [tilespmem:s30+$0xFFFFFEE0]  }
0x1a4: {  	[tilespmem:s30+$0xFFFFFE80] =	vst v7;
	v7 =	vmul.f32 v13, v8;
	v12 =	vld [tilespmem:s30+$0xFFFFFEF0]  }
0x1a5: {  	[tilespmem:s30+$0xFFFFFE90] =	vst v6;
	v6 =	vmul.f32 v14, v8;
	v13 =	vld [tilespmem:s30+$0xFFFFFF00]  }
0x1a6: {  	[tilespmem:s30+$0xFFFFFEA0] =	vst v7;
	v7 =	vmul.f32 v9, v8;
	v9 =	vld [tilespmem:s30+$0xFFFFFF10]  }
0x1a7: {  	[tilespmem:s30+$0xFFFFFEB0] =	vst v6;
	v6 =	vmul.f32 v10, v8;
	v10 =	vld [tilespmem:s30+$0xFFFFFF20]  }
0x1a8: {  	[tilespmem:s30+$0xFFFFFEC0] =	vst v7;
	v7 =	vmul.f32 v11, v8;
	v11 =	vld [tilespmem:s30+$0xFFFFFF30]  }
0x1a9: {  	[tilespmem:s30+$0xFFFFFED0] =	vst v6;
	v6 =	vmul.f32 v12, v8;
	v8 =	vld [tilespmem:s30+$0xFFFFFF40]  }
0x1aa: {  	[tilespmem:s30+$0xFFFFFEE0] =	vst v7;
	v7 =	vmul.f32 v13, v5;
	v12 =	vld [tilespmem:s30+$0xFFFFFF50]  }
0x1ab: {  	[tilespmem:s30+$0xFFFFFEF0] =	vst v6;
	v6 =	vmul.f32 v9, v5;
	v9 =	vld [tilespmem:s30+$0xFFFFFF60]  }
0x1ac: {  	[tilespmem:s30+$0xFFFFFF00] =	vst v7;
	v7 =	vmul.f32 v10, v5;
	v10 =	vld [tilespmem:s30+$0xFFFFFF70]  }
0x1ad: {  	[tilespmem:s30+$0xFFFFFF10] =	vst v6;
	v6 =	vmul.f32 v11, v5;
	v11 =	vld [tilespmem:s30+$0xFFFFFF80]  }
0x1ae: {  	[tilespmem:s30+$0xFFFFFF20] =	vst v7;
	v7 =	vmul.f32 v8, v5;
	v8 =	vld [tilespmem:s30+$0xFFFFFF90]  }
0x1af: {  	[tilespmem:s30+$0xFFFFFF30] =	vst v6;
	v6 =	vmul.f32 v12, v5;
	v12 =	vld [tilespmem:s30+$0xFFFFFFA0]  }
0x1b0: {  	[tilespmem:s30+$0xFFFFFF40] =	vst v7;
	v7 =	vmul.f32 v9, v5;
	v9 =	vld [tilespmem:s30+$0xFFFFFFB0]  }
0x1b1: {  	[tilespmem:s30+$0xFFFFFF50] =	vst v6;
	v5 =	vmul.f32 v10, v5;
	v6 =	vld [tilespmem:s30+$0xFFFFFFC0]  }
0x1b2: {  	[tilespmem:s30+$0xFFFFFF60] =	vst v7;
	v7 =	vmul.f32 v11, v4;
	v10 =	vld [tilespmem:s30+$0xFFFFFFD0]  }
0x1b3: {  	[tilespmem:s30+$0xFFFFFF70] =	vst v5;
	v5 =	vmul.f32 v8, v4;
	v8 =	vld [tilespmem:s30+$0xFFFFFFE0]  }
0x1b4: {  	[tilespmem:s30+$0xFFFFFF80] =	vst v7;
	v7 =	vmul.f32 v12, v4;
	v11 =	vld [tilespmem:s30+$0xFFFFFFF0]  }
0x1b5: {  	[tilespmem:s30+$0xFFFFFF90] =	vst v5;
	v5 =	vmul.f32 v9, v4;
	v9 =	vld [tilespmem:s30+$0x0]  }
0x1b6: {  	[tilespmem:s30+$0xFFFFFFA0] =	vst v7;
	v6 =	vmul.f32 v6, v4;
	v7 =	vld [tilespmem:s30+$0x10]  }
0x1b7: {  	[tilespmem:s30+$0xFFFFFFB0] =	vst v5;
	v5 =	vmul.f32 v10, v4;
	v10 =	vld [tilespmem:s30+$0x20]  }
0x1b8: {  	[tilespmem:s30+$0xFFFFFFC0] =	vst v6;
	v6 =	vmul.f32 v8, v4;
	v8 =	vld [tilespmem:s30+$0x30]  }
0x1b9: {  	[tilespmem:s30+$0xFFFFFFD0] =	vst v5;
	v4 =	vmul.f32 v11, v4;
	v5 =	vld [tilespmem:s30+$0x40]  }
0x1ba: {  	[tilespmem:s30+$0xFFFFFFE0] =	vst v6;
	v6 =	vmul.f32 v9, v3;
	v9 =	vld [tilespmem:s30+$0x50]  }
0x1bb: {  	[tilespmem:s30+$0xFFFFFFF0] =	vst v4;
	v4 =	vmul.f32 v7, v3;
	v7 =	vld [tilespmem:s30+$0x60]  }
0x1bc: {  	[tilespmem:s30+$0x0] =	vst v6;
	v6 =	vmul.f32 v10, v3;
	v10 =	vld [tilespmem:s30+$0x70]  }
0x1bd: {  	[tilespmem:s30+$0x10] =	vst v4;
	v4 =	vmul.f32 v8, v3;
	v8 =	vld [tilespmem:s30+$0x80]  }
0x1be: {  	[tilespmem:s30+$0x20] =	vst v6;
	v5 =	vmul.f32 v5, v3;
	v6 =	vld [tilespmem:s30+$0x90]  }
0x1bf: {  	[tilespmem:s30+$0x30] =	vst v4;
	v4 =	vmul.f32 v9, v3;
	v9 =	vld [tilespmem:s30+$0xA0]  }
0x1c0: {  	[tilespmem:s30+$0x40] =	vst v5;
	v5 =	vmul.f32 v7, v3;
	v7 =	vld [tilespmem:s30+$0xB0]  }
0x1c1: {  	[tilespmem:s30+$0x50] =	vst v4;
	v3 =	vmul.f32 v10, v3;
	v4 =	vld [tilespmem:s30+$0xC0]  }
0x1c2: {  	[tilespmem:s30+$0x60] =	vst v5;
	v5 =	vmul.f32 v8, v2;
	v8 =	vld [tilespmem:s30+$0xD0]  }
0x1c3: {  	[tilespmem:s30+$0x70] =	vst v3;
	v3 =	vmul.f32 v6, v2;
	v6 =	vld [tilespmem:s30+$0xE0]  }
0x1c4: {  	[tilespmem:s30+$0x80] =	vst v5;
	v5 =	vmul.f32 v9, v2;
	v9 =	vld [tilespmem:s30+$0xF0]  }
0x1c5: {  	[tilespmem:s30+$0x90] =	vst v3;
	v3 =	vmul.f32 v7, v2;
	v10 =	vld [tilespmem:s30+$0x100]  }
.Ltmp5:
0x1c6: {  	[tilespmem:s30+$0xA0] =	vst v5;
	v5 =	vmul.f32 v4, v2;
	v7 =	vld [tilespmem:s30+$0x110];
	(pc) =	sbr.rel @p3 .LBB2_9-.Ltmp5, $4  }
0x1c7: {  	[tilespmem:s30+$0xB0] =	vst v3;
	v8 =	vmul.f32 v8, v2;
	v4 =	vld [tilespmem:s30+$0x120]  }
0x1c8: {  	[tilespmem:s30+$0xC0] =	vst v5;
	v6 =	vmul.f32 v6, v2;
	v3 =	vld [tilespmem:s30+$0x130]  }
0x1c9: {  	[tilespmem:s30+$0xD0] =	vst v8;
	v8 =	vmul.f32 v9, v2;
	v5 =	vld [tilespmem:s30+$0x140]  }
0x1ca: {  	s7 =	sadd.s32 s31, s0;
	s0 =	sadd.s32 $0x8, s0;
	[tilespmem:s30+$0xE0] =	vst v6;
	v2 =	vmul.f32 v10, v0;
	v6 =	vld [tilespmem:s30+$0x150]  }
0x1cb: {  	v9 =	vld [tilespmem:s30+$0x160]  }
0x1cc: {  	s0 =	sadd.s32 $0x6, s7;
	v11 =	vld [tilespmem:s30+$0x180]  }
0x1cd: {  	v12 =	vld [tilespmem:s30+$0x190];
	v10 =	vmov s0  }
0x1ce: {  	v14 =	vld [tilespmem:s30+$0x1A0];
	v10 =	vand.u32 $0xFFFFFFFE, v10  }
0x1cf: {  	v17 =	vld [tilespmem:s30+$0x1B0];
	v10 =	vbroadcast v10, $0x0  }
0x1d0: {  	v19 =	vld [tilespmem:s30+$0x1C0]  }
0x1d1: {  	s11 =	sadd.s32 $0x1, s7;
	v21 =	vld [tilespmem:s30+$0x1D0]  }
0x1d2: {  	s12 =	sadd.s32 $0x2, s7;
	v23 =	vld [tilespmem:s30+$0x1E0];
	v13 =	vmov s11;
	s11 =	sadd.s32 $0x5, s7  }
0x1d3: {  	[tilespmem:s30+$0xF0] =	vst v8;
	v7 =	vmul.f32 v7, v0;
	v43 =	vld [tilespmem:s30+$0x1F0];
	v16 =	vmov s12;
	s12 =	sadd.s32 $0x400, s30;
	v22 =	vmov s11  }
0x1d4: {  	v15 =	vmov s7;
	[tilespmem:s30+$0x100] =	vst v2;
	v4 =	vmul.f32 v4, v0;
	v47 =	vld [tilespmem:s12+$0xFFFFFE40];
	v8 =	vand.u32 $0xFFFFFFFD, v22  }
0x1d5: {  	v15 =	vand.u32 $0xFFFFFFF8, v15;
	[tilespmem:s30+$0x110] =	vst v7;
	v3 =	vmul.f32 v3, v0;
	v8 =	vbroadcast v8, $0x0;
	v2 =	vld.idx.msk [tilespmem:v10+s24+$0x0], $0xffff  }
0x1d6: {  	v7 =	vbroadcast v15, $0x0;
	v5 =	vmul.f32 v5, v0;
	[tilespmem:s2+$0x120] =	vst v4;
	v10 =	vld [tilespmem:s12+$0x170]  }
0x1d7: {  	v48 =	vld [tilespmem:s12+$0xFFFFFE50];
	v4 =	vmul.f32 v6, v0;
	[tilespmem:s2+$0x130] =	vst v3  }
0x1d8: {  	v49 =	vld [tilespmem:s12+$0xFFFFFE90];
	v0 =	vmul.f32 v9, v0;
	[tilespmem:s2+$0x140] =	vst v5  }
0x1d9: {  	v50 =	vld [tilespmem:s12+$0xFFFFFEA0];
	v9 =	vmul.f32 v11, v1;
	[tilespmem:s2+$0x150] =	vst v4  }
0x1da: {  	v51 =	vld [tilespmem:s12+$0xFFFFFEF0];
	v11 =	vmul.f32 v12, v1;
	[tilespmem:s2+$0x160] =	vst v0  }
0x1db: {  	v13 =	vand.u32 $0xFFFFFFF9, v13;
	[tilespmem:s2+$0x180] =	vst v9;
	v3 =	vld.idx.msk [tilespmem:v8+s24+$0x0], $0xffff;
	v8 =	vmul.f32 v10, v2  }
0x1dc: {  	v13 =	vbroadcast v13, $0x0;
	v9 =	vmul.f32 v14, v1;
	[tilespmem:s2+$0x190] =	vst v11;
	v7 =	vld.idx.msk [tilespmem:v7+s24+$0x0], $0xffff  }
0x1dd: {  	v10 =	vmul.f32 v17, v1;
	[tilespmem:s12+$0x170] =	vst v8;
	v8 =	vld [tilespmem:s12+$0xFFFFFE00]  }
0x1de: {  	v11 =	vmul.f32 v19, v1;
	[tilespmem:s2+$0x1A0] =	vst v9;
	v9 =	vld [tilespmem:s12+$0xFFFFFE10]  }
0x1df: {  	v45 =	vmul.f32 v21, v1;
	[tilespmem:s2+$0x1B0] =	vst v10;
	v10 =	vld [tilespmem:s12+$0xFFFFFE20]  }
0x1e0: {  	s13 =	sadd.s32 $0x4, s7;
	v46 =	vmul.f32 v23, v1;
	[tilespmem:s2+$0x1C0] =	vst v11;
	v11 =	vld [tilespmem:s12+$0xFFFFFE30]  }
0x1e1: {  	v20 =	vmov s13;
	s13 =	sadd.s32 $0x7, s7;
	v52 =	vld [tilespmem:s12+$0xFFFFFF40];
	[tilespmem:s2+$0x1D0] =	vst v45;
	v1 =	vmul.f32 v43, v1  }
0x1e2: {  	v44 =	vmov s13;
	[tilespmem:s2+$0x1E0] =	vst v46;
	v13 =	vld.idx.msk [tilespmem:v13+s24+$0x0], $0xffff;
	v8 =	vmul.f32 v8, v7  }
0x1e3: {  	[tilespmem:s2+$0x1F0] =	vst v1;
	v1 =	vmul.f32 v9, v7;
	v9 =	vld [tilespmem:s12+$0xFFFFFE60]  }
0x1e4: {  	[tilespmem:s12+$0xFFFFFE00] =	vst v8;
	v8 =	vmul.f32 v10, v7;
	v10 =	vld [tilespmem:s12+$0xFFFFFE70]  }
0x1e5: {  	v16 =	vand.u32 $0xFFFFFFFA, v16;
	[tilespmem:s12+$0xFFFFFE10] =	vst v1;
	v1 =	vmul.f32 v11, v7;
	v11 =	vld [tilespmem:s12+$0xFFFFFE80]  }
0x1e6: {  	v53 =	vld [tilespmem:s12+$0xFFFFFF90];
	v16 =	vbroadcast v16, $0x0;
	[tilespmem:s12+$0xFFFFFE20] =	vst v8;
	v8 =	vmul.f32 v47, v7  }
0x1e7: {  	v0 =	vld.idx.msk [tilespmem:v44+s24+$0x0], $0xffff;
	[tilespmem:s12+$0xFFFFFE30] =	vst v1;
	v1 =	vmul.f32 v48, v7  }
0x1e8: {  	s9 =	sadd.s32 $0x3, s7;
	[tilespmem:s12+$0xFFFFFE40] =	vst v8;
	v8 =	vmul.f32 v9, v7;
	v9 =	vld [tilespmem:s12+$0xFFFFFEB0]  }
0x1e9: {  	v18 =	vmov s9;
	[tilespmem:s12+$0xFFFFFE50] =	vst v1;
	v1 =	vmul.f32 v10, v7;
	v7 =	vld [tilespmem:s12+$0xFFFFFEC0]  }
0x1ea: {  	v18 =	vand.u32 $0xFFFFFFFB, v18;
	v10 =	vld [tilespmem:s12+$0xFFFFFED0];
	[tilespmem:s12+$0xFFFFFE60] =	vst v8;
	v8 =	vmul.f32 v11, v13  }
0x1eb: {  	v18 =	vbroadcast v18, $0x0;
	v11 =	vld [tilespmem:s12+$0xFFFFFEE0];
	[tilespmem:s12+$0xFFFFFE70] =	vst v1;
	v1 =	vmul.f32 v49, v13  }
0x1ec: {  	v6 =	vld.idx.msk [tilespmem:v16+s24+$0x0], $0xffff;
	[tilespmem:s12+$0xFFFFFE80] =	vst v8;
	v8 =	vmul.f32 v50, v13  }
0x1ed: {  	[tilespmem:s12+$0xFFFFFE90] =	vst v1;
	v1 =	vmul.f32 v9, v13;
	v9 =	vld [tilespmem:s12+$0xFFFFFF00]  }
0x1ee: {  	[tilespmem:s12+$0xFFFFFEA0] =	vst v8;
	v7 =	vmul.f32 v7, v13;
	v8 =	vld [tilespmem:s12+$0xFFFFFF10]  }
0x1ef: {  	v20 =	vand.u32 $0xFFFFFFFC, v20;
	[tilespmem:s12+$0xFFFFFEB0] =	vst v1;
	v1 =	vmul.f32 v10, v13;
	v10 =	vld [tilespmem:s12+$0xFFFFFF20]  }
0x1f0: {  	v20 =	vbroadcast v20, $0x0;
	[tilespmem:s12+$0xFFFFFEC0] =	vst v7;
	v7 =	vmul.f32 v11, v13;
	v11 =	vld [tilespmem:s12+$0xFFFFFF30]  }
0x1f1: {  	v5 =	vld.idx.msk [tilespmem:v18+s24+$0x0], $0xffff;
	[tilespmem:s12+$0xFFFFFED0] =	vst v1;
	v1 =	vmul.f32 v51, v13  }
0x1f2: {  	[tilespmem:s12+$0xFFFFFEE0] =	vst v7;
	v7 =	vmul.f32 v9, v6;
	v9 =	vld [tilespmem:s12+$0xFFFFFF50]  }
0x1f3: {  	[tilespmem:s12+$0xFFFFFEF0] =	vst v1;
	v1 =	vmul.f32 v8, v6;
	v8 =	vld [tilespmem:s12+$0xFFFFFF60]  }
0x1f4: {  	[tilespmem:s12+$0xFFFFFF00] =	vst v7;
	v7 =	vmul.f32 v10, v6;
	v10 =	vld [tilespmem:s12+$0xFFFFFF70]  }
0x1f5: {  	[tilespmem:s12+$0xFFFFFF10] =	vst v1;
	v1 =	vmul.f32 v11, v6;
	v11 =	vld [tilespmem:s12+$0xFFFFFF80]  }
0x1f6: {  	v4 =	vld.idx.msk [tilespmem:v20+s24+$0x0], $0xffff;
	[tilespmem:s12+$0xFFFFFF20] =	vst v7;
	v7 =	vmul.f32 v52, v6  }
0x1f7: {  	[tilespmem:s12+$0xFFFFFF30] =	vst v1;
	v1 =	vmul.f32 v9, v6;
	v9 =	vld [tilespmem:s12+$0xFFFFFFA0]  }
0x1f8: {  	[tilespmem:s12+$0xFFFFFF40] =	vst v7;
	v7 =	vmul.f32 v8, v6;
	v8 =	vld [tilespmem:s12+$0xFFFFFFB0]  }
0x1f9: {  	[tilespmem:s12+$0xFFFFFF50] =	vst v1;
	v1 =	vmul.f32 v10, v6;
	v6 =	vld [tilespmem:s12+$0xFFFFFFC0]  }
0x1fa: {  	v10 =	vld [tilespmem:s12+$0xFFFFFFD0];
	[tilespmem:s12+$0xFFFFFF60] =	vst v7;
	v7 =	vmul.f32 v11, v5  }
0x1fb: {  	v11 =	vld [tilespmem:s12+$0xFFFFFFE0];
	[tilespmem:s12+$0xFFFFFF70] =	vst v1;
	v1 =	vmul.f32 v53, v5  }
0x1fc: {  	[tilespmem:s12+$0xFFFFFF80] =	vst v7;
	v7 =	vmul.f32 v9, v5;
	v9 =	vld [tilespmem:s12+$0xFFFFFFF0]  }
0x1fd: {  	[tilespmem:s12+$0xFFFFFF90] =	vst v1;
	v1 =	vmul.f32 v8, v5;
	v8 =	vld [tilespmem:s12+$0x0]  }
0x1fe: {  	[tilespmem:s12+$0xFFFFFFA0] =	vst v7;
	v6 =	vmul.f32 v6, v5;
	v7 =	vld [tilespmem:s12+$0x10]  }
0x1ff: {  	[tilespmem:s12+$0xFFFFFFB0] =	vst v1;
	v1 =	vmul.f32 v10, v5;
	v10 =	vld [tilespmem:s12+$0x20]  }
0x200: {  	[tilespmem:s12+$0xFFFFFFC0] =	vst v6;
	v6 =	vmul.f32 v11, v5;
	v11 =	vld [tilespmem:s12+$0x30]  }
0x201: {  	[tilespmem:s12+$0xFFFFFFD0] =	vst v1;
	v1 =	vmul.f32 v9, v5;
	v5 =	vld [tilespmem:s12+$0x40]  }
0x202: {  	[tilespmem:s12+$0xFFFFFFE0] =	vst v6;
	v6 =	vmul.f32 v8, v4;
	v8 =	vld [tilespmem:s12+$0x50]  }
0x203: {  	[tilespmem:s12+$0xFFFFFFF0] =	vst v1;
	v1 =	vmul.f32 v7, v4;
	v7 =	vld [tilespmem:s12+$0x60]  }
0x204: {  	v9 =	vld [tilespmem:s12+$0x70];
	[tilespmem:s12+$0x0] =	vst v6;
	v6 =	vmul.f32 v10, v4  }
0x205: {  	v10 =	vld [tilespmem:s12+$0x80];
	[tilespmem:s12+$0x10] =	vst v1;
	v1 =	vmul.f32 v11, v4  }
0x206: {  	[tilespmem:s12+$0x20] =	vst v6;
	v5 =	vmul.f32 v5, v4;
	v6 =	vld [tilespmem:s12+$0x90]  }
0x207: {  	[tilespmem:s12+$0x30] =	vst v1;
	v1 =	vmul.f32 v8, v4;
	v8 =	vld [tilespmem:s12+$0xA0]  }
0x208: {  	[tilespmem:s12+$0x40] =	vst v5;
	v5 =	vmul.f32 v7, v4;
	v7 =	vld [tilespmem:s12+$0xB0]  }
0x209: {  	[tilespmem:s12+$0x50] =	vst v1;
	v1 =	vmul.f32 v9, v4;
	v4 =	vld [tilespmem:s12+$0xC0]  }
0x20a: {  	v9 =	vld [tilespmem:s12+$0xD0];
	[tilespmem:s12+$0x60] =	vst v5;
	v5 =	vmul.f32 v10, v3  }
0x20b: {  	[tilespmem:s12+$0x70] =	vst v1;
	v1 =	vmul.f32 v6, v3;
	v6 =	vld [tilespmem:s12+$0xE0]  }
0x20c: {  	[tilespmem:s12+$0x80] =	vst v5;
	v5 =	vmul.f32 v8, v3;
	v8 =	vld [tilespmem:s12+$0xF0]  }
0x20d: {  	[tilespmem:s12+$0x90] =	vst v1;
	v1 =	vmul.f32 v7, v3;
	v7 =	vld [tilespmem:s12+$0x100]  }
0x20e: {  	[tilespmem:s12+$0xA0] =	vst v5;
	v4 =	vmul.f32 v4, v3;
	v5 =	vld [tilespmem:s12+$0x110]  }
0x20f: {  	[tilespmem:s12+$0xB0] =	vst v1;
	v1 =	vmul.f32 v9, v3;
	v9 =	vld [tilespmem:s12+$0x120]  }
0x210: {  	[tilespmem:s12+$0xC0] =	vst v4;
	v4 =	vmul.f32 v6, v3;
	v6 =	vld [tilespmem:s12+$0x130]  }
0x211: {  	[tilespmem:s12+$0xD0] =	vst v1;
	v1 =	vmul.f32 v8, v3;
	v3 =	vld [tilespmem:s12+$0x140]  }
0x212: {  	[tilespmem:s12+$0xE0] =	vst v4;
	v4 =	vmul.f32 v7, v2;
	v7 =	vld [tilespmem:s12+$0x150]  }
0x213: {  	[tilespmem:s12+$0xF0] =	vst v1;
	v1 =	vmul.f32 v5, v2;
	v5 =	vld [tilespmem:s12+$0x160]  }
0x214: {  	[tilespmem:s12+$0x100] =	vst v4;
	v4 =	vld [tilespmem:s12+$0x180];
	v8 =	vmul.f32 v9, v2  }
0x215: {  	v9 =	vld [tilespmem:s12+$0x1A0];
	[tilespmem:s12+$0x110] =	vst v1;
	v6 =	vmul.f32 v6, v2  }
0x216: {  	v1 =	vld [tilespmem:s12+$0x190];
	v3 =	vmul.f32 v3, v2;
	[tilespmem:s12+$0x120] =	vst v8  }
0x217: {  	v8 =	vld [tilespmem:s12+$0x1B0];
	v7 =	vmul.f32 v7, v2;
	[tilespmem:s12+$0x130] =	vst v6  }
0x218: {  	v6 =	vld [tilespmem:s12+$0x1C0];
	v2 =	vmul.f32 v5, v2;
	[tilespmem:s12+$0x140] =	vst v3  }
0x219: {  	v3 =	vld [tilespmem:s12+$0x1D0];
	v4 =	vmul.f32 v4, v0;
	[tilespmem:s12+$0x150] =	vst v7  }
0x21a: {  	v5 =	vld [tilespmem:s12+$0x1E0];
	v7 =	vmul.f32 v9, v0;
	[tilespmem:s12+$0x160] =	vst v2  }
0x21b: {  	v1 =	vmul.f32 v1, v0;
	v2 =	vld [tilespmem:s12+$0x1F0];
	[tilespmem:s12+$0x180] =	vst v4  }
0x21c: {  	v4 =	vmul.f32 v8, v0;
	[tilespmem:s12+$0x1A0] =	vst v7  }
0x21d: {  	[tilespmem:s12+$0x190] =	vst v1;
	v1 =	vmul.f32 v6, v0  }
0x21e: {  	v3 =	vmul.f32 v3, v0;
	[tilespmem:s12+$0x1B0] =	vst v4  }
0x21f: {  	s31 =	sadd.s32 $0x50, s29;
	v4 =	vmul.f32 v5, v0;
	[tilespmem:s12+$0x1C0] =	vst v1  }
0x220: {  	s2 =	sadd.s32 $0x0, s31;
	v0 =	vmul.f32 v2, v0;
	[tilespmem:s12+$0x1D0] =	vst v3  }
0x221: {  	s9 =	sadd.s32 $0x6, s2;
	[tilespmem:s12+$0x1E0] =	vst v4  }
0x222: {  	[tilespmem:s12+$0x1F0] =	vst v0;
	v0 =	vmov s9  }
0x223: {  	_ =	swait.ge [sflag:s15], $0x28;
	v0 =	vand.u32 $0xFFFFFFFE, v0  }
0x224: {  	v1 =	vmov s2;
	[sflag:s15] =	ssyncset.done $0x0;
	v0 =	vbroadcast v0, $0x0  }
0x225: {  	s11 =	simm.s32 $0x4F80;
	v1 =	vand.u32 $0xFFFFFFF8, v1;
	s12 =	simm.s32 $0x6580;
	[sflag:s15] =	ssyncadd.s32 $0xFFFFFFD8  }
0x226: {  	v1 =	vbroadcast v1, $0x0;
	[spmem:s4] =	stream.indirect.scatter.add.f32 [tilespmem:s12], [sflag:$0xC], $0x80, s11, s26, $0xb8;
	[tilespmem:$0x1EE00] =	vst v63  }
0x227: {  	_ =	swait.ge [sflag:s16], $0x1400  }
0x228: {  	[sflag:s16] =	ssyncset.done $0x0  }
0x229: {  	[sflag:s16] =	ssyncadd.s32 $0xFFFFEC00  }
0x22a: {  	s30 =	simm.s32 $0x7B80;
	v0 =	vld.idx.msk [tilespmem:v0+s24+$0x0], $0xffff  }
0x22b: {  	s13 =	sadd.s32 $0x1, s2;
	v2 =	vld [tilespmem:s30+$0x170]  }
0x22c: {  	v3 =	vmov s13;
	v1 =	vld.idx.msk [tilespmem:v1+s24+$0x0], $0xffff  }
0x22d: {  	v3 =	vand.u32 $0xFFFFFFF9, v3;
	v4 =	vld [tilespmem:s30+$0xFFFFFE00]  }
0x22e: {  	v3 =	vbroadcast v3, $0x0;
	v5 =	vld [tilespmem:s30+$0xFFFFFE10]  }
0x22f: {  	v6 =	vld [tilespmem:s30+$0xFFFFFE20]  }
0x230: {  	v7 =	vld [tilespmem:s30+$0xFFFFFE30]  }
0x231: {  	v8 =	vld [tilespmem:s30+$0xFFFFFE40]  }
0x232: {  	v9 =	vld [tilespmem:s30+$0xFFFFFE50]  }
0x233: {  	v10 =	vld [tilespmem:s30+$0xFFFFFE60]  }
0x234: {  	v3 =	vld.idx.msk [tilespmem:v3+s24+$0x0], $0xffff  }
0x235: {  	v11 =	vld [tilespmem:s30+$0xFFFFFE70]  }
0x236: {  	v54 =	vld [tilespmem:s30+$0xFFFFFE80]  }
0x237: {  	v58 =	vld [tilespmem:s30+$0xFFFFFED0];
	v4 =	vmul.f32 v4, v1  }
0x238: {  	v55 =	vld [tilespmem:s30+$0xFFFFFE90];
	v2 =	vmul.f32 v2, v0  }
0x239: {  	v56 =	vld [tilespmem:s30+$0xFFFFFEA0];
	v5 =	vmul.f32 v5, v1;
	[tilespmem:s30+$0xFFFFFE00] =	vst v4  }
0x23a: {  	s7 =	sadd.s32 $0x2, s2;
	v57 =	vld [tilespmem:s30+$0xFFFFFEB0];
	v7 =	vmul.f32 v7, v1;
	[tilespmem:s30+$0x170] =	vst v2  }
0x23b: {  	v59 =	vld [tilespmem:s30+$0xFFFFFF30];
	v8 =	vmul.f32 v8, v1;
	v4 =	vmov s7;
	[tilespmem:s30+$0xFFFFFE10] =	vst v5  }
0x23c: {  	v60 =	vld [tilespmem:s30+$0xFFFFFF40];
	v12 =	vmul.f32 v58, v3;
	[tilespmem:s30+$0xFFFFFE30] =	vst v7;
	v4 =	vand.u32 $0xFFFFFFFA, v4  }
0x23d: {  	v61 =	vld [tilespmem:s30+$0xFFFFFFB0];
	v2 =	vmul.f32 v6, v1;
	[tilespmem:s30+$0xFFFFFE40] =	vst v8;
	v4 =	vbroadcast v4, $0x0  }
0x23e: {  	v62 =	vld [tilespmem:s30+$0xFFFFFFC0];
	v5 =	vmul.f32 v54, v3;
	[tilespmem:s30+$0xFFFFFED0] =	vst v12  }
0x23f: {  	v6 =	vld [tilespmem:s30+$0xFFFFFEC0];
	v7 =	vmul.f32 v9, v1;
	[tilespmem:s30+$0xFFFFFE20] =	vst v2  }
0x240: {  	s9 =	sadd.s32 $0x3, s2;
	v9 =	vld [tilespmem:s30+$0xFFFFFEF0];
	v8 =	vmul.f32 v10, v1;
	[tilespmem:s30+$0xFFFFFE80] =	vst v5  }
0x241: {  	v1 =	vmul.f32 v11, v1;
	v2 =	vld [tilespmem:s30+$0xFFFFFEE0];
	v5 =	vmov s9;
	[tilespmem:s30+$0xFFFFFE50] =	vst v7  }
0x242: {  	v10 =	vld [tilespmem:s30+$0xFFFFFF00];
	[tilespmem:s30+$0xFFFFFE60] =	vst v8;
	v8 =	vmul.f32 v55, v3;
	v5 =	vand.u32 $0xFFFFFFFB, v5  }
0x243: {  	[tilespmem:s30+$0xFFFFFE70] =	vst v1;
	v1 =	vmul.f32 v56, v3;
	v5 =	vbroadcast v5, $0x0;
	v4 =	vld.idx.msk [tilespmem:v4+s24+$0x0], $0xffff  }
0x244: {  	v7 =	vld [tilespmem:s30+$0xFFFFFF10];
	[tilespmem:s30+$0xFFFFFE90] =	vst v8;
	v8 =	vmul.f32 v57, v3  }
0x245: {  	v11 =	vld [tilespmem:s30+$0xFFFFFF20];
	[tilespmem:s30+$0xFFFFFEA0] =	vst v1;
	v6 =	vmul.f32 v6, v3  }
0x246: {  	[tilespmem:s30+$0xFFFFFEB0] =	vst v8;
	v8 =	vld [tilespmem:s30+$0xFFFFFF60];
	v2 =	vmul.f32 v2, v3  }
0x247: {  	v63 =	vld [tilespmem:s30+$0x30];
	[tilespmem:s30+$0xFFFFFEC0] =	vst v6;
	v3 =	vmul.f32 v9, v3  }
0x248: {  	v9 =	vld [tilespmem:s30+$0xFFFFFF80];
	[tilespmem:s30+$0xFFFFFEE0] =	vst v2;
	v1 =	vmul.f32 v10, v4  }
0x249: {  	[tilespmem:s30+$0xFFFFFEF0] =	vst v3;
	v5 =	vld.idx.msk [tilespmem:v5+s24+$0x0], $0xffff;
	v2 =	vmul.f32 v7, v4  }
0x24a: {  	s11 =	sadd.s32 $0x4, s2;
	v10 =	vld [tilespmem:s30+$0xFFFFFF50];
	v3 =	vmul.f32 v11, v4;
	[tilespmem:s30+$0xFFFFFF00] =	vst v1  }
0x24b: {  	v6 =	vld [tilespmem:s30+$0xFFFFFF70];
	v8 =	vmul.f32 v8, v4;
	v1 =	vmov s11;
	[tilespmem:s30+$0xFFFFFF10] =	vst v2  }
0x24c: {  	v7 =	vld [tilespmem:s30+$0xFFFFFF90];
	v2 =	vmul.f32 v59, v4;
	[tilespmem:s30+$0xFFFFFF20] =	vst v3;
	v1 =	vand.u32 $0xFFFFFFFC, v1  }
0x24d: {  	v11 =	vld [tilespmem:s30+$0xFFFFFFA0];
	v3 =	vmul.f32 v60, v4;
	[tilespmem:s30+$0xFFFFFF60] =	vst v8;
	v1 =	vbroadcast v1, $0x0  }
0x24e: {  	v8 =	vld [tilespmem:s30+$0x0];
	[tilespmem:s30+$0xFFFFFF30] =	vst v2;
	v2 =	vmul.f32 v9, v5  }
0x24f: {  	s12 =	sadd.s32 $0x5, s2;
	v9 =	vld [tilespmem:s30+$0xFFFFFFD0];
	[tilespmem:s30+$0xFFFFFF40] =	vst v3;
	v10 =	vmul.f32 v10, v4  }
0x250: {  	v3 =	vld [tilespmem:s30+$0xFFFFFFE0];
	v4 =	vmul.f32 v6, v4;
	[tilespmem:s30+$0xFFFFFF80] =	vst v2;
	v2 =	vmov s12  }
0x251: {  	v6 =	vld [tilespmem:s30+$0xFFFFFFF0];
	v7 =	vmul.f32 v7, v5;
	[tilespmem:s30+$0xFFFFFF50] =	vst v10;
	v2 =	vand.u32 $0xFFFFFFFD, v2  }
0x252: {  	[tilespmem:s30+$0xFFFFFF70] =	vst v4;
	v4 =	vmul.f32 v11, v5;
	v10 =	vld [tilespmem:s30+$0x10];
	v2 =	vbroadcast v2, $0x0  }
0x253: {  	[tilespmem:s30+$0xFFFFFF90] =	vst v7;
	v7 =	vmul.f32 v61, v5;
	v1 =	vld.idx.msk [tilespmem:v1+s24+$0x0], $0xffff  }
0x254: {  	v11 =	vld [tilespmem:s30+$0x20];
	[tilespmem:s30+$0xFFFFFFA0] =	vst v4;
	v4 =	vmul.f32 v62, v5  }
0x255: {  	[tilespmem:s30+$0xFFFFFFB0] =	vst v7;
	v7 =	vmul.f32 v9, v5;
	v9 =	vld [tilespmem:s30+$0x40]  }
0x256: {  	v3 =	vmul.f32 v3, v5;
	v5 =	vmul.f32 v6, v5;
	v6 =	vld [tilespmem:s30+$0x80];
	[tilespmem:s30+$0xFFFFFFC0] =	vst v4  }
0x257: {  	[tilespmem:s30+$0xFFFFFFD0] =	vst v7;
	v7 =	vld [tilespmem:s30+$0x60]  }
0x258: {  	[tilespmem:s30+$0xFFFFFFE0] =	vst v3;
	v2 =	vld.idx.msk [tilespmem:v2+s24+$0x0], $0xffff;
	v4 =	vmul.f32 v8, v1  }
0x259: {  	[tilespmem:s30+$0xFFFFFFF0] =	vst v5;
	v8 =	vld [tilespmem:s30+$0x50];
	v5 =	vmul.f32 v11, v1  }
0x25a: {  	v3 =	vmul.f32 v10, v1;
	v10 =	vld [tilespmem:s30+$0x90];
	[tilespmem:s30+$0x0] =	vst v4  }
0x25b: {  	s13 =	sadd.s32 $0x7, s2;
	v4 =	vld [tilespmem:s30+$0x70];
	[tilespmem:s30+$0x20] =	vst v5;
	v5 =	vmul.f32 v9, v1  }
0x25c: {  	v11 =	vmov s13;
	[tilespmem:s30+$0x10] =	vst v3;
	v3 =	vmul.f32 v63, v1;
	v9 =	vld [tilespmem:s30+$0xA0]  }
0x25d: {  	[tilespmem:s30+$0x40] =	vst v5;
	v5 =	vmul.f32 v7, v1;
	v7 =	vld [tilespmem:s30+$0xC0]  }
0x25e: {  	[tilespmem:s30+$0x30] =	vst v3;
	v3 =	vmul.f32 v8, v1;
	v8 =	vld [tilespmem:s30+$0xB0]  }
0x25f: {  	v10 =	vmul.f32 v10, v2;
	[tilespmem:s30+$0x60] =	vst v5;
	v5 =	vld [tilespmem:s30+$0xE0]  }
0x260: {  	[tilespmem:s30+$0x50] =	vst v3;
	v3 =	vmul.f32 v6, v2;
	v6 =	vld [tilespmem:s30+$0xD0]  }
0x261: {  	v4 =	vmul.f32 v4, v1;
	v1 =	vld.idx.msk [tilespmem:v11+s24+$0x0], $0xffff;
	[tilespmem:s30+$0x90] =	vst v10  }
0x262: {  	[tilespmem:s30+$0x80] =	vst v3;
	v3 =	vmul.f32 v9, v2;
	v9 =	vld [tilespmem:s30+$0xF0]  }
0x263: {  	v10 =	vld [tilespmem:s30+$0x100];
	[tilespmem:s30+$0x70] =	vst v4;
	v4 =	vmul.f32 v8, v2  }
0x264: {  	[tilespmem:s30+$0xA0] =	vst v3;
	v3 =	vmul.f32 v7, v2;
	v7 =	vld [tilespmem:s30+$0x110]  }
0x265: {  	v11 =	vmul.f32 v5, v2;
	v5 =	vld [tilespmem:s30+$0x140];
	[tilespmem:s30+$0xB0] =	vst v4  }
0x266: {  	v6 =	vmul.f32 v6, v2;
	v4 =	vld [tilespmem:s30+$0x120];
	[tilespmem:s30+$0xC0] =	vst v3  }
0x267: {  	v3 =	vld [tilespmem:s30+$0x130];
	[tilespmem:s30+$0xE0] =	vst v11;
	v8 =	vmul.f32 v9, v2  }
0x268: {  	s0 =	simm.s32 $0x10;
	s2 =	simm.s32 $0x7B80;
	s7 =	sadd.s32 $0x8, s31;
	[tilespmem:s30+$0xD0] =	vst v6;
	v2 =	vmul.f32 v10, v0;
	v6 =	vld [tilespmem:s30+$0x150]  }
.LBB2_11:
0x269: {  	p3 =	slt.u32 s0, $0x20;
	v9 =	vmov s7;
	s9 =	sadd.s32 $0x1, s7;
	s11 =	sadd.s32 $0x6, s7;
	[tilespmem:s30+$0xF0] =	vst v8;
	v7 =	vmul.f32 v7, v0;
	v8 =	vld [tilespmem:s30+$0x160]  }
0x26a: {  	s12 =	sadd.s32 $0x3, s7;
	s13 =	sadd.s32 $0x4, s7;
	v9 =	vand.u32 $0xFFFFFFF8, v9;
	v10 =	vmov s9;
	s9 =	sadd.s32 $0x2, s7;
	v11 =	vmov s11;
	[tilespmem:s30+$0x100] =	vst v2;
	v2 =	vld [tilespmem:s30+$0x180]  }
0x26b: {  	v13 =	vmov s12;
	v12 =	vmov s9;
	s9 =	sadd.s32 $0x5, s7;
	v11 =	vand.u32 $0xFFFFFFFE, v11;
	s7 =	sadd.s32 $0x7, s7;
	[tilespmem:s30+$0x110] =	vst v7;
	v7 =	vld [tilespmem:s30+$0x190]  }
0x26c: {  	v14 =	vmov s13;
	v15 =	vmov s9;
	v11 =	vbroadcast v11, $0x0;
	v16 =	vld [tilespmem:s30+$0x1A0]  }
0x26d: {  	v10 =	vand.u32 $0xFFFFFFF9, v10;
	v13 =	vand.u32 $0xFFFFFFFB, v13;
	v12 =	vand.u32 $0xFFFFFFFA, v12;
	v17 =	vld [tilespmem:s30+$0x1B0]  }
0x26e: {  	v14 =	vand.u32 $0xFFFFFFFC, v14;
	v10 =	vbroadcast v10, $0x0;
	v15 =	vand.u32 $0xFFFFFFFD, v15;
	v18 =	vld [tilespmem:s30+$0x1C0]  }
0x26f: {  	v13 =	vbroadcast v13, $0x0;
	v19 =	vmov s7;
	v12 =	vbroadcast v12, $0x0;
	v20 =	vld [tilespmem:s30+$0x1D0]  }
0x270: {  	v14 =	vbroadcast v14, $0x0;
	v15 =	vbroadcast v15, $0x0;
	v21 =	vld [tilespmem:s30+$0x1E0]  }
0x271: {  	v4 =	vmul.f32 v4, v0;
	v9 =	vbroadcast v9, $0x0;
	v22 =	vld [tilespmem:s30+$0x1F0]  }
0x272: {  	v3 =	vmul.f32 v3, v0;
	v23 =	vmul.f32 v5, v0;
	s30 =	sadd.s32 $0x400, s30;
	v11 =	vld.idx.msk [tilespmem:v11+s24+$0x0], $0xffff  }
0x273: {  	v6 =	vmul.f32 v6, v0;
	v0 =	vmul.f32 v8, v0;
	v24 =	vld [tilespmem:s30+$0x170];
	[tilespmem:s2+$0x120] =	vst v4  }
0x274: {  	v7 =	vmul.f32 v7, v1;
	v8 =	vld.idx.msk [tilespmem:v10+s24+$0x0], $0xffff;
	[tilespmem:s2+$0x130] =	vst v3;
	v10 =	vmul.f32 v2, v1  }
0x275: {  	v5 =	vld.idx.msk [tilespmem:v12+s24+$0x0], $0xffff;
	[tilespmem:s2+$0x140] =	vst v23;
	v12 =	vmul.f32 v16, v1;
	v16 =	vmul.f32 v17, v1  }
0x276: {  	v4 =	vld.idx.msk [tilespmem:v13+s24+$0x0], $0xffff;
	[tilespmem:s2+$0x150] =	vst v6;
	v6 =	vmul.f32 v18, v1;
	v13 =	vmul.f32 v20, v1  }
0x277: {  	v17 =	vmul.f32 v22, v1;
	v3 =	vld.idx.msk [tilespmem:v14+s24+$0x0], $0xffff;
	[tilespmem:s2+$0x160] =	vst v0;
	v14 =	vmul.f32 v21, v1  }
0x278: {  	v0 =	vmov v11;
	v2 =	vld.idx.msk [tilespmem:v15+s24+$0x0], $0xffff;
	v1 =	vmul.f32 v24, v11;
	[tilespmem:s2+$0x180] =	vst v10  }
0x279: {  	v9 =	vld.idx.msk [tilespmem:v9+s24+$0x0], $0xffff;
	[tilespmem:s2+$0x190] =	vst v7  }
0x27a: {  	[tilespmem:s30+$0x170] =	vst v1;
	v1 =	vld.idx.msk [tilespmem:v19+s24+$0x0], $0xffff  }
0x27b: {  	v7 =	vld [tilespmem:s30+$0xFFFFFE00];
	[tilespmem:s2+$0x1A0] =	vst v12  }
0x27c: {  	v10 =	vld [tilespmem:s30+$0xFFFFFE10];
	[tilespmem:s2+$0x1B0] =	vst v16  }
0x27d: {  	v11 =	vld [tilespmem:s30+$0xFFFFFE20];
	[tilespmem:s2+$0x1C0] =	vst v6  }
0x27e: {  	v6 =	vld [tilespmem:s30+$0xFFFFFE30];
	[tilespmem:s2+$0x1D0] =	vst v13  }
0x27f: {  	v12 =	vld [tilespmem:s30+$0xFFFFFE40];
	[tilespmem:s2+$0x1E0] =	vst v14  }
0x280: {  	v7 =	vmul.f32 v7, v9;
	v13 =	vld [tilespmem:s30+$0xFFFFFE50];
	[tilespmem:s2+$0x1F0] =	vst v17;
	s2 =	smov.u32 s30  }
0x281: {  	v10 =	vmul.f32 v10, v9;
	v14 =	vld [tilespmem:s30+$0xFFFFFE60]  }
0x282: {  	[tilespmem:s30+$0xFFFFFE00] =	vst v7;
	v7 =	vmul.f32 v11, v9;
	v11 =	vld [tilespmem:s30+$0xFFFFFE70]  }
0x283: {  	[tilespmem:s30+$0xFFFFFE10] =	vst v10;
	v6 =	vmul.f32 v6, v9;
	v10 =	vld [tilespmem:s30+$0xFFFFFE80]  }
0x284: {  	[tilespmem:s30+$0xFFFFFE20] =	vst v7;
	v7 =	vmul.f32 v12, v9;
	v12 =	vld [tilespmem:s30+$0xFFFFFE90]  }
0x285: {  	[tilespmem:s30+$0xFFFFFE30] =	vst v6;
	v6 =	vmul.f32 v13, v9;
	v13 =	vld [tilespmem:s30+$0xFFFFFEA0]  }
0x286: {  	[tilespmem:s30+$0xFFFFFE40] =	vst v7;
	v7 =	vmul.f32 v14, v9;
	v14 =	vld [tilespmem:s30+$0xFFFFFEB0]  }
0x287: {  	[tilespmem:s30+$0xFFFFFE50] =	vst v6;
	v6 =	vmul.f32 v11, v9;
	v9 =	vld [tilespmem:s30+$0xFFFFFEC0]  }
0x288: {  	[tilespmem:s30+$0xFFFFFE60] =	vst v7;
	v7 =	vmul.f32 v10, v8;
	v10 =	vld [tilespmem:s30+$0xFFFFFED0]  }
0x289: {  	[tilespmem:s30+$0xFFFFFE70] =	vst v6;
	v6 =	vmul.f32 v12, v8;
	v11 =	vld [tilespmem:s30+$0xFFFFFEE0]  }
0x28a: {  	[tilespmem:s30+$0xFFFFFE80] =	vst v7;
	v7 =	vmul.f32 v13, v8;
	v12 =	vld [tilespmem:s30+$0xFFFFFEF0]  }
0x28b: {  	[tilespmem:s30+$0xFFFFFE90] =	vst v6;
	v6 =	vmul.f32 v14, v8;
	v13 =	vld [tilespmem:s30+$0xFFFFFF00]  }
0x28c: {  	[tilespmem:s30+$0xFFFFFEA0] =	vst v7;
	v7 =	vmul.f32 v9, v8;
	v9 =	vld [tilespmem:s30+$0xFFFFFF10]  }
0x28d: {  	[tilespmem:s30+$0xFFFFFEB0] =	vst v6;
	v6 =	vmul.f32 v10, v8;
	v10 =	vld [tilespmem:s30+$0xFFFFFF20]  }
0x28e: {  	[tilespmem:s30+$0xFFFFFEC0] =	vst v7;
	v7 =	vmul.f32 v11, v8;
	v11 =	vld [tilespmem:s30+$0xFFFFFF30]  }
0x28f: {  	[tilespmem:s30+$0xFFFFFED0] =	vst v6;
	v6 =	vmul.f32 v12, v8;
	v8 =	vld [tilespmem:s30+$0xFFFFFF40]  }
0x290: {  	[tilespmem:s30+$0xFFFFFEE0] =	vst v7;
	v7 =	vmul.f32 v13, v5;
	v12 =	vld [tilespmem:s30+$0xFFFFFF50]  }
0x291: {  	[tilespmem:s30+$0xFFFFFEF0] =	vst v6;
	v6 =	vmul.f32 v9, v5;
	v9 =	vld [tilespmem:s30+$0xFFFFFF60]  }
0x292: {  	[tilespmem:s30+$0xFFFFFF00] =	vst v7;
	v7 =	vmul.f32 v10, v5;
	v10 =	vld [tilespmem:s30+$0xFFFFFF70]  }
0x293: {  	[tilespmem:s30+$0xFFFFFF10] =	vst v6;
	v6 =	vmul.f32 v11, v5;
	v11 =	vld [tilespmem:s30+$0xFFFFFF80]  }
0x294: {  	[tilespmem:s30+$0xFFFFFF20] =	vst v7;
	v7 =	vmul.f32 v8, v5;
	v8 =	vld [tilespmem:s30+$0xFFFFFF90]  }
0x295: {  	[tilespmem:s30+$0xFFFFFF30] =	vst v6;
	v6 =	vmul.f32 v12, v5;
	v12 =	vld [tilespmem:s30+$0xFFFFFFA0]  }
0x296: {  	[tilespmem:s30+$0xFFFFFF40] =	vst v7;
	v7 =	vmul.f32 v9, v5;
	v9 =	vld [tilespmem:s30+$0xFFFFFFB0]  }
0x297: {  	[tilespmem:s30+$0xFFFFFF50] =	vst v6;
	v5 =	vmul.f32 v10, v5;
	v6 =	vld [tilespmem:s30+$0xFFFFFFC0]  }
0x298: {  	[tilespmem:s30+$0xFFFFFF60] =	vst v7;
	v7 =	vmul.f32 v11, v4;
	v10 =	vld [tilespmem:s30+$0xFFFFFFD0]  }
0x299: {  	[tilespmem:s30+$0xFFFFFF70] =	vst v5;
	v5 =	vmul.f32 v8, v4;
	v8 =	vld [tilespmem:s30+$0xFFFFFFE0]  }
0x29a: {  	[tilespmem:s30+$0xFFFFFF80] =	vst v7;
	v7 =	vmul.f32 v12, v4;
	v11 =	vld [tilespmem:s30+$0xFFFFFFF0]  }
0x29b: {  	[tilespmem:s30+$0xFFFFFF90] =	vst v5;
	v5 =	vmul.f32 v9, v4;
	v9 =	vld [tilespmem:s30+$0x0]  }
0x29c: {  	[tilespmem:s30+$0xFFFFFFA0] =	vst v7;
	v6 =	vmul.f32 v6, v4;
	v7 =	vld [tilespmem:s30+$0x10]  }
0x29d: {  	[tilespmem:s30+$0xFFFFFFB0] =	vst v5;
	v5 =	vmul.f32 v10, v4;
	v10 =	vld [tilespmem:s30+$0x20]  }
0x29e: {  	[tilespmem:s30+$0xFFFFFFC0] =	vst v6;
	v6 =	vmul.f32 v8, v4;
	v8 =	vld [tilespmem:s30+$0x30]  }
0x29f: {  	[tilespmem:s30+$0xFFFFFFD0] =	vst v5;
	v4 =	vmul.f32 v11, v4;
	v5 =	vld [tilespmem:s30+$0x40]  }
0x2a0: {  	[tilespmem:s30+$0xFFFFFFE0] =	vst v6;
	v6 =	vmul.f32 v9, v3;
	v9 =	vld [tilespmem:s30+$0x50]  }
0x2a1: {  	[tilespmem:s30+$0xFFFFFFF0] =	vst v4;
	v4 =	vmul.f32 v7, v3;
	v7 =	vld [tilespmem:s30+$0x60]  }
0x2a2: {  	[tilespmem:s30+$0x0] =	vst v6;
	v6 =	vmul.f32 v10, v3;
	v10 =	vld [tilespmem:s30+$0x70]  }
0x2a3: {  	[tilespmem:s30+$0x10] =	vst v4;
	v4 =	vmul.f32 v8, v3;
	v8 =	vld [tilespmem:s30+$0x80]  }
0x2a4: {  	[tilespmem:s30+$0x20] =	vst v6;
	v5 =	vmul.f32 v5, v3;
	v6 =	vld [tilespmem:s30+$0x90]  }
0x2a5: {  	[tilespmem:s30+$0x30] =	vst v4;
	v4 =	vmul.f32 v9, v3;
	v9 =	vld [tilespmem:s30+$0xA0]  }
0x2a6: {  	[tilespmem:s30+$0x40] =	vst v5;
	v5 =	vmul.f32 v7, v3;
	v7 =	vld [tilespmem:s30+$0xB0]  }
0x2a7: {  	[tilespmem:s30+$0x50] =	vst v4;
	v3 =	vmul.f32 v10, v3;
	v4 =	vld [tilespmem:s30+$0xC0]  }
0x2a8: {  	[tilespmem:s30+$0x60] =	vst v5;
	v5 =	vmul.f32 v8, v2;
	v8 =	vld [tilespmem:s30+$0xD0]  }
0x2a9: {  	[tilespmem:s30+$0x70] =	vst v3;
	v3 =	vmul.f32 v6, v2;
	v6 =	vld [tilespmem:s30+$0xE0]  }
0x2aa: {  	[tilespmem:s30+$0x80] =	vst v5;
	v5 =	vmul.f32 v9, v2;
	v9 =	vld [tilespmem:s30+$0xF0]  }
0x2ab: {  	[tilespmem:s30+$0x90] =	vst v3;
	v3 =	vmul.f32 v7, v2;
	v10 =	vld [tilespmem:s30+$0x100]  }
.Ltmp6:
0x2ac: {  	[tilespmem:s30+$0xA0] =	vst v5;
	v5 =	vmul.f32 v4, v2;
	v7 =	vld [tilespmem:s30+$0x110];
	(pc) =	sbr.rel @p3 .LBB2_11-.Ltmp6, $4  }
0x2ad: {  	[tilespmem:s30+$0xB0] =	vst v3;
	v8 =	vmul.f32 v8, v2;
	v4 =	vld [tilespmem:s30+$0x120]  }
0x2ae: {  	[tilespmem:s30+$0xC0] =	vst v5;
	v6 =	vmul.f32 v6, v2;
	v3 =	vld [tilespmem:s30+$0x130]  }
0x2af: {  	[tilespmem:s30+$0xD0] =	vst v8;
	v8 =	vmul.f32 v9, v2;
	v5 =	vld [tilespmem:s30+$0x140]  }
0x2b0: {  	s7 =	sadd.s32 s31, s0;
	s0 =	sadd.s32 $0x8, s0;
	[tilespmem:s30+$0xE0] =	vst v6;
	v2 =	vmul.f32 v10, v0;
	v6 =	vld [tilespmem:s30+$0x150]  }
0x2b1: {  	v9 =	vld [tilespmem:s30+$0x160]  }
0x2b2: {  	s0 =	sadd.s32 $0x6, s7;
	v11 =	vld [tilespmem:s30+$0x180]  }
0x2b3: {  	v12 =	vld [tilespmem:s30+$0x190];
	v10 =	vmov s0  }
0x2b4: {  	v14 =	vld [tilespmem:s30+$0x1A0];
	v10 =	vand.u32 $0xFFFFFFFE, v10  }
0x2b5: {  	v17 =	vld [tilespmem:s30+$0x1B0];
	v10 =	vbroadcast v10, $0x0  }
0x2b6: {  	v19 =	vld [tilespmem:s30+$0x1C0]  }
0x2b7: {  	s11 =	sadd.s32 $0x1, s7;
	v21 =	vld [tilespmem:s30+$0x1D0]  }
0x2b8: {  	s12 =	sadd.s32 $0x2, s7;
	v23 =	vld [tilespmem:s30+$0x1E0];
	v13 =	vmov s11;
	s11 =	sadd.s32 $0x5, s7  }
0x2b9: {  	[tilespmem:s30+$0xF0] =	vst v8;
	v7 =	vmul.f32 v7, v0;
	v43 =	vld [tilespmem:s30+$0x1F0];
	v16 =	vmov s12;
	s12 =	sadd.s32 $0x400, s30;
	v22 =	vmov s11  }
0x2ba: {  	v15 =	vmov s7;
	[tilespmem:s30+$0x100] =	vst v2;
	v4 =	vmul.f32 v4, v0;
	v47 =	vld [tilespmem:s12+$0xFFFFFE40];
	v8 =	vand.u32 $0xFFFFFFFD, v22  }
0x2bb: {  	v15 =	vand.u32 $0xFFFFFFF8, v15;
	[tilespmem:s30+$0x110] =	vst v7;
	v3 =	vmul.f32 v3, v0;
	v8 =	vbroadcast v8, $0x0;
	v2 =	vld.idx.msk [tilespmem:v10+s24+$0x0], $0xffff  }
0x2bc: {  	v7 =	vbroadcast v15, $0x0;
	v5 =	vmul.f32 v5, v0;
	[tilespmem:s2+$0x120] =	vst v4;
	v10 =	vld [tilespmem:s12+$0x170]  }
0x2bd: {  	v48 =	vld [tilespmem:s12+$0xFFFFFE50];
	v4 =	vmul.f32 v6, v0;
	[tilespmem:s2+$0x130] =	vst v3  }
0x2be: {  	v49 =	vld [tilespmem:s12+$0xFFFFFE90];
	v0 =	vmul.f32 v9, v0;
	[tilespmem:s2+$0x140] =	vst v5  }
0x2bf: {  	v50 =	vld [tilespmem:s12+$0xFFFFFEA0];
	v9 =	vmul.f32 v11, v1;
	[tilespmem:s2+$0x150] =	vst v4  }
0x2c0: {  	v51 =	vld [tilespmem:s12+$0xFFFFFEF0];
	v11 =	vmul.f32 v12, v1;
	[tilespmem:s2+$0x160] =	vst v0  }
0x2c1: {  	v13 =	vand.u32 $0xFFFFFFF9, v13;
	[tilespmem:s2+$0x180] =	vst v9;
	v3 =	vld.idx.msk [tilespmem:v8+s24+$0x0], $0xffff;
	v8 =	vmul.f32 v10, v2  }
0x2c2: {  	v13 =	vbroadcast v13, $0x0;
	v9 =	vmul.f32 v14, v1;
	[tilespmem:s2+$0x190] =	vst v11;
	v7 =	vld.idx.msk [tilespmem:v7+s24+$0x0], $0xffff  }
0x2c3: {  	v10 =	vmul.f32 v17, v1;
	[tilespmem:s12+$0x170] =	vst v8;
	v8 =	vld [tilespmem:s12+$0xFFFFFE00]  }
0x2c4: {  	v11 =	vmul.f32 v19, v1;
	[tilespmem:s2+$0x1A0] =	vst v9;
	v9 =	vld [tilespmem:s12+$0xFFFFFE10]  }
0x2c5: {  	v45 =	vmul.f32 v21, v1;
	[tilespmem:s2+$0x1B0] =	vst v10;
	v10 =	vld [tilespmem:s12+$0xFFFFFE20]  }
0x2c6: {  	s13 =	sadd.s32 $0x4, s7;
	v46 =	vmul.f32 v23, v1;
	[tilespmem:s2+$0x1C0] =	vst v11;
	v11 =	vld [tilespmem:s12+$0xFFFFFE30]  }
0x2c7: {  	v20 =	vmov s13;
	s13 =	sadd.s32 $0x7, s7;
	v52 =	vld [tilespmem:s12+$0xFFFFFF40];
	[tilespmem:s2+$0x1D0] =	vst v45;
	v1 =	vmul.f32 v43, v1  }
0x2c8: {  	v44 =	vmov s13;
	[tilespmem:s2+$0x1E0] =	vst v46;
	v13 =	vld.idx.msk [tilespmem:v13+s24+$0x0], $0xffff;
	v8 =	vmul.f32 v8, v7  }
0x2c9: {  	[tilespmem:s2+$0x1F0] =	vst v1;
	v1 =	vmul.f32 v9, v7;
	v9 =	vld [tilespmem:s12+$0xFFFFFE60]  }
0x2ca: {  	[tilespmem:s12+$0xFFFFFE00] =	vst v8;
	v8 =	vmul.f32 v10, v7;
	v10 =	vld [tilespmem:s12+$0xFFFFFE70]  }
0x2cb: {  	v16 =	vand.u32 $0xFFFFFFFA, v16;
	[tilespmem:s12+$0xFFFFFE10] =	vst v1;
	v1 =	vmul.f32 v11, v7;
	v11 =	vld [tilespmem:s12+$0xFFFFFE80]  }
0x2cc: {  	v53 =	vld [tilespmem:s12+$0xFFFFFF90];
	v16 =	vbroadcast v16, $0x0;
	[tilespmem:s12+$0xFFFFFE20] =	vst v8;
	v8 =	vmul.f32 v47, v7  }
0x2cd: {  	v0 =	vld.idx.msk [tilespmem:v44+s24+$0x0], $0xffff;
	[tilespmem:s12+$0xFFFFFE30] =	vst v1;
	v1 =	vmul.f32 v48, v7  }
0x2ce: {  	s9 =	sadd.s32 $0x3, s7;
	[tilespmem:s12+$0xFFFFFE40] =	vst v8;
	v8 =	vmul.f32 v9, v7;
	v9 =	vld [tilespmem:s12+$0xFFFFFEB0]  }
0x2cf: {  	v18 =	vmov s9;
	[tilespmem:s12+$0xFFFFFE50] =	vst v1;
	v1 =	vmul.f32 v10, v7;
	v7 =	vld [tilespmem:s12+$0xFFFFFEC0]  }
0x2d0: {  	v18 =	vand.u32 $0xFFFFFFFB, v18;
	v10 =	vld [tilespmem:s12+$0xFFFFFED0];
	[tilespmem:s12+$0xFFFFFE60] =	vst v8;
	v8 =	vmul.f32 v11, v13  }
0x2d1: {  	v18 =	vbroadcast v18, $0x0;
	v11 =	vld [tilespmem:s12+$0xFFFFFEE0];
	[tilespmem:s12+$0xFFFFFE70] =	vst v1;
	v1 =	vmul.f32 v49, v13  }
0x2d2: {  	v6 =	vld.idx.msk [tilespmem:v16+s24+$0x0], $0xffff;
	[tilespmem:s12+$0xFFFFFE80] =	vst v8;
	v8 =	vmul.f32 v50, v13  }
0x2d3: {  	[tilespmem:s12+$0xFFFFFE90] =	vst v1;
	v1 =	vmul.f32 v9, v13;
	v9 =	vld [tilespmem:s12+$0xFFFFFF00]  }
0x2d4: {  	[tilespmem:s12+$0xFFFFFEA0] =	vst v8;
	v7 =	vmul.f32 v7, v13;
	v8 =	vld [tilespmem:s12+$0xFFFFFF10]  }
0x2d5: {  	v20 =	vand.u32 $0xFFFFFFFC, v20;
	[tilespmem:s12+$0xFFFFFEB0] =	vst v1;
	v1 =	vmul.f32 v10, v13;
	v10 =	vld [tilespmem:s12+$0xFFFFFF20]  }
0x2d6: {  	v20 =	vbroadcast v20, $0x0;
	[tilespmem:s12+$0xFFFFFEC0] =	vst v7;
	v7 =	vmul.f32 v11, v13;
	v11 =	vld [tilespmem:s12+$0xFFFFFF30]  }
0x2d7: {  	v5 =	vld.idx.msk [tilespmem:v18+s24+$0x0], $0xffff;
	[tilespmem:s12+$0xFFFFFED0] =	vst v1;
	v1 =	vmul.f32 v51, v13  }
0x2d8: {  	[tilespmem:s12+$0xFFFFFEE0] =	vst v7;
	v7 =	vmul.f32 v9, v6;
	v9 =	vld [tilespmem:s12+$0xFFFFFF50]  }
0x2d9: {  	[tilespmem:s12+$0xFFFFFEF0] =	vst v1;
	v1 =	vmul.f32 v8, v6;
	v8 =	vld [tilespmem:s12+$0xFFFFFF60]  }
0x2da: {  	[tilespmem:s12+$0xFFFFFF00] =	vst v7;
	v7 =	vmul.f32 v10, v6;
	v10 =	vld [tilespmem:s12+$0xFFFFFF70]  }
0x2db: {  	[tilespmem:s12+$0xFFFFFF10] =	vst v1;
	v1 =	vmul.f32 v11, v6;
	v11 =	vld [tilespmem:s12+$0xFFFFFF80]  }
0x2dc: {  	v4 =	vld.idx.msk [tilespmem:v20+s24+$0x0], $0xffff;
	[tilespmem:s12+$0xFFFFFF20] =	vst v7;
	v7 =	vmul.f32 v52, v6  }
0x2dd: {  	[tilespmem:s12+$0xFFFFFF30] =	vst v1;
	v1 =	vmul.f32 v9, v6;
	v9 =	vld [tilespmem:s12+$0xFFFFFFA0]  }
0x2de: {  	[tilespmem:s12+$0xFFFFFF40] =	vst v7;
	v7 =	vmul.f32 v8, v6;
	v8 =	vld [tilespmem:s12+$0xFFFFFFB0]  }
0x2df: {  	[tilespmem:s12+$0xFFFFFF50] =	vst v1;
	v1 =	vmul.f32 v10, v6;
	v6 =	vld [tilespmem:s12+$0xFFFFFFC0]  }
0x2e0: {  	v10 =	vld [tilespmem:s12+$0xFFFFFFD0];
	[tilespmem:s12+$0xFFFFFF60] =	vst v7;
	v7 =	vmul.f32 v11, v5  }
0x2e1: {  	v11 =	vld [tilespmem:s12+$0xFFFFFFE0];
	[tilespmem:s12+$0xFFFFFF70] =	vst v1;
	v1 =	vmul.f32 v53, v5  }
0x2e2: {  	[tilespmem:s12+$0xFFFFFF80] =	vst v7;
	v7 =	vmul.f32 v9, v5;
	v9 =	vld [tilespmem:s12+$0xFFFFFFF0]  }
0x2e3: {  	[tilespmem:s12+$0xFFFFFF90] =	vst v1;
	v1 =	vmul.f32 v8, v5;
	v8 =	vld [tilespmem:s12+$0x0]  }
0x2e4: {  	[tilespmem:s12+$0xFFFFFFA0] =	vst v7;
	v6 =	vmul.f32 v6, v5;
	v7 =	vld [tilespmem:s12+$0x10]  }
0x2e5: {  	[tilespmem:s12+$0xFFFFFFB0] =	vst v1;
	v1 =	vmul.f32 v10, v5;
	v10 =	vld [tilespmem:s12+$0x20]  }
0x2e6: {  	[tilespmem:s12+$0xFFFFFFC0] =	vst v6;
	v6 =	vmul.f32 v11, v5;
	v11 =	vld [tilespmem:s12+$0x30]  }
0x2e7: {  	[tilespmem:s12+$0xFFFFFFD0] =	vst v1;
	v1 =	vmul.f32 v9, v5;
	v5 =	vld [tilespmem:s12+$0x40]  }
0x2e8: {  	[tilespmem:s12+$0xFFFFFFE0] =	vst v6;
	v6 =	vmul.f32 v8, v4;
	v8 =	vld [tilespmem:s12+$0x50]  }
0x2e9: {  	[tilespmem:s12+$0xFFFFFFF0] =	vst v1;
	v1 =	vmul.f32 v7, v4;
	v7 =	vld [tilespmem:s12+$0x60]  }
0x2ea: {  	v9 =	vld [tilespmem:s12+$0x70];
	[tilespmem:s12+$0x0] =	vst v6;
	v6 =	vmul.f32 v10, v4  }
0x2eb: {  	v10 =	vld [tilespmem:s12+$0x80];
	[tilespmem:s12+$0x10] =	vst v1;
	v1 =	vmul.f32 v11, v4  }
0x2ec: {  	[tilespmem:s12+$0x20] =	vst v6;
	v5 =	vmul.f32 v5, v4;
	v6 =	vld [tilespmem:s12+$0x90]  }
0x2ed: {  	[tilespmem:s12+$0x30] =	vst v1;
	v1 =	vmul.f32 v8, v4;
	v8 =	vld [tilespmem:s12+$0xA0]  }
0x2ee: {  	[tilespmem:s12+$0x40] =	vst v5;
	v5 =	vmul.f32 v7, v4;
	v7 =	vld [tilespmem:s12+$0xB0]  }
0x2ef: {  	[tilespmem:s12+$0x50] =	vst v1;
	v1 =	vmul.f32 v9, v4;
	v4 =	vld [tilespmem:s12+$0xC0]  }
0x2f0: {  	v9 =	vld [tilespmem:s12+$0xD0];
	[tilespmem:s12+$0x60] =	vst v5;
	v5 =	vmul.f32 v10, v3  }
0x2f1: {  	[tilespmem:s12+$0x70] =	vst v1;
	v1 =	vmul.f32 v6, v3;
	v6 =	vld [tilespmem:s12+$0xE0]  }
0x2f2: {  	[tilespmem:s12+$0x80] =	vst v5;
	v5 =	vmul.f32 v8, v3;
	v8 =	vld [tilespmem:s12+$0xF0]  }
0x2f3: {  	[tilespmem:s12+$0x90] =	vst v1;
	v1 =	vmul.f32 v7, v3;
	v7 =	vld [tilespmem:s12+$0x100]  }
0x2f4: {  	[tilespmem:s12+$0xA0] =	vst v5;
	v4 =	vmul.f32 v4, v3;
	v5 =	vld [tilespmem:s12+$0x110]  }
0x2f5: {  	[tilespmem:s12+$0xB0] =	vst v1;
	v1 =	vmul.f32 v9, v3;
	v9 =	vld [tilespmem:s12+$0x120]  }
0x2f6: {  	[tilespmem:s12+$0xC0] =	vst v4;
	v4 =	vmul.f32 v6, v3;
	v6 =	vld [tilespmem:s12+$0x130]  }
0x2f7: {  	[tilespmem:s12+$0xD0] =	vst v1;
	v1 =	vmul.f32 v8, v3;
	v3 =	vld [tilespmem:s12+$0x140]  }
0x2f8: {  	[tilespmem:s12+$0xE0] =	vst v4;
	v4 =	vmul.f32 v7, v2;
	v7 =	vld [tilespmem:s12+$0x150]  }
0x2f9: {  	[tilespmem:s12+$0xF0] =	vst v1;
	v1 =	vmul.f32 v5, v2;
	v5 =	vld [tilespmem:s12+$0x160]  }
0x2fa: {  	[tilespmem:s12+$0x100] =	vst v4;
	v4 =	vld [tilespmem:s12+$0x180];
	v8 =	vmul.f32 v9, v2  }
0x2fb: {  	v9 =	vld [tilespmem:s12+$0x1A0];
	[tilespmem:s12+$0x110] =	vst v1;
	v6 =	vmul.f32 v6, v2  }
0x2fc: {  	v1 =	vld [tilespmem:s12+$0x190];
	v3 =	vmul.f32 v3, v2;
	[tilespmem:s12+$0x120] =	vst v8  }
0x2fd: {  	v8 =	vld [tilespmem:s12+$0x1B0];
	v7 =	vmul.f32 v7, v2;
	[tilespmem:s12+$0x130] =	vst v6  }
0x2fe: {  	v6 =	vld [tilespmem:s12+$0x1C0];
	v2 =	vmul.f32 v5, v2;
	[tilespmem:s12+$0x140] =	vst v3  }
0x2ff: {  	v3 =	vld [tilespmem:s12+$0x1D0];
	v4 =	vmul.f32 v4, v0;
	[tilespmem:s12+$0x150] =	vst v7  }
0x300: {  	v5 =	vld [tilespmem:s12+$0x1E0];
	v7 =	vmul.f32 v9, v0;
	[tilespmem:s12+$0x160] =	vst v2  }
0x301: {  	v1 =	vmul.f32 v1, v0;
	v2 =	vld [tilespmem:s12+$0x1F0];
	[tilespmem:s12+$0x180] =	vst v4  }
0x302: {  	v4 =	vmul.f32 v8, v0;
	[tilespmem:s12+$0x1A0] =	vst v7  }
0x303: {  	[tilespmem:s12+$0x190] =	vst v1;
	v1 =	vmul.f32 v6, v0  }
0x304: {  	v3 =	vmul.f32 v3, v0;
	[tilespmem:s12+$0x1B0] =	vst v4  }
0x305: {  	s31 =	sadd.s32 $0x78, s29;
	v4 =	vmul.f32 v5, v0;
	[tilespmem:s12+$0x1C0] =	vst v1  }
0x306: {  	s2 =	sadd.s32 $0x0, s31;
	v0 =	vmul.f32 v2, v0;
	[tilespmem:s12+$0x1D0] =	vst v3  }
0x307: {  	s9 =	sadd.s32 $0x6, s2;
	[tilespmem:s12+$0x1E0] =	vst v4  }
0x308: {  	[tilespmem:s12+$0x1F0] =	vst v0;
	v0 =	vmov s9  }
0x309: {  	_ =	swait.ge [sflag:s17], $0x28;
	v0 =	vand.u32 $0xFFFFFFFE, v0  }
0x30a: {  	v1 =	vmov s2;
	[sflag:s17] =	ssyncset.done $0x0;
	v0 =	vbroadcast v0, $0x0  }
0x30b: {  	s11 =	simm.s32 $0x5000;
	v1 =	vand.u32 $0xFFFFFFF8, v1;
	s12 =	simm.s32 $0x7980;
	[sflag:s17] =	ssyncadd.s32 $0xFFFFFFD8  }
0x30c: {  	v1 =	vbroadcast v1, $0x0;
	[spmem:s4] =	stream.indirect.scatter.add.f32 [tilespmem:s12], [sflag:$0xD], $0x80, s11, s26, $0xb8;
	[tilespmem:$0x1EE00] =	vst v63  }
0x30d: {  	_ =	swait.ge [sflag:s18], $0x1400  }
0x30e: {  	[sflag:s18] =	ssyncset.done $0x0  }
0x30f: {  	[sflag:s18] =	ssyncadd.s32 $0xFFFFEC00  }
0x310: {  	s30 =	simm.s32 $0x8F80;
	v0 =	vld.idx.msk [tilespmem:v0+s24+$0x0], $0xffff  }
0x311: {  	s13 =	sadd.s32 $0x1, s2;
	v2 =	vld [tilespmem:s30+$0x170]  }
0x312: {  	v3 =	vmov s13;
	v1 =	vld.idx.msk [tilespmem:v1+s24+$0x0], $0xffff  }
0x313: {  	v3 =	vand.u32 $0xFFFFFFF9, v3;
	v4 =	vld [tilespmem:s30+$0xFFFFFE00]  }
0x314: {  	v3 =	vbroadcast v3, $0x0;
	v5 =	vld [tilespmem:s30+$0xFFFFFE10]  }
0x315: {  	v6 =	vld [tilespmem:s30+$0xFFFFFE20]  }
0x316: {  	v7 =	vld [tilespmem:s30+$0xFFFFFE30]  }
0x317: {  	v8 =	vld [tilespmem:s30+$0xFFFFFE40]  }
0x318: {  	v9 =	vld [tilespmem:s30+$0xFFFFFE50]  }
0x319: {  	v10 =	vld [tilespmem:s30+$0xFFFFFE60]  }
0x31a: {  	v3 =	vld.idx.msk [tilespmem:v3+s24+$0x0], $0xffff  }
0x31b: {  	v11 =	vld [tilespmem:s30+$0xFFFFFE70]  }
0x31c: {  	v54 =	vld [tilespmem:s30+$0xFFFFFE80]  }
0x31d: {  	v58 =	vld [tilespmem:s30+$0xFFFFFED0];
	v4 =	vmul.f32 v4, v1  }
0x31e: {  	v55 =	vld [tilespmem:s30+$0xFFFFFE90];
	v2 =	vmul.f32 v2, v0  }
0x31f: {  	v56 =	vld [tilespmem:s30+$0xFFFFFEA0];
	v5 =	vmul.f32 v5, v1;
	[tilespmem:s30+$0xFFFFFE00] =	vst v4  }
0x320: {  	s7 =	sadd.s32 $0x2, s2;
	v57 =	vld [tilespmem:s30+$0xFFFFFEB0];
	v7 =	vmul.f32 v7, v1;
	[tilespmem:s30+$0x170] =	vst v2  }
0x321: {  	v59 =	vld [tilespmem:s30+$0xFFFFFF30];
	v8 =	vmul.f32 v8, v1;
	v4 =	vmov s7;
	[tilespmem:s30+$0xFFFFFE10] =	vst v5  }
0x322: {  	v60 =	vld [tilespmem:s30+$0xFFFFFF40];
	v12 =	vmul.f32 v58, v3;
	[tilespmem:s30+$0xFFFFFE30] =	vst v7;
	v4 =	vand.u32 $0xFFFFFFFA, v4  }
0x323: {  	v61 =	vld [tilespmem:s30+$0xFFFFFFB0];
	v2 =	vmul.f32 v6, v1;
	[tilespmem:s30+$0xFFFFFE40] =	vst v8;
	v4 =	vbroadcast v4, $0x0  }
0x324: {  	v62 =	vld [tilespmem:s30+$0xFFFFFFC0];
	v5 =	vmul.f32 v54, v3;
	[tilespmem:s30+$0xFFFFFED0] =	vst v12  }
0x325: {  	v6 =	vld [tilespmem:s30+$0xFFFFFEC0];
	v7 =	vmul.f32 v9, v1;
	[tilespmem:s30+$0xFFFFFE20] =	vst v2  }
0x326: {  	s9 =	sadd.s32 $0x3, s2;
	v9 =	vld [tilespmem:s30+$0xFFFFFEF0];
	v8 =	vmul.f32 v10, v1;
	[tilespmem:s30+$0xFFFFFE80] =	vst v5  }
0x327: {  	v1 =	vmul.f32 v11, v1;
	v2 =	vld [tilespmem:s30+$0xFFFFFEE0];
	v5 =	vmov s9;
	[tilespmem:s30+$0xFFFFFE50] =	vst v7  }
0x328: {  	v10 =	vld [tilespmem:s30+$0xFFFFFF00];
	[tilespmem:s30+$0xFFFFFE60] =	vst v8;
	v8 =	vmul.f32 v55, v3;
	v5 =	vand.u32 $0xFFFFFFFB, v5  }
0x329: {  	[tilespmem:s30+$0xFFFFFE70] =	vst v1;
	v1 =	vmul.f32 v56, v3;
	v5 =	vbroadcast v5, $0x0;
	v4 =	vld.idx.msk [tilespmem:v4+s24+$0x0], $0xffff  }
0x32a: {  	v7 =	vld [tilespmem:s30+$0xFFFFFF10];
	[tilespmem:s30+$0xFFFFFE90] =	vst v8;
	v8 =	vmul.f32 v57, v3  }
0x32b: {  	v11 =	vld [tilespmem:s30+$0xFFFFFF20];
	[tilespmem:s30+$0xFFFFFEA0] =	vst v1;
	v6 =	vmul.f32 v6, v3  }
0x32c: {  	[tilespmem:s30+$0xFFFFFEB0] =	vst v8;
	v8 =	vld [tilespmem:s30+$0xFFFFFF60];
	v2 =	vmul.f32 v2, v3  }
0x32d: {  	v63 =	vld [tilespmem:s30+$0x30];
	[tilespmem:s30+$0xFFFFFEC0] =	vst v6;
	v3 =	vmul.f32 v9, v3  }
0x32e: {  	v9 =	vld [tilespmem:s30+$0xFFFFFF80];
	[tilespmem:s30+$0xFFFFFEE0] =	vst v2;
	v1 =	vmul.f32 v10, v4  }
0x32f: {  	[tilespmem:s30+$0xFFFFFEF0] =	vst v3;
	v5 =	vld.idx.msk [tilespmem:v5+s24+$0x0], $0xffff;
	v2 =	vmul.f32 v7, v4  }
0x330: {  	s11 =	sadd.s32 $0x4, s2;
	v10 =	vld [tilespmem:s30+$0xFFFFFF50];
	v3 =	vmul.f32 v11, v4;
	[tilespmem:s30+$0xFFFFFF00] =	vst v1  }
0x331: {  	v6 =	vld [tilespmem:s30+$0xFFFFFF70];
	v8 =	vmul.f32 v8, v4;
	v1 =	vmov s11;
	[tilespmem:s30+$0xFFFFFF10] =	vst v2  }
0x332: {  	v7 =	vld [tilespmem:s30+$0xFFFFFF90];
	v2 =	vmul.f32 v59, v4;
	[tilespmem:s30+$0xFFFFFF20] =	vst v3;
	v1 =	vand.u32 $0xFFFFFFFC, v1  }
0x333: {  	v11 =	vld [tilespmem:s30+$0xFFFFFFA0];
	v3 =	vmul.f32 v60, v4;
	[tilespmem:s30+$0xFFFFFF60] =	vst v8;
	v1 =	vbroadcast v1, $0x0  }
0x334: {  	v8 =	vld [tilespmem:s30+$0x0];
	[tilespmem:s30+$0xFFFFFF30] =	vst v2;
	v2 =	vmul.f32 v9, v5  }
0x335: {  	s12 =	sadd.s32 $0x5, s2;
	v9 =	vld [tilespmem:s30+$0xFFFFFFD0];
	[tilespmem:s30+$0xFFFFFF40] =	vst v3;
	v10 =	vmul.f32 v10, v4  }
0x336: {  	v3 =	vld [tilespmem:s30+$0xFFFFFFE0];
	v4 =	vmul.f32 v6, v4;
	[tilespmem:s30+$0xFFFFFF80] =	vst v2;
	v2 =	vmov s12  }
0x337: {  	v6 =	vld [tilespmem:s30+$0xFFFFFFF0];
	v7 =	vmul.f32 v7, v5;
	[tilespmem:s30+$0xFFFFFF50] =	vst v10;
	v2 =	vand.u32 $0xFFFFFFFD, v2  }
0x338: {  	[tilespmem:s30+$0xFFFFFF70] =	vst v4;
	v4 =	vmul.f32 v11, v5;
	v10 =	vld [tilespmem:s30+$0x10];
	v2 =	vbroadcast v2, $0x0  }
0x339: {  	[tilespmem:s30+$0xFFFFFF90] =	vst v7;
	v7 =	vmul.f32 v61, v5;
	v1 =	vld.idx.msk [tilespmem:v1+s24+$0x0], $0xffff  }
0x33a: {  	v11 =	vld [tilespmem:s30+$0x20];
	[tilespmem:s30+$0xFFFFFFA0] =	vst v4;
	v4 =	vmul.f32 v62, v5  }
0x33b: {  	[tilespmem:s30+$0xFFFFFFB0] =	vst v7;
	v7 =	vmul.f32 v9, v5;
	v9 =	vld [tilespmem:s30+$0x40]  }
0x33c: {  	v3 =	vmul.f32 v3, v5;
	v5 =	vmul.f32 v6, v5;
	v6 =	vld [tilespmem:s30+$0x80];
	[tilespmem:s30+$0xFFFFFFC0] =	vst v4  }
0x33d: {  	[tilespmem:s30+$0xFFFFFFD0] =	vst v7;
	v7 =	vld [tilespmem:s30+$0x60]  }
0x33e: {  	[tilespmem:s30+$0xFFFFFFE0] =	vst v3;
	v2 =	vld.idx.msk [tilespmem:v2+s24+$0x0], $0xffff;
	v4 =	vmul.f32 v8, v1  }
0x33f: {  	[tilespmem:s30+$0xFFFFFFF0] =	vst v5;
	v8 =	vld [tilespmem:s30+$0x50];
	v5 =	vmul.f32 v11, v1  }
0x340: {  	v3 =	vmul.f32 v10, v1;
	v10 =	vld [tilespmem:s30+$0x90];
	[tilespmem:s30+$0x0] =	vst v4  }
0x341: {  	s13 =	sadd.s32 $0x7, s2;
	v4 =	vld [tilespmem:s30+$0x70];
	[tilespmem:s30+$0x20] =	vst v5;
	v5 =	vmul.f32 v9, v1  }
0x342: {  	v11 =	vmov s13;
	[tilespmem:s30+$0x10] =	vst v3;
	v3 =	vmul.f32 v63, v1;
	v9 =	vld [tilespmem:s30+$0xA0]  }
0x343: {  	[tilespmem:s30+$0x40] =	vst v5;
	v5 =	vmul.f32 v7, v1;
	v7 =	vld [tilespmem:s30+$0xC0]  }
0x344: {  	[tilespmem:s30+$0x30] =	vst v3;
	v3 =	vmul.f32 v8, v1;
	v8 =	vld [tilespmem:s30+$0xB0]  }
0x345: {  	v10 =	vmul.f32 v10, v2;
	[tilespmem:s30+$0x60] =	vst v5;
	v5 =	vld [tilespmem:s30+$0xE0]  }
0x346: {  	[tilespmem:s30+$0x50] =	vst v3;
	v3 =	vmul.f32 v6, v2;
	v6 =	vld [tilespmem:s30+$0xD0]  }
0x347: {  	v4 =	vmul.f32 v4, v1;
	v1 =	vld.idx.msk [tilespmem:v11+s24+$0x0], $0xffff;
	[tilespmem:s30+$0x90] =	vst v10  }
0x348: {  	[tilespmem:s30+$0x80] =	vst v3;
	v3 =	vmul.f32 v9, v2;
	v9 =	vld [tilespmem:s30+$0xF0]  }
0x349: {  	v10 =	vld [tilespmem:s30+$0x100];
	[tilespmem:s30+$0x70] =	vst v4;
	v4 =	vmul.f32 v8, v2  }
0x34a: {  	[tilespmem:s30+$0xA0] =	vst v3;
	v3 =	vmul.f32 v7, v2;
	v7 =	vld [tilespmem:s30+$0x110]  }
0x34b: {  	v11 =	vmul.f32 v5, v2;
	v5 =	vld [tilespmem:s30+$0x140];
	[tilespmem:s30+$0xB0] =	vst v4  }
0x34c: {  	v6 =	vmul.f32 v6, v2;
	v4 =	vld [tilespmem:s30+$0x120];
	[tilespmem:s30+$0xC0] =	vst v3  }
0x34d: {  	v3 =	vld [tilespmem:s30+$0x130];
	[tilespmem:s30+$0xE0] =	vst v11;
	v8 =	vmul.f32 v9, v2  }
0x34e: {  	s0 =	simm.s32 $0x10;
	s2 =	simm.s32 $0x8F80;
	s7 =	sadd.s32 $0x8, s31;
	[tilespmem:s30+$0xD0] =	vst v6;
	v2 =	vmul.f32 v10, v0;
	v6 =	vld [tilespmem:s30+$0x150]  }
.LBB2_13:
0x34f: {  	p3 =	slt.u32 s0, $0x20;
	v9 =	vmov s7;
	s9 =	sadd.s32 $0x1, s7;
	s11 =	sadd.s32 $0x6, s7;
	[tilespmem:s30+$0xF0] =	vst v8;
	v7 =	vmul.f32 v7, v0;
	v8 =	vld [tilespmem:s30+$0x160]  }
0x350: {  	s12 =	sadd.s32 $0x3, s7;
	s13 =	sadd.s32 $0x4, s7;
	v9 =	vand.u32 $0xFFFFFFF8, v9;
	v10 =	vmov s9;
	s9 =	sadd.s32 $0x2, s7;
	v11 =	vmov s11;
	[tilespmem:s30+$0x100] =	vst v2;
	v2 =	vld [tilespmem:s30+$0x180]  }
0x351: {  	v13 =	vmov s12;
	v12 =	vmov s9;
	s9 =	sadd.s32 $0x5, s7;
	v11 =	vand.u32 $0xFFFFFFFE, v11;
	s7 =	sadd.s32 $0x7, s7;
	[tilespmem:s30+$0x110] =	vst v7;
	v7 =	vld [tilespmem:s30+$0x190]  }
0x352: {  	v14 =	vmov s13;
	v15 =	vmov s9;
	v11 =	vbroadcast v11, $0x0;
	v16 =	vld [tilespmem:s30+$0x1A0]  }
0x353: {  	v10 =	vand.u32 $0xFFFFFFF9, v10;
	v13 =	vand.u32 $0xFFFFFFFB, v13;
	v12 =	vand.u32 $0xFFFFFFFA, v12;
	v17 =	vld [tilespmem:s30+$0x1B0]  }
0x354: {  	v14 =	vand.u32 $0xFFFFFFFC, v14;
	v10 =	vbroadcast v10, $0x0;
	v15 =	vand.u32 $0xFFFFFFFD, v15;
	v18 =	vld [tilespmem:s30+$0x1C0]  }
0x355: {  	v13 =	vbroadcast v13, $0x0;
	v19 =	vmov s7;
	v12 =	vbroadcast v12, $0x0;
	v20 =	vld [tilespmem:s30+$0x1D0]  }
0x356: {  	v14 =	vbroadcast v14, $0x0;
	v15 =	vbroadcast v15, $0x0;
	v21 =	vld [tilespmem:s30+$0x1E0]  }
0x357: {  	v4 =	vmul.f32 v4, v0;
	v9 =	vbroadcast v9, $0x0;
	v22 =	vld [tilespmem:s30+$0x1F0]  }
0x358: {  	v3 =	vmul.f32 v3, v0;
	v23 =	vmul.f32 v5, v0;
	s30 =	sadd.s32 $0x400, s30;
	v11 =	vld.idx.msk [tilespmem:v11+s24+$0x0], $0xffff  }
0x359: {  	v6 =	vmul.f32 v6, v0;
	v0 =	vmul.f32 v8, v0;
	v24 =	vld [tilespmem:s30+$0x170];
	[tilespmem:s2+$0x120] =	vst v4  }
0x35a: {  	v7 =	vmul.f32 v7, v1;
	v8 =	vld.idx.msk [tilespmem:v10+s24+$0x0], $0xffff;
	[tilespmem:s2+$0x130] =	vst v3;
	v10 =	vmul.f32 v2, v1  }
0x35b: {  	v5 =	vld.idx.msk [tilespmem:v12+s24+$0x0], $0xffff;
	[tilespmem:s2+$0x140] =	vst v23;
	v12 =	vmul.f32 v16, v1;
	v16 =	vmul.f32 v17, v1  }
0x35c: {  	v4 =	vld.idx.msk [tilespmem:v13+s24+$0x0], $0xffff;
	[tilespmem:s2+$0x150] =	vst v6;
	v6 =	vmul.f32 v18, v1;
	v13 =	vmul.f32 v20, v1  }
0x35d: {  	v17 =	vmul.f32 v22, v1;
	v3 =	vld.idx.msk [tilespmem:v14+s24+$0x0], $0xffff;
	[tilespmem:s2+$0x160] =	vst v0;
	v14 =	vmul.f32 v21, v1  }
0x35e: {  	v0 =	vmov v11;
	v2 =	vld.idx.msk [tilespmem:v15+s24+$0x0], $0xffff;
	v1 =	vmul.f32 v24, v11;
	[tilespmem:s2+$0x180] =	vst v10  }
0x35f: {  	v9 =	vld.idx.msk [tilespmem:v9+s24+$0x0], $0xffff;
	[tilespmem:s2+$0x190] =	vst v7  }
0x360: {  	[tilespmem:s30+$0x170] =	vst v1;
	v1 =	vld.idx.msk [tilespmem:v19+s24+$0x0], $0xffff  }
0x361: {  	v7 =	vld [tilespmem:s30+$0xFFFFFE00];
	[tilespmem:s2+$0x1A0] =	vst v12  }
0x362: {  	v10 =	vld [tilespmem:s30+$0xFFFFFE10];
	[tilespmem:s2+$0x1B0] =	vst v16  }
0x363: {  	v11 =	vld [tilespmem:s30+$0xFFFFFE20];
	[tilespmem:s2+$0x1C0] =	vst v6  }
0x364: {  	v6 =	vld [tilespmem:s30+$0xFFFFFE30];
	[tilespmem:s2+$0x1D0] =	vst v13  }
0x365: {  	v12 =	vld [tilespmem:s30+$0xFFFFFE40];
	[tilespmem:s2+$0x1E0] =	vst v14  }
0x366: {  	v7 =	vmul.f32 v7, v9;
	v13 =	vld [tilespmem:s30+$0xFFFFFE50];
	[tilespmem:s2+$0x1F0] =	vst v17;
	s2 =	smov.u32 s30  }
0x367: {  	v10 =	vmul.f32 v10, v9;
	v14 =	vld [tilespmem:s30+$0xFFFFFE60]  }
0x368: {  	[tilespmem:s30+$0xFFFFFE00] =	vst v7;
	v7 =	vmul.f32 v11, v9;
	v11 =	vld [tilespmem:s30+$0xFFFFFE70]  }
0x369: {  	[tilespmem:s30+$0xFFFFFE10] =	vst v10;
	v6 =	vmul.f32 v6, v9;
	v10 =	vld [tilespmem:s30+$0xFFFFFE80]  }
0x36a: {  	[tilespmem:s30+$0xFFFFFE20] =	vst v7;
	v7 =	vmul.f32 v12, v9;
	v12 =	vld [tilespmem:s30+$0xFFFFFE90]  }
0x36b: {  	[tilespmem:s30+$0xFFFFFE30] =	vst v6;
	v6 =	vmul.f32 v13, v9;
	v13 =	vld [tilespmem:s30+$0xFFFFFEA0]  }
0x36c: {  	[tilespmem:s30+$0xFFFFFE40] =	vst v7;
	v7 =	vmul.f32 v14, v9;
	v14 =	vld [tilespmem:s30+$0xFFFFFEB0]  }
0x36d: {  	[tilespmem:s30+$0xFFFFFE50] =	vst v6;
	v6 =	vmul.f32 v11, v9;
	v9 =	vld [tilespmem:s30+$0xFFFFFEC0]  }
0x36e: {  	[tilespmem:s30+$0xFFFFFE60] =	vst v7;
	v7 =	vmul.f32 v10, v8;
	v10 =	vld [tilespmem:s30+$0xFFFFFED0]  }
0x36f: {  	[tilespmem:s30+$0xFFFFFE70] =	vst v6;
	v6 =	vmul.f32 v12, v8;
	v11 =	vld [tilespmem:s30+$0xFFFFFEE0]  }
0x370: {  	[tilespmem:s30+$0xFFFFFE80] =	vst v7;
	v7 =	vmul.f32 v13, v8;
	v12 =	vld [tilespmem:s30+$0xFFFFFEF0]  }
0x371: {  	[tilespmem:s30+$0xFFFFFE90] =	vst v6;
	v6 =	vmul.f32 v14, v8;
	v13 =	vld [tilespmem:s30+$0xFFFFFF00]  }
0x372: {  	[tilespmem:s30+$0xFFFFFEA0] =	vst v7;
	v7 =	vmul.f32 v9, v8;
	v9 =	vld [tilespmem:s30+$0xFFFFFF10]  }
0x373: {  	[tilespmem:s30+$0xFFFFFEB0] =	vst v6;
	v6 =	vmul.f32 v10, v8;
	v10 =	vld [tilespmem:s30+$0xFFFFFF20]  }
0x374: {  	[tilespmem:s30+$0xFFFFFEC0] =	vst v7;
	v7 =	vmul.f32 v11, v8;
	v11 =	vld [tilespmem:s30+$0xFFFFFF30]  }
0x375: {  	[tilespmem:s30+$0xFFFFFED0] =	vst v6;
	v6 =	vmul.f32 v12, v8;
	v8 =	vld [tilespmem:s30+$0xFFFFFF40]  }
0x376: {  	[tilespmem:s30+$0xFFFFFEE0] =	vst v7;
	v7 =	vmul.f32 v13, v5;
	v12 =	vld [tilespmem:s30+$0xFFFFFF50]  }
0x377: {  	[tilespmem:s30+$0xFFFFFEF0] =	vst v6;
	v6 =	vmul.f32 v9, v5;
	v9 =	vld [tilespmem:s30+$0xFFFFFF60]  }
0x378: {  	[tilespmem:s30+$0xFFFFFF00] =	vst v7;
	v7 =	vmul.f32 v10, v5;
	v10 =	vld [tilespmem:s30+$0xFFFFFF70]  }
0x379: {  	[tilespmem:s30+$0xFFFFFF10] =	vst v6;
	v6 =	vmul.f32 v11, v5;
	v11 =	vld [tilespmem:s30+$0xFFFFFF80]  }
0x37a: {  	[tilespmem:s30+$0xFFFFFF20] =	vst v7;
	v7 =	vmul.f32 v8, v5;
	v8 =	vld [tilespmem:s30+$0xFFFFFF90]  }
0x37b: {  	[tilespmem:s30+$0xFFFFFF30] =	vst v6;
	v6 =	vmul.f32 v12, v5;
	v12 =	vld [tilespmem:s30+$0xFFFFFFA0]  }
0x37c: {  	[tilespmem:s30+$0xFFFFFF40] =	vst v7;
	v7 =	vmul.f32 v9, v5;
	v9 =	vld [tilespmem:s30+$0xFFFFFFB0]  }
0x37d: {  	[tilespmem:s30+$0xFFFFFF50] =	vst v6;
	v5 =	vmul.f32 v10, v5;
	v6 =	vld [tilespmem:s30+$0xFFFFFFC0]  }
0x37e: {  	[tilespmem:s30+$0xFFFFFF60] =	vst v7;
	v7 =	vmul.f32 v11, v4;
	v10 =	vld [tilespmem:s30+$0xFFFFFFD0]  }
0x37f: {  	[tilespmem:s30+$0xFFFFFF70] =	vst v5;
	v5 =	vmul.f32 v8, v4;
	v8 =	vld [tilespmem:s30+$0xFFFFFFE0]  }
0x380: {  	[tilespmem:s30+$0xFFFFFF80] =	vst v7;
	v7 =	vmul.f32 v12, v4;
	v11 =	vld [tilespmem:s30+$0xFFFFFFF0]  }
0x381: {  	[tilespmem:s30+$0xFFFFFF90] =	vst v5;
	v5 =	vmul.f32 v9, v4;
	v9 =	vld [tilespmem:s30+$0x0]  }
0x382: {  	[tilespmem:s30+$0xFFFFFFA0] =	vst v7;
	v6 =	vmul.f32 v6, v4;
	v7 =	vld [tilespmem:s30+$0x10]  }
0x383: {  	[tilespmem:s30+$0xFFFFFFB0] =	vst v5;
	v5 =	vmul.f32 v10, v4;
	v10 =	vld [tilespmem:s30+$0x20]  }
0x384: {  	[tilespmem:s30+$0xFFFFFFC0] =	vst v6;
	v6 =	vmul.f32 v8, v4;
	v8 =	vld [tilespmem:s30+$0x30]  }
0x385: {  	[tilespmem:s30+$0xFFFFFFD0] =	vst v5;
	v4 =	vmul.f32 v11, v4;
	v5 =	vld [tilespmem:s30+$0x40]  }
0x386: {  	[tilespmem:s30+$0xFFFFFFE0] =	vst v6;
	v6 =	vmul.f32 v9, v3;
	v9 =	vld [tilespmem:s30+$0x50]  }
0x387: {  	[tilespmem:s30+$0xFFFFFFF0] =	vst v4;
	v4 =	vmul.f32 v7, v3;
	v7 =	vld [tilespmem:s30+$0x60]  }
0x388: {  	[tilespmem:s30+$0x0] =	vst v6;
	v6 =	vmul.f32 v10, v3;
	v10 =	vld [tilespmem:s30+$0x70]  }
0x389: {  	[tilespmem:s30+$0x10] =	vst v4;
	v4 =	vmul.f32 v8, v3;
	v8 =	vld [tilespmem:s30+$0x80]  }
0x38a: {  	[tilespmem:s30+$0x20] =	vst v6;
	v5 =	vmul.f32 v5, v3;
	v6 =	vld [tilespmem:s30+$0x90]  }
0x38b: {  	[tilespmem:s30+$0x30] =	vst v4;
	v4 =	vmul.f32 v9, v3;
	v9 =	vld [tilespmem:s30+$0xA0]  }
0x38c: {  	[tilespmem:s30+$0x40] =	vst v5;
	v5 =	vmul.f32 v7, v3;
	v7 =	vld [tilespmem:s30+$0xB0]  }
0x38d: {  	[tilespmem:s30+$0x50] =	vst v4;
	v3 =	vmul.f32 v10, v3;
	v4 =	vld [tilespmem:s30+$0xC0]  }
0x38e: {  	[tilespmem:s30+$0x60] =	vst v5;
	v5 =	vmul.f32 v8, v2;
	v8 =	vld [tilespmem:s30+$0xD0]  }
0x38f: {  	[tilespmem:s30+$0x70] =	vst v3;
	v3 =	vmul.f32 v6, v2;
	v6 =	vld [tilespmem:s30+$0xE0]  }
0x390: {  	[tilespmem:s30+$0x80] =	vst v5;
	v5 =	vmul.f32 v9, v2;
	v9 =	vld [tilespmem:s30+$0xF0]  }
0x391: {  	[tilespmem:s30+$0x90] =	vst v3;
	v3 =	vmul.f32 v7, v2;
	v10 =	vld [tilespmem:s30+$0x100]  }
.Ltmp7:
0x392: {  	[tilespmem:s30+$0xA0] =	vst v5;
	v5 =	vmul.f32 v4, v2;
	v7 =	vld [tilespmem:s30+$0x110];
	(pc) =	sbr.rel @p3 .LBB2_13-.Ltmp7, $4  }
0x393: {  	[tilespmem:s30+$0xB0] =	vst v3;
	v8 =	vmul.f32 v8, v2;
	v4 =	vld [tilespmem:s30+$0x120]  }
0x394: {  	[tilespmem:s30+$0xC0] =	vst v5;
	v6 =	vmul.f32 v6, v2;
	v3 =	vld [tilespmem:s30+$0x130]  }
0x395: {  	[tilespmem:s30+$0xD0] =	vst v8;
	v8 =	vmul.f32 v9, v2;
	v5 =	vld [tilespmem:s30+$0x140]  }
0x396: {  	s7 =	sadd.s32 s31, s0;
	s0 =	sadd.s32 $0x8, s0;
	[tilespmem:s30+$0xE0] =	vst v6;
	v2 =	vmul.f32 v10, v0;
	v6 =	vld [tilespmem:s30+$0x150]  }
0x397: {  	v9 =	vld [tilespmem:s30+$0x160]  }
0x398: {  	s0 =	sadd.s32 $0x6, s7;
	v11 =	vld [tilespmem:s30+$0x180]  }
0x399: {  	v12 =	vld [tilespmem:s30+$0x190];
	v10 =	vmov s0  }
0x39a: {  	v14 =	vld [tilespmem:s30+$0x1A0];
	v10 =	vand.u32 $0xFFFFFFFE, v10  }
0x39b: {  	v17 =	vld [tilespmem:s30+$0x1B0];
	v10 =	vbroadcast v10, $0x0  }
0x39c: {  	v19 =	vld [tilespmem:s30+$0x1C0]  }
0x39d: {  	s11 =	sadd.s32 $0x1, s7;
	v21 =	vld [tilespmem:s30+$0x1D0]  }
0x39e: {  	s12 =	sadd.s32 $0x2, s7;
	v23 =	vld [tilespmem:s30+$0x1E0];
	v13 =	vmov s11;
	s11 =	sadd.s32 $0x5, s7  }
0x39f: {  	[tilespmem:s30+$0xF0] =	vst v8;
	v7 =	vmul.f32 v7, v0;
	v43 =	vld [tilespmem:s30+$0x1F0];
	v16 =	vmov s12;
	s12 =	sadd.s32 $0x400, s30;
	v22 =	vmov s11  }
0x3a0: {  	v15 =	vmov s7;
	[tilespmem:s30+$0x100] =	vst v2;
	v4 =	vmul.f32 v4, v0;
	v47 =	vld [tilespmem:s12+$0xFFFFFE40];
	v8 =	vand.u32 $0xFFFFFFFD, v22  }
0x3a1: {  	v15 =	vand.u32 $0xFFFFFFF8, v15;
	[tilespmem:s30+$0x110] =	vst v7;
	v3 =	vmul.f32 v3, v0;
	v8 =	vbroadcast v8, $0x0;
	v2 =	vld.idx.msk [tilespmem:v10+s24+$0x0], $0xffff  }
0x3a2: {  	v7 =	vbroadcast v15, $0x0;
	v5 =	vmul.f32 v5, v0;
	[tilespmem:s2+$0x120] =	vst v4;
	v10 =	vld [tilespmem:s12+$0x170]  }
0x3a3: {  	v48 =	vld [tilespmem:s12+$0xFFFFFE50];
	v4 =	vmul.f32 v6, v0;
	[tilespmem:s2+$0x130] =	vst v3  }
0x3a4: {  	v49 =	vld [tilespmem:s12+$0xFFFFFE90];
	v0 =	vmul.f32 v9, v0;
	[tilespmem:s2+$0x140] =	vst v5  }
0x3a5: {  	v50 =	vld [tilespmem:s12+$0xFFFFFEA0];
	v9 =	vmul.f32 v11, v1;
	[tilespmem:s2+$0x150] =	vst v4  }
0x3a6: {  	v51 =	vld [tilespmem:s12+$0xFFFFFEF0];
	v11 =	vmul.f32 v12, v1;
	[tilespmem:s2+$0x160] =	vst v0  }
0x3a7: {  	v13 =	vand.u32 $0xFFFFFFF9, v13;
	[tilespmem:s2+$0x180] =	vst v9;
	v3 =	vld.idx.msk [tilespmem:v8+s24+$0x0], $0xffff;
	v8 =	vmul.f32 v10, v2  }
0x3a8: {  	v13 =	vbroadcast v13, $0x0;
	v9 =	vmul.f32 v14, v1;
	[tilespmem:s2+$0x190] =	vst v11;
	v7 =	vld.idx.msk [tilespmem:v7+s24+$0x0], $0xffff  }
0x3a9: {  	v10 =	vmul.f32 v17, v1;
	[tilespmem:s12+$0x170] =	vst v8;
	v8 =	vld [tilespmem:s12+$0xFFFFFE00]  }
0x3aa: {  	v11 =	vmul.f32 v19, v1;
	[tilespmem:s2+$0x1A0] =	vst v9;
	v9 =	vld [tilespmem:s12+$0xFFFFFE10]  }
0x3ab: {  	v45 =	vmul.f32 v21, v1;
	[tilespmem:s2+$0x1B0] =	vst v10;
	v10 =	vld [tilespmem:s12+$0xFFFFFE20]  }
0x3ac: {  	s13 =	sadd.s32 $0x4, s7;
	v46 =	vmul.f32 v23, v1;
	[tilespmem:s2+$0x1C0] =	vst v11;
	v11 =	vld [tilespmem:s12+$0xFFFFFE30]  }
0x3ad: {  	v20 =	vmov s13;
	s13 =	sadd.s32 $0x7, s7;
	v52 =	vld [tilespmem:s12+$0xFFFFFF40];
	[tilespmem:s2+$0x1D0] =	vst v45;
	v1 =	vmul.f32 v43, v1  }
0x3ae: {  	v44 =	vmov s13;
	[tilespmem:s2+$0x1E0] =	vst v46;
	v13 =	vld.idx.msk [tilespmem:v13+s24+$0x0], $0xffff;
	v8 =	vmul.f32 v8, v7  }
0x3af: {  	[tilespmem:s2+$0x1F0] =	vst v1;
	v1 =	vmul.f32 v9, v7;
	v9 =	vld [tilespmem:s12+$0xFFFFFE60]  }
0x3b0: {  	[tilespmem:s12+$0xFFFFFE00] =	vst v8;
	v8 =	vmul.f32 v10, v7;
	v10 =	vld [tilespmem:s12+$0xFFFFFE70]  }
0x3b1: {  	v16 =	vand.u32 $0xFFFFFFFA, v16;
	[tilespmem:s12+$0xFFFFFE10] =	vst v1;
	v1 =	vmul.f32 v11, v7;
	v11 =	vld [tilespmem:s12+$0xFFFFFE80]  }
0x3b2: {  	v53 =	vld [tilespmem:s12+$0xFFFFFF90];
	v16 =	vbroadcast v16, $0x0;
	[tilespmem:s12+$0xFFFFFE20] =	vst v8;
	v8 =	vmul.f32 v47, v7  }
0x3b3: {  	v0 =	vld.idx.msk [tilespmem:v44+s24+$0x0], $0xffff;
	[tilespmem:s12+$0xFFFFFE30] =	vst v1;
	v1 =	vmul.f32 v48, v7  }
0x3b4: {  	s9 =	sadd.s32 $0x3, s7;
	[tilespmem:s12+$0xFFFFFE40] =	vst v8;
	v8 =	vmul.f32 v9, v7;
	v9 =	vld [tilespmem:s12+$0xFFFFFEB0]  }
0x3b5: {  	v18 =	vmov s9;
	[tilespmem:s12+$0xFFFFFE50] =	vst v1;
	v1 =	vmul.f32 v10, v7;
	v7 =	vld [tilespmem:s12+$0xFFFFFEC0]  }
0x3b6: {  	v18 =	vand.u32 $0xFFFFFFFB, v18;
	v10 =	vld [tilespmem:s12+$0xFFFFFED0];
	[tilespmem:s12+$0xFFFFFE60] =	vst v8;
	v8 =	vmul.f32 v11, v13  }
0x3b7: {  	v18 =	vbroadcast v18, $0x0;
	v11 =	vld [tilespmem:s12+$0xFFFFFEE0];
	[tilespmem:s12+$0xFFFFFE70] =	vst v1;
	v1 =	vmul.f32 v49, v13  }
0x3b8: {  	v6 =	vld.idx.msk [tilespmem:v16+s24+$0x0], $0xffff;
	[tilespmem:s12+$0xFFFFFE80] =	vst v8;
	v8 =	vmul.f32 v50, v13  }
0x3b9: {  	[tilespmem:s12+$0xFFFFFE90] =	vst v1;
	v1 =	vmul.f32 v9, v13;
	v9 =	vld [tilespmem:s12+$0xFFFFFF00]  }
0x3ba: {  	[tilespmem:s12+$0xFFFFFEA0] =	vst v8;
	v7 =	vmul.f32 v7, v13;
	v8 =	vld [tilespmem:s12+$0xFFFFFF10]  }
0x3bb: {  	v20 =	vand.u32 $0xFFFFFFFC, v20;
	[tilespmem:s12+$0xFFFFFEB0] =	vst v1;
	v1 =	vmul.f32 v10, v13;
	v10 =	vld [tilespmem:s12+$0xFFFFFF20]  }
0x3bc: {  	v20 =	vbroadcast v20, $0x0;
	[tilespmem:s12+$0xFFFFFEC0] =	vst v7;
	v7 =	vmul.f32 v11, v13;
	v11 =	vld [tilespmem:s12+$0xFFFFFF30]  }
0x3bd: {  	v5 =	vld.idx.msk [tilespmem:v18+s24+$0x0], $0xffff;
	[tilespmem:s12+$0xFFFFFED0] =	vst v1;
	v1 =	vmul.f32 v51, v13  }
0x3be: {  	[tilespmem:s12+$0xFFFFFEE0] =	vst v7;
	v7 =	vmul.f32 v9, v6;
	v9 =	vld [tilespmem:s12+$0xFFFFFF50]  }
0x3bf: {  	[tilespmem:s12+$0xFFFFFEF0] =	vst v1;
	v1 =	vmul.f32 v8, v6;
	v8 =	vld [tilespmem:s12+$0xFFFFFF60]  }
0x3c0: {  	[tilespmem:s12+$0xFFFFFF00] =	vst v7;
	v7 =	vmul.f32 v10, v6;
	v10 =	vld [tilespmem:s12+$0xFFFFFF70]  }
0x3c1: {  	[tilespmem:s12+$0xFFFFFF10] =	vst v1;
	v1 =	vmul.f32 v11, v6;
	v11 =	vld [tilespmem:s12+$0xFFFFFF80]  }
0x3c2: {  	v4 =	vld.idx.msk [tilespmem:v20+s24+$0x0], $0xffff;
	[tilespmem:s12+$0xFFFFFF20] =	vst v7;
	v7 =	vmul.f32 v52, v6  }
0x3c3: {  	[tilespmem:s12+$0xFFFFFF30] =	vst v1;
	v1 =	vmul.f32 v9, v6;
	v9 =	vld [tilespmem:s12+$0xFFFFFFA0]  }
0x3c4: {  	[tilespmem:s12+$0xFFFFFF40] =	vst v7;
	v7 =	vmul.f32 v8, v6;
	v8 =	vld [tilespmem:s12+$0xFFFFFFB0]  }
0x3c5: {  	[tilespmem:s12+$0xFFFFFF50] =	vst v1;
	v1 =	vmul.f32 v10, v6;
	v6 =	vld [tilespmem:s12+$0xFFFFFFC0]  }
0x3c6: {  	v10 =	vld [tilespmem:s12+$0xFFFFFFD0];
	[tilespmem:s12+$0xFFFFFF60] =	vst v7;
	v7 =	vmul.f32 v11, v5  }
0x3c7: {  	v11 =	vld [tilespmem:s12+$0xFFFFFFE0];
	[tilespmem:s12+$0xFFFFFF70] =	vst v1;
	v1 =	vmul.f32 v53, v5  }
0x3c8: {  	[tilespmem:s12+$0xFFFFFF80] =	vst v7;
	v7 =	vmul.f32 v9, v5;
	v9 =	vld [tilespmem:s12+$0xFFFFFFF0]  }
0x3c9: {  	[tilespmem:s12+$0xFFFFFF90] =	vst v1;
	v1 =	vmul.f32 v8, v5;
	v8 =	vld [tilespmem:s12+$0x0]  }
0x3ca: {  	[tilespmem:s12+$0xFFFFFFA0] =	vst v7;
	v6 =	vmul.f32 v6, v5;
	v7 =	vld [tilespmem:s12+$0x10]  }
0x3cb: {  	[tilespmem:s12+$0xFFFFFFB0] =	vst v1;
	v1 =	vmul.f32 v10, v5;
	v10 =	vld [tilespmem:s12+$0x20]  }
0x3cc: {  	[tilespmem:s12+$0xFFFFFFC0] =	vst v6;
	v6 =	vmul.f32 v11, v5;
	v11 =	vld [tilespmem:s12+$0x30]  }
0x3cd: {  	[tilespmem:s12+$0xFFFFFFD0] =	vst v1;
	v1 =	vmul.f32 v9, v5;
	v5 =	vld [tilespmem:s12+$0x40]  }
0x3ce: {  	[tilespmem:s12+$0xFFFFFFE0] =	vst v6;
	v6 =	vmul.f32 v8, v4;
	v8 =	vld [tilespmem:s12+$0x50]  }
0x3cf: {  	[tilespmem:s12+$0xFFFFFFF0] =	vst v1;
	v1 =	vmul.f32 v7, v4;
	v7 =	vld [tilespmem:s12+$0x60]  }
0x3d0: {  	v9 =	vld [tilespmem:s12+$0x70];
	[tilespmem:s12+$0x0] =	vst v6;
	v6 =	vmul.f32 v10, v4  }
0x3d1: {  	v10 =	vld [tilespmem:s12+$0x80];
	[tilespmem:s12+$0x10] =	vst v1;
	v1 =	vmul.f32 v11, v4  }
0x3d2: {  	[tilespmem:s12+$0x20] =	vst v6;
	v5 =	vmul.f32 v5, v4;
	v6 =	vld [tilespmem:s12+$0x90]  }
0x3d3: {  	[tilespmem:s12+$0x30] =	vst v1;
	v1 =	vmul.f32 v8, v4;
	v8 =	vld [tilespmem:s12+$0xA0]  }
0x3d4: {  	[tilespmem:s12+$0x40] =	vst v5;
	v5 =	vmul.f32 v7, v4;
	v7 =	vld [tilespmem:s12+$0xB0]  }
0x3d5: {  	[tilespmem:s12+$0x50] =	vst v1;
	v1 =	vmul.f32 v9, v4;
	v4 =	vld [tilespmem:s12+$0xC0]  }
0x3d6: {  	v9 =	vld [tilespmem:s12+$0xD0];
	[tilespmem:s12+$0x60] =	vst v5;
	v5 =	vmul.f32 v10, v3  }
0x3d7: {  	[tilespmem:s12+$0x70] =	vst v1;
	v1 =	vmul.f32 v6, v3;
	v6 =	vld [tilespmem:s12+$0xE0]  }
0x3d8: {  	[tilespmem:s12+$0x80] =	vst v5;
	v5 =	vmul.f32 v8, v3;
	v8 =	vld [tilespmem:s12+$0xF0]  }
0x3d9: {  	[tilespmem:s12+$0x90] =	vst v1;
	v1 =	vmul.f32 v7, v3;
	v7 =	vld [tilespmem:s12+$0x100]  }
0x3da: {  	[tilespmem:s12+$0xA0] =	vst v5;
	v4 =	vmul.f32 v4, v3;
	v5 =	vld [tilespmem:s12+$0x110]  }
0x3db: {  	[tilespmem:s12+$0xB0] =	vst v1;
	v1 =	vmul.f32 v9, v3;
	v9 =	vld [tilespmem:s12+$0x120]  }
0x3dc: {  	[tilespmem:s12+$0xC0] =	vst v4;
	v4 =	vmul.f32 v6, v3;
	v6 =	vld [tilespmem:s12+$0x130]  }
0x3dd: {  	[tilespmem:s12+$0xD0] =	vst v1;
	v1 =	vmul.f32 v8, v3;
	v3 =	vld [tilespmem:s12+$0x140]  }
0x3de: {  	[tilespmem:s12+$0xE0] =	vst v4;
	v4 =	vmul.f32 v7, v2;
	v7 =	vld [tilespmem:s12+$0x150]  }
0x3df: {  	[tilespmem:s12+$0xF0] =	vst v1;
	v1 =	vmul.f32 v5, v2;
	v5 =	vld [tilespmem:s12+$0x160]  }
0x3e0: {  	[tilespmem:s12+$0x100] =	vst v4;
	v4 =	vld [tilespmem:s12+$0x180];
	v8 =	vmul.f32 v9, v2  }
0x3e1: {  	v9 =	vld [tilespmem:s12+$0x1A0];
	[tilespmem:s12+$0x110] =	vst v1;
	v6 =	vmul.f32 v6, v2  }
0x3e2: {  	v1 =	vld [tilespmem:s12+$0x190];
	v3 =	vmul.f32 v3, v2;
	[tilespmem:s12+$0x120] =	vst v8  }
0x3e3: {  	v8 =	vld [tilespmem:s12+$0x1B0];
	v7 =	vmul.f32 v7, v2;
	[tilespmem:s12+$0x130] =	vst v6  }
0x3e4: {  	v6 =	vld [tilespmem:s12+$0x1C0];
	v2 =	vmul.f32 v5, v2;
	[tilespmem:s12+$0x140] =	vst v3  }
0x3e5: {  	v3 =	vld [tilespmem:s12+$0x1D0];
	v4 =	vmul.f32 v4, v0;
	[tilespmem:s12+$0x150] =	vst v7  }
0x3e6: {  	v5 =	vld [tilespmem:s12+$0x1E0];
	v7 =	vmul.f32 v9, v0;
	[tilespmem:s12+$0x160] =	vst v2  }
0x3e7: {  	v1 =	vmul.f32 v1, v0;
	v2 =	vld [tilespmem:s12+$0x1F0];
	[tilespmem:s12+$0x180] =	vst v4  }
0x3e8: {  	v4 =	vmul.f32 v8, v0;
	[tilespmem:s12+$0x1A0] =	vst v7  }
0x3e9: {  	[tilespmem:s12+$0x190] =	vst v1;
	v1 =	vmul.f32 v6, v0  }
0x3ea: {  	v3 =	vmul.f32 v3, v0;
	[tilespmem:s12+$0x1B0] =	vst v4  }
0x3eb: {  	s31 =	sadd.s32 $0xA0, s29;
	v4 =	vmul.f32 v5, v0;
	[tilespmem:s12+$0x1C0] =	vst v1  }
0x3ec: {  	s2 =	sadd.s32 $0x0, s31;
	v0 =	vmul.f32 v2, v0;
	[tilespmem:s12+$0x1D0] =	vst v3  }
0x3ed: {  	s9 =	sadd.s32 $0x6, s2;
	[tilespmem:s12+$0x1E0] =	vst v4  }
0x3ee: {  	[tilespmem:s12+$0x1F0] =	vst v0;
	v0 =	vmov s9  }
0x3ef: {  	_ =	swait.ge [sflag:s19], $0x28;
	v0 =	vand.u32 $0xFFFFFFFE, v0  }
0x3f0: {  	v1 =	vmov s2;
	[sflag:s19] =	ssyncset.done $0x0;
	v0 =	vbroadcast v0, $0x0  }
0x3f1: {  	s11 =	simm.s32 $0x5080;
	v1 =	vand.u32 $0xFFFFFFF8, v1;
	s12 =	simm.s32 $0x8D80;
	[sflag:s19] =	ssyncadd.s32 $0xFFFFFFD8  }
0x3f2: {  	v1 =	vbroadcast v1, $0x0;
	[spmem:s4] =	stream.indirect.scatter.add.f32 [tilespmem:s12], [sflag:$0xE], $0x80, s11, s26, $0xb8;
	[tilespmem:$0x1EE00] =	vst v63  }
0x3f3: {  	_ =	swait.ge [sflag:s21], $0x1400  }
0x3f4: {  	[sflag:s21] =	ssyncset.done $0x0  }
0x3f5: {  	[sflag:s21] =	ssyncadd.s32 $0xFFFFEC00  }
0x3f6: {  	s30 =	simm.s32 $0xA380;
	v0 =	vld.idx.msk [tilespmem:v0+s24+$0x0], $0xffff  }
0x3f7: {  	s13 =	sadd.s32 $0x1, s2;
	v2 =	vld [tilespmem:s30+$0x170]  }
0x3f8: {  	v3 =	vmov s13;
	v1 =	vld.idx.msk [tilespmem:v1+s24+$0x0], $0xffff  }
0x3f9: {  	v3 =	vand.u32 $0xFFFFFFF9, v3;
	v4 =	vld [tilespmem:s30+$0xFFFFFE00]  }
0x3fa: {  	v3 =	vbroadcast v3, $0x0;
	v5 =	vld [tilespmem:s30+$0xFFFFFE10]  }
0x3fb: {  	v6 =	vld [tilespmem:s30+$0xFFFFFE20]  }
0x3fc: {  	v7 =	vld [tilespmem:s30+$0xFFFFFE30]  }
0x3fd: {  	v8 =	vld [tilespmem:s30+$0xFFFFFE40]  }
0x3fe: {  	v9 =	vld [tilespmem:s30+$0xFFFFFE50]  }
0x3ff: {  	v10 =	vld [tilespmem:s30+$0xFFFFFE60]  }
0x400: {  	v3 =	vld.idx.msk [tilespmem:v3+s24+$0x0], $0xffff  }
0x401: {  	v11 =	vld [tilespmem:s30+$0xFFFFFE70]  }
0x402: {  	v54 =	vld [tilespmem:s30+$0xFFFFFE80]  }
0x403: {  	v58 =	vld [tilespmem:s30+$0xFFFFFED0];
	v4 =	vmul.f32 v4, v1  }
0x404: {  	v55 =	vld [tilespmem:s30+$0xFFFFFE90];
	v2 =	vmul.f32 v2, v0  }
0x405: {  	v56 =	vld [tilespmem:s30+$0xFFFFFEA0];
	v5 =	vmul.f32 v5, v1;
	[tilespmem:s30+$0xFFFFFE00] =	vst v4  }
0x406: {  	s7 =	sadd.s32 $0x2, s2;
	v57 =	vld [tilespmem:s30+$0xFFFFFEB0];
	v7 =	vmul.f32 v7, v1;
	[tilespmem:s30+$0x170] =	vst v2  }
0x407: {  	v59 =	vld [tilespmem:s30+$0xFFFFFF30];
	v8 =	vmul.f32 v8, v1;
	v4 =	vmov s7;
	[tilespmem:s30+$0xFFFFFE10] =	vst v5  }
0x408: {  	v60 =	vld [tilespmem:s30+$0xFFFFFF40];
	v12 =	vmul.f32 v58, v3;
	[tilespmem:s30+$0xFFFFFE30] =	vst v7;
	v4 =	vand.u32 $0xFFFFFFFA, v4  }
0x409: {  	v61 =	vld [tilespmem:s30+$0xFFFFFFB0];
	v2 =	vmul.f32 v6, v1;
	[tilespmem:s30+$0xFFFFFE40] =	vst v8;
	v4 =	vbroadcast v4, $0x0  }
0x40a: {  	v62 =	vld [tilespmem:s30+$0xFFFFFFC0];
	v5 =	vmul.f32 v54, v3;
	[tilespmem:s30+$0xFFFFFED0] =	vst v12  }
0x40b: {  	v6 =	vld [tilespmem:s30+$0xFFFFFEC0];
	v7 =	vmul.f32 v9, v1;
	[tilespmem:s30+$0xFFFFFE20] =	vst v2  }
0x40c: {  	s9 =	sadd.s32 $0x3, s2;
	v9 =	vld [tilespmem:s30+$0xFFFFFEF0];
	v8 =	vmul.f32 v10, v1;
	[tilespmem:s30+$0xFFFFFE80] =	vst v5  }
0x40d: {  	v1 =	vmul.f32 v11, v1;
	v2 =	vld [tilespmem:s30+$0xFFFFFEE0];
	v5 =	vmov s9;
	[tilespmem:s30+$0xFFFFFE50] =	vst v7  }
0x40e: {  	v10 =	vld [tilespmem:s30+$0xFFFFFF00];
	[tilespmem:s30+$0xFFFFFE60] =	vst v8;
	v8 =	vmul.f32 v55, v3;
	v5 =	vand.u32 $0xFFFFFFFB, v5  }
0x40f: {  	[tilespmem:s30+$0xFFFFFE70] =	vst v1;
	v1 =	vmul.f32 v56, v3;
	v5 =	vbroadcast v5, $0x0;
	v4 =	vld.idx.msk [tilespmem:v4+s24+$0x0], $0xffff  }
0x410: {  	v7 =	vld [tilespmem:s30+$0xFFFFFF10];
	[tilespmem:s30+$0xFFFFFE90] =	vst v8;
	v8 =	vmul.f32 v57, v3  }
0x411: {  	v11 =	vld [tilespmem:s30+$0xFFFFFF20];
	[tilespmem:s30+$0xFFFFFEA0] =	vst v1;
	v6 =	vmul.f32 v6, v3  }
0x412: {  	[tilespmem:s30+$0xFFFFFEB0] =	vst v8;
	v8 =	vld [tilespmem:s30+$0xFFFFFF60];
	v2 =	vmul.f32 v2, v3  }
0x413: {  	v63 =	vld [tilespmem:s30+$0x30];
	[tilespmem:s30+$0xFFFFFEC0] =	vst v6;
	v3 =	vmul.f32 v9, v3  }
0x414: {  	v9 =	vld [tilespmem:s30+$0xFFFFFF80];
	[tilespmem:s30+$0xFFFFFEE0] =	vst v2;
	v1 =	vmul.f32 v10, v4  }
0x415: {  	[tilespmem:s30+$0xFFFFFEF0] =	vst v3;
	v5 =	vld.idx.msk [tilespmem:v5+s24+$0x0], $0xffff;
	v2 =	vmul.f32 v7, v4  }
0x416: {  	s11 =	sadd.s32 $0x4, s2;
	v10 =	vld [tilespmem:s30+$0xFFFFFF50];
	v3 =	vmul.f32 v11, v4;
	[tilespmem:s30+$0xFFFFFF00] =	vst v1  }
0x417: {  	v6 =	vld [tilespmem:s30+$0xFFFFFF70];
	v8 =	vmul.f32 v8, v4;
	v1 =	vmov s11;
	[tilespmem:s30+$0xFFFFFF10] =	vst v2  }
0x418: {  	v7 =	vld [tilespmem:s30+$0xFFFFFF90];
	v2 =	vmul.f32 v59, v4;
	[tilespmem:s30+$0xFFFFFF20] =	vst v3;
	v1 =	vand.u32 $0xFFFFFFFC, v1  }
0x419: {  	v11 =	vld [tilespmem:s30+$0xFFFFFFA0];
	v3 =	vmul.f32 v60, v4;
	[tilespmem:s30+$0xFFFFFF60] =	vst v8;
	v1 =	vbroadcast v1, $0x0  }
0x41a: {  	v8 =	vld [tilespmem:s30+$0x0];
	[tilespmem:s30+$0xFFFFFF30] =	vst v2;
	v2 =	vmul.f32 v9, v5  }
0x41b: {  	s12 =	sadd.s32 $0x5, s2;
	v9 =	vld [tilespmem:s30+$0xFFFFFFD0];
	[tilespmem:s30+$0xFFFFFF40] =	vst v3;
	v10 =	vmul.f32 v10, v4  }
0x41c: {  	v3 =	vld [tilespmem:s30+$0xFFFFFFE0];
	v4 =	vmul.f32 v6, v4;
	[tilespmem:s30+$0xFFFFFF80] =	vst v2;
	v2 =	vmov s12  }
0x41d: {  	v6 =	vld [tilespmem:s30+$0xFFFFFFF0];
	v7 =	vmul.f32 v7, v5;
	[tilespmem:s30+$0xFFFFFF50] =	vst v10;
	v2 =	vand.u32 $0xFFFFFFFD, v2  }
0x41e: {  	[tilespmem:s30+$0xFFFFFF70] =	vst v4;
	v4 =	vmul.f32 v11, v5;
	v10 =	vld [tilespmem:s30+$0x10];
	v2 =	vbroadcast v2, $0x0  }
0x41f: {  	[tilespmem:s30+$0xFFFFFF90] =	vst v7;
	v7 =	vmul.f32 v61, v5;
	v1 =	vld.idx.msk [tilespmem:v1+s24+$0x0], $0xffff  }
0x420: {  	v11 =	vld [tilespmem:s30+$0x20];
	[tilespmem:s30+$0xFFFFFFA0] =	vst v4;
	v4 =	vmul.f32 v62, v5  }
0x421: {  	[tilespmem:s30+$0xFFFFFFB0] =	vst v7;
	v7 =	vmul.f32 v9, v5;
	v9 =	vld [tilespmem:s30+$0x40]  }
0x422: {  	v3 =	vmul.f32 v3, v5;
	v5 =	vmul.f32 v6, v5;
	v6 =	vld [tilespmem:s30+$0x80];
	[tilespmem:s30+$0xFFFFFFC0] =	vst v4  }
0x423: {  	[tilespmem:s30+$0xFFFFFFD0] =	vst v7;
	v7 =	vld [tilespmem:s30+$0x60]  }
0x424: {  	[tilespmem:s30+$0xFFFFFFE0] =	vst v3;
	v2 =	vld.idx.msk [tilespmem:v2+s24+$0x0], $0xffff;
	v4 =	vmul.f32 v8, v1  }
0x425: {  	[tilespmem:s30+$0xFFFFFFF0] =	vst v5;
	v8 =	vld [tilespmem:s30+$0x50];
	v5 =	vmul.f32 v11, v1  }
0x426: {  	v3 =	vmul.f32 v10, v1;
	v10 =	vld [tilespmem:s30+$0x90];
	[tilespmem:s30+$0x0] =	vst v4  }
0x427: {  	s13 =	sadd.s32 $0x7, s2;
	v4 =	vld [tilespmem:s30+$0x70];
	[tilespmem:s30+$0x20] =	vst v5;
	v5 =	vmul.f32 v9, v1  }
0x428: {  	v11 =	vmov s13;
	[tilespmem:s30+$0x10] =	vst v3;
	v3 =	vmul.f32 v63, v1;
	v9 =	vld [tilespmem:s30+$0xA0]  }
0x429: {  	[tilespmem:s30+$0x40] =	vst v5;
	v5 =	vmul.f32 v7, v1;
	v7 =	vld [tilespmem:s30+$0xC0]  }
0x42a: {  	[tilespmem:s30+$0x30] =	vst v3;
	v3 =	vmul.f32 v8, v1;
	v8 =	vld [tilespmem:s30+$0xB0]  }
0x42b: {  	v10 =	vmul.f32 v10, v2;
	[tilespmem:s30+$0x60] =	vst v5;
	v5 =	vld [tilespmem:s30+$0xE0]  }
0x42c: {  	[tilespmem:s30+$0x50] =	vst v3;
	v3 =	vmul.f32 v6, v2;
	v6 =	vld [tilespmem:s30+$0xD0]  }
0x42d: {  	v4 =	vmul.f32 v4, v1;
	v1 =	vld.idx.msk [tilespmem:v11+s24+$0x0], $0xffff;
	[tilespmem:s30+$0x90] =	vst v10  }
0x42e: {  	[tilespmem:s30+$0x80] =	vst v3;
	v3 =	vmul.f32 v9, v2;
	v9 =	vld [tilespmem:s30+$0xF0]  }
0x42f: {  	v10 =	vld [tilespmem:s30+$0x100];
	[tilespmem:s30+$0x70] =	vst v4;
	v4 =	vmul.f32 v8, v2  }
0x430: {  	[tilespmem:s30+$0xA0] =	vst v3;
	v3 =	vmul.f32 v7, v2;
	v7 =	vld [tilespmem:s30+$0x110]  }
0x431: {  	v11 =	vmul.f32 v5, v2;
	v5 =	vld [tilespmem:s30+$0x140];
	[tilespmem:s30+$0xB0] =	vst v4  }
0x432: {  	v6 =	vmul.f32 v6, v2;
	v4 =	vld [tilespmem:s30+$0x120];
	[tilespmem:s30+$0xC0] =	vst v3  }
0x433: {  	v3 =	vld [tilespmem:s30+$0x130];
	[tilespmem:s30+$0xE0] =	vst v11;
	v8 =	vmul.f32 v9, v2  }
0x434: {  	s0 =	simm.s32 $0x10;
	s2 =	simm.s32 $0xA380;
	s7 =	sadd.s32 $0x8, s31;
	[tilespmem:s30+$0xD0] =	vst v6;
	v2 =	vmul.f32 v10, v0;
	v6 =	vld [tilespmem:s30+$0x150]  }
.LBB2_15:
0x435: {  	p3 =	slt.u32 s0, $0x20;
	v9 =	vmov s7;
	s9 =	sadd.s32 $0x1, s7;
	s11 =	sadd.s32 $0x6, s7;
	[tilespmem:s30+$0xF0] =	vst v8;
	v7 =	vmul.f32 v7, v0;
	v8 =	vld [tilespmem:s30+$0x160]  }
0x436: {  	s12 =	sadd.s32 $0x3, s7;
	s13 =	sadd.s32 $0x4, s7;
	v9 =	vand.u32 $0xFFFFFFF8, v9;
	v10 =	vmov s9;
	s9 =	sadd.s32 $0x2, s7;
	v11 =	vmov s11;
	[tilespmem:s30+$0x100] =	vst v2;
	v2 =	vld [tilespmem:s30+$0x180]  }
0x437: {  	v13 =	vmov s12;
	v12 =	vmov s9;
	s9 =	sadd.s32 $0x5, s7;
	v11 =	vand.u32 $0xFFFFFFFE, v11;
	s7 =	sadd.s32 $0x7, s7;
	[tilespmem:s30+$0x110] =	vst v7;
	v7 =	vld [tilespmem:s30+$0x190]  }
0x438: {  	v14 =	vmov s13;
	v15 =	vmov s9;
	v11 =	vbroadcast v11, $0x0;
	v16 =	vld [tilespmem:s30+$0x1A0]  }
0x439: {  	v10 =	vand.u32 $0xFFFFFFF9, v10;
	v13 =	vand.u32 $0xFFFFFFFB, v13;
	v12 =	vand.u32 $0xFFFFFFFA, v12;
	v17 =	vld [tilespmem:s30+$0x1B0]  }
0x43a: {  	v14 =	vand.u32 $0xFFFFFFFC, v14;
	v10 =	vbroadcast v10, $0x0;
	v15 =	vand.u32 $0xFFFFFFFD, v15;
	v18 =	vld [tilespmem:s30+$0x1C0]  }
0x43b: {  	v13 =	vbroadcast v13, $0x0;
	v19 =	vmov s7;
	v12 =	vbroadcast v12, $0x0;
	v20 =	vld [tilespmem:s30+$0x1D0]  }
0x43c: {  	v14 =	vbroadcast v14, $0x0;
	v15 =	vbroadcast v15, $0x0;
	v21 =	vld [tilespmem:s30+$0x1E0]  }
0x43d: {  	v4 =	vmul.f32 v4, v0;
	v9 =	vbroadcast v9, $0x0;
	v22 =	vld [tilespmem:s30+$0x1F0]  }
0x43e: {  	v3 =	vmul.f32 v3, v0;
	v23 =	vmul.f32 v5, v0;
	s30 =	sadd.s32 $0x400, s30;
	v11 =	vld.idx.msk [tilespmem:v11+s24+$0x0], $0xffff  }
0x43f: {  	v6 =	vmul.f32 v6, v0;
	v0 =	vmul.f32 v8, v0;
	v24 =	vld [tilespmem:s30+$0x170];
	[tilespmem:s2+$0x120] =	vst v4  }
0x440: {  	v7 =	vmul.f32 v7, v1;
	v8 =	vld.idx.msk [tilespmem:v10+s24+$0x0], $0xffff;
	[tilespmem:s2+$0x130] =	vst v3;
	v10 =	vmul.f32 v2, v1  }
0x441: {  	v5 =	vld.idx.msk [tilespmem:v12+s24+$0x0], $0xffff;
	[tilespmem:s2+$0x140] =	vst v23;
	v12 =	vmul.f32 v16, v1;
	v16 =	vmul.f32 v17, v1  }
0x442: {  	v4 =	vld.idx.msk [tilespmem:v13+s24+$0x0], $0xffff;
	[tilespmem:s2+$0x150] =	vst v6;
	v6 =	vmul.f32 v18, v1;
	v13 =	vmul.f32 v20, v1  }
0x443: {  	v17 =	vmul.f32 v22, v1;
	v3 =	vld.idx.msk [tilespmem:v14+s24+$0x0], $0xffff;
	[tilespmem:s2+$0x160] =	vst v0;
	v14 =	vmul.f32 v21, v1  }
0x444: {  	v0 =	vmov v11;
	v2 =	vld.idx.msk [tilespmem:v15+s24+$0x0], $0xffff;
	v1 =	vmul.f32 v24, v11;
	[tilespmem:s2+$0x180] =	vst v10  }
0x445: {  	v9 =	vld.idx.msk [tilespmem:v9+s24+$0x0], $0xffff;
	[tilespmem:s2+$0x190] =	vst v7  }
0x446: {  	[tilespmem:s30+$0x170] =	vst v1;
	v1 =	vld.idx.msk [tilespmem:v19+s24+$0x0], $0xffff  }
0x447: {  	v7 =	vld [tilespmem:s30+$0xFFFFFE00];
	[tilespmem:s2+$0x1A0] =	vst v12  }
0x448: {  	v10 =	vld [tilespmem:s30+$0xFFFFFE10];
	[tilespmem:s2+$0x1B0] =	vst v16  }
0x449: {  	v11 =	vld [tilespmem:s30+$0xFFFFFE20];
	[tilespmem:s2+$0x1C0] =	vst v6  }
0x44a: {  	v6 =	vld [tilespmem:s30+$0xFFFFFE30];
	[tilespmem:s2+$0x1D0] =	vst v13  }
0x44b: {  	v12 =	vld [tilespmem:s30+$0xFFFFFE40];
	[tilespmem:s2+$0x1E0] =	vst v14  }
0x44c: {  	v7 =	vmul.f32 v7, v9;
	v13 =	vld [tilespmem:s30+$0xFFFFFE50];
	[tilespmem:s2+$0x1F0] =	vst v17;
	s2 =	smov.u32 s30  }
0x44d: {  	v10 =	vmul.f32 v10, v9;
	v14 =	vld [tilespmem:s30+$0xFFFFFE60]  }
0x44e: {  	[tilespmem:s30+$0xFFFFFE00] =	vst v7;
	v7 =	vmul.f32 v11, v9;
	v11 =	vld [tilespmem:s30+$0xFFFFFE70]  }
0x44f: {  	[tilespmem:s30+$0xFFFFFE10] =	vst v10;
	v6 =	vmul.f32 v6, v9;
	v10 =	vld [tilespmem:s30+$0xFFFFFE80]  }
0x450: {  	[tilespmem:s30+$0xFFFFFE20] =	vst v7;
	v7 =	vmul.f32 v12, v9;
	v12 =	vld [tilespmem:s30+$0xFFFFFE90]  }
0x451: {  	[tilespmem:s30+$0xFFFFFE30] =	vst v6;
	v6 =	vmul.f32 v13, v9;
	v13 =	vld [tilespmem:s30+$0xFFFFFEA0]  }
0x452: {  	[tilespmem:s30+$0xFFFFFE40] =	vst v7;
	v7 =	vmul.f32 v14, v9;
	v14 =	vld [tilespmem:s30+$0xFFFFFEB0]  }
0x453: {  	[tilespmem:s30+$0xFFFFFE50] =	vst v6;
	v6 =	vmul.f32 v11, v9;
	v9 =	vld [tilespmem:s30+$0xFFFFFEC0]  }
0x454: {  	[tilespmem:s30+$0xFFFFFE60] =	vst v7;
	v7 =	vmul.f32 v10, v8;
	v10 =	vld [tilespmem:s30+$0xFFFFFED0]  }
0x455: {  	[tilespmem:s30+$0xFFFFFE70] =	vst v6;
	v6 =	vmul.f32 v12, v8;
	v11 =	vld [tilespmem:s30+$0xFFFFFEE0]  }
0x456: {  	[tilespmem:s30+$0xFFFFFE80] =	vst v7;
	v7 =	vmul.f32 v13, v8;
	v12 =	vld [tilespmem:s30+$0xFFFFFEF0]  }
0x457: {  	[tilespmem:s30+$0xFFFFFE90] =	vst v6;
	v6 =	vmul.f32 v14, v8;
	v13 =	vld [tilespmem:s30+$0xFFFFFF00]  }
0x458: {  	[tilespmem:s30+$0xFFFFFEA0] =	vst v7;
	v7 =	vmul.f32 v9, v8;
	v9 =	vld [tilespmem:s30+$0xFFFFFF10]  }
0x459: {  	[tilespmem:s30+$0xFFFFFEB0] =	vst v6;
	v6 =	vmul.f32 v10, v8;
	v10 =	vld [tilespmem:s30+$0xFFFFFF20]  }
0x45a: {  	[tilespmem:s30+$0xFFFFFEC0] =	vst v7;
	v7 =	vmul.f32 v11, v8;
	v11 =	vld [tilespmem:s30+$0xFFFFFF30]  }
0x45b: {  	[tilespmem:s30+$0xFFFFFED0] =	vst v6;
	v6 =	vmul.f32 v12, v8;
	v8 =	vld [tilespmem:s30+$0xFFFFFF40]  }
0x45c: {  	[tilespmem:s30+$0xFFFFFEE0] =	vst v7;
	v7 =	vmul.f32 v13, v5;
	v12 =	vld [tilespmem:s30+$0xFFFFFF50]  }
0x45d: {  	[tilespmem:s30+$0xFFFFFEF0] =	vst v6;
	v6 =	vmul.f32 v9, v5;
	v9 =	vld [tilespmem:s30+$0xFFFFFF60]  }
0x45e: {  	[tilespmem:s30+$0xFFFFFF00] =	vst v7;
	v7 =	vmul.f32 v10, v5;
	v10 =	vld [tilespmem:s30+$0xFFFFFF70]  }
0x45f: {  	[tilespmem:s30+$0xFFFFFF10] =	vst v6;
	v6 =	vmul.f32 v11, v5;
	v11 =	vld [tilespmem:s30+$0xFFFFFF80]  }
0x460: {  	[tilespmem:s30+$0xFFFFFF20] =	vst v7;
	v7 =	vmul.f32 v8, v5;
	v8 =	vld [tilespmem:s30+$0xFFFFFF90]  }
0x461: {  	[tilespmem:s30+$0xFFFFFF30] =	vst v6;
	v6 =	vmul.f32 v12, v5;
	v12 =	vld [tilespmem:s30+$0xFFFFFFA0]  }
0x462: {  	[tilespmem:s30+$0xFFFFFF40] =	vst v7;
	v7 =	vmul.f32 v9, v5;
	v9 =	vld [tilespmem:s30+$0xFFFFFFB0]  }
0x463: {  	[tilespmem:s30+$0xFFFFFF50] =	vst v6;
	v5 =	vmul.f32 v10, v5;
	v6 =	vld [tilespmem:s30+$0xFFFFFFC0]  }
0x464: {  	[tilespmem:s30+$0xFFFFFF60] =	vst v7;
	v7 =	vmul.f32 v11, v4;
	v10 =	vld [tilespmem:s30+$0xFFFFFFD0]  }
0x465: {  	[tilespmem:s30+$0xFFFFFF70] =	vst v5;
	v5 =	vmul.f32 v8, v4;
	v8 =	vld [tilespmem:s30+$0xFFFFFFE0]  }
0x466: {  	[tilespmem:s30+$0xFFFFFF80] =	vst v7;
	v7 =	vmul.f32 v12, v4;
	v11 =	vld [tilespmem:s30+$0xFFFFFFF0]  }
0x467: {  	[tilespmem:s30+$0xFFFFFF90] =	vst v5;
	v5 =	vmul.f32 v9, v4;
	v9 =	vld [tilespmem:s30+$0x0]  }
0x468: {  	[tilespmem:s30+$0xFFFFFFA0] =	vst v7;
	v6 =	vmul.f32 v6, v4;
	v7 =	vld [tilespmem:s30+$0x10]  }
0x469: {  	[tilespmem:s30+$0xFFFFFFB0] =	vst v5;
	v5 =	vmul.f32 v10, v4;
	v10 =	vld [tilespmem:s30+$0x20]  }
0x46a: {  	[tilespmem:s30+$0xFFFFFFC0] =	vst v6;
	v6 =	vmul.f32 v8, v4;
	v8 =	vld [tilespmem:s30+$0x30]  }
0x46b: {  	[tilespmem:s30+$0xFFFFFFD0] =	vst v5;
	v4 =	vmul.f32 v11, v4;
	v5 =	vld [tilespmem:s30+$0x40]  }
0x46c: {  	[tilespmem:s30+$0xFFFFFFE0] =	vst v6;
	v6 =	vmul.f32 v9, v3;
	v9 =	vld [tilespmem:s30+$0x50]  }
0x46d: {  	[tilespmem:s30+$0xFFFFFFF0] =	vst v4;
	v4 =	vmul.f32 v7, v3;
	v7 =	vld [tilespmem:s30+$0x60]  }
0x46e: {  	[tilespmem:s30+$0x0] =	vst v6;
	v6 =	vmul.f32 v10, v3;
	v10 =	vld [tilespmem:s30+$0x70]  }
0x46f: {  	[tilespmem:s30+$0x10] =	vst v4;
	v4 =	vmul.f32 v8, v3;
	v8 =	vld [tilespmem:s30+$0x80]  }
0x470: {  	[tilespmem:s30+$0x20] =	vst v6;
	v5 =	vmul.f32 v5, v3;
	v6 =	vld [tilespmem:s30+$0x90]  }
0x471: {  	[tilespmem:s30+$0x30] =	vst v4;
	v4 =	vmul.f32 v9, v3;
	v9 =	vld [tilespmem:s30+$0xA0]  }
0x472: {  	[tilespmem:s30+$0x40] =	vst v5;
	v5 =	vmul.f32 v7, v3;
	v7 =	vld [tilespmem:s30+$0xB0]  }
0x473: {  	[tilespmem:s30+$0x50] =	vst v4;
	v3 =	vmul.f32 v10, v3;
	v4 =	vld [tilespmem:s30+$0xC0]  }
0x474: {  	[tilespmem:s30+$0x60] =	vst v5;
	v5 =	vmul.f32 v8, v2;
	v8 =	vld [tilespmem:s30+$0xD0]  }
0x475: {  	[tilespmem:s30+$0x70] =	vst v3;
	v3 =	vmul.f32 v6, v2;
	v6 =	vld [tilespmem:s30+$0xE0]  }
0x476: {  	[tilespmem:s30+$0x80] =	vst v5;
	v5 =	vmul.f32 v9, v2;
	v9 =	vld [tilespmem:s30+$0xF0]  }
0x477: {  	[tilespmem:s30+$0x90] =	vst v3;
	v3 =	vmul.f32 v7, v2;
	v10 =	vld [tilespmem:s30+$0x100]  }
.Ltmp8:
0x478: {  	[tilespmem:s30+$0xA0] =	vst v5;
	v5 =	vmul.f32 v4, v2;
	v7 =	vld [tilespmem:s30+$0x110];
	(pc) =	sbr.rel @p3 .LBB2_15-.Ltmp8, $4  }
0x479: {  	[tilespmem:s30+$0xB0] =	vst v3;
	v8 =	vmul.f32 v8, v2;
	v4 =	vld [tilespmem:s30+$0x120]  }
0x47a: {  	[tilespmem:s30+$0xC0] =	vst v5;
	v6 =	vmul.f32 v6, v2;
	v3 =	vld [tilespmem:s30+$0x130]  }
0x47b: {  	[tilespmem:s30+$0xD0] =	vst v8;
	v8 =	vmul.f32 v9, v2;
	v5 =	vld [tilespmem:s30+$0x140]  }
0x47c: {  	s7 =	sadd.s32 s31, s0;
	s0 =	sadd.s32 $0x8, s0;
	[tilespmem:s30+$0xE0] =	vst v6;
	v2 =	vmul.f32 v10, v0;
	v6 =	vld [tilespmem:s30+$0x150]  }
0x47d: {  	v9 =	vld [tilespmem:s30+$0x160]  }
0x47e: {  	v11 =	vld [tilespmem:s30+$0x180]  }
0x47f: {  	v12 =	vld [tilespmem:s30+$0x190]  }
0x480: {  	v14 =	vld [tilespmem:s30+$0x1A0]  }
0x481: {  	v17 =	vld [tilespmem:s30+$0x1B0]  }
0x482: {  	v19 =	vld [tilespmem:s30+$0x1C0]  }
0x483: {  	v21 =	vld [tilespmem:s30+$0x1D0]  }
0x484: {  	s13 =	sadd.s32 $0x1, s7;
	v23 =	vld [tilespmem:s30+$0x1E0]  }
0x485: {  	[tilespmem:s30+$0xF0] =	vst v8;
	v7 =	vmul.f32 v7, v0;
	v36 =	vld [tilespmem:s30+$0x1F0];
	v13 =	vmov s13;
	s13 =	sadd.s32 $0x400, s30  }
0x486: {  	v15 =	vmov s7;
	[tilespmem:s30+$0x100] =	vst v2;
	v4 =	vmul.f32 v4, v0;
	v38 =	vld [tilespmem:s13+$0x170]  }
0x487: {  	v15 =	vand.u32 $0xFFFFFFF8, v15;
	[tilespmem:s30+$0x110] =	vst v7;
	v3 =	vmul.f32 v3, v0;
	v47 =	vld [tilespmem:s13+$0xFFFFFE00]  }
0x488: {  	s0 =	sadd.s32 $0x6, s7;
	s31 =	sadd.s32 $0x2, s7;
	v37 =	vbroadcast v15, $0x0;
	v49 =	vld [tilespmem:s13+$0xFFFFFE10];
	v5 =	vmul.f32 v5, v0;
	[tilespmem:s2+$0x120] =	vst v4  }
0x489: {  	s9 =	sadd.s32 $0x3, s7;
	s11 =	sadd.s32 $0x4, s7;
	v10 =	vmov s0;
	v16 =	vmov s31;
	v51 =	vld [tilespmem:s13+$0xFFFFFE20];
	v40 =	vmul.f32 v6, v0;
	[tilespmem:s2+$0x130] =	vst v3  }
0x48a: {  	s12 =	sadd.s32 $0x5, s7;
	v18 =	vmov s9;
	v20 =	vmov s11;
	v53 =	vld [tilespmem:s13+$0xFFFFFE30];
	v41 =	vmul.f32 v9, v0;
	[tilespmem:s2+$0x140] =	vst v5  }
0x48b: {  	v22 =	vmov s12;
	v10 =	vand.u32 $0xFFFFFFFE, v10;
	v55 =	vld [tilespmem:s13+$0xFFFFFE40];
	v42 =	vmul.f32 v11, v1;
	[tilespmem:s2+$0x150] =	vst v40  }
0x48c: {  	v35 =	vand.u32 $0xFFFFFFFD, v22;
	v56 =	vld [tilespmem:s13+$0xFFFFFE50];
	v10 =	vbroadcast v10, $0x0;
	v43 =	vmul.f32 v12, v1;
	[tilespmem:s2+$0x160] =	vst v41  }
0x48d: {  	v13 =	vand.u32 $0xFFFFFFF9, v13;
	v58 =	vld [tilespmem:s13+$0xFFFFFE60];
	v8 =	vbroadcast v35, $0x0;
	v45 =	vmul.f32 v14, v1;
	[tilespmem:s2+$0x180] =	vst v42  }
0x48e: {  	v16 =	vand.u32 $0xFFFFFFFA, v16;
	v13 =	vbroadcast v13, $0x0;
	v46 =	vmul.f32 v17, v1;
	[tilespmem:s2+$0x190] =	vst v43;
	v7 =	vld.idx.msk [tilespmem:v37+s24+$0x0], $0xffff  }
0x48f: {  	v18 =	vand.u32 $0xFFFFFFFB, v18;
	v60 =	vld [tilespmem:s13+$0xFFFFFE70];
	v16 =	vbroadcast v16, $0x0;
	v48 =	vmul.f32 v19, v1;
	[tilespmem:s2+$0x1A0] =	vst v45  }
0x490: {  	v20 =	vand.u32 $0xFFFFFFFC, v20;
	v62 =	vld [tilespmem:s13+$0xFFFFFE80];
	v18 =	vbroadcast v18, $0x0;
	v50 =	vmul.f32 v21, v1;
	[tilespmem:s2+$0x1B0] =	vst v46  }
0x491: {  	v22 =	vld [tilespmem:s13+$0xFFFFFEC0];
	v20 =	vbroadcast v20, $0x0;
	v52 =	vmul.f32 v23, v1;
	[tilespmem:s2+$0x1C0] =	vst v48  }
0x492: {  	v54 =	vmul.f32 v36, v1;
	[tilespmem:s2+$0x1D0] =	vst v50;
	v2 =	vld.idx.msk [tilespmem:v10+s24+$0x0], $0xffff  }
0x493: {  	[tilespmem:s2+$0x1E0] =	vst v52;
	v3 =	vld.idx.msk [tilespmem:v8+s24+$0x0], $0xffff;
	v8 =	vmul.f32 v47, v7  }
0x494: {  	[tilespmem:s2+$0x1F0] =	vst v54;
	v13 =	vld.idx.msk [tilespmem:v13+s24+$0x0], $0xffff;
	v57 =	vmul.f32 v49, v7  }
0x495: {  	v6 =	vld.idx.msk [tilespmem:v16+s24+$0x0], $0xffff;
	v59 =	vmul.f32 v51, v7;
	[tilespmem:s13+$0xFFFFFE00] =	vst v8  }
0x496: {  	v5 =	vld.idx.msk [tilespmem:v18+s24+$0x0], $0xffff;
	v61 =	vmul.f32 v53, v7;
	[tilespmem:s13+$0xFFFFFE10] =	vst v57  }
0x497: {  	v4 =	vld.idx.msk [tilespmem:v20+s24+$0x0], $0xffff;
	v63 =	vmul.f32 v55, v7;
	[tilespmem:s13+$0xFFFFFE20] =	vst v59  }
0x498: {  	v16 =	vld [tilespmem:s13+$0xFFFFFE90];
	v17 =	vmul.f32 v56, v7;
	[tilespmem:s13+$0xFFFFFE30] =	vst v61  }
0x499: {  	v18 =	vld [tilespmem:s13+$0xFFFFFEA0];
	v19 =	vmul.f32 v58, v7;
	[tilespmem:s13+$0xFFFFFE40] =	vst v63  }
0x49a: {  	v20 =	vld [tilespmem:s13+$0xFFFFFEB0];
	v21 =	vmul.f32 v60, v7;
	[tilespmem:s13+$0xFFFFFE50] =	vst v17  }
0x49b: {  	s30 =	sadd.s32 $0x7, s7;
	v24 =	vld [tilespmem:s13+$0xFFFFFED0];
	v44 =	vmul.f32 v38, v2;
	[tilespmem:s13+$0xFFFFFE60] =	vst v19  }
0x49c: {  	v26 =	vld [tilespmem:s13+$0xFFFFFEE0];
	v39 =	vmov s30;
	v23 =	vmul.f32 v62, v13;
	[tilespmem:s13+$0xFFFFFE70] =	vst v21  }
0x49d: {  	v28 =	vld [tilespmem:s13+$0xFFFFFEF0];
	v25 =	vmul.f32 v16, v13;
	[tilespmem:s13+$0x170] =	vst v44  }
0x49e: {  	v30 =	vld [tilespmem:s13+$0xFFFFFF00];
	v27 =	vmul.f32 v18, v13;
	[tilespmem:s13+$0xFFFFFE80] =	vst v23  }
0x49f: {  	v31 =	vld [tilespmem:s13+$0xFFFFFF10];
	v29 =	vmul.f32 v20, v13;
	[tilespmem:s13+$0xFFFFFE90] =	vst v25  }
0x4a0: {  	v33 =	vld [tilespmem:s13+$0xFFFFFF20];
	v7 =	vmul.f32 v22, v13;
	[tilespmem:s13+$0xFFFFFEA0] =	vst v27  }
0x4a1: {  	v0 =	vld.idx.msk [tilespmem:v39+s24+$0x0], $0xffff;
	v32 =	vmul.f32 v24, v13;
	[tilespmem:s13+$0xFFFFFEB0] =	vst v29  }
0x4a2: {  	v37 =	vld [tilespmem:s13+$0xFFFFFF40];
	v34 =	vmul.f32 v26, v13;
	[tilespmem:s13+$0xFFFFFEC0] =	vst v7  }
0x4a3: {  	v39 =	vld [tilespmem:s13+$0xFFFFFF50];
	v36 =	vmul.f32 v28, v13;
	[tilespmem:s13+$0xFFFFFED0] =	vst v32  }
0x4a4: {  	v41 =	vld [tilespmem:s13+$0xFFFFFF60];
	v38 =	vmul.f32 v30, v6;
	[tilespmem:s13+$0xFFFFFEE0] =	vst v34  }
0x4a5: {  	v43 =	vld [tilespmem:s13+$0xFFFFFF70];
	v40 =	vmul.f32 v31, v6;
	[tilespmem:s13+$0xFFFFFEF0] =	vst v36  }
0x4a6: {  	v45 =	vld [tilespmem:s13+$0xFFFFFF80];
	v42 =	vmul.f32 v33, v6;
	[tilespmem:s13+$0xFFFFFF00] =	vst v38  }
0x4a7: {  	v12 =	vld [tilespmem:s13+$0x20];
	v46 =	vmul.f32 v37, v6;
	[tilespmem:s13+$0xFFFFFF10] =	vst v40  }
0x4a8: {  	v35 =	vld [tilespmem:s13+$0xFFFFFF30];
	v48 =	vmul.f32 v39, v6;
	[tilespmem:s13+$0xFFFFFF20] =	vst v42  }
0x4a9: {  	v14 =	vld [tilespmem:s13+$0x30];
	v50 =	vmul.f32 v41, v6;
	[tilespmem:s13+$0xFFFFFF40] =	vst v46  }
0x4aa: {  	v47 =	vld [tilespmem:s13+$0xFFFFFF90];
	v52 =	vmul.f32 v43, v6;
	[tilespmem:s13+$0xFFFFFF50] =	vst v48  }
0x4ab: {  	v49 =	vld [tilespmem:s13+$0xFFFFFFA0];
	v54 =	vmul.f32 v45, v5;
	[tilespmem:s13+$0xFFFFFF60] =	vst v50  }
0x4ac: {  	v51 =	vld [tilespmem:s13+$0xFFFFFFB0];
	v21 =	vmul.f32 v12, v4;
	[tilespmem:s13+$0xFFFFFF70] =	vst v52  }
0x4ad: {  	v53 =	vld [tilespmem:s13+$0xFFFFFFC0];
	v44 =	vmul.f32 v35, v6;
	[tilespmem:s13+$0xFFFFFF80] =	vst v54  }
0x4ae: {  	v55 =	vld [tilespmem:s13+$0xFFFFFFD0];
	v23 =	vmul.f32 v14, v4;
	[tilespmem:s13+$0x20] =	vst v21  }
0x4af: {  	v62 =	vld [tilespmem:s13+$0x10];
	[tilespmem:s13+$0xFFFFFF30] =	vst v44;
	v56 =	vmul.f32 v47, v5  }
0x4b0: {  	v18 =	vld [tilespmem:s13+$0x50];
	v58 =	vmul.f32 v49, v5;
	[tilespmem:s13+$0x30] =	vst v23  }
0x4b1: {  	v20 =	vld [tilespmem:s13+$0x60];
	v60 =	vmul.f32 v51, v5;
	[tilespmem:s13+$0xFFFFFF90] =	vst v56  }
0x4b2: {  	v22 =	vld [tilespmem:s13+$0x70];
	v6 =	vmul.f32 v53, v5;
	[tilespmem:s13+$0xFFFFFFA0] =	vst v58  }
0x4b3: {  	v24 =	vld [tilespmem:s13+$0x80];
	v63 =	vmul.f32 v55, v5;
	[tilespmem:s13+$0xFFFFFFB0] =	vst v60  }
0x4b4: {  	v33 =	vld [tilespmem:s13+$0xD0];
	v19 =	vmul.f32 v62, v4;
	[tilespmem:s13+$0xFFFFFFC0] =	vst v6  }
0x4b5: {  	v37 =	vld [tilespmem:s13+$0xF0];
	v26 =	vmul.f32 v18, v4;
	[tilespmem:s13+$0xFFFFFFD0] =	vst v63  }
0x4b6: {  	v39 =	vld [tilespmem:s13+$0x100];
	v28 =	vmul.f32 v20, v4;
	[tilespmem:s13+$0x10] =	vst v19  }
0x4b7: {  	v57 =	vld [tilespmem:s13+$0xFFFFFFE0];
	v30 =	vmul.f32 v22, v4;
	[tilespmem:s13+$0x50] =	vst v26  }
0x4b8: {  	v59 =	vld [tilespmem:s13+$0xFFFFFFF0];
	v32 =	vmul.f32 v24, v3;
	[tilespmem:s13+$0x60] =	vst v28  }
0x4b9: {  	v61 =	vld [tilespmem:s13+$0x0];
	v41 =	vmul.f32 v33, v3;
	[tilespmem:s13+$0x70] =	vst v30  }
0x4ba: {  	v16 =	vld [tilespmem:s13+$0x40];
	v45 =	vmul.f32 v37, v3;
	[tilespmem:s13+$0x80] =	vst v32  }
0x4bb: {  	v31 =	vld [tilespmem:s13+$0xC0];
	v47 =	vmul.f32 v39, v2;
	[tilespmem:s13+$0xD0] =	vst v41  }
0x4bc: {  	v25 =	vld [tilespmem:s13+$0x90];
	v13 =	vmul.f32 v57, v5;
	[tilespmem:s13+$0xF0] =	vst v45  }
0x4bd: {  	v27 =	vld [tilespmem:s13+$0xA0];
	v15 =	vmul.f32 v59, v5;
	[tilespmem:s13+$0x100] =	vst v47  }
0x4be: {  	v29 =	vld [tilespmem:s13+$0xB0];
	v17 =	vmul.f32 v61, v4;
	[tilespmem:s13+$0xFFFFFFE0] =	vst v13  }
0x4bf: {  	v35 =	vld [tilespmem:s13+$0xE0];
	v5 =	vmul.f32 v16, v4;
	[tilespmem:s13+$0xFFFFFFF0] =	vst v15  }
0x4c0: {  	v40 =	vld [tilespmem:s13+$0x110];
	v4 =	vmul.f32 v31, v3;
	[tilespmem:s13+$0x0] =	vst v17  }
0x4c1: {  	v42 =	vld [tilespmem:s13+$0x120];
	v34 =	vmul.f32 v25, v3;
	[tilespmem:s13+$0x40] =	vst v5  }
0x4c2: {  	v46 =	vld [tilespmem:s13+$0x140];
	v36 =	vmul.f32 v27, v3;
	[tilespmem:s13+$0xC0] =	vst v4  }
0x4c3: {  	v48 =	vld [tilespmem:s13+$0x150];
	v38 =	vmul.f32 v29, v3;
	[tilespmem:s13+$0x90] =	vst v34  }
0x4c4: {  	v54 =	vld [tilespmem:s13+$0x1A0];
	v43 =	vmul.f32 v35, v3;
	[tilespmem:s13+$0xA0] =	vst v36  }
0x4c5: {  	v44 =	vld [tilespmem:s13+$0x130];
	v49 =	vmul.f32 v40, v2;
	[tilespmem:s13+$0xB0] =	vst v38  }
0x4c6: {  	v50 =	vld [tilespmem:s13+$0x160];
	v52 =	vmul.f32 v42, v2;
	[tilespmem:s13+$0xE0] =	vst v43  }
0x4c7: {  	v51 =	vld [tilespmem:s13+$0x180];
	v3 =	vmul.f32 v46, v2;
	[tilespmem:s13+$0x110] =	vst v49  }
0x4c8: {  	v53 =	vld [tilespmem:s13+$0x190];
	v7 =	vmul.f32 v48, v2;
	[tilespmem:s13+$0x120] =	vst v52  }
0x4c9: {  	v55 =	vld [tilespmem:s13+$0x1B0];
	v60 =	vmul.f32 v54, v0;
	[tilespmem:s13+$0x140] =	vst v3  }
0x4ca: {  	v56 =	vld [tilespmem:s13+$0x1C0];
	v6 =	vmul.f32 v44, v2;
	[tilespmem:s13+$0x150] =	vst v7  }
0x4cb: {  	v57 =	vld [tilespmem:s13+$0x1D0];
	v2 =	vmul.f32 v50, v2;
	[tilespmem:s13+$0x1A0] =	vst v60  }
0x4cc: {  	v58 =	vld [tilespmem:s13+$0x1E0];
	v4 =	vmul.f32 v51, v0;
	[tilespmem:s13+$0x130] =	vst v6  }
0x4cd: {  	v59 =	vld [tilespmem:s13+$0x1F0];
	v1 =	vmul.f32 v53, v0;
	[tilespmem:s13+$0x160] =	vst v2  }
0x4ce: {  	v61 =	vmul.f32 v55, v0;
	[tilespmem:s13+$0x180] =	vst v4  }
0x4cf: {  	[tilespmem:s13+$0x190] =	vst v1;
	v62 =	vmul.f32 v56, v0  }
0x4d0: {  	v3 =	vmul.f32 v57, v0;
	[tilespmem:s13+$0x1B0] =	vst v61  }
0x4d1: {  	v63 =	vmul.f32 v58, v0;
	[tilespmem:s13+$0x1C0] =	vst v62  }
0x4d2: {  	v0 =	vmul.f32 v59, v0;
	[tilespmem:s13+$0x1D0] =	vst v3  }
0x4d3: {  	[tilespmem:s13+$0x1E0] =	vst v63  }
0x4d4: {  	[tilespmem:s13+$0x1F0] =	vst v0  }
0x4d5: {  	_ =	swait.ge [sflag:s10], $0x28  }
0x4d6: {  	s9 =	simm.s32 $0x5100;
	[sflag:s10] =	ssyncset.done $0x0  }
0x4d7: {  	s11 =	simm.s32 $0xA180;
	s31 =	sadd.s32 $0xC8, s29;
	[sflag:s10] =	ssyncadd.s32 $0xFFFFFFD8  }
0x4d8: {  	[spmem:s4] =	stream.indirect.scatter.add.f32 [tilespmem:s11], [sflag:$0xF], $0x80, s9, s26, $0xb8;
	[tilespmem:$0x1EE00] =	vst v63  }
0x4d9: {  	s7 =	sadd.s32 s6, s31;
	_ =	swait.ge [sflag:s8], $0x1400  }
0x4da: {  	s2 =	sshrl.u32 s7, $0x3;
	[sflag:s8] =	ssyncset.done $0x0  }
0x4db: {  	s2 =	sadd.s32 s3, s2;
	s13 =	simm.s32 $0x4F00;
	[sflag:s8] =	ssyncadd.s32 $0xFFFFEC00  }
0x4dc: {  	[tilespmem:s13], [sflag:$0x6] =	stream.linear.gather [hbm4b:s2+s5], $0x28, $0x38;
	[tilespmem:$0x1EE00] =	vst v63  }
0x4dd: {  	s12 =	simm.s32 $0x5180;
	s0 =	sadd.s32 $0xF0, s29  }
0x4de: {  	[tilespmem:s12], [sflag:$0x1] =	stream.indirect.gather [hbm4b:s1+s26], $0x80, s31, s26, $0xb8;
	[tilespmem:$0x1EE00] =	vst v63  }
0x4df: {  	s30 =	sadd.s32 s6, s0;
	_ =	swait.ge [sflag:s20], $0x1400  }
0x4e0: {  	s2 =	sshrl.u32 s30, $0x3;
	[sflag:s20] =	ssyncset.done $0x0  }
0x4e1: {  	s2 =	sadd.s32 s3, s2;
	s31 =	simm.s32 $0x4F80;
	[sflag:s20] =	ssyncadd.s32 $0xFFFFEC00  }
0x4e2: {  	[tilespmem:s31], [sflag:$0x7] =	stream.linear.gather [hbm4b:s2+s5], $0x28, $0x38;
	[tilespmem:$0x1EE00] =	vst v63  }
0x4e3: {  	s12 =	simm.s32 $0x6580  }
0x4e4: {  	[tilespmem:s12], [sflag:$0x2] =	stream.indirect.gather [hbm4b:s1+s26], $0x80, s0, s26, $0xb8;
	[tilespmem:$0x1EE00] =	vst v63  }
0x4e5: {  	s0 =	sadd.s32 $0x118, s29  }
0x4e6: {  	_ =	swait.ge [sflag:s22], $0x1400;
	s30 =	sadd.s32 s6, s0  }
0x4e7: {  	[sflag:s22] =	ssyncset.done $0x0;
	s2 =	sshrl.u32 s30, $0x3  }
0x4e8: {  	s31 =	simm.s32 $0x5000;
	[sflag:s22] =	ssyncadd.s32 $0xFFFFEC00;
	s2 =	sadd.s32 s3, s2  }
0x4e9: {  	[tilespmem:s31], [sflag:$0x8] =	stream.linear.gather [hbm4b:s2+s5], $0x28, $0x38;
	[tilespmem:$0x1EE00] =	vst v63  }
0x4ea: {  	s12 =	simm.s32 $0x7980  }
0x4eb: {  	[tilespmem:s12], [sflag:$0x3] =	stream.indirect.gather [hbm4b:s1+s26], $0x80, s0, s26, $0xb8;
	[tilespmem:$0x1EE00] =	vst v63  }
0x4ec: {  	s0 =	sadd.s32 $0x140, s29  }
0x4ed: {  	_ =	swait.ge [sflag:s23], $0x1400;
	s30 =	sadd.s32 s6, s0  }
0x4ee: {  	[sflag:s23] =	ssyncset.done $0x0;
	s2 =	sshrl.u32 s30, $0x3  }
0x4ef: {  	s31 =	simm.s32 $0x5080;
	[sflag:s23] =	ssyncadd.s32 $0xFFFFEC00;
	s2 =	sadd.s32 s3, s2  }
0x4f0: {  	[tilespmem:s31], [sflag:$0x9] =	stream.linear.gather [hbm4b:s2+s5], $0x28, $0x38;
	[tilespmem:$0x1EE00] =	vst v63  }
0x4f1: {  	s28 =	sadd.s32 $0x1, s28;
	s12 =	simm.s32 $0x8D80;
	s30 =	sadd.s32 $0x168, s29  }
0x4f2: {  	[tilespmem:s12], [sflag:$0x4] =	stream.indirect.gather [hbm4b:s1+s26], $0x80, s0, s26, $0xb8;
	[tilespmem:$0x1EE00] =	vst v63  }
0x4f3: {  	p3 =	sne.s32 s28, $0x31;
	s31 =	sadd.s32 s6, s30;
	_ =	swait.ge [sflag:s25], $0x1400  }
.Ltmp9:
0x4f4: {  	s2 =	sshrl.u32 s31, $0x3;
	[sflag:s25] =	ssyncset.done $0x0;
	(pc) =	sbr.rel @p3 .LBB2_6-.Ltmp9, $4  }
0x4f5: {  	s2 =	sadd.s32 s3, s2;
	[sflag:s25] =	ssyncadd.s32 $0xFFFFEC00  }
0x4f6: {  	[tilespmem:s9], [sflag:$0xA] =	stream.linear.gather [hbm4b:s2+s5], $0x28, $0x38;
	[tilespmem:$0x1EE00] =	vst v63  }
0x4f7: {  	s29 =	simm.s32 $0xA180;
	s12 =	simm.s32 $0x5100  }
0x4f8: {  	[tilespmem:s11], [sflag:$0x5] =	stream.indirect.gather [hbm4b:s1+s26], $0x80, s30, s26, $0xb8;
	[tilespmem:$0x1EE00] =	vst v63  }
0x4f9: {  	s0 =	simm.s32 $0x0;
	s2 =	simm.s32 $0x1  }
0x4fa: {  	s31 =	simm.s32 $0x6;
	v0 =	vmov s0;
	_ =	swait.ge [sflag:s2], $0x1400  }
0x4fb: {  	v1 =	vmov s31;
	v0 =	vadd.s32 $0x2648, v0;
	[sflag:s2] =	ssyncset.done $0x0  }
0x4fc: {  	s28 =	simm.s32 $0x5380;
	v1 =	vadd.s32 $0x2648, v1;
	v0 =	vand.u32 $0xFFFFFFF8, v0;
	[sflag:s2] =	ssyncadd.s32 $0xFFFFEC00  }
0x4fd: {  	v1 =	vand.u32 $0xFFFFFFFE, v1;
	v0 =	vbroadcast v0, $0x0;
	v3 =	vld [tilespmem:s28+$0x170]  }
0x4fe: {  	v1 =	vbroadcast v1, $0x0;
	v4 =	vld [tilespmem:s28+$0xFFFFFE00]  }
0x4ff: {  	s7 =	simm.s32 $0x1;
	v5 =	vld [tilespmem:s28+$0xFFFFFE10]  }
0x500: {  	v2 =	vmov s7;
	v6 =	vld [tilespmem:s28+$0xFFFFFE20]  }
0x501: {  	v2 =	vadd.s32 $0x2648, v2;
	v7 =	vld [tilespmem:s28+$0xFFFFFE30]  }
0x502: {  	v2 =	vand.u32 $0xFFFFFFF9, v2;
	v8 =	vld [tilespmem:s28+$0xFFFFFE40]  }
0x503: {  	v2 =	vbroadcast v2, $0x0;
	v0 =	vld.idx.msk [tilespmem:v0+s24+$0x0], $0xffff  }
0x504: {  	v1 =	vld.idx.msk [tilespmem:v1+s24+$0x0], $0xffff  }
0x505: {  	v9 =	vld [tilespmem:s28+$0xFFFFFE50]  }
0x506: {  	v10 =	vld [tilespmem:s28+$0xFFFFFE60]  }
0x507: {  	v12 =	vld [tilespmem:s28+$0xFFFFFE80]  }
0x508: {  	v13 =	vld [tilespmem:s28+$0xFFFFFE90];
	v4 =	vmul.f32 v4, v0  }
0x509: {  	v2 =	vld.idx.msk [tilespmem:v2+s24+$0x0], $0xffff;
	v3 =	vmul.f32 v3, v1  }
0x50a: {  	s9 =	simm.s32 $0x2;
	v14 =	vld [tilespmem:s28+$0xFFFFFEA0];
	v5 =	vmul.f32 v5, v0;
	[tilespmem:s28+$0xFFFFFE00] =	vst v4  }
0x50b: {  	v11 =	vmov s9;
	v15 =	vld [tilespmem:s28+$0xFFFFFEB0];
	v7 =	vmul.f32 v7, v0;
	[tilespmem:s28+$0x170] =	vst v3  }
0x50c: {  	v8 =	vmul.f32 v8, v0;
	v4 =	vadd.s32 $0x2648, v11;
	v11 =	vld [tilespmem:s28+$0xFFFFFE70];
	[tilespmem:s28+$0xFFFFFE10] =	vst v5  }
0x50d: {  	v3 =	vmul.f32 v6, v0;
	v6 =	vld [tilespmem:s28+$0xFFFFFEC0];
	[tilespmem:s28+$0xFFFFFE30] =	vst v7  }
0x50e: {  	v5 =	vmul.f32 v12, v2;
	v12 =	vld [tilespmem:s28+$0xFFFFFED0];
	v7 =	vmul.f32 v9, v0;
	[tilespmem:s28+$0xFFFFFE40] =	vst v8;
	v4 =	vand.u32 $0xFFFFFFFA, v4  }
0x50f: {  	v9 =	vld [tilespmem:s28+$0xFFFFFEF0];
	v8 =	vmul.f32 v10, v0;
	v4 =	vbroadcast v4, $0x0;
	[tilespmem:s28+$0xFFFFFE20] =	vst v3  }
0x510: {  	v10 =	vld [tilespmem:s28+$0xFFFFFF00];
	[tilespmem:s28+$0xFFFFFE80] =	vst v5  }
0x511: {  	s11 =	simm.s32 $0x3;
	v3 =	vld [tilespmem:s28+$0xFFFFFEE0];
	[tilespmem:s28+$0xFFFFFE60] =	vst v8;
	v8 =	vmul.f32 v13, v2  }
0x512: {  	v16 =	vmov s11;
	[tilespmem:s28+$0xFFFFFE50] =	vst v7;
	v7 =	vld [tilespmem:s28+$0xFFFFFF10]  }
0x513: {  	v5 =	vadd.s32 $0x2648, v16;
	v13 =	vld [tilespmem:s28+$0xFFFFFF30];
	[tilespmem:s28+$0xFFFFFE90] =	vst v8;
	v8 =	vmul.f32 v15, v2  }
0x514: {  	v5 =	vand.u32 $0xFFFFFFFB, v5;
	v0 =	vmul.f32 v11, v0;
	v11 =	vld [tilespmem:s28+$0xFFFFFF20]  }
0x515: {  	v5 =	vbroadcast v5, $0x0;
	v6 =	vmul.f32 v6, v2;
	[tilespmem:s28+$0xFFFFFEB0] =	vst v8;
	v4 =	vld.idx.msk [tilespmem:v4+s24+$0x0], $0xffff  }
0x516: {  	v12 =	vmul.f32 v12, v2;
	v8 =	vld [tilespmem:s28+$0xFFFFFF60];
	[tilespmem:s28+$0xFFFFFE70] =	vst v0  }
0x517: {  	v0 =	vmul.f32 v14, v2;
	v14 =	vld [tilespmem:s28+$0xFFFFFF40];
	[tilespmem:s28+$0xFFFFFEC0] =	vst v6  }
0x518: {  	v3 =	vmul.f32 v3, v2;
	v6 =	vld [tilespmem:s28+$0xFFFFFF70];
	[tilespmem:s28+$0xFFFFFED0] =	vst v12  }
0x519: {  	v2 =	vmul.f32 v9, v2;
	v9 =	vld [tilespmem:s28+$0xFFFFFF80];
	[tilespmem:s28+$0xFFFFFEA0] =	vst v0  }
0x51a: {  	v12 =	vld [tilespmem:s28+$0xFFFFFFB0];
	[tilespmem:s28+$0xFFFFFEE0] =	vst v3;
	v0 =	vmul.f32 v10, v4  }
0x51b: {  	s30 =	simm.s32 $0x4;
	[tilespmem:s28+$0xFFFFFEF0] =	vst v2;
	v5 =	vld.idx.msk [tilespmem:v5+s24+$0x0], $0xffff;
	v3 =	vmul.f32 v7, v4  }
0x51c: {  	v15 =	vmov s30;
	v10 =	vld [tilespmem:s28+$0xFFFFFF50];
	v2 =	vmul.f32 v11, v4;
	[tilespmem:s28+$0xFFFFFF00] =	vst v0  }
0x51d: {  	v7 =	vld [tilespmem:s28+$0xFFFFFF90];
	v8 =	vmul.f32 v8, v4;
	v0 =	vadd.s32 $0x2648, v15;
	[tilespmem:s28+$0xFFFFFF10] =	vst v3  }
0x51e: {  	v11 =	vld [tilespmem:s28+$0xFFFFFFA0];
	v3 =	vmul.f32 v13, v4;
	[tilespmem:s28+$0xFFFFFF20] =	vst v2;
	v0 =	vand.u32 $0xFFFFFFFC, v0  }
0x51f: {  	v2 =	vmul.f32 v14, v4;
	v13 =	vld [tilespmem:s28+$0xFFFFFFC0];
	[tilespmem:s28+$0xFFFFFF60] =	vst v8;
	v0 =	vbroadcast v0, $0x0  }
0x520: {  	v8 =	vld [tilespmem:s28+$0x0];
	[tilespmem:s28+$0xFFFFFF30] =	vst v3;
	v3 =	vmul.f32 v9, v5  }
0x521: {  	v9 =	vld [tilespmem:s28+$0xFFFFFFD0];
	[tilespmem:s28+$0xFFFFFF40] =	vst v2;
	v10 =	vmul.f32 v10, v4  }
0x522: {  	s31 =	simm.s32 $0x5;
	v2 =	vld [tilespmem:s28+$0xFFFFFFE0];
	v4 =	vmul.f32 v6, v4;
	[tilespmem:s28+$0xFFFFFF80] =	vst v3  }
0x523: {  	v14 =	vmov s31;
	v6 =	vld [tilespmem:s28+$0xFFFFFFF0];
	v7 =	vmul.f32 v7, v5;
	[tilespmem:s28+$0xFFFFFF50] =	vst v10  }
0x524: {  	v3 =	vadd.s32 $0x2648, v14;
	[tilespmem:s28+$0xFFFFFF70] =	vst v4;
	v4 =	vmul.f32 v11, v5;
	v10 =	vld [tilespmem:s28+$0x10]  }
0x525: {  	v3 =	vand.u32 $0xFFFFFFFD, v3;
	[tilespmem:s28+$0xFFFFFF90] =	vst v7;
	v7 =	vmul.f32 v12, v5;
	v0 =	vld.idx.msk [tilespmem:v0+s24+$0x0], $0xffff  }
0x526: {  	v11 =	vld [tilespmem:s28+$0x20];
	v3 =	vbroadcast v3, $0x0;
	[tilespmem:s28+$0xFFFFFFA0] =	vst v4;
	v4 =	vmul.f32 v13, v5  }
0x527: {  	v12 =	vld [tilespmem:s28+$0x30];
	[tilespmem:s28+$0xFFFFFFB0] =	vst v7;
	v7 =	vmul.f32 v9, v5  }
0x528: {  	v2 =	vmul.f32 v2, v5;
	v5 =	vmul.f32 v6, v5;
	v6 =	vld [tilespmem:s28+$0x70];
	[tilespmem:s28+$0xFFFFFFC0] =	vst v4  }
0x529: {  	v9 =	vld [tilespmem:s28+$0x40];
	[tilespmem:s28+$0xFFFFFFD0] =	vst v7  }
0x52a: {  	v7 =	vld [tilespmem:s28+$0x60];
	[tilespmem:s28+$0xFFFFFFE0] =	vst v2;
	v4 =	vmul.f32 v8, v0  }
0x52b: {  	[tilespmem:s28+$0xFFFFFFF0] =	vst v5;
	v8 =	vld [tilespmem:s28+$0x50];
	v2 =	vmul.f32 v10, v0  }
0x52c: {  	s2 =	simm.s32 $0x7;
	v3 =	vld.idx.msk [tilespmem:v3+s24+$0x0], $0xffff;
	v5 =	vmul.f32 v11, v0;
	[tilespmem:s28+$0x0] =	vst v4  }
0x52d: {  	v10 =	vld [tilespmem:s28+$0x80];
	v6 =	vmul.f32 v6, v0;
	v4 =	vmov s2;
	[tilespmem:s28+$0x10] =	vst v2  }
0x52e: {  	v11 =	vld [tilespmem:s28+$0x90];
	v2 =	vmul.f32 v12, v0;
	[tilespmem:s28+$0x20] =	vst v5;
	v4 =	vadd.s32 $0x2648, v4  }
0x52f: {  	v5 =	vmul.f32 v9, v0;
	v9 =	vld [tilespmem:s28+$0xA0];
	[tilespmem:s28+$0x70] =	vst v6;
	v4 =	vbroadcast v4, $0x0  }
0x530: {  	v6 =	vld [tilespmem:s28+$0xF0];
	[tilespmem:s28+$0x30] =	vst v2;
	v2 =	vmul.f32 v8, v0  }
0x531: {  	[tilespmem:s28+$0x40] =	vst v5;
	v5 =	vmul.f32 v7, v0;
	v7 =	vld [tilespmem:s28+$0xC0]  }
0x532: {  	v8 =	vld [tilespmem:s28+$0xB0];
	[tilespmem:s28+$0x50] =	vst v2;
	v2 =	vmul.f32 v10, v3  }
0x533: {  	[tilespmem:s28+$0x60] =	vst v5;
	v5 =	vld [tilespmem:s28+$0xE0]  }
0x534: {  	v10 =	vld [tilespmem:s28+$0xD0];
	[tilespmem:s28+$0x80] =	vst v2;
	v2 =	vmul.f32 v9, v3  }
0x535: {  	v0 =	vld.idx.msk [tilespmem:v4+s24+$0x0], $0xffff;
	v4 =	vmul.f32 v11, v3  }
0x536: {  	[tilespmem:s28+$0xA0] =	vst v2;
	v2 =	vmul.f32 v7, v3;
	v7 =	vld [tilespmem:s28+$0x110]  }
0x537: {  	s30 =	simm.s32 $0xC;
	[tilespmem:s28+$0x90] =	vst v4;
	v4 =	vmul.f32 v8, v3;
	v8 =	vld [tilespmem:s28+$0x100]  }
0x538: {  	s11 =	simm.s32 $0xA;
	s31 =	simm.s32 $0xD;
	v15 =	vmov s30;
	[tilespmem:s28+$0xC0] =	vst v2;
	v2 =	vmul.f32 v5, v3  }
0x539: {  	s7 =	simm.s32 $0x8;
	v61 =	vmov s31;
	v13 =	vmov s11;
	s2 =	simm.s32 $0xF;
	v5 =	vld [tilespmem:s28+$0x130];
	[tilespmem:s28+$0xB0] =	vst v4;
	v4 =	vmul.f32 v10, v3  }
0x53a: {  	s9 =	simm.s32 $0x9;
	v12 =	vmov s2;
	v9 =	vmov s7;
	s7 =	simm.s32 $0xB;
	v10 =	vld [tilespmem:s28+$0x120];
	v3 =	vmul.f32 v6, v3;
	[tilespmem:s28+$0xE0] =	vst v2  }
0x53b: {  	v9 =	vadd.s32 $0x2648, v9;
	v11 =	vmov s9;
	v14 =	vmov s7;
	[tilespmem:s28+$0xD0] =	vst v4;
	v4 =	vld [tilespmem:s28+$0x140]  }
0x53c: {  	v11 =	vadd.s32 $0x2648, v11;
	[tilespmem:s28+$0xF0] =	vst v3;
	v3 =	vmul.f32 v7, v1;
	v2 =	vmul.f32 v8, v1;
	v8 =	vld [tilespmem:s28+$0x150]  }
0x53d: {  	v17 =	vld [tilespmem:s28+$0x160];
	v11 =	vand.u32 $0xFFFFFFF9, v11;
	v6 =	vand.u32 $0xFFFFFFF8, v9;
	v9 =	vadd.s32 $0x2648, v12  }
0x53e: {  	v12 =	vadd.s32 $0x2648, v13;
	v7 =	vadd.s32 $0x2648, v14;
	v14 =	vld [tilespmem:s28+$0x180];
	[tilespmem:s28+$0x110] =	vst v3;
	v62 =	vmul.f32 v5, v1  }
0x53f: {  	v13 =	vadd.s32 $0x2648, v15;
	v5 =	vld [tilespmem:s28+$0x190];
	v3 =	vbroadcast v9, $0x0;
	[tilespmem:s28+$0x100] =	vst v2;
	v10 =	vmul.f32 v10, v1  }
0x540: {  	v15 =	vadd.s32 $0x2648, v61;
	v2 =	vbroadcast v6, $0x0;
	v6 =	vld [tilespmem:s28+$0x1A0];
	[tilespmem:s28+$0x130] =	vst v62;
	v9 =	vmul.f32 v4, v1  }
0x541: {  	[tilespmem:s28+$0x120] =	vst v10;
	v10 =	vand.u32 $0xFFFFFFFA, v12;
	v12 =	vand.u32 $0xFFFFFFFB, v7;
	v7 =	vld [tilespmem:s28+$0x1B0];
	v63 =	vmul.f32 v8, v1  }
0x542: {  	v13 =	vand.u32 $0xFFFFFFFC, v13;
	v4 =	vbroadcast v11, $0x0;
	v11 =	vmul.f32 v17, v1;
	v8 =	vld [tilespmem:s28+$0x1C0];
	[tilespmem:s28+$0x140] =	vst v9  }
0x543: {  	s0 =	simm.s32 $0xE;
	s2 =	simm.s32 $0x10;
	v14 =	vmul.f32 v14, v0;
	v10 =	vbroadcast v10, $0x0;
	v1 =	vand.u32 $0xFFFFFFFD, v15;
	v9 =	vld [tilespmem:s28+$0x1D0];
	[tilespmem:s28+$0x150] =	vst v63  }
.LBB2_18:
0x544: {  	p3 =	slt.u32 s2, $0x20;
	v12 =	vbroadcast v12, $0x0;
	v15 =	vmov s0;
	[tilespmem:s28+$0x160] =	vst v11;
	v5 =	vmul.f32 v5, v0;
	v11 =	vld [tilespmem:s28+$0x1E0]  }
0x545: {  	v13 =	vbroadcast v13, $0x0;
	v15 =	vadd.s32 $0x2648, v15;
	[tilespmem:s28+$0x180] =	vst v14;
	v6 =	vmul.f32 v6, v0;
	v14 =	vld [tilespmem:s28+$0x1F0]  }
0x546: {  	v1 =	vbroadcast v1, $0x0;
	v16 =	vld.idx.msk [tilespmem:v2+s24+$0x0], $0xffff;
	v2 =	vand.u32 $0xFFFFFFFE, v15;
	[tilespmem:s28+$0x190] =	vst v5;
	v5 =	vmul.f32 v7, v0  }
0x547: {  	v7 =	vbroadcast v2, $0x0;
	v15 =	vld.idx.msk [tilespmem:v3+s24+$0x0], $0xffff;
	[tilespmem:s28+$0x1A0] =	vst v6;
	v2 =	vmul.f32 v8, v0  }
0x548: {  	v6 =	vld.idx.msk [tilespmem:v4+s24+$0x0], $0xffff;
	[tilespmem:s28+$0x1B0] =	vst v5;
	v3 =	vmul.f32 v9, v0  }
0x549: {  	v5 =	vld.idx.msk [tilespmem:v10+s24+$0x0], $0xffff;
	[tilespmem:s28+$0x1C0] =	vst v2;
	v2 =	vmul.f32 v11, v0  }
0x54a: {  	v4 =	vld.idx.msk [tilespmem:v12+s24+$0x0], $0xffff;
	[tilespmem:s28+$0x1D0] =	vst v3;
	v8 =	vmul.f32 v14, v0  }
0x54b: {  	v3 =	vld.idx.msk [tilespmem:v13+s24+$0x0], $0xffff;
	[tilespmem:s28+$0x1E0] =	vst v2  }
0x54c: {  	v2 =	vld.idx.msk [tilespmem:v1+s24+$0x0], $0xffff;
	[tilespmem:s28+$0x1F0] =	vst v8  }
0x54d: {  	s28 =	sadd.s32 $0x400, s28;
	v0 =	vmov v15;
	v1 =	vld.idx.msk [tilespmem:v7+s24+$0x0], $0xffff  }
0x54e: {  	v7 =	vld [tilespmem:s28+$0x170]  }
0x54f: {  	v8 =	vld [tilespmem:s28+$0xFFFFFE00]  }
0x550: {  	v9 =	vld [tilespmem:s28+$0xFFFFFE10]  }
0x551: {  	v10 =	vld [tilespmem:s28+$0xFFFFFE20]  }
0x552: {  	v11 =	vld [tilespmem:s28+$0xFFFFFE30]  }
0x553: {  	v12 =	vld [tilespmem:s28+$0xFFFFFE40];
	v7 =	vmul.f32 v7, v1  }
0x554: {  	v8 =	vmul.f32 v8, v16;
	v13 =	vld [tilespmem:s28+$0xFFFFFE50]  }
0x555: {  	v9 =	vmul.f32 v9, v16;
	v14 =	vld [tilespmem:s28+$0xFFFFFE60];
	[tilespmem:s28+$0x170] =	vst v7  }
0x556: {  	[tilespmem:s28+$0xFFFFFE00] =	vst v8;
	v7 =	vmul.f32 v10, v16;
	v8 =	vld [tilespmem:s28+$0xFFFFFE70]  }
0x557: {  	[tilespmem:s28+$0xFFFFFE10] =	vst v9;
	v9 =	vmul.f32 v11, v16;
	v10 =	vld [tilespmem:s28+$0xFFFFFE80]  }
0x558: {  	[tilespmem:s28+$0xFFFFFE20] =	vst v7;
	v7 =	vmul.f32 v12, v16;
	v11 =	vld [tilespmem:s28+$0xFFFFFE90]  }
0x559: {  	[tilespmem:s28+$0xFFFFFE30] =	vst v9;
	v9 =	vmul.f32 v13, v16;
	v12 =	vld [tilespmem:s28+$0xFFFFFEA0]  }
0x55a: {  	[tilespmem:s28+$0xFFFFFE40] =	vst v7;
	v7 =	vmul.f32 v14, v16;
	v13 =	vld [tilespmem:s28+$0xFFFFFEB0]  }
0x55b: {  	[tilespmem:s28+$0xFFFFFE50] =	vst v9;
	v8 =	vmul.f32 v8, v16;
	v9 =	vld [tilespmem:s28+$0xFFFFFEC0]  }
0x55c: {  	[tilespmem:s28+$0xFFFFFE60] =	vst v7;
	v7 =	vmul.f32 v10, v6;
	v10 =	vld [tilespmem:s28+$0xFFFFFED0]  }
0x55d: {  	[tilespmem:s28+$0xFFFFFE70] =	vst v8;
	v8 =	vmul.f32 v11, v6;
	v11 =	vld [tilespmem:s28+$0xFFFFFEE0]  }
0x55e: {  	[tilespmem:s28+$0xFFFFFE80] =	vst v7;
	v7 =	vmul.f32 v12, v6;
	v12 =	vld [tilespmem:s28+$0xFFFFFEF0]  }
0x55f: {  	[tilespmem:s28+$0xFFFFFE90] =	vst v8;
	v8 =	vmul.f32 v13, v6;
	v13 =	vld [tilespmem:s28+$0xFFFFFF00]  }
0x560: {  	[tilespmem:s28+$0xFFFFFEA0] =	vst v7;
	v7 =	vmul.f32 v9, v6;
	v9 =	vld [tilespmem:s28+$0xFFFFFF10]  }
0x561: {  	[tilespmem:s28+$0xFFFFFEB0] =	vst v8;
	v8 =	vmul.f32 v10, v6;
	v10 =	vld [tilespmem:s28+$0xFFFFFF20]  }
0x562: {  	[tilespmem:s28+$0xFFFFFEC0] =	vst v7;
	v7 =	vmul.f32 v11, v6;
	v11 =	vld [tilespmem:s28+$0xFFFFFF30]  }
0x563: {  	[tilespmem:s28+$0xFFFFFED0] =	vst v8;
	v6 =	vmul.f32 v12, v6;
	v8 =	vld [tilespmem:s28+$0xFFFFFF40]  }
0x564: {  	[tilespmem:s28+$0xFFFFFEE0] =	vst v7;
	v7 =	vmul.f32 v13, v5;
	v12 =	vld [tilespmem:s28+$0xFFFFFF50]  }
0x565: {  	[tilespmem:s28+$0xFFFFFEF0] =	vst v6;
	v6 =	vmul.f32 v9, v5;
	v9 =	vld [tilespmem:s28+$0xFFFFFF60]  }
0x566: {  	[tilespmem:s28+$0xFFFFFF00] =	vst v7;
	v7 =	vmul.f32 v10, v5;
	v10 =	vld [tilespmem:s28+$0xFFFFFF70]  }
0x567: {  	[tilespmem:s28+$0xFFFFFF10] =	vst v6;
	v6 =	vmul.f32 v11, v5;
	v11 =	vld [tilespmem:s28+$0xFFFFFF80]  }
0x568: {  	[tilespmem:s28+$0xFFFFFF20] =	vst v7;
	v7 =	vmul.f32 v8, v5;
	v8 =	vld [tilespmem:s28+$0xFFFFFF90]  }
0x569: {  	[tilespmem:s28+$0xFFFFFF30] =	vst v6;
	v6 =	vmul.f32 v12, v5;
	v12 =	vld [tilespmem:s28+$0xFFFFFFA0]  }
0x56a: {  	[tilespmem:s28+$0xFFFFFF40] =	vst v7;
	v7 =	vmul.f32 v9, v5;
	v9 =	vld [tilespmem:s28+$0xFFFFFFB0]  }
0x56b: {  	[tilespmem:s28+$0xFFFFFF50] =	vst v6;
	v5 =	vmul.f32 v10, v5;
	v6 =	vld [tilespmem:s28+$0xFFFFFFC0]  }
0x56c: {  	[tilespmem:s28+$0xFFFFFF60] =	vst v7;
	v7 =	vmul.f32 v11, v4;
	v10 =	vld [tilespmem:s28+$0xFFFFFFD0]  }
0x56d: {  	[tilespmem:s28+$0xFFFFFF70] =	vst v5;
	v5 =	vmul.f32 v8, v4;
	v8 =	vld [tilespmem:s28+$0xFFFFFFE0]  }
0x56e: {  	[tilespmem:s28+$0xFFFFFF80] =	vst v7;
	v7 =	vmul.f32 v12, v4;
	v11 =	vld [tilespmem:s28+$0xFFFFFFF0]  }
0x56f: {  	[tilespmem:s28+$0xFFFFFF90] =	vst v5;
	v5 =	vmul.f32 v9, v4;
	v9 =	vld [tilespmem:s28+$0x0]  }
0x570: {  	[tilespmem:s28+$0xFFFFFFA0] =	vst v7;
	v6 =	vmul.f32 v6, v4;
	v7 =	vld [tilespmem:s28+$0x10]  }
0x571: {  	[tilespmem:s28+$0xFFFFFFB0] =	vst v5;
	v5 =	vmul.f32 v10, v4;
	v10 =	vld [tilespmem:s28+$0x20]  }
0x572: {  	[tilespmem:s28+$0xFFFFFFC0] =	vst v6;
	v6 =	vmul.f32 v8, v4;
	v8 =	vld [tilespmem:s28+$0x30]  }
0x573: {  	[tilespmem:s28+$0xFFFFFFD0] =	vst v5;
	v4 =	vmul.f32 v11, v4;
	v5 =	vld [tilespmem:s28+$0x40]  }
0x574: {  	[tilespmem:s28+$0xFFFFFFE0] =	vst v6;
	v6 =	vmul.f32 v9, v3;
	v9 =	vld [tilespmem:s28+$0x50]  }
0x575: {  	[tilespmem:s28+$0xFFFFFFF0] =	vst v4;
	v4 =	vmul.f32 v7, v3;
	v7 =	vld [tilespmem:s28+$0x60]  }
0x576: {  	[tilespmem:s28+$0x0] =	vst v6;
	v6 =	vmul.f32 v10, v3;
	v10 =	vld [tilespmem:s28+$0x70]  }
0x577: {  	[tilespmem:s28+$0x10] =	vst v4;
	v4 =	vmul.f32 v8, v3;
	v8 =	vld [tilespmem:s28+$0x80]  }
0x578: {  	[tilespmem:s28+$0x20] =	vst v6;
	v5 =	vmul.f32 v5, v3;
	v6 =	vld [tilespmem:s28+$0x90]  }
0x579: {  	[tilespmem:s28+$0x30] =	vst v4;
	v4 =	vmul.f32 v9, v3;
	v9 =	vld [tilespmem:s28+$0xA0]  }
0x57a: {  	[tilespmem:s28+$0x40] =	vst v5;
	v5 =	vmul.f32 v7, v3;
	v7 =	vld [tilespmem:s28+$0xB0]  }
0x57b: {  	[tilespmem:s28+$0x50] =	vst v4;
	v3 =	vmul.f32 v10, v3;
	v4 =	vld [tilespmem:s28+$0xC0]  }
0x57c: {  	[tilespmem:s28+$0x60] =	vst v5;
	v5 =	vmul.f32 v8, v2;
	v8 =	vld [tilespmem:s28+$0xD0]  }
0x57d: {  	[tilespmem:s28+$0x70] =	vst v3;
	v3 =	vmul.f32 v6, v2;
	v6 =	vld [tilespmem:s28+$0xE0]  }
0x57e: {  	[tilespmem:s28+$0x80] =	vst v5;
	v5 =	vmul.f32 v9, v2;
	v9 =	vld [tilespmem:s28+$0xF0]  }
0x57f: {  	v10 =	vmov s2;
	[tilespmem:s28+$0x90] =	vst v3;
	v3 =	vmul.f32 v7, v2;
	v7 =	vld [tilespmem:s28+$0x100]  }
0x580: {  	s0 =	sadd.s32 $0x1, s2;
	s7 =	sadd.s32 $0x7, s2;
	v10 =	vadd.s32 $0x2648, v10;
	[tilespmem:s28+$0xA0] =	vst v5;
	v4 =	vmul.f32 v4, v2;
	v5 =	vld [tilespmem:s28+$0x110]  }
0x581: {  	s9 =	sadd.s32 $0x3, s2;
	v12 =	vmov s7;
	v11 =	vmov s0;
	s0 =	sadd.s32 $0x2, s2;
	[tilespmem:s28+$0xB0] =	vst v3;
	v3 =	vmul.f32 v8, v2;
	v8 =	vld [tilespmem:s28+$0x120]  }
0x582: {  	v14 =	vmov s9;
	s7 =	sadd.s32 $0x5, s2;
	v13 =	vmov s0;
	s0 =	sadd.s32 $0x4, s2;
	[tilespmem:s28+$0xC0] =	vst v4;
	v4 =	vmul.f32 v6, v2;
	v6 =	vld [tilespmem:s28+$0x130]  }
0x583: {  	v16 =	vmov s7;
	v15 =	vmov s0;
	[tilespmem:s28+$0xD0] =	vst v3;
	v2 =	vmul.f32 v9, v2;
	v9 =	vld [tilespmem:s28+$0x140]  }
0x584: {  	v3 =	vand.u32 $0xFFFFFFF8, v10;
	v10 =	vadd.s32 $0x2648, v12;
	[tilespmem:s28+$0xE0] =	vst v4;
	v4 =	vmul.f32 v7, v1;
	v7 =	vld [tilespmem:s28+$0x150]  }
0x585: {  	v11 =	vadd.s32 $0x2648, v11;
	v12 =	vadd.s32 $0x2648, v13;
	[tilespmem:s28+$0xF0] =	vst v2;
	v5 =	vmul.f32 v5, v1;
	v17 =	vld [tilespmem:s28+$0x160]  }
0x586: {  	v13 =	vadd.s32 $0x2648, v14;
	v14 =	vadd.s32 $0x2648, v15;
	[tilespmem:s28+$0x100] =	vst v4;
	v4 =	vmul.f32 v8, v1;
	v15 =	vld [tilespmem:s28+$0x180]  }
.Ltmp10:
0x587: {  	v16 =	vadd.s32 $0x2648, v16;
	v2 =	vbroadcast v3, $0x0;
	[tilespmem:s28+$0x110] =	vst v5;
	v8 =	vmul.f32 v6, v1;
	v5 =	vld [tilespmem:s28+$0x190];
	(pc) =	sbr.rel @p3 .LBB2_18-.Ltmp10, $4  }
0x588: {  	v11 =	vand.u32 $0xFFFFFFF9, v11;
	v3 =	vbroadcast v10, $0x0;
	[tilespmem:s28+$0x120] =	vst v4;
	v9 =	vmul.f32 v9, v1;
	v6 =	vld [tilespmem:s28+$0x1A0]  }
0x589: {  	v10 =	vand.u32 $0xFFFFFFFA, v12;
	v12 =	vand.u32 $0xFFFFFFFB, v13;
	[tilespmem:s28+$0x130] =	vst v8;
	v18 =	vmul.f32 v7, v1;
	v7 =	vld [tilespmem:s28+$0x1B0]  }
0x58a: {  	v13 =	vand.u32 $0xFFFFFFFC, v14;
	v4 =	vbroadcast v11, $0x0;
	[tilespmem:s28+$0x140] =	vst v9;
	v11 =	vmul.f32 v17, v1;
	v8 =	vld [tilespmem:s28+$0x1C0]  }
0x58b: {  	s0 =	sadd.s32 $0x6, s2;
	s2 =	sadd.s32 $0x8, s2;
	v10 =	vbroadcast v10, $0x0;
	v1 =	vand.u32 $0xFFFFFFFD, v16;
	[tilespmem:s28+$0x150] =	vst v18;
	v14 =	vmul.f32 v15, v0;
	v9 =	vld [tilespmem:s28+$0x1D0]  }
0x58c: {  	_ =	sdelay $0x1  }
0x58d: {  	v15 =	vld [tilespmem:s28+$0x1E0]  }
0x58e: {  	v58 =	vld [tilespmem:s28+$0x1F0]  }
0x58f: {  	v16 =	vmov s0;
	v17 =	vld.idx.msk [tilespmem:v2+s24+$0x0], $0xffff  }
0x590: {  	v18 =	vld.idx.msk [tilespmem:v4+s24+$0x0], $0xffff;
	[tilespmem:s28+$0x180] =	vst v14;
	v14 =	vadd.s32 $0x2648, v16  }
0x591: {  	v2 =	vbroadcast v1, $0x0;
	v5 =	vmul.f32 v5, v0;
	s9 =	sadd.s32 $0x400, s28;
	v10 =	vld.idx.msk [tilespmem:v10+s24+$0x0], $0xffff;
	v1 =	vand.u32 $0xFFFFFFFE, v14  }
0x592: {  	v12 =	vbroadcast v12, $0x0;
	[tilespmem:s28+$0x160] =	vst v11;
	v11 =	vld [tilespmem:s9+$0xFFFFFE20];
	v14 =	vbroadcast v1, $0x0  }
0x593: {  	v6 =	vmul.f32 v6, v0;
	[tilespmem:s28+$0x190] =	vst v5;
	v5 =	vmul.f32 v7, v0;
	v7 =	vld [tilespmem:s9+$0x170]  }
0x594: {  	v13 =	vbroadcast v13, $0x0;
	v1 =	vld.idx.msk [tilespmem:v3+s24+$0x0], $0xffff  }
0x595: {  	[tilespmem:s28+$0x1A0] =	vst v6;
	v6 =	vmul.f32 v8, v0;
	v8 =	vld [tilespmem:s9+$0xFFFFFE00]  }
0x596: {  	[tilespmem:s28+$0x1B0] =	vst v5;
	v5 =	vmul.f32 v9, v0;
	v9 =	vld [tilespmem:s9+$0xFFFFFE10]  }
0x597: {  	v3 =	vld.idx.msk [tilespmem:v2+s24+$0x0], $0xffff  }
0x598: {  	v2 =	vld.idx.msk [tilespmem:v14+s24+$0x0], $0xffff  }
0x599: {  	[tilespmem:s28+$0x1C0] =	vst v6;
	v6 =	vmul.f32 v15, v0;
	v12 =	vld.idx.msk [tilespmem:v12+s24+$0x0], $0xffff  }
0x59a: {  	v0 =	vmul.f32 v58, v0;
	v4 =	vld.idx.msk [tilespmem:v13+s24+$0x0], $0xffff;
	[tilespmem:s28+$0x1D0] =	vst v5  }
0x59b: {  	v5 =	vld [tilespmem:s9+$0xFFFFFE30];
	[tilespmem:s28+$0x1E0] =	vst v6  }
0x59c: {  	v6 =	vld [tilespmem:s9+$0xFFFFFE40];
	[tilespmem:s28+$0x1F0] =	vst v0;
	v0 =	vmul.f32 v8, v17  }
0x59d: {  	v8 =	vld [tilespmem:s9+$0xFFFFFE50];
	v7 =	vmul.f32 v7, v2  }
0x59e: {  	v13 =	vld [tilespmem:s9+$0xFFFFFE60];
	v9 =	vmul.f32 v9, v17;
	[tilespmem:s9+$0xFFFFFE00] =	vst v0  }
0x59f: {  	v0 =	vmul.f32 v11, v17;
	[tilespmem:s9+$0x170] =	vst v7;
	v7 =	vld [tilespmem:s9+$0xFFFFFE70]  }
0x5a0: {  	[tilespmem:s9+$0xFFFFFE10] =	vst v9;
	v5 =	vmul.f32 v5, v17;
	v9 =	vld [tilespmem:s9+$0xFFFFFE80]  }
0x5a1: {  	[tilespmem:s9+$0xFFFFFE20] =	vst v0;
	v0 =	vmul.f32 v6, v17;
	v6 =	vld [tilespmem:s9+$0xFFFFFE90]  }
0x5a2: {  	[tilespmem:s9+$0xFFFFFE30] =	vst v5;
	v5 =	vmul.f32 v8, v17;
	v8 =	vld [tilespmem:s9+$0xFFFFFEA0]  }
0x5a3: {  	v11 =	vld [tilespmem:s9+$0xFFFFFEB0];
	[tilespmem:s9+$0xFFFFFE40] =	vst v0;
	v0 =	vmul.f32 v13, v17  }
0x5a4: {  	[tilespmem:s9+$0xFFFFFE50] =	vst v5;
	v5 =	vmul.f32 v7, v17;
	v7 =	vld [tilespmem:s9+$0xFFFFFEC0]  }
0x5a5: {  	[tilespmem:s9+$0xFFFFFE60] =	vst v0;
	v0 =	vmul.f32 v9, v18;
	v9 =	vld [tilespmem:s9+$0xFFFFFED0]  }
0x5a6: {  	[tilespmem:s9+$0xFFFFFE70] =	vst v5;
	v5 =	vmul.f32 v6, v18;
	v6 =	vld [tilespmem:s9+$0xFFFFFEE0]  }
0x5a7: {  	[tilespmem:s9+$0xFFFFFE80] =	vst v0;
	v0 =	vmul.f32 v8, v18;
	v8 =	vld [tilespmem:s9+$0xFFFFFEF0]  }
0x5a8: {  	[tilespmem:s9+$0xFFFFFE90] =	vst v5;
	v5 =	vmul.f32 v11, v18;
	v11 =	vld [tilespmem:s9+$0xFFFFFF00]  }
0x5a9: {  	[tilespmem:s9+$0xFFFFFEA0] =	vst v0;
	v0 =	vmul.f32 v7, v18;
	v7 =	vld [tilespmem:s9+$0xFFFFFF10]  }
0x5aa: {  	[tilespmem:s9+$0xFFFFFEB0] =	vst v5;
	v5 =	vmul.f32 v9, v18;
	v9 =	vld [tilespmem:s9+$0xFFFFFF20]  }
0x5ab: {  	[tilespmem:s9+$0xFFFFFEC0] =	vst v0;
	v0 =	vmul.f32 v6, v18;
	v6 =	vld [tilespmem:s9+$0xFFFFFF30]  }
0x5ac: {  	[tilespmem:s9+$0xFFFFFED0] =	vst v5;
	v5 =	vmul.f32 v8, v18;
	v8 =	vld [tilespmem:s9+$0xFFFFFF40]  }
0x5ad: {  	[tilespmem:s9+$0xFFFFFEE0] =	vst v0;
	v0 =	vmul.f32 v11, v10;
	v11 =	vld [tilespmem:s9+$0xFFFFFF50]  }
0x5ae: {  	[tilespmem:s9+$0xFFFFFEF0] =	vst v5;
	v5 =	vmul.f32 v7, v10;
	v7 =	vld [tilespmem:s9+$0xFFFFFF60]  }
0x5af: {  	[tilespmem:s9+$0xFFFFFF00] =	vst v0;
	v0 =	vmul.f32 v9, v10;
	v9 =	vld [tilespmem:s9+$0xFFFFFF70]  }
0x5b0: {  	[tilespmem:s9+$0xFFFFFF10] =	vst v5;
	v5 =	vmul.f32 v6, v10;
	v6 =	vld [tilespmem:s9+$0xFFFFFF80]  }
0x5b1: {  	[tilespmem:s9+$0xFFFFFF20] =	vst v0;
	v0 =	vmul.f32 v8, v10;
	v8 =	vld [tilespmem:s9+$0xFFFFFF90]  }
0x5b2: {  	[tilespmem:s9+$0xFFFFFF30] =	vst v5;
	v5 =	vmul.f32 v11, v10;
	v11 =	vld [tilespmem:s9+$0xFFFFFFA0]  }
0x5b3: {  	[tilespmem:s9+$0xFFFFFF40] =	vst v0;
	v0 =	vmul.f32 v7, v10;
	v7 =	vld [tilespmem:s9+$0xFFFFFFB0]  }
0x5b4: {  	[tilespmem:s9+$0xFFFFFF50] =	vst v5;
	v5 =	vmul.f32 v9, v10;
	v9 =	vld [tilespmem:s9+$0xFFFFFFC0]  }
0x5b5: {  	[tilespmem:s9+$0xFFFFFF60] =	vst v0;
	v0 =	vmul.f32 v6, v12;
	v6 =	vld [tilespmem:s9+$0xFFFFFFD0]  }
0x5b6: {  	[tilespmem:s9+$0xFFFFFF70] =	vst v5;
	v5 =	vmul.f32 v8, v12;
	v8 =	vld [tilespmem:s9+$0xFFFFFFE0]  }
0x5b7: {  	v10 =	vld [tilespmem:s9+$0xFFFFFFF0];
	[tilespmem:s9+$0xFFFFFF80] =	vst v0;
	v0 =	vmul.f32 v11, v12  }
0x5b8: {  	[tilespmem:s9+$0xFFFFFF90] =	vst v5;
	v5 =	vmul.f32 v7, v12;
	v7 =	vld [tilespmem:s9+$0x0]  }
0x5b9: {  	[tilespmem:s9+$0xFFFFFFA0] =	vst v0;
	v0 =	vmul.f32 v9, v12;
	v9 =	vld [tilespmem:s9+$0x10]  }
0x5ba: {  	[tilespmem:s9+$0xFFFFFFB0] =	vst v5;
	v5 =	vmul.f32 v6, v12;
	v6 =	vld [tilespmem:s9+$0x20]  }
0x5bb: {  	[tilespmem:s9+$0xFFFFFFC0] =	vst v0;
	v0 =	vmul.f32 v8, v12;
	v8 =	vld [tilespmem:s9+$0x30]  }
0x5bc: {  	[tilespmem:s9+$0xFFFFFFD0] =	vst v5;
	v5 =	vmul.f32 v10, v12;
	v10 =	vld [tilespmem:s9+$0x40]  }
0x5bd: {  	[tilespmem:s9+$0xFFFFFFE0] =	vst v0;
	v0 =	vmul.f32 v7, v4;
	v7 =	vld [tilespmem:s9+$0x50]  }
0x5be: {  	[tilespmem:s9+$0xFFFFFFF0] =	vst v5;
	v5 =	vmul.f32 v9, v4;
	v9 =	vld [tilespmem:s9+$0x60]  }
0x5bf: {  	[tilespmem:s9+$0x0] =	vst v0;
	v0 =	vmul.f32 v6, v4;
	v6 =	vld [tilespmem:s9+$0x70]  }
0x5c0: {  	[tilespmem:s9+$0x10] =	vst v5;
	v5 =	vmul.f32 v8, v4;
	v8 =	vld [tilespmem:s9+$0x80]  }
0x5c1: {  	[tilespmem:s9+$0x20] =	vst v0;
	v0 =	vmul.f32 v10, v4;
	v10 =	vld [tilespmem:s9+$0x90]  }
0x5c2: {  	[tilespmem:s9+$0x30] =	vst v5;
	v5 =	vmul.f32 v7, v4;
	v7 =	vld [tilespmem:s9+$0xA0]  }
0x5c3: {  	[tilespmem:s9+$0x40] =	vst v0;
	v0 =	vmul.f32 v9, v4;
	v9 =	vld [tilespmem:s9+$0xB0]  }
0x5c4: {  	[tilespmem:s9+$0x50] =	vst v5;
	v4 =	vmul.f32 v6, v4;
	v5 =	vld [tilespmem:s9+$0xC0]  }
0x5c5: {  	v6 =	vld [tilespmem:s9+$0xD0];
	[tilespmem:s9+$0x60] =	vst v0;
	v0 =	vmul.f32 v8, v3  }
0x5c6: {  	v8 =	vld [tilespmem:s9+$0xE0];
	[tilespmem:s9+$0x70] =	vst v4;
	v4 =	vmul.f32 v10, v3  }
0x5c7: {  	[tilespmem:s9+$0x80] =	vst v0;
	v0 =	vmul.f32 v7, v3;
	v7 =	vld [tilespmem:s9+$0xF0]  }
0x5c8: {  	[tilespmem:s9+$0x90] =	vst v4;
	v4 =	vmul.f32 v9, v3;
	v9 =	vld [tilespmem:s9+$0x100]  }
0x5c9: {  	[tilespmem:s9+$0xA0] =	vst v0;
	v0 =	vmul.f32 v5, v3;
	v5 =	vld [tilespmem:s9+$0x110]  }
0x5ca: {  	[tilespmem:s9+$0xB0] =	vst v4;
	v4 =	vmul.f32 v6, v3;
	v6 =	vld [tilespmem:s9+$0x120]  }
0x5cb: {  	[tilespmem:s9+$0xC0] =	vst v0;
	v0 =	vmul.f32 v8, v3;
	v8 =	vld [tilespmem:s9+$0x130]  }
0x5cc: {  	[tilespmem:s9+$0xD0] =	vst v4;
	v3 =	vmul.f32 v7, v3;
	v4 =	vld [tilespmem:s9+$0x140]  }
0x5cd: {  	v7 =	vld [tilespmem:s9+$0x150];
	[tilespmem:s9+$0xE0] =	vst v0;
	v0 =	vmul.f32 v9, v2  }
0x5ce: {  	[tilespmem:s9+$0xF0] =	vst v3;
	v3 =	vmul.f32 v5, v2;
	v5 =	vld [tilespmem:s9+$0x160]  }
0x5cf: {  	[tilespmem:s9+$0x100] =	vst v0;
	v0 =	vmul.f32 v6, v2;
	v6 =	vld [tilespmem:s9+$0x180]  }
0x5d0: {  	[tilespmem:s9+$0x110] =	vst v3;
	v3 =	vmul.f32 v8, v2;
	v8 =	vld [tilespmem:s9+$0x190]  }
0x5d1: {  	[tilespmem:s9+$0x120] =	vst v0;
	v0 =	vmul.f32 v4, v2;
	v4 =	vld [tilespmem:s9+$0x1A0]  }
0x5d2: {  	[tilespmem:s9+$0x130] =	vst v3;
	v3 =	vmul.f32 v7, v2;
	v7 =	vld [tilespmem:s9+$0x1B0]  }
0x5d3: {  	[tilespmem:s9+$0x140] =	vst v0;
	v0 =	vmul.f32 v5, v2;
	v2 =	vld [tilespmem:s9+$0x1C0]  }
0x5d4: {  	v5 =	vld [tilespmem:s9+$0x1D0];
	[tilespmem:s9+$0x150] =	vst v3;
	v3 =	vmul.f32 v6, v1  }
0x5d5: {  	v6 =	vld [tilespmem:s9+$0x1E0];
	[tilespmem:s9+$0x160] =	vst v0;
	v0 =	vmul.f32 v8, v1  }
0x5d6: {  	[tilespmem:s9+$0x180] =	vst v3;
	v3 =	vmul.f32 v4, v1;
	v4 =	vld [tilespmem:s9+$0x1F0]  }
0x5d7: {  	[tilespmem:s9+$0x190] =	vst v0;
	v0 =	vmul.f32 v7, v1  }
0x5d8: {  	[tilespmem:s9+$0x1A0] =	vst v3;
	v2 =	vmul.f32 v2, v1  }
0x5d9: {  	[tilespmem:s9+$0x1B0] =	vst v0;
	v0 =	vmul.f32 v5, v1  }
0x5da: {  	[tilespmem:s9+$0x1C0] =	vst v2;
	v2 =	vmul.f32 v6, v1  }
0x5db: {  	s2 =	simm.s32 $0x0;
	[tilespmem:s9+$0x1D0] =	vst v0;
	v0 =	vmul.f32 v4, v1  }
0x5dc: {  	v1 =	vmov s2;
	[tilespmem:s9+$0x1E0] =	vst v2  }
0x5dd: {  	s30 =	simm.s32 $0x6;
	[tilespmem:s9+$0x1F0] =	vst v0;
	v0 =	vadd.s32 $0x2670, v1  }
0x5de: {  	_ =	swait.ge [sflag:s30], $0x28;
	v0 =	vand.u32 $0xFFFFFFF8, v0  }
0x5df: {  	[sflag:s30] =	ssyncset.done $0x0;
	v0 =	vbroadcast v0, $0x0  }
0x5e0: {  	s31 =	simm.s32 $0x5180;
	[sflag:s30] =	ssyncadd.s32 $0xFFFFFFD8  }
0x5e1: {  	[spmem:s4] =	stream.indirect.scatter.add.f32 [tilespmem:s31], [sflag:$0xB], $0x80, s13, s26, $0xb8;
	[tilespmem:$0x1EE00] =	vst v63  }
0x5e2: {  	_ =	swait.ge [sflag:s14], $0x1400  }
0x5e3: {  	[sflag:s14] =	ssyncset.done $0x0  }
0x5e4: {  	s2 =	simm.s32 $0x1;
	[sflag:s14] =	ssyncadd.s32 $0xFFFFEC00  }
0x5e5: {  	s11 =	simm.s32 $0x6;
	s28 =	simm.s32 $0x6780;
	v2 =	vmov s2;
	v0 =	vld.idx.msk [tilespmem:v0+s24+$0x0], $0xffff  }
0x5e6: {  	v1 =	vmov s11;
	v2 =	vadd.s32 $0x2670, v2;
	v3 =	vld [tilespmem:s28+$0x170]  }
0x5e7: {  	v1 =	vadd.s32 $0x2670, v1;
	v2 =	vand.u32 $0xFFFFFFF9, v2;
	v4 =	vld [tilespmem:s28+$0xFFFFFE00]  }
0x5e8: {  	v1 =	vand.u32 $0xFFFFFFFE, v1;
	v2 =	vbroadcast v2, $0x0;
	v5 =	vld [tilespmem:s28+$0xFFFFFE10]  }
0x5e9: {  	v1 =	vbroadcast v1, $0x0;
	v6 =	vld [tilespmem:s28+$0xFFFFFE20]  }
0x5ea: {  	v7 =	vld [tilespmem:s28+$0xFFFFFE30]  }
0x5eb: {  	v8 =	vld [tilespmem:s28+$0xFFFFFE40]  }
0x5ec: {  	v9 =	vld [tilespmem:s28+$0xFFFFFE50]  }
0x5ed: {  	v10 =	vld [tilespmem:s28+$0xFFFFFE60]  }
0x5ee: {  	v2 =	vld.idx.msk [tilespmem:v2+s24+$0x0], $0xffff  }
0x5ef: {  	v1 =	vld.idx.msk [tilespmem:v1+s24+$0x0], $0xffff  }
0x5f0: {  	v12 =	vld [tilespmem:s28+$0xFFFFFE80];
	v4 =	vmul.f32 v4, v0  }
0x5f1: {  	v13 =	vld [tilespmem:s28+$0xFFFFFE90];
	v5 =	vmul.f32 v5, v0  }
0x5f2: {  	s7 =	simm.s32 $0x2;
	v14 =	vld [tilespmem:s28+$0xFFFFFEA0];
	v7 =	vmul.f32 v7, v0;
	[tilespmem:s28+$0xFFFFFE00] =	vst v4  }
0x5f3: {  	v11 =	vmov s7;
	v15 =	vld [tilespmem:s28+$0xFFFFFEB0];
	v8 =	vmul.f32 v8, v0;
	[tilespmem:s28+$0xFFFFFE10] =	vst v5  }
0x5f4: {  	v3 =	vmul.f32 v3, v1;
	v4 =	vadd.s32 $0x2670, v11;
	v11 =	vld [tilespmem:s28+$0xFFFFFE70];
	[tilespmem:s28+$0xFFFFFE30] =	vst v7  }
0x5f5: {  	v5 =	vmul.f32 v12, v2;
	v12 =	vld [tilespmem:s28+$0xFFFFFED0];
	[tilespmem:s28+$0xFFFFFE40] =	vst v8  }
0x5f6: {  	v7 =	vmul.f32 v9, v0;
	v9 =	vld [tilespmem:s28+$0xFFFFFEF0];
	v4 =	vand.u32 $0xFFFFFFFA, v4;
	[tilespmem:s28+$0x170] =	vst v3  }
0x5f7: {  	v8 =	vmul.f32 v10, v0;
	v10 =	vld [tilespmem:s28+$0xFFFFFF00];
	v4 =	vbroadcast v4, $0x0;
	[tilespmem:s28+$0xFFFFFE80] =	vst v5  }
0x5f8: {  	v3 =	vmul.f32 v6, v0;
	v6 =	vld [tilespmem:s28+$0xFFFFFEC0];
	[tilespmem:s28+$0xFFFFFE50] =	vst v7  }
0x5f9: {  	s9 =	simm.s32 $0x3;
	v7 =	vld [tilespmem:s28+$0xFFFFFF10];
	[tilespmem:s28+$0xFFFFFE60] =	vst v8;
	v8 =	vmul.f32 v13, v2  }
0x5fa: {  	v59 =	vmov s9;
	v13 =	vld [tilespmem:s28+$0xFFFFFF30];
	[tilespmem:s28+$0xFFFFFE20] =	vst v3  }
0x5fb: {  	v5 =	vadd.s32 $0x2670, v59;
	v3 =	vld [tilespmem:s28+$0xFFFFFEE0];
	[tilespmem:s28+$0xFFFFFE90] =	vst v8;
	v8 =	vmul.f32 v15, v2  }
0x5fc: {  	v5 =	vand.u32 $0xFFFFFFFB, v5;
	v0 =	vmul.f32 v11, v0;
	v11 =	vld [tilespmem:s28+$0xFFFFFF20]  }
0x5fd: {  	v5 =	vbroadcast v5, $0x0;
	v12 =	vmul.f32 v12, v2;
	[tilespmem:s28+$0xFFFFFEB0] =	vst v8;
	v4 =	vld.idx.msk [tilespmem:v4+s24+$0x0], $0xffff  }
0x5fe: {  	v6 =	vmul.f32 v6, v2;
	v8 =	vld [tilespmem:s28+$0xFFFFFF60];
	[tilespmem:s28+$0xFFFFFE70] =	vst v0  }
0x5ff: {  	v0 =	vmul.f32 v14, v2;
	v14 =	vld [tilespmem:s28+$0xFFFFFF40];
	[tilespmem:s28+$0xFFFFFED0] =	vst v12  }
0x600: {  	v12 =	vld [tilespmem:s28+$0xFFFFFFB0];
	[tilespmem:s28+$0xFFFFFEC0] =	vst v6;
	v3 =	vmul.f32 v3, v2  }
0x601: {  	v6 =	vld [tilespmem:s28+$0xFFFFFF70];
	v2 =	vmul.f32 v9, v2;
	[tilespmem:s28+$0xFFFFFEA0] =	vst v0  }
0x602: {  	v9 =	vld [tilespmem:s28+$0xFFFFFF80];
	[tilespmem:s28+$0xFFFFFEE0] =	vst v3;
	v0 =	vmul.f32 v10, v4  }
0x603: {  	s11 =	simm.s32 $0x4;
	v5 =	vld.idx.msk [tilespmem:v5+s24+$0x0], $0xffff;
	[tilespmem:s28+$0xFFFFFEF0] =	vst v2;
	v3 =	vmul.f32 v7, v4  }
0x604: {  	v15 =	vmov s11;
	v10 =	vld [tilespmem:s28+$0xFFFFFF50];
	v2 =	vmul.f32 v11, v4;
	[tilespmem:s28+$0xFFFFFF00] =	vst v0  }
0x605: {  	v7 =	vld [tilespmem:s28+$0xFFFFFF90];
	v8 =	vmul.f32 v8, v4;
	v0 =	vadd.s32 $0x2670, v15;
	[tilespmem:s28+$0xFFFFFF10] =	vst v3  }
0x606: {  	v11 =	vld [tilespmem:s28+$0xFFFFFFA0];
	v3 =	vmul.f32 v13, v4;
	[tilespmem:s28+$0xFFFFFF20] =	vst v2;
	v0 =	vand.u32 $0xFFFFFFFC, v0  }
0x607: {  	v2 =	vmul.f32 v14, v4;
	v13 =	vld [tilespmem:s28+$0xFFFFFFC0];
	[tilespmem:s28+$0xFFFFFF60] =	vst v8;
	v0 =	vbroadcast v0, $0x0  }
0x608: {  	v8 =	vld [tilespmem:s28+$0x0];
	[tilespmem:s28+$0xFFFFFF30] =	vst v3;
	v3 =	vmul.f32 v9, v5  }
0x609: {  	v9 =	vld [tilespmem:s28+$0xFFFFFFD0];
	[tilespmem:s28+$0xFFFFFF40] =	vst v2;
	v10 =	vmul.f32 v10, v4  }
0x60a: {  	s30 =	simm.s32 $0x5;
	v2 =	vld [tilespmem:s28+$0xFFFFFFE0];
	v4 =	vmul.f32 v6, v4;
	[tilespmem:s28+$0xFFFFFF80] =	vst v3  }
0x60b: {  	v14 =	vmov s30;
	v6 =	vld [tilespmem:s28+$0xFFFFFFF0];
	v7 =	vmul.f32 v7, v5;
	[tilespmem:s28+$0xFFFFFF50] =	vst v10  }
0x60c: {  	v3 =	vadd.s32 $0x2670, v14;
	[tilespmem:s28+$0xFFFFFF70] =	vst v4;
	v4 =	vmul.f32 v11, v5;
	v10 =	vld [tilespmem:s28+$0x10]  }
0x60d: {  	v3 =	vand.u32 $0xFFFFFFFD, v3;
	[tilespmem:s28+$0xFFFFFF90] =	vst v7;
	v7 =	vmul.f32 v12, v5;
	v0 =	vld.idx.msk [tilespmem:v0+s24+$0x0], $0xffff  }
0x60e: {  	v11 =	vld [tilespmem:s28+$0x20];
	v3 =	vbroadcast v3, $0x0;
	[tilespmem:s28+$0xFFFFFFA0] =	vst v4;
	v4 =	vmul.f32 v13, v5  }
0x60f: {  	v12 =	vld [tilespmem:s28+$0x30];
	[tilespmem:s28+$0xFFFFFFB0] =	vst v7;
	v7 =	vmul.f32 v9, v5  }
0x610: {  	v2 =	vmul.f32 v2, v5;
	v5 =	vmul.f32 v6, v5;
	v6 =	vld [tilespmem:s28+$0x70];
	[tilespmem:s28+$0xFFFFFFC0] =	vst v4  }
0x611: {  	v9 =	vld [tilespmem:s28+$0x40];
	[tilespmem:s28+$0xFFFFFFD0] =	vst v7  }
0x612: {  	v7 =	vld [tilespmem:s28+$0x60];
	[tilespmem:s28+$0xFFFFFFE0] =	vst v2;
	v4 =	vmul.f32 v8, v0  }
0x613: {  	[tilespmem:s28+$0xFFFFFFF0] =	vst v5;
	v8 =	vld [tilespmem:s28+$0x50];
	v2 =	vmul.f32 v10, v0  }
0x614: {  	s31 =	simm.s32 $0x7;
	v3 =	vld.idx.msk [tilespmem:v3+s24+$0x0], $0xffff;
	v5 =	vmul.f32 v11, v0;
	[tilespmem:s28+$0x0] =	vst v4  }
0x615: {  	v10 =	vld [tilespmem:s28+$0x80];
	v6 =	vmul.f32 v6, v0;
	v4 =	vmov s31;
	[tilespmem:s28+$0x10] =	vst v2  }
0x616: {  	v11 =	vld [tilespmem:s28+$0x90];
	v2 =	vmul.f32 v12, v0;
	[tilespmem:s28+$0x20] =	vst v5;
	v4 =	vadd.s32 $0x2670, v4  }
0x617: {  	v5 =	vmul.f32 v9, v0;
	v9 =	vld [tilespmem:s28+$0xA0];
	[tilespmem:s28+$0x70] =	vst v6;
	v4 =	vbroadcast v4, $0x0  }
0x618: {  	v6 =	vld [tilespmem:s28+$0xF0];
	[tilespmem:s28+$0x30] =	vst v2;
	v2 =	vmul.f32 v8, v0  }
0x619: {  	[tilespmem:s28+$0x40] =	vst v5;
	v5 =	vmul.f32 v7, v0;
	v7 =	vld [tilespmem:s28+$0xC0]  }
0x61a: {  	v8 =	vld [tilespmem:s28+$0xB0];
	[tilespmem:s28+$0x50] =	vst v2;
	v2 =	vmul.f32 v10, v3  }
0x61b: {  	[tilespmem:s28+$0x60] =	vst v5;
	v5 =	vld [tilespmem:s28+$0xE0]  }
0x61c: {  	v10 =	vld [tilespmem:s28+$0xD0];
	[tilespmem:s28+$0x80] =	vst v2;
	v2 =	vmul.f32 v9, v3  }
0x61d: {  	v0 =	vld.idx.msk [tilespmem:v4+s24+$0x0], $0xffff;
	v4 =	vmul.f32 v11, v3  }
0x61e: {  	[tilespmem:s28+$0xA0] =	vst v2;
	v2 =	vmul.f32 v7, v3;
	v7 =	vld [tilespmem:s28+$0x110]  }
0x61f: {  	s30 =	simm.s32 $0xC;
	[tilespmem:s28+$0x90] =	vst v4;
	v4 =	vmul.f32 v8, v3;
	v8 =	vld [tilespmem:s28+$0x100]  }
0x620: {  	s9 =	simm.s32 $0xF;
	s11 =	simm.s32 $0xA;
	v15 =	vmov s30;
	[tilespmem:s28+$0xC0] =	vst v2;
	v2 =	vmul.f32 v5, v3  }
0x621: {  	s7 =	simm.s32 $0x9;
	s2 =	simm.s32 $0x8;
	v13 =	vmov s11;
	v12 =	vmov s9;
	v5 =	vld [tilespmem:s28+$0x130];
	[tilespmem:s28+$0xB0] =	vst v4;
	v4 =	vmul.f32 v10, v3  }
0x622: {  	s31 =	simm.s32 $0xD;
	v9 =	vmov s2;
	v11 =	vmov s7;
	s7 =	simm.s32 $0xB;
	v10 =	vld [tilespmem:s28+$0x120];
	v3 =	vmul.f32 v6, v3;
	[tilespmem:s28+$0xE0] =	vst v2  }
0x623: {  	v60 =	vmov s31;
	v9 =	vadd.s32 $0x2670, v9;
	v14 =	vmov s7;
	[tilespmem:s28+$0xD0] =	vst v4;
	v4 =	vld [tilespmem:s28+$0x140]  }
0x624: {  	v11 =	vadd.s32 $0x2670, v11;
	[tilespmem:s28+$0xF0] =	vst v3;
	v3 =	vmul.f32 v7, v1;
	v2 =	vmul.f32 v8, v1;
	v8 =	vld [tilespmem:s28+$0x150]  }
0x625: {  	v61 =	vld [tilespmem:s28+$0x160];
	v11 =	vand.u32 $0xFFFFFFF9, v11;
	v6 =	vand.u32 $0xFFFFFFF8, v9;
	v9 =	vadd.s32 $0x2670, v12  }
0x626: {  	v12 =	vadd.s32 $0x2670, v13;
	v7 =	vadd.s32 $0x2670, v14;
	v14 =	vld [tilespmem:s28+$0x180];
	[tilespmem:s28+$0x110] =	vst v3;
	v62 =	vmul.f32 v5, v1  }
0x627: {  	v13 =	vadd.s32 $0x2670, v15;
	v5 =	vld [tilespmem:s28+$0x190];
	v3 =	vbroadcast v9, $0x0;
	[tilespmem:s28+$0x100] =	vst v2;
	v10 =	vmul.f32 v10, v1  }
0x628: {  	v15 =	vadd.s32 $0x2670, v60;
	v2 =	vbroadcast v6, $0x0;
	v6 =	vld [tilespmem:s28+$0x1A0];
	[tilespmem:s28+$0x130] =	vst v62;
	v9 =	vmul.f32 v4, v1  }
0x629: {  	[tilespmem:s28+$0x120] =	vst v10;
	v10 =	vand.u32 $0xFFFFFFFA, v12;
	v12 =	vand.u32 $0xFFFFFFFB, v7;
	v7 =	vld [tilespmem:s28+$0x1B0];
	v63 =	vmul.f32 v8, v1  }
0x62a: {  	v13 =	vand.u32 $0xFFFFFFFC, v13;
	v4 =	vbroadcast v11, $0x0;
	v11 =	vmul.f32 v61, v1;
	v8 =	vld [tilespmem:s28+$0x1C0];
	[tilespmem:s28+$0x140] =	vst v9  }
0x62b: {  	s0 =	simm.s32 $0xE;
	s11 =	simm.s32 $0x10;
	s2 =	simm.s32 $0x10;
	v14 =	vmul.f32 v14, v0;
	v10 =	vbroadcast v10, $0x0;
	v1 =	vand.u32 $0xFFFFFFFD, v15;
	v9 =	vld [tilespmem:s28+$0x1D0];
	[tilespmem:s28+$0x150] =	vst v63  }
.LBB2_20:
0x62c: {  	p3 =	slt.u32 s2, $0x20;
	v12 =	vbroadcast v12, $0x0;
	v15 =	vmov s0;
	[tilespmem:s28+$0x160] =	vst v11;
	v5 =	vmul.f32 v5, v0;
	v11 =	vld [tilespmem:s28+$0x1E0]  }
0x62d: {  	v13 =	vbroadcast v13, $0x0;
	v15 =	vadd.s32 $0x2670, v15;
	[tilespmem:s28+$0x180] =	vst v14;
	v6 =	vmul.f32 v6, v0;
	v14 =	vld [tilespmem:s28+$0x1F0]  }
0x62e: {  	v1 =	vbroadcast v1, $0x0;
	v16 =	vld.idx.msk [tilespmem:v2+s24+$0x0], $0xffff;
	v2 =	vand.u32 $0xFFFFFFFE, v15;
	[tilespmem:s28+$0x190] =	vst v5;
	v5 =	vmul.f32 v7, v0  }
0x62f: {  	v7 =	vbroadcast v2, $0x0;
	v15 =	vld.idx.msk [tilespmem:v3+s24+$0x0], $0xffff;
	[tilespmem:s28+$0x1A0] =	vst v6;
	v2 =	vmul.f32 v8, v0  }
0x630: {  	v6 =	vld.idx.msk [tilespmem:v4+s24+$0x0], $0xffff;
	[tilespmem:s28+$0x1B0] =	vst v5;
	v3 =	vmul.f32 v9, v0  }
0x631: {  	v5 =	vld.idx.msk [tilespmem:v10+s24+$0x0], $0xffff;
	[tilespmem:s28+$0x1C0] =	vst v2;
	v2 =	vmul.f32 v11, v0  }
0x632: {  	v4 =	vld.idx.msk [tilespmem:v12+s24+$0x0], $0xffff;
	[tilespmem:s28+$0x1D0] =	vst v3;
	v8 =	vmul.f32 v14, v0  }
0x633: {  	v3 =	vld.idx.msk [tilespmem:v13+s24+$0x0], $0xffff;
	[tilespmem:s28+$0x1E0] =	vst v2  }
0x634: {  	v2 =	vld.idx.msk [tilespmem:v1+s24+$0x0], $0xffff;
	[tilespmem:s28+$0x1F0] =	vst v8  }
0x635: {  	s28 =	sadd.s32 $0x400, s28;
	v0 =	vmov v15;
	v1 =	vld.idx.msk [tilespmem:v7+s24+$0x0], $0xffff  }
0x636: {  	v7 =	vld [tilespmem:s28+$0x170]  }
0x637: {  	v8 =	vld [tilespmem:s28+$0xFFFFFE00]  }
0x638: {  	v9 =	vld [tilespmem:s28+$0xFFFFFE10]  }
0x639: {  	v10 =	vld [tilespmem:s28+$0xFFFFFE20]  }
0x63a: {  	v11 =	vld [tilespmem:s28+$0xFFFFFE30]  }
0x63b: {  	v12 =	vld [tilespmem:s28+$0xFFFFFE40];
	v7 =	vmul.f32 v7, v1  }
0x63c: {  	v8 =	vmul.f32 v8, v16;
	v13 =	vld [tilespmem:s28+$0xFFFFFE50]  }
0x63d: {  	v9 =	vmul.f32 v9, v16;
	v14 =	vld [tilespmem:s28+$0xFFFFFE60];
	[tilespmem:s28+$0x170] =	vst v7  }
0x63e: {  	[tilespmem:s28+$0xFFFFFE00] =	vst v8;
	v7 =	vmul.f32 v10, v16;
	v8 =	vld [tilespmem:s28+$0xFFFFFE70]  }
0x63f: {  	[tilespmem:s28+$0xFFFFFE10] =	vst v9;
	v9 =	vmul.f32 v11, v16;
	v10 =	vld [tilespmem:s28+$0xFFFFFE80]  }
0x640: {  	[tilespmem:s28+$0xFFFFFE20] =	vst v7;
	v7 =	vmul.f32 v12, v16;
	v11 =	vld [tilespmem:s28+$0xFFFFFE90]  }
0x641: {  	[tilespmem:s28+$0xFFFFFE30] =	vst v9;
	v9 =	vmul.f32 v13, v16;
	v12 =	vld [tilespmem:s28+$0xFFFFFEA0]  }
0x642: {  	[tilespmem:s28+$0xFFFFFE40] =	vst v7;
	v7 =	vmul.f32 v14, v16;
	v13 =	vld [tilespmem:s28+$0xFFFFFEB0]  }
0x643: {  	[tilespmem:s28+$0xFFFFFE50] =	vst v9;
	v8 =	vmul.f32 v8, v16;
	v9 =	vld [tilespmem:s28+$0xFFFFFEC0]  }
0x644: {  	[tilespmem:s28+$0xFFFFFE60] =	vst v7;
	v7 =	vmul.f32 v10, v6;
	v10 =	vld [tilespmem:s28+$0xFFFFFED0]  }
0x645: {  	[tilespmem:s28+$0xFFFFFE70] =	vst v8;
	v8 =	vmul.f32 v11, v6;
	v11 =	vld [tilespmem:s28+$0xFFFFFEE0]  }
0x646: {  	[tilespmem:s28+$0xFFFFFE80] =	vst v7;
	v7 =	vmul.f32 v12, v6;
	v12 =	vld [tilespmem:s28+$0xFFFFFEF0]  }
0x647: {  	[tilespmem:s28+$0xFFFFFE90] =	vst v8;
	v8 =	vmul.f32 v13, v6;
	v13 =	vld [tilespmem:s28+$0xFFFFFF00]  }
0x648: {  	[tilespmem:s28+$0xFFFFFEA0] =	vst v7;
	v7 =	vmul.f32 v9, v6;
	v9 =	vld [tilespmem:s28+$0xFFFFFF10]  }
0x649: {  	[tilespmem:s28+$0xFFFFFEB0] =	vst v8;
	v8 =	vmul.f32 v10, v6;
	v10 =	vld [tilespmem:s28+$0xFFFFFF20]  }
0x64a: {  	[tilespmem:s28+$0xFFFFFEC0] =	vst v7;
	v7 =	vmul.f32 v11, v6;
	v11 =	vld [tilespmem:s28+$0xFFFFFF30]  }
0x64b: {  	[tilespmem:s28+$0xFFFFFED0] =	vst v8;
	v6 =	vmul.f32 v12, v6;
	v8 =	vld [tilespmem:s28+$0xFFFFFF40]  }
0x64c: {  	[tilespmem:s28+$0xFFFFFEE0] =	vst v7;
	v7 =	vmul.f32 v13, v5;
	v12 =	vld [tilespmem:s28+$0xFFFFFF50]  }
0x64d: {  	[tilespmem:s28+$0xFFFFFEF0] =	vst v6;
	v6 =	vmul.f32 v9, v5;
	v9 =	vld [tilespmem:s28+$0xFFFFFF60]  }
0x64e: {  	[tilespmem:s28+$0xFFFFFF00] =	vst v7;
	v7 =	vmul.f32 v10, v5;
	v10 =	vld [tilespmem:s28+$0xFFFFFF70]  }
0x64f: {  	[tilespmem:s28+$0xFFFFFF10] =	vst v6;
	v6 =	vmul.f32 v11, v5;
	v11 =	vld [tilespmem:s28+$0xFFFFFF80]  }
0x650: {  	[tilespmem:s28+$0xFFFFFF20] =	vst v7;
	v7 =	vmul.f32 v8, v5;
	v8 =	vld [tilespmem:s28+$0xFFFFFF90]  }
0x651: {  	[tilespmem:s28+$0xFFFFFF30] =	vst v6;
	v6 =	vmul.f32 v12, v5;
	v12 =	vld [tilespmem:s28+$0xFFFFFFA0]  }
0x652: {  	[tilespmem:s28+$0xFFFFFF40] =	vst v7;
	v7 =	vmul.f32 v9, v5;
	v9 =	vld [tilespmem:s28+$0xFFFFFFB0]  }
0x653: {  	[tilespmem:s28+$0xFFFFFF50] =	vst v6;
	v5 =	vmul.f32 v10, v5;
	v6 =	vld [tilespmem:s28+$0xFFFFFFC0]  }
0x654: {  	[tilespmem:s28+$0xFFFFFF60] =	vst v7;
	v7 =	vmul.f32 v11, v4;
	v10 =	vld [tilespmem:s28+$0xFFFFFFD0]  }
0x655: {  	[tilespmem:s28+$0xFFFFFF70] =	vst v5;
	v5 =	vmul.f32 v8, v4;
	v8 =	vld [tilespmem:s28+$0xFFFFFFE0]  }
0x656: {  	[tilespmem:s28+$0xFFFFFF80] =	vst v7;
	v7 =	vmul.f32 v12, v4;
	v11 =	vld [tilespmem:s28+$0xFFFFFFF0]  }
0x657: {  	[tilespmem:s28+$0xFFFFFF90] =	vst v5;
	v5 =	vmul.f32 v9, v4;
	v9 =	vld [tilespmem:s28+$0x0]  }
0x658: {  	[tilespmem:s28+$0xFFFFFFA0] =	vst v7;
	v6 =	vmul.f32 v6, v4;
	v7 =	vld [tilespmem:s28+$0x10]  }
0x659: {  	[tilespmem:s28+$0xFFFFFFB0] =	vst v5;
	v5 =	vmul.f32 v10, v4;
	v10 =	vld [tilespmem:s28+$0x20]  }
0x65a: {  	[tilespmem:s28+$0xFFFFFFC0] =	vst v6;
	v6 =	vmul.f32 v8, v4;
	v8 =	vld [tilespmem:s28+$0x30]  }
0x65b: {  	[tilespmem:s28+$0xFFFFFFD0] =	vst v5;
	v4 =	vmul.f32 v11, v4;
	v5 =	vld [tilespmem:s28+$0x40]  }
0x65c: {  	[tilespmem:s28+$0xFFFFFFE0] =	vst v6;
	v6 =	vmul.f32 v9, v3;
	v9 =	vld [tilespmem:s28+$0x50]  }
0x65d: {  	[tilespmem:s28+$0xFFFFFFF0] =	vst v4;
	v4 =	vmul.f32 v7, v3;
	v7 =	vld [tilespmem:s28+$0x60]  }
0x65e: {  	[tilespmem:s28+$0x0] =	vst v6;
	v6 =	vmul.f32 v10, v3;
	v10 =	vld [tilespmem:s28+$0x70]  }
0x65f: {  	[tilespmem:s28+$0x10] =	vst v4;
	v4 =	vmul.f32 v8, v3;
	v8 =	vld [tilespmem:s28+$0x80]  }
0x660: {  	[tilespmem:s28+$0x20] =	vst v6;
	v5 =	vmul.f32 v5, v3;
	v6 =	vld [tilespmem:s28+$0x90]  }
0x661: {  	[tilespmem:s28+$0x30] =	vst v4;
	v4 =	vmul.f32 v9, v3;
	v9 =	vld [tilespmem:s28+$0xA0]  }
0x662: {  	[tilespmem:s28+$0x40] =	vst v5;
	v5 =	vmul.f32 v7, v3;
	v7 =	vld [tilespmem:s28+$0xB0]  }
0x663: {  	[tilespmem:s28+$0x50] =	vst v4;
	v3 =	vmul.f32 v10, v3;
	v4 =	vld [tilespmem:s28+$0xC0]  }
0x664: {  	[tilespmem:s28+$0x60] =	vst v5;
	v5 =	vmul.f32 v8, v2;
	v8 =	vld [tilespmem:s28+$0xD0]  }
0x665: {  	[tilespmem:s28+$0x70] =	vst v3;
	v3 =	vmul.f32 v6, v2;
	v6 =	vld [tilespmem:s28+$0xE0]  }
0x666: {  	[tilespmem:s28+$0x80] =	vst v5;
	v5 =	vmul.f32 v9, v2;
	v9 =	vld [tilespmem:s28+$0xF0]  }
0x667: {  	v10 =	vmov s2;
	[tilespmem:s28+$0x90] =	vst v3;
	v3 =	vmul.f32 v7, v2;
	v7 =	vld [tilespmem:s28+$0x100]  }
0x668: {  	s0 =	sadd.s32 $0x1, s2;
	s7 =	sadd.s32 $0x7, s2;
	v10 =	vadd.s32 $0x2670, v10;
	[tilespmem:s28+$0xA0] =	vst v5;
	v4 =	vmul.f32 v4, v2;
	v5 =	vld [tilespmem:s28+$0x110]  }
0x669: {  	s9 =	sadd.s32 $0x3, s2;
	v12 =	vmov s7;
	v11 =	vmov s0;
	s0 =	sadd.s32 $0x2, s2;
	[tilespmem:s28+$0xB0] =	vst v3;
	v3 =	vmul.f32 v8, v2;
	v8 =	vld [tilespmem:s28+$0x120]  }
0x66a: {  	v14 =	vmov s9;
	s7 =	sadd.s32 $0x5, s2;
	v13 =	vmov s0;
	s0 =	sadd.s32 $0x4, s2;
	[tilespmem:s28+$0xC0] =	vst v4;
	v4 =	vmul.f32 v6, v2;
	v6 =	vld [tilespmem:s28+$0x130]  }
0x66b: {  	v16 =	vmov s7;
	v15 =	vmov s0;
	[tilespmem:s28+$0xD0] =	vst v3;
	v2 =	vmul.f32 v9, v2;
	v9 =	vld [tilespmem:s28+$0x140]  }
0x66c: {  	v3 =	vand.u32 $0xFFFFFFF8, v10;
	v10 =	vadd.s32 $0x2670, v12;
	[tilespmem:s28+$0xE0] =	vst v4;
	v4 =	vmul.f32 v7, v1;
	v7 =	vld [tilespmem:s28+$0x150]  }
0x66d: {  	v11 =	vadd.s32 $0x2670, v11;
	v12 =	vadd.s32 $0x2670, v13;
	[tilespmem:s28+$0xF0] =	vst v2;
	v5 =	vmul.f32 v5, v1;
	v17 =	vld [tilespmem:s28+$0x160]  }
0x66e: {  	v13 =	vadd.s32 $0x2670, v14;
	v14 =	vadd.s32 $0x2670, v15;
	[tilespmem:s28+$0x100] =	vst v4;
	v4 =	vmul.f32 v8, v1;
	v15 =	vld [tilespmem:s28+$0x180]  }
.Ltmp11:
0x66f: {  	v16 =	vadd.s32 $0x2670, v16;
	v2 =	vbroadcast v3, $0x0;
	[tilespmem:s28+$0x110] =	vst v5;
	v8 =	vmul.f32 v6, v1;
	v5 =	vld [tilespmem:s28+$0x190];
	(pc) =	sbr.rel @p3 .LBB2_20-.Ltmp11, $4  }
0x670: {  	v11 =	vand.u32 $0xFFFFFFF9, v11;
	v3 =	vbroadcast v10, $0x0;
	[tilespmem:s28+$0x120] =	vst v4;
	v9 =	vmul.f32 v9, v1;
	v6 =	vld [tilespmem:s28+$0x1A0]  }
0x671: {  	v10 =	vand.u32 $0xFFFFFFFA, v12;
	v12 =	vand.u32 $0xFFFFFFFB, v13;
	[tilespmem:s28+$0x130] =	vst v8;
	v18 =	vmul.f32 v7, v1;
	v7 =	vld [tilespmem:s28+$0x1B0]  }
0x672: {  	v13 =	vand.u32 $0xFFFFFFFC, v14;
	v4 =	vbroadcast v11, $0x0;
	[tilespmem:s28+$0x140] =	vst v9;
	v11 =	vmul.f32 v17, v1;
	v8 =	vld [tilespmem:s28+$0x1C0]  }
0x673: {  	s0 =	sadd.s32 $0x6, s2;
	s2 =	sadd.s32 $0x8, s2;
	v10 =	vbroadcast v10, $0x0;
	v1 =	vand.u32 $0xFFFFFFFD, v16;
	[tilespmem:s28+$0x150] =	vst v18;
	v14 =	vmul.f32 v15, v0;
	v9 =	vld [tilespmem:s28+$0x1D0]  }
0x674: {  	_ =	sdelay $0x1  }
0x675: {  	v15 =	vld [tilespmem:s28+$0x1E0]  }
0x676: {  	v58 =	vld [tilespmem:s28+$0x1F0]  }
0x677: {  	v16 =	vmov s0;
	v17 =	vld.idx.msk [tilespmem:v2+s24+$0x0], $0xffff  }
0x678: {  	v18 =	vld.idx.msk [tilespmem:v4+s24+$0x0], $0xffff;
	[tilespmem:s28+$0x180] =	vst v14;
	v14 =	vadd.s32 $0x2670, v16  }
0x679: {  	v2 =	vbroadcast v1, $0x0;
	v5 =	vmul.f32 v5, v0;
	s7 =	sadd.s32 $0x400, s28;
	v10 =	vld.idx.msk [tilespmem:v10+s24+$0x0], $0xffff;
	v1 =	vand.u32 $0xFFFFFFFE, v14  }
0x67a: {  	v12 =	vbroadcast v12, $0x0;
	[tilespmem:s28+$0x160] =	vst v11;
	v11 =	vld [tilespmem:s7+$0xFFFFFE20];
	v14 =	vbroadcast v1, $0x0  }
0x67b: {  	v6 =	vmul.f32 v6, v0;
	[tilespmem:s28+$0x190] =	vst v5;
	v5 =	vmul.f32 v7, v0;
	v7 =	vld [tilespmem:s7+$0x170]  }
0x67c: {  	v13 =	vbroadcast v13, $0x0;
	v1 =	vld.idx.msk [tilespmem:v3+s24+$0x0], $0xffff  }
0x67d: {  	[tilespmem:s28+$0x1A0] =	vst v6;
	v6 =	vmul.f32 v8, v0;
	v8 =	vld [tilespmem:s7+$0xFFFFFE00]  }
0x67e: {  	[tilespmem:s28+$0x1B0] =	vst v5;
	v5 =	vmul.f32 v9, v0;
	v9 =	vld [tilespmem:s7+$0xFFFFFE10]  }
0x67f: {  	v3 =	vld.idx.msk [tilespmem:v2+s24+$0x0], $0xffff  }
0x680: {  	v2 =	vld.idx.msk [tilespmem:v14+s24+$0x0], $0xffff  }
0x681: {  	[tilespmem:s28+$0x1C0] =	vst v6;
	v6 =	vmul.f32 v15, v0;
	v12 =	vld.idx.msk [tilespmem:v12+s24+$0x0], $0xffff  }
0x682: {  	v0 =	vmul.f32 v58, v0;
	v4 =	vld.idx.msk [tilespmem:v13+s24+$0x0], $0xffff;
	[tilespmem:s28+$0x1D0] =	vst v5  }
0x683: {  	v5 =	vld [tilespmem:s7+$0xFFFFFE30];
	[tilespmem:s28+$0x1E0] =	vst v6  }
0x684: {  	v6 =	vld [tilespmem:s7+$0xFFFFFE40];
	[tilespmem:s28+$0x1F0] =	vst v0;
	v0 =	vmul.f32 v8, v17  }
0x685: {  	v8 =	vld [tilespmem:s7+$0xFFFFFE50];
	v7 =	vmul.f32 v7, v2  }
0x686: {  	v13 =	vld [tilespmem:s7+$0xFFFFFE60];
	v9 =	vmul.f32 v9, v17;
	[tilespmem:s7+$0xFFFFFE00] =	vst v0  }
0x687: {  	v0 =	vmul.f32 v11, v17;
	[tilespmem:s7+$0x170] =	vst v7;
	v7 =	vld [tilespmem:s7+$0xFFFFFE70]  }
0x688: {  	[tilespmem:s7+$0xFFFFFE10] =	vst v9;
	v5 =	vmul.f32 v5, v17;
	v9 =	vld [tilespmem:s7+$0xFFFFFE80]  }
0x689: {  	[tilespmem:s7+$0xFFFFFE20] =	vst v0;
	v0 =	vmul.f32 v6, v17;
	v6 =	vld [tilespmem:s7+$0xFFFFFE90]  }
0x68a: {  	[tilespmem:s7+$0xFFFFFE30] =	vst v5;
	v5 =	vmul.f32 v8, v17;
	v8 =	vld [tilespmem:s7+$0xFFFFFEA0]  }
0x68b: {  	v11 =	vld [tilespmem:s7+$0xFFFFFEB0];
	[tilespmem:s7+$0xFFFFFE40] =	vst v0;
	v0 =	vmul.f32 v13, v17  }
0x68c: {  	[tilespmem:s7+$0xFFFFFE50] =	vst v5;
	v5 =	vmul.f32 v7, v17;
	v7 =	vld [tilespmem:s7+$0xFFFFFEC0]  }
0x68d: {  	[tilespmem:s7+$0xFFFFFE60] =	vst v0;
	v0 =	vmul.f32 v9, v18;
	v9 =	vld [tilespmem:s7+$0xFFFFFED0]  }
0x68e: {  	[tilespmem:s7+$0xFFFFFE70] =	vst v5;
	v5 =	vmul.f32 v6, v18;
	v6 =	vld [tilespmem:s7+$0xFFFFFEE0]  }
0x68f: {  	[tilespmem:s7+$0xFFFFFE80] =	vst v0;
	v0 =	vmul.f32 v8, v18;
	v8 =	vld [tilespmem:s7+$0xFFFFFEF0]  }
0x690: {  	[tilespmem:s7+$0xFFFFFE90] =	vst v5;
	v5 =	vmul.f32 v11, v18;
	v11 =	vld [tilespmem:s7+$0xFFFFFF00]  }
0x691: {  	[tilespmem:s7+$0xFFFFFEA0] =	vst v0;
	v0 =	vmul.f32 v7, v18;
	v7 =	vld [tilespmem:s7+$0xFFFFFF10]  }
0x692: {  	[tilespmem:s7+$0xFFFFFEB0] =	vst v5;
	v5 =	vmul.f32 v9, v18;
	v9 =	vld [tilespmem:s7+$0xFFFFFF20]  }
0x693: {  	[tilespmem:s7+$0xFFFFFEC0] =	vst v0;
	v0 =	vmul.f32 v6, v18;
	v6 =	vld [tilespmem:s7+$0xFFFFFF30]  }
0x694: {  	[tilespmem:s7+$0xFFFFFED0] =	vst v5;
	v5 =	vmul.f32 v8, v18;
	v8 =	vld [tilespmem:s7+$0xFFFFFF40]  }
0x695: {  	[tilespmem:s7+$0xFFFFFEE0] =	vst v0;
	v0 =	vmul.f32 v11, v10;
	v11 =	vld [tilespmem:s7+$0xFFFFFF50]  }
0x696: {  	[tilespmem:s7+$0xFFFFFEF0] =	vst v5;
	v5 =	vmul.f32 v7, v10;
	v7 =	vld [tilespmem:s7+$0xFFFFFF60]  }
0x697: {  	[tilespmem:s7+$0xFFFFFF00] =	vst v0;
	v0 =	vmul.f32 v9, v10;
	v9 =	vld [tilespmem:s7+$0xFFFFFF70]  }
0x698: {  	[tilespmem:s7+$0xFFFFFF10] =	vst v5;
	v5 =	vmul.f32 v6, v10;
	v6 =	vld [tilespmem:s7+$0xFFFFFF80]  }
0x699: {  	[tilespmem:s7+$0xFFFFFF20] =	vst v0;
	v0 =	vmul.f32 v8, v10;
	v8 =	vld [tilespmem:s7+$0xFFFFFF90]  }
0x69a: {  	[tilespmem:s7+$0xFFFFFF30] =	vst v5;
	v5 =	vmul.f32 v11, v10;
	v11 =	vld [tilespmem:s7+$0xFFFFFFA0]  }
0x69b: {  	[tilespmem:s7+$0xFFFFFF40] =	vst v0;
	v0 =	vmul.f32 v7, v10;
	v7 =	vld [tilespmem:s7+$0xFFFFFFB0]  }
0x69c: {  	[tilespmem:s7+$0xFFFFFF50] =	vst v5;
	v5 =	vmul.f32 v9, v10;
	v9 =	vld [tilespmem:s7+$0xFFFFFFC0]  }
0x69d: {  	[tilespmem:s7+$0xFFFFFF60] =	vst v0;
	v0 =	vmul.f32 v6, v12;
	v6 =	vld [tilespmem:s7+$0xFFFFFFD0]  }
0x69e: {  	[tilespmem:s7+$0xFFFFFF70] =	vst v5;
	v5 =	vmul.f32 v8, v12;
	v8 =	vld [tilespmem:s7+$0xFFFFFFE0]  }
0x69f: {  	v10 =	vld [tilespmem:s7+$0xFFFFFFF0];
	[tilespmem:s7+$0xFFFFFF80] =	vst v0;
	v0 =	vmul.f32 v11, v12  }
0x6a0: {  	[tilespmem:s7+$0xFFFFFF90] =	vst v5;
	v5 =	vmul.f32 v7, v12;
	v7 =	vld [tilespmem:s7+$0x0]  }
0x6a1: {  	[tilespmem:s7+$0xFFFFFFA0] =	vst v0;
	v0 =	vmul.f32 v9, v12;
	v9 =	vld [tilespmem:s7+$0x10]  }
0x6a2: {  	[tilespmem:s7+$0xFFFFFFB0] =	vst v5;
	v5 =	vmul.f32 v6, v12;
	v6 =	vld [tilespmem:s7+$0x20]  }
0x6a3: {  	[tilespmem:s7+$0xFFFFFFC0] =	vst v0;
	v0 =	vmul.f32 v8, v12;
	v8 =	vld [tilespmem:s7+$0x30]  }
0x6a4: {  	[tilespmem:s7+$0xFFFFFFD0] =	vst v5;
	v5 =	vmul.f32 v10, v12;
	v10 =	vld [tilespmem:s7+$0x40]  }
0x6a5: {  	[tilespmem:s7+$0xFFFFFFE0] =	vst v0;
	v0 =	vmul.f32 v7, v4;
	v7 =	vld [tilespmem:s7+$0x50]  }
0x6a6: {  	[tilespmem:s7+$0xFFFFFFF0] =	vst v5;
	v5 =	vmul.f32 v9, v4;
	v9 =	vld [tilespmem:s7+$0x60]  }
0x6a7: {  	[tilespmem:s7+$0x0] =	vst v0;
	v0 =	vmul.f32 v6, v4;
	v6 =	vld [tilespmem:s7+$0x70]  }
0x6a8: {  	[tilespmem:s7+$0x10] =	vst v5;
	v5 =	vmul.f32 v8, v4;
	v8 =	vld [tilespmem:s7+$0x80]  }
0x6a9: {  	[tilespmem:s7+$0x20] =	vst v0;
	v0 =	vmul.f32 v10, v4;
	v10 =	vld [tilespmem:s7+$0x90]  }
0x6aa: {  	[tilespmem:s7+$0x30] =	vst v5;
	v5 =	vmul.f32 v7, v4;
	v7 =	vld [tilespmem:s7+$0xA0]  }
0x6ab: {  	[tilespmem:s7+$0x40] =	vst v0;
	v0 =	vmul.f32 v9, v4;
	v9 =	vld [tilespmem:s7+$0xB0]  }
0x6ac: {  	[tilespmem:s7+$0x50] =	vst v5;
	v4 =	vmul.f32 v6, v4;
	v5 =	vld [tilespmem:s7+$0xC0]  }
0x6ad: {  	v6 =	vld [tilespmem:s7+$0xD0];
	[tilespmem:s7+$0x60] =	vst v0;
	v0 =	vmul.f32 v8, v3  }
0x6ae: {  	v8 =	vld [tilespmem:s7+$0xE0];
	[tilespmem:s7+$0x70] =	vst v4;
	v4 =	vmul.f32 v10, v3  }
0x6af: {  	[tilespmem:s7+$0x80] =	vst v0;
	v0 =	vmul.f32 v7, v3;
	v7 =	vld [tilespmem:s7+$0xF0]  }
0x6b0: {  	[tilespmem:s7+$0x90] =	vst v4;
	v4 =	vmul.f32 v9, v3;
	v9 =	vld [tilespmem:s7+$0x100]  }
0x6b1: {  	[tilespmem:s7+$0xA0] =	vst v0;
	v0 =	vmul.f32 v5, v3;
	v5 =	vld [tilespmem:s7+$0x110]  }
0x6b2: {  	[tilespmem:s7+$0xB0] =	vst v4;
	v4 =	vmul.f32 v6, v3;
	v6 =	vld [tilespmem:s7+$0x120]  }
0x6b3: {  	[tilespmem:s7+$0xC0] =	vst v0;
	v0 =	vmul.f32 v8, v3;
	v8 =	vld [tilespmem:s7+$0x130]  }
0x6b4: {  	[tilespmem:s7+$0xD0] =	vst v4;
	v3 =	vmul.f32 v7, v3;
	v4 =	vld [tilespmem:s7+$0x140]  }
0x6b5: {  	v7 =	vld [tilespmem:s7+$0x150];
	[tilespmem:s7+$0xE0] =	vst v0;
	v0 =	vmul.f32 v9, v2  }
0x6b6: {  	[tilespmem:s7+$0xF0] =	vst v3;
	v3 =	vmul.f32 v5, v2;
	v5 =	vld [tilespmem:s7+$0x160]  }
0x6b7: {  	[tilespmem:s7+$0x100] =	vst v0;
	v0 =	vmul.f32 v6, v2;
	v6 =	vld [tilespmem:s7+$0x180]  }
0x6b8: {  	[tilespmem:s7+$0x110] =	vst v3;
	v3 =	vmul.f32 v8, v2;
	v8 =	vld [tilespmem:s7+$0x190]  }
0x6b9: {  	[tilespmem:s7+$0x120] =	vst v0;
	v0 =	vmul.f32 v4, v2;
	v4 =	vld [tilespmem:s7+$0x1A0]  }
0x6ba: {  	[tilespmem:s7+$0x130] =	vst v3;
	v3 =	vmul.f32 v7, v2;
	v7 =	vld [tilespmem:s7+$0x1B0]  }
0x6bb: {  	[tilespmem:s7+$0x140] =	vst v0;
	v0 =	vmul.f32 v5, v2;
	v2 =	vld [tilespmem:s7+$0x1C0]  }
0x6bc: {  	v5 =	vld [tilespmem:s7+$0x1D0];
	[tilespmem:s7+$0x150] =	vst v3;
	v3 =	vmul.f32 v6, v1  }
0x6bd: {  	v6 =	vld [tilespmem:s7+$0x1E0];
	[tilespmem:s7+$0x160] =	vst v0;
	v0 =	vmul.f32 v8, v1  }
0x6be: {  	[tilespmem:s7+$0x180] =	vst v3;
	v3 =	vmul.f32 v4, v1;
	v4 =	vld [tilespmem:s7+$0x1F0]  }
0x6bf: {  	[tilespmem:s7+$0x190] =	vst v0;
	v0 =	vmul.f32 v7, v1  }
0x6c0: {  	[tilespmem:s7+$0x1A0] =	vst v3;
	v2 =	vmul.f32 v2, v1  }
0x6c1: {  	[tilespmem:s7+$0x1B0] =	vst v0;
	v0 =	vmul.f32 v5, v1  }
0x6c2: {  	[tilespmem:s7+$0x1C0] =	vst v2;
	v2 =	vmul.f32 v6, v1  }
0x6c3: {  	s2 =	simm.s32 $0x0;
	[tilespmem:s7+$0x1D0] =	vst v0;
	v0 =	vmul.f32 v4, v1  }
0x6c4: {  	v1 =	vmov s2;
	[tilespmem:s7+$0x1E0] =	vst v2  }
0x6c5: {  	[tilespmem:s7+$0x1F0] =	vst v0;
	v0 =	vadd.s32 $0x2698, v1  }
0x6c6: {  	_ =	swait.ge [sflag:s15], $0x28;
	v0 =	vand.u32 $0xFFFFFFF8, v0  }
0x6c7: {  	[sflag:s15] =	ssyncset.done $0x0;
	v0 =	vbroadcast v0, $0x0  }
0x6c8: {  	s30 =	simm.s32 $0x4F80;
	s31 =	simm.s32 $0x6580;
	[sflag:s15] =	ssyncadd.s32 $0xFFFFFFD8  }
0x6c9: {  	[spmem:s4] =	stream.indirect.scatter.add.f32 [tilespmem:s31], [sflag:$0xC], $0x80, s30, s26, $0xb8;
	[tilespmem:$0x1EE00] =	vst v63  }
0x6ca: {  	_ =	swait.ge [sflag:s16], $0x1400  }
0x6cb: {  	[sflag:s16] =	ssyncset.done $0x0  }
0x6cc: {  	[sflag:s16] =	ssyncadd.s32 $0xFFFFEC00  }
0x6cd: {  	s9 =	simm.s32 $0x6;
	s28 =	simm.s32 $0x7B80;
	v0 =	vld.idx.msk [tilespmem:v0+s24+$0x0], $0xffff  }
0x6ce: {  	v1 =	vmov s9;
	s7 =	simm.s32 $0x1;
	v3 =	vld [tilespmem:s28+$0x170]  }
0x6cf: {  	v1 =	vadd.s32 $0x2698, v1;
	v2 =	vmov s7;
	v4 =	vld [tilespmem:s28+$0xFFFFFE00]  }
0x6d0: {  	v1 =	vand.u32 $0xFFFFFFFE, v1;
	v2 =	vadd.s32 $0x2698, v2;
	v5 =	vld [tilespmem:s28+$0xFFFFFE10]  }
0x6d1: {  	v1 =	vbroadcast v1, $0x0;
	v2 =	vand.u32 $0xFFFFFFF9, v2;
	v6 =	vld [tilespmem:s28+$0xFFFFFE20]  }
0x6d2: {  	v2 =	vbroadcast v2, $0x0;
	v7 =	vld [tilespmem:s28+$0xFFFFFE30]  }
0x6d3: {  	v8 =	vld [tilespmem:s28+$0xFFFFFE40]  }
0x6d4: {  	v9 =	vld [tilespmem:s28+$0xFFFFFE50]  }
0x6d5: {  	v10 =	vld [tilespmem:s28+$0xFFFFFE60]  }
0x6d6: {  	v12 =	vld [tilespmem:s28+$0xFFFFFE80]  }
0x6d7: {  	v1 =	vld.idx.msk [tilespmem:v1+s24+$0x0], $0xffff  }
0x6d8: {  	v2 =	vld.idx.msk [tilespmem:v2+s24+$0x0], $0xffff;
	v4 =	vmul.f32 v4, v0  }
0x6d9: {  	v13 =	vld [tilespmem:s28+$0xFFFFFE90];
	v5 =	vmul.f32 v5, v0  }
0x6da: {  	s9 =	simm.s32 $0x2;
	v14 =	vld [tilespmem:s28+$0xFFFFFEA0];
	v7 =	vmul.f32 v7, v0;
	[tilespmem:s28+$0xFFFFFE00] =	vst v4  }
0x6db: {  	v11 =	vmov s9;
	v15 =	vld [tilespmem:s28+$0xFFFFFEB0];
	v8 =	vmul.f32 v8, v0;
	[tilespmem:s28+$0xFFFFFE10] =	vst v5  }
0x6dc: {  	v3 =	vmul.f32 v3, v1;
	v4 =	vadd.s32 $0x2698, v11;
	v11 =	vld [tilespmem:s28+$0xFFFFFE70];
	[tilespmem:s28+$0xFFFFFE30] =	vst v7  }
0x6dd: {  	v5 =	vmul.f32 v12, v2;
	v12 =	vld [tilespmem:s28+$0xFFFFFED0];
	[tilespmem:s28+$0xFFFFFE40] =	vst v8  }
0x6de: {  	v7 =	vmul.f32 v9, v0;
	v9 =	vld [tilespmem:s28+$0xFFFFFEF0];
	v4 =	vand.u32 $0xFFFFFFFA, v4;
	[tilespmem:s28+$0x170] =	vst v3  }
0x6df: {  	v8 =	vmul.f32 v10, v0;
	v10 =	vld [tilespmem:s28+$0xFFFFFF00];
	v4 =	vbroadcast v4, $0x0;
	[tilespmem:s28+$0xFFFFFE80] =	vst v5  }
0x6e0: {  	v3 =	vmul.f32 v6, v0;
	v6 =	vld [tilespmem:s28+$0xFFFFFEC0];
	[tilespmem:s28+$0xFFFFFE50] =	vst v7  }
0x6e1: {  	s30 =	simm.s32 $0x3;
	v7 =	vld [tilespmem:s28+$0xFFFFFF10];
	[tilespmem:s28+$0xFFFFFE60] =	vst v8;
	v8 =	vmul.f32 v13, v2  }
0x6e2: {  	v59 =	vmov s30;
	v13 =	vld [tilespmem:s28+$0xFFFFFF30];
	[tilespmem:s28+$0xFFFFFE20] =	vst v3  }
0x6e3: {  	v5 =	vadd.s32 $0x2698, v59;
	v3 =	vld [tilespmem:s28+$0xFFFFFEE0];
	[tilespmem:s28+$0xFFFFFE90] =	vst v8;
	v8 =	vmul.f32 v15, v2  }
0x6e4: {  	v5 =	vand.u32 $0xFFFFFFFB, v5;
	v0 =	vmul.f32 v11, v0;
	v11 =	vld [tilespmem:s28+$0xFFFFFF20]  }
0x6e5: {  	v5 =	vbroadcast v5, $0x0;
	v12 =	vmul.f32 v12, v2;
	[tilespmem:s28+$0xFFFFFEB0] =	vst v8;
	v4 =	vld.idx.msk [tilespmem:v4+s24+$0x0], $0xffff  }
0x6e6: {  	v6 =	vmul.f32 v6, v2;
	v8 =	vld [tilespmem:s28+$0xFFFFFF60];
	[tilespmem:s28+$0xFFFFFE70] =	vst v0  }
0x6e7: {  	v0 =	vmul.f32 v14, v2;
	v14 =	vld [tilespmem:s28+$0xFFFFFF40];
	[tilespmem:s28+$0xFFFFFED0] =	vst v12  }
0x6e8: {  	v12 =	vld [tilespmem:s28+$0xFFFFFFB0];
	[tilespmem:s28+$0xFFFFFEC0] =	vst v6;
	v3 =	vmul.f32 v3, v2  }
0x6e9: {  	v6 =	vld [tilespmem:s28+$0xFFFFFF70];
	v2 =	vmul.f32 v9, v2;
	[tilespmem:s28+$0xFFFFFEA0] =	vst v0  }
0x6ea: {  	v9 =	vld [tilespmem:s28+$0xFFFFFF80];
	[tilespmem:s28+$0xFFFFFEE0] =	vst v3;
	v0 =	vmul.f32 v10, v4  }
0x6eb: {  	s31 =	simm.s32 $0x4;
	v5 =	vld.idx.msk [tilespmem:v5+s24+$0x0], $0xffff;
	[tilespmem:s28+$0xFFFFFEF0] =	vst v2;
	v3 =	vmul.f32 v7, v4  }
0x6ec: {  	v15 =	vmov s31;
	v10 =	vld [tilespmem:s28+$0xFFFFFF50];
	v2 =	vmul.f32 v11, v4;
	[tilespmem:s28+$0xFFFFFF00] =	vst v0  }
0x6ed: {  	v7 =	vld [tilespmem:s28+$0xFFFFFF90];
	v8 =	vmul.f32 v8, v4;
	v0 =	vadd.s32 $0x2698, v15;
	[tilespmem:s28+$0xFFFFFF10] =	vst v3  }
0x6ee: {  	v11 =	vld [tilespmem:s28+$0xFFFFFFA0];
	v3 =	vmul.f32 v13, v4;
	[tilespmem:s28+$0xFFFFFF20] =	vst v2;
	v0 =	vand.u32 $0xFFFFFFFC, v0  }
0x6ef: {  	v2 =	vmul.f32 v14, v4;
	v13 =	vld [tilespmem:s28+$0xFFFFFFC0];
	[tilespmem:s28+$0xFFFFFF60] =	vst v8;
	v0 =	vbroadcast v0, $0x0  }
0x6f0: {  	v8 =	vld [tilespmem:s28+$0x0];
	[tilespmem:s28+$0xFFFFFF30] =	vst v3;
	v3 =	vmul.f32 v9, v5  }
0x6f1: {  	v9 =	vld [tilespmem:s28+$0xFFFFFFD0];
	[tilespmem:s28+$0xFFFFFF40] =	vst v2;
	v10 =	vmul.f32 v10, v4  }
0x6f2: {  	s2 =	simm.s32 $0x5;
	v2 =	vld [tilespmem:s28+$0xFFFFFFE0];
	v4 =	vmul.f32 v6, v4;
	[tilespmem:s28+$0xFFFFFF80] =	vst v3  }
0x6f3: {  	v14 =	vmov s2;
	v6 =	vld [tilespmem:s28+$0xFFFFFFF0];
	v7 =	vmul.f32 v7, v5;
	[tilespmem:s28+$0xFFFFFF50] =	vst v10  }
0x6f4: {  	v3 =	vadd.s32 $0x2698, v14;
	[tilespmem:s28+$0xFFFFFF70] =	vst v4;
	v4 =	vmul.f32 v11, v5;
	v10 =	vld [tilespmem:s28+$0x10]  }
0x6f5: {  	v3 =	vand.u32 $0xFFFFFFFD, v3;
	[tilespmem:s28+$0xFFFFFF90] =	vst v7;
	v7 =	vmul.f32 v12, v5;
	v0 =	vld.idx.msk [tilespmem:v0+s24+$0x0], $0xffff  }
0x6f6: {  	v11 =	vld [tilespmem:s28+$0x20];
	v3 =	vbroadcast v3, $0x0;
	[tilespmem:s28+$0xFFFFFFA0] =	vst v4;
	v4 =	vmul.f32 v13, v5  }
0x6f7: {  	v12 =	vld [tilespmem:s28+$0x30];
	[tilespmem:s28+$0xFFFFFFB0] =	vst v7;
	v7 =	vmul.f32 v9, v5  }
0x6f8: {  	v2 =	vmul.f32 v2, v5;
	v5 =	vmul.f32 v6, v5;
	v6 =	vld [tilespmem:s28+$0x70];
	[tilespmem:s28+$0xFFFFFFC0] =	vst v4  }
0x6f9: {  	v9 =	vld [tilespmem:s28+$0x40];
	[tilespmem:s28+$0xFFFFFFD0] =	vst v7  }
0x6fa: {  	v7 =	vld [tilespmem:s28+$0x60];
	[tilespmem:s28+$0xFFFFFFE0] =	vst v2;
	v4 =	vmul.f32 v8, v0  }
0x6fb: {  	[tilespmem:s28+$0xFFFFFFF0] =	vst v5;
	v8 =	vld [tilespmem:s28+$0x50];
	v2 =	vmul.f32 v10, v0  }
0x6fc: {  	s7 =	simm.s32 $0x7;
	v3 =	vld.idx.msk [tilespmem:v3+s24+$0x0], $0xffff;
	v5 =	vmul.f32 v11, v0;
	[tilespmem:s28+$0x0] =	vst v4  }
0x6fd: {  	v10 =	vld [tilespmem:s28+$0x80];
	v6 =	vmul.f32 v6, v0;
	v4 =	vmov s7;
	[tilespmem:s28+$0x10] =	vst v2  }
0x6fe: {  	v11 =	vld [tilespmem:s28+$0x90];
	v2 =	vmul.f32 v12, v0;
	[tilespmem:s28+$0x20] =	vst v5;
	v4 =	vadd.s32 $0x2698, v4  }
0x6ff: {  	v5 =	vmul.f32 v9, v0;
	v9 =	vld [tilespmem:s28+$0xA0];
	[tilespmem:s28+$0x70] =	vst v6;
	v4 =	vbroadcast v4, $0x0  }
0x700: {  	v6 =	vld [tilespmem:s28+$0xF0];
	[tilespmem:s28+$0x30] =	vst v2;
	v2 =	vmul.f32 v8, v0  }
0x701: {  	[tilespmem:s28+$0x40] =	vst v5;
	v5 =	vmul.f32 v7, v0;
	v7 =	vld [tilespmem:s28+$0xC0]  }
0x702: {  	v8 =	vld [tilespmem:s28+$0xB0];
	[tilespmem:s28+$0x50] =	vst v2;
	v2 =	vmul.f32 v10, v3  }
0x703: {  	[tilespmem:s28+$0x60] =	vst v5;
	v5 =	vld [tilespmem:s28+$0xE0]  }
0x704: {  	v10 =	vld [tilespmem:s28+$0xD0];
	[tilespmem:s28+$0x80] =	vst v2;
	v2 =	vmul.f32 v9, v3  }
0x705: {  	v0 =	vld.idx.msk [tilespmem:v4+s24+$0x0], $0xffff;
	v4 =	vmul.f32 v11, v3  }
0x706: {  	[tilespmem:s28+$0xA0] =	vst v2;
	v2 =	vmul.f32 v7, v3;
	v7 =	vld [tilespmem:s28+$0x110]  }
0x707: {  	s31 =	simm.s32 $0xF;
	[tilespmem:s28+$0x90] =	vst v4;
	v4 =	vmul.f32 v8, v3;
	v8 =	vld [tilespmem:s28+$0x100]  }
0x708: {  	s7 =	simm.s32 $0xB;
	v12 =	vmov s31;
	s31 =	simm.s32 $0xD;
	[tilespmem:s28+$0xC0] =	vst v2;
	v2 =	vmul.f32 v5, v3  }
0x709: {  	s9 =	simm.s32 $0x8;
	s30 =	simm.s32 $0x9;
	v14 =	vmov s7;
	v60 =	vmov s31;
	v5 =	vld [tilespmem:s28+$0x130];
	[tilespmem:s28+$0xB0] =	vst v4;
	v4 =	vmul.f32 v10, v3  }
0x70a: {  	v9 =	vmov s9;
	s9 =	simm.s32 $0xA;
	v11 =	vmov s30;
	s30 =	simm.s32 $0xC;
	v10 =	vld [tilespmem:s28+$0x120];
	v3 =	vmul.f32 v6, v3;
	[tilespmem:s28+$0xE0] =	vst v2  }
0x70b: {  	v9 =	vadd.s32 $0x2698, v9;
	v13 =	vmov s9;
	v15 =	vmov s30;
	[tilespmem:s28+$0xD0] =	vst v4;
	v4 =	vld [tilespmem:s28+$0x140]  }
0x70c: {  	v11 =	vadd.s32 $0x2698, v11;
	[tilespmem:s28+$0xF0] =	vst v3;
	v3 =	vmul.f32 v7, v1;
	v2 =	vmul.f32 v8, v1;
	v8 =	vld [tilespmem:s28+$0x150]  }
0x70d: {  	v61 =	vld [tilespmem:s28+$0x160];
	v11 =	vand.u32 $0xFFFFFFF9, v11;
	v6 =	vand.u32 $0xFFFFFFF8, v9;
	v9 =	vadd.s32 $0x2698, v12  }
0x70e: {  	v12 =	vadd.s32 $0x2698, v13;
	v7 =	vadd.s32 $0x2698, v14;
	v14 =	vld [tilespmem:s28+$0x180];
	[tilespmem:s28+$0x110] =	vst v3;
	v62 =	vmul.f32 v5, v1  }
0x70f: {  	v13 =	vadd.s32 $0x2698, v15;
	v5 =	vld [tilespmem:s28+$0x190];
	v3 =	vbroadcast v9, $0x0;
	[tilespmem:s28+$0x100] =	vst v2;
	v10 =	vmul.f32 v10, v1  }
0x710: {  	v15 =	vadd.s32 $0x2698, v60;
	v2 =	vbroadcast v6, $0x0;
	v6 =	vld [tilespmem:s28+$0x1A0];
	[tilespmem:s28+$0x130] =	vst v62;
	v9 =	vmul.f32 v4, v1  }
0x711: {  	[tilespmem:s28+$0x120] =	vst v10;
	v10 =	vand.u32 $0xFFFFFFFA, v12;
	v12 =	vand.u32 $0xFFFFFFFB, v7;
	v7 =	vld [tilespmem:s28+$0x1B0];
	v63 =	vmul.f32 v8, v1  }
0x712: {  	v13 =	vand.u32 $0xFFFFFFFC, v13;
	v4 =	vbroadcast v11, $0x0;
	v11 =	vmul.f32 v61, v1;
	v8 =	vld [tilespmem:s28+$0x1C0];
	[tilespmem:s28+$0x140] =	vst v9  }
0x713: {  	s0 =	simm.s32 $0xE;
	s2 =	simm.s32 $0x10;
	v14 =	vmul.f32 v14, v0;
	v10 =	vbroadcast v10, $0x0;
	v1 =	vand.u32 $0xFFFFFFFD, v15;
	v9 =	vld [tilespmem:s28+$0x1D0];
	[tilespmem:s28+$0x150] =	vst v63  }
.LBB2_22:
0x714: {  	p3 =	slt.u32 s2, $0x20;
	v12 =	vbroadcast v12, $0x0;
	v15 =	vmov s0;
	[tilespmem:s28+$0x160] =	vst v11;
	v5 =	vmul.f32 v5, v0;
	v11 =	vld [tilespmem:s28+$0x1E0]  }
0x715: {  	v13 =	vbroadcast v13, $0x0;
	v15 =	vadd.s32 $0x2698, v15;
	[tilespmem:s28+$0x180] =	vst v14;
	v6 =	vmul.f32 v6, v0;
	v14 =	vld [tilespmem:s28+$0x1F0]  }
0x716: {  	v1 =	vbroadcast v1, $0x0;
	v16 =	vld.idx.msk [tilespmem:v2+s24+$0x0], $0xffff;
	v2 =	vand.u32 $0xFFFFFFFE, v15;
	[tilespmem:s28+$0x190] =	vst v5;
	v5 =	vmul.f32 v7, v0  }
0x717: {  	v7 =	vbroadcast v2, $0x0;
	v15 =	vld.idx.msk [tilespmem:v3+s24+$0x0], $0xffff;
	[tilespmem:s28+$0x1A0] =	vst v6;
	v2 =	vmul.f32 v8, v0  }
0x718: {  	v6 =	vld.idx.msk [tilespmem:v4+s24+$0x0], $0xffff;
	[tilespmem:s28+$0x1B0] =	vst v5;
	v3 =	vmul.f32 v9, v0  }
0x719: {  	v5 =	vld.idx.msk [tilespmem:v10+s24+$0x0], $0xffff;
	[tilespmem:s28+$0x1C0] =	vst v2;
	v2 =	vmul.f32 v11, v0  }
0x71a: {  	v4 =	vld.idx.msk [tilespmem:v12+s24+$0x0], $0xffff;
	[tilespmem:s28+$0x1D0] =	vst v3;
	v8 =	vmul.f32 v14, v0  }
0x71b: {  	v3 =	vld.idx.msk [tilespmem:v13+s24+$0x0], $0xffff;
	[tilespmem:s28+$0x1E0] =	vst v2  }
0x71c: {  	v2 =	vld.idx.msk [tilespmem:v1+s24+$0x0], $0xffff;
	[tilespmem:s28+$0x1F0] =	vst v8  }
0x71d: {  	s28 =	sadd.s32 $0x400, s28;
	v0 =	vmov v15;
	v1 =	vld.idx.msk [tilespmem:v7+s24+$0x0], $0xffff  }
0x71e: {  	v7 =	vld [tilespmem:s28+$0x170]  }
0x71f: {  	v8 =	vld [tilespmem:s28+$0xFFFFFE00]  }
0x720: {  	v9 =	vld [tilespmem:s28+$0xFFFFFE10]  }
0x721: {  	v10 =	vld [tilespmem:s28+$0xFFFFFE20]  }
0x722: {  	v11 =	vld [tilespmem:s28+$0xFFFFFE30]  }
0x723: {  	v12 =	vld [tilespmem:s28+$0xFFFFFE40];
	v7 =	vmul.f32 v7, v1  }
0x724: {  	v8 =	vmul.f32 v8, v16;
	v13 =	vld [tilespmem:s28+$0xFFFFFE50]  }
0x725: {  	v9 =	vmul.f32 v9, v16;
	v14 =	vld [tilespmem:s28+$0xFFFFFE60];
	[tilespmem:s28+$0x170] =	vst v7  }
0x726: {  	[tilespmem:s28+$0xFFFFFE00] =	vst v8;
	v7 =	vmul.f32 v10, v16;
	v8 =	vld [tilespmem:s28+$0xFFFFFE70]  }
0x727: {  	[tilespmem:s28+$0xFFFFFE10] =	vst v9;
	v9 =	vmul.f32 v11, v16;
	v10 =	vld [tilespmem:s28+$0xFFFFFE80]  }
0x728: {  	[tilespmem:s28+$0xFFFFFE20] =	vst v7;
	v7 =	vmul.f32 v12, v16;
	v11 =	vld [tilespmem:s28+$0xFFFFFE90]  }
0x729: {  	[tilespmem:s28+$0xFFFFFE30] =	vst v9;
	v9 =	vmul.f32 v13, v16;
	v12 =	vld [tilespmem:s28+$0xFFFFFEA0]  }
0x72a: {  	[tilespmem:s28+$0xFFFFFE40] =	vst v7;
	v7 =	vmul.f32 v14, v16;
	v13 =	vld [tilespmem:s28+$0xFFFFFEB0]  }
0x72b: {  	[tilespmem:s28+$0xFFFFFE50] =	vst v9;
	v8 =	vmul.f32 v8, v16;
	v9 =	vld [tilespmem:s28+$0xFFFFFEC0]  }
0x72c: {  	[tilespmem:s28+$0xFFFFFE60] =	vst v7;
	v7 =	vmul.f32 v10, v6;
	v10 =	vld [tilespmem:s28+$0xFFFFFED0]  }
0x72d: {  	[tilespmem:s28+$0xFFFFFE70] =	vst v8;
	v8 =	vmul.f32 v11, v6;
	v11 =	vld [tilespmem:s28+$0xFFFFFEE0]  }
0x72e: {  	[tilespmem:s28+$0xFFFFFE80] =	vst v7;
	v7 =	vmul.f32 v12, v6;
	v12 =	vld [tilespmem:s28+$0xFFFFFEF0]  }
0x72f: {  	[tilespmem:s28+$0xFFFFFE90] =	vst v8;
	v8 =	vmul.f32 v13, v6;
	v13 =	vld [tilespmem:s28+$0xFFFFFF00]  }
0x730: {  	[tilespmem:s28+$0xFFFFFEA0] =	vst v7;
	v7 =	vmul.f32 v9, v6;
	v9 =	vld [tilespmem:s28+$0xFFFFFF10]  }
0x731: {  	[tilespmem:s28+$0xFFFFFEB0] =	vst v8;
	v8 =	vmul.f32 v10, v6;
	v10 =	vld [tilespmem:s28+$0xFFFFFF20]  }
0x732: {  	[tilespmem:s28+$0xFFFFFEC0] =	vst v7;
	v7 =	vmul.f32 v11, v6;
	v11 =	vld [tilespmem:s28+$0xFFFFFF30]  }
0x733: {  	[tilespmem:s28+$0xFFFFFED0] =	vst v8;
	v6 =	vmul.f32 v12, v6;
	v8 =	vld [tilespmem:s28+$0xFFFFFF40]  }
0x734: {  	[tilespmem:s28+$0xFFFFFEE0] =	vst v7;
	v7 =	vmul.f32 v13, v5;
	v12 =	vld [tilespmem:s28+$0xFFFFFF50]  }
0x735: {  	[tilespmem:s28+$0xFFFFFEF0] =	vst v6;
	v6 =	vmul.f32 v9, v5;
	v9 =	vld [tilespmem:s28+$0xFFFFFF60]  }
0x736: {  	[tilespmem:s28+$0xFFFFFF00] =	vst v7;
	v7 =	vmul.f32 v10, v5;
	v10 =	vld [tilespmem:s28+$0xFFFFFF70]  }
0x737: {  	[tilespmem:s28+$0xFFFFFF10] =	vst v6;
	v6 =	vmul.f32 v11, v5;
	v11 =	vld [tilespmem:s28+$0xFFFFFF80]  }
0x738: {  	[tilespmem:s28+$0xFFFFFF20] =	vst v7;
	v7 =	vmul.f32 v8, v5;
	v8 =	vld [tilespmem:s28+$0xFFFFFF90]  }
0x739: {  	[tilespmem:s28+$0xFFFFFF30] =	vst v6;
	v6 =	vmul.f32 v12, v5;
	v12 =	vld [tilespmem:s28+$0xFFFFFFA0]  }
0x73a: {  	[tilespmem:s28+$0xFFFFFF40] =	vst v7;
	v7 =	vmul.f32 v9, v5;
	v9 =	vld [tilespmem:s28+$0xFFFFFFB0]  }
0x73b: {  	[tilespmem:s28+$0xFFFFFF50] =	vst v6;
	v5 =	vmul.f32 v10, v5;
	v6 =	vld [tilespmem:s28+$0xFFFFFFC0]  }
0x73c: {  	[tilespmem:s28+$0xFFFFFF60] =	vst v7;
	v7 =	vmul.f32 v11, v4;
	v10 =	vld [tilespmem:s28+$0xFFFFFFD0]  }
0x73d: {  	[tilespmem:s28+$0xFFFFFF70] =	vst v5;
	v5 =	vmul.f32 v8, v4;
	v8 =	vld [tilespmem:s28+$0xFFFFFFE0]  }
0x73e: {  	[tilespmem:s28+$0xFFFFFF80] =	vst v7;
	v7 =	vmul.f32 v12, v4;
	v11 =	vld [tilespmem:s28+$0xFFFFFFF0]  }
0x73f: {  	[tilespmem:s28+$0xFFFFFF90] =	vst v5;
	v5 =	vmul.f32 v9, v4;
	v9 =	vld [tilespmem:s28+$0x0]  }
0x740: {  	[tilespmem:s28+$0xFFFFFFA0] =	vst v7;
	v6 =	vmul.f32 v6, v4;
	v7 =	vld [tilespmem:s28+$0x10]  }
0x741: {  	[tilespmem:s28+$0xFFFFFFB0] =	vst v5;
	v5 =	vmul.f32 v10, v4;
	v10 =	vld [tilespmem:s28+$0x20]  }
0x742: {  	[tilespmem:s28+$0xFFFFFFC0] =	vst v6;
	v6 =	vmul.f32 v8, v4;
	v8 =	vld [tilespmem:s28+$0x30]  }
0x743: {  	[tilespmem:s28+$0xFFFFFFD0] =	vst v5;
	v4 =	vmul.f32 v11, v4;
	v5 =	vld [tilespmem:s28+$0x40]  }
0x744: {  	[tilespmem:s28+$0xFFFFFFE0] =	vst v6;
	v6 =	vmul.f32 v9, v3;
	v9 =	vld [tilespmem:s28+$0x50]  }
0x745: {  	[tilespmem:s28+$0xFFFFFFF0] =	vst v4;
	v4 =	vmul.f32 v7, v3;
	v7 =	vld [tilespmem:s28+$0x60]  }
0x746: {  	[tilespmem:s28+$0x0] =	vst v6;
	v6 =	vmul.f32 v10, v3;
	v10 =	vld [tilespmem:s28+$0x70]  }
0x747: {  	[tilespmem:s28+$0x10] =	vst v4;
	v4 =	vmul.f32 v8, v3;
	v8 =	vld [tilespmem:s28+$0x80]  }
0x748: {  	[tilespmem:s28+$0x20] =	vst v6;
	v5 =	vmul.f32 v5, v3;
	v6 =	vld [tilespmem:s28+$0x90]  }
0x749: {  	[tilespmem:s28+$0x30] =	vst v4;
	v4 =	vmul.f32 v9, v3;
	v9 =	vld [tilespmem:s28+$0xA0]  }
0x74a: {  	[tilespmem:s28+$0x40] =	vst v5;
	v5 =	vmul.f32 v7, v3;
	v7 =	vld [tilespmem:s28+$0xB0]  }
0x74b: {  	[tilespmem:s28+$0x50] =	vst v4;
	v3 =	vmul.f32 v10, v3;
	v4 =	vld [tilespmem:s28+$0xC0]  }
0x74c: {  	[tilespmem:s28+$0x60] =	vst v5;
	v5 =	vmul.f32 v8, v2;
	v8 =	vld [tilespmem:s28+$0xD0]  }
0x74d: {  	[tilespmem:s28+$0x70] =	vst v3;
	v3 =	vmul.f32 v6, v2;
	v6 =	vld [tilespmem:s28+$0xE0]  }
0x74e: {  	[tilespmem:s28+$0x80] =	vst v5;
	v5 =	vmul.f32 v9, v2;
	v9 =	vld [tilespmem:s28+$0xF0]  }
0x74f: {  	v10 =	vmov s2;
	[tilespmem:s28+$0x90] =	vst v3;
	v3 =	vmul.f32 v7, v2;
	v7 =	vld [tilespmem:s28+$0x100]  }
0x750: {  	s0 =	sadd.s32 $0x1, s2;
	s7 =	sadd.s32 $0x7, s2;
	v10 =	vadd.s32 $0x2698, v10;
	[tilespmem:s28+$0xA0] =	vst v5;
	v4 =	vmul.f32 v4, v2;
	v5 =	vld [tilespmem:s28+$0x110]  }
0x751: {  	s9 =	sadd.s32 $0x3, s2;
	v12 =	vmov s7;
	v11 =	vmov s0;
	s0 =	sadd.s32 $0x2, s2;
	[tilespmem:s28+$0xB0] =	vst v3;
	v3 =	vmul.f32 v8, v2;
	v8 =	vld [tilespmem:s28+$0x120]  }
0x752: {  	v14 =	vmov s9;
	s7 =	sadd.s32 $0x5, s2;
	v13 =	vmov s0;
	s0 =	sadd.s32 $0x4, s2;
	[tilespmem:s28+$0xC0] =	vst v4;
	v4 =	vmul.f32 v6, v2;
	v6 =	vld [tilespmem:s28+$0x130]  }
0x753: {  	v16 =	vmov s7;
	v15 =	vmov s0;
	[tilespmem:s28+$0xD0] =	vst v3;
	v2 =	vmul.f32 v9, v2;
	v9 =	vld [tilespmem:s28+$0x140]  }
0x754: {  	v3 =	vand.u32 $0xFFFFFFF8, v10;
	v10 =	vadd.s32 $0x2698, v12;
	[tilespmem:s28+$0xE0] =	vst v4;
	v4 =	vmul.f32 v7, v1;
	v7 =	vld [tilespmem:s28+$0x150]  }
0x755: {  	v11 =	vadd.s32 $0x2698, v11;
	v12 =	vadd.s32 $0x2698, v13;
	[tilespmem:s28+$0xF0] =	vst v2;
	v5 =	vmul.f32 v5, v1;
	v17 =	vld [tilespmem:s28+$0x160]  }
0x756: {  	v13 =	vadd.s32 $0x2698, v14;
	v14 =	vadd.s32 $0x2698, v15;
	[tilespmem:s28+$0x100] =	vst v4;
	v4 =	vmul.f32 v8, v1;
	v15 =	vld [tilespmem:s28+$0x180]  }
.Ltmp12:
0x757: {  	v16 =	vadd.s32 $0x2698, v16;
	v2 =	vbroadcast v3, $0x0;
	[tilespmem:s28+$0x110] =	vst v5;
	v8 =	vmul.f32 v6, v1;
	v5 =	vld [tilespmem:s28+$0x190];
	(pc) =	sbr.rel @p3 .LBB2_22-.Ltmp12, $4  }
0x758: {  	v11 =	vand.u32 $0xFFFFFFF9, v11;
	v3 =	vbroadcast v10, $0x0;
	[tilespmem:s28+$0x120] =	vst v4;
	v9 =	vmul.f32 v9, v1;
	v6 =	vld [tilespmem:s28+$0x1A0]  }
0x759: {  	v10 =	vand.u32 $0xFFFFFFFA, v12;
	v12 =	vand.u32 $0xFFFFFFFB, v13;
	[tilespmem:s28+$0x130] =	vst v8;
	v18 =	vmul.f32 v7, v1;
	v7 =	vld [tilespmem:s28+$0x1B0]  }
0x75a: {  	v13 =	vand.u32 $0xFFFFFFFC, v14;
	v4 =	vbroadcast v11, $0x0;
	[tilespmem:s28+$0x140] =	vst v9;
	v11 =	vmul.f32 v17, v1;
	v8 =	vld [tilespmem:s28+$0x1C0]  }
0x75b: {  	s0 =	sadd.s32 $0x6, s2;
	s2 =	sadd.s32 $0x8, s2;
	v10 =	vbroadcast v10, $0x0;
	v1 =	vand.u32 $0xFFFFFFFD, v16;
	[tilespmem:s28+$0x150] =	vst v18;
	v14 =	vmul.f32 v15, v0;
	v9 =	vld [tilespmem:s28+$0x1D0]  }
0x75c: {  	_ =	sdelay $0x1  }
0x75d: {  	v15 =	vld [tilespmem:s28+$0x1E0]  }
0x75e: {  	v58 =	vld [tilespmem:s28+$0x1F0]  }
0x75f: {  	v16 =	vmov s0;
	v17 =	vld.idx.msk [tilespmem:v2+s24+$0x0], $0xffff  }
0x760: {  	v18 =	vld.idx.msk [tilespmem:v4+s24+$0x0], $0xffff;
	[tilespmem:s28+$0x180] =	vst v14;
	v14 =	vadd.s32 $0x2698, v16  }
0x761: {  	v2 =	vbroadcast v1, $0x0;
	v5 =	vmul.f32 v5, v0;
	s7 =	sadd.s32 $0x400, s28;
	v10 =	vld.idx.msk [tilespmem:v10+s24+$0x0], $0xffff;
	v1 =	vand.u32 $0xFFFFFFFE, v14  }
0x762: {  	v12 =	vbroadcast v12, $0x0;
	[tilespmem:s28+$0x160] =	vst v11;
	v11 =	vld [tilespmem:s7+$0xFFFFFE20];
	v14 =	vbroadcast v1, $0x0  }
0x763: {  	v6 =	vmul.f32 v6, v0;
	[tilespmem:s28+$0x190] =	vst v5;
	v5 =	vmul.f32 v7, v0;
	v7 =	vld [tilespmem:s7+$0x170]  }
0x764: {  	v13 =	vbroadcast v13, $0x0;
	v1 =	vld.idx.msk [tilespmem:v3+s24+$0x0], $0xffff  }
0x765: {  	[tilespmem:s28+$0x1A0] =	vst v6;
	v6 =	vmul.f32 v8, v0;
	v8 =	vld [tilespmem:s7+$0xFFFFFE00]  }
0x766: {  	[tilespmem:s28+$0x1B0] =	vst v5;
	v5 =	vmul.f32 v9, v0;
	v9 =	vld [tilespmem:s7+$0xFFFFFE10]  }
0x767: {  	v3 =	vld.idx.msk [tilespmem:v2+s24+$0x0], $0xffff  }
0x768: {  	v2 =	vld.idx.msk [tilespmem:v14+s24+$0x0], $0xffff  }
0x769: {  	[tilespmem:s28+$0x1C0] =	vst v6;
	v6 =	vmul.f32 v15, v0;
	v12 =	vld.idx.msk [tilespmem:v12+s24+$0x0], $0xffff  }
0x76a: {  	v0 =	vmul.f32 v58, v0;
	v4 =	vld.idx.msk [tilespmem:v13+s24+$0x0], $0xffff;
	[tilespmem:s28+$0x1D0] =	vst v5  }
0x76b: {  	v5 =	vld [tilespmem:s7+$0xFFFFFE30];
	[tilespmem:s28+$0x1E0] =	vst v6  }
0x76c: {  	v6 =	vld [tilespmem:s7+$0xFFFFFE40];
	[tilespmem:s28+$0x1F0] =	vst v0;
	v0 =	vmul.f32 v8, v17  }
0x76d: {  	v8 =	vld [tilespmem:s7+$0xFFFFFE50];
	v7 =	vmul.f32 v7, v2  }
0x76e: {  	v13 =	vld [tilespmem:s7+$0xFFFFFE60];
	v9 =	vmul.f32 v9, v17;
	[tilespmem:s7+$0xFFFFFE00] =	vst v0  }
0x76f: {  	v0 =	vmul.f32 v11, v17;
	[tilespmem:s7+$0x170] =	vst v7;
	v7 =	vld [tilespmem:s7+$0xFFFFFE70]  }
0x770: {  	[tilespmem:s7+$0xFFFFFE10] =	vst v9;
	v5 =	vmul.f32 v5, v17;
	v9 =	vld [tilespmem:s7+$0xFFFFFE80]  }
0x771: {  	[tilespmem:s7+$0xFFFFFE20] =	vst v0;
	v0 =	vmul.f32 v6, v17;
	v6 =	vld [tilespmem:s7+$0xFFFFFE90]  }
0x772: {  	[tilespmem:s7+$0xFFFFFE30] =	vst v5;
	v5 =	vmul.f32 v8, v17;
	v8 =	vld [tilespmem:s7+$0xFFFFFEA0]  }
0x773: {  	v11 =	vld [tilespmem:s7+$0xFFFFFEB0];
	[tilespmem:s7+$0xFFFFFE40] =	vst v0;
	v0 =	vmul.f32 v13, v17  }
0x774: {  	[tilespmem:s7+$0xFFFFFE50] =	vst v5;
	v5 =	vmul.f32 v7, v17;
	v7 =	vld [tilespmem:s7+$0xFFFFFEC0]  }
0x775: {  	[tilespmem:s7+$0xFFFFFE60] =	vst v0;
	v0 =	vmul.f32 v9, v18;
	v9 =	vld [tilespmem:s7+$0xFFFFFED0]  }
0x776: {  	[tilespmem:s7+$0xFFFFFE70] =	vst v5;
	v5 =	vmul.f32 v6, v18;
	v6 =	vld [tilespmem:s7+$0xFFFFFEE0]  }
0x777: {  	[tilespmem:s7+$0xFFFFFE80] =	vst v0;
	v0 =	vmul.f32 v8, v18;
	v8 =	vld [tilespmem:s7+$0xFFFFFEF0]  }
0x778: {  	[tilespmem:s7+$0xFFFFFE90] =	vst v5;
	v5 =	vmul.f32 v11, v18;
	v11 =	vld [tilespmem:s7+$0xFFFFFF00]  }
0x779: {  	[tilespmem:s7+$0xFFFFFEA0] =	vst v0;
	v0 =	vmul.f32 v7, v18;
	v7 =	vld [tilespmem:s7+$0xFFFFFF10]  }
0x77a: {  	[tilespmem:s7+$0xFFFFFEB0] =	vst v5;
	v5 =	vmul.f32 v9, v18;
	v9 =	vld [tilespmem:s7+$0xFFFFFF20]  }
0x77b: {  	[tilespmem:s7+$0xFFFFFEC0] =	vst v0;
	v0 =	vmul.f32 v6, v18;
	v6 =	vld [tilespmem:s7+$0xFFFFFF30]  }
0x77c: {  	[tilespmem:s7+$0xFFFFFED0] =	vst v5;
	v5 =	vmul.f32 v8, v18;
	v8 =	vld [tilespmem:s7+$0xFFFFFF40]  }
0x77d: {  	[tilespmem:s7+$0xFFFFFEE0] =	vst v0;
	v0 =	vmul.f32 v11, v10;
	v11 =	vld [tilespmem:s7+$0xFFFFFF50]  }
0x77e: {  	[tilespmem:s7+$0xFFFFFEF0] =	vst v5;
	v5 =	vmul.f32 v7, v10;
	v7 =	vld [tilespmem:s7+$0xFFFFFF60]  }
0x77f: {  	[tilespmem:s7+$0xFFFFFF00] =	vst v0;
	v0 =	vmul.f32 v9, v10;
	v9 =	vld [tilespmem:s7+$0xFFFFFF70]  }
0x780: {  	[tilespmem:s7+$0xFFFFFF10] =	vst v5;
	v5 =	vmul.f32 v6, v10;
	v6 =	vld [tilespmem:s7+$0xFFFFFF80]  }
0x781: {  	[tilespmem:s7+$0xFFFFFF20] =	vst v0;
	v0 =	vmul.f32 v8, v10;
	v8 =	vld [tilespmem:s7+$0xFFFFFF90]  }
0x782: {  	[tilespmem:s7+$0xFFFFFF30] =	vst v5;
	v5 =	vmul.f32 v11, v10;
	v11 =	vld [tilespmem:s7+$0xFFFFFFA0]  }
0x783: {  	[tilespmem:s7+$0xFFFFFF40] =	vst v0;
	v0 =	vmul.f32 v7, v10;
	v7 =	vld [tilespmem:s7+$0xFFFFFFB0]  }
0x784: {  	[tilespmem:s7+$0xFFFFFF50] =	vst v5;
	v5 =	vmul.f32 v9, v10;
	v9 =	vld [tilespmem:s7+$0xFFFFFFC0]  }
0x785: {  	[tilespmem:s7+$0xFFFFFF60] =	vst v0;
	v0 =	vmul.f32 v6, v12;
	v6 =	vld [tilespmem:s7+$0xFFFFFFD0]  }
0x786: {  	[tilespmem:s7+$0xFFFFFF70] =	vst v5;
	v5 =	vmul.f32 v8, v12;
	v8 =	vld [tilespmem:s7+$0xFFFFFFE0]  }
0x787: {  	v10 =	vld [tilespmem:s7+$0xFFFFFFF0];
	[tilespmem:s7+$0xFFFFFF80] =	vst v0;
	v0 =	vmul.f32 v11, v12  }
0x788: {  	[tilespmem:s7+$0xFFFFFF90] =	vst v5;
	v5 =	vmul.f32 v7, v12;
	v7 =	vld [tilespmem:s7+$0x0]  }
0x789: {  	[tilespmem:s7+$0xFFFFFFA0] =	vst v0;
	v0 =	vmul.f32 v9, v12;
	v9 =	vld [tilespmem:s7+$0x10]  }
0x78a: {  	[tilespmem:s7+$0xFFFFFFB0] =	vst v5;
	v5 =	vmul.f32 v6, v12;
	v6 =	vld [tilespmem:s7+$0x20]  }
0x78b: {  	[tilespmem:s7+$0xFFFFFFC0] =	vst v0;
	v0 =	vmul.f32 v8, v12;
	v8 =	vld [tilespmem:s7+$0x30]  }
0x78c: {  	[tilespmem:s7+$0xFFFFFFD0] =	vst v5;
	v5 =	vmul.f32 v10, v12;
	v10 =	vld [tilespmem:s7+$0x40]  }
0x78d: {  	[tilespmem:s7+$0xFFFFFFE0] =	vst v0;
	v0 =	vmul.f32 v7, v4;
	v7 =	vld [tilespmem:s7+$0x50]  }
0x78e: {  	[tilespmem:s7+$0xFFFFFFF0] =	vst v5;
	v5 =	vmul.f32 v9, v4;
	v9 =	vld [tilespmem:s7+$0x60]  }
0x78f: {  	[tilespmem:s7+$0x0] =	vst v0;
	v0 =	vmul.f32 v6, v4;
	v6 =	vld [tilespmem:s7+$0x70]  }
0x790: {  	[tilespmem:s7+$0x10] =	vst v5;
	v5 =	vmul.f32 v8, v4;
	v8 =	vld [tilespmem:s7+$0x80]  }
0x791: {  	[tilespmem:s7+$0x20] =	vst v0;
	v0 =	vmul.f32 v10, v4;
	v10 =	vld [tilespmem:s7+$0x90]  }
0x792: {  	[tilespmem:s7+$0x30] =	vst v5;
	v5 =	vmul.f32 v7, v4;
	v7 =	vld [tilespmem:s7+$0xA0]  }
0x793: {  	[tilespmem:s7+$0x40] =	vst v0;
	v0 =	vmul.f32 v9, v4;
	v9 =	vld [tilespmem:s7+$0xB0]  }
0x794: {  	[tilespmem:s7+$0x50] =	vst v5;
	v4 =	vmul.f32 v6, v4;
	v5 =	vld [tilespmem:s7+$0xC0]  }
0x795: {  	v6 =	vld [tilespmem:s7+$0xD0];
	[tilespmem:s7+$0x60] =	vst v0;
	v0 =	vmul.f32 v8, v3  }
0x796: {  	v8 =	vld [tilespmem:s7+$0xE0];
	[tilespmem:s7+$0x70] =	vst v4;
	v4 =	vmul.f32 v10, v3  }
0x797: {  	[tilespmem:s7+$0x80] =	vst v0;
	v0 =	vmul.f32 v7, v3;
	v7 =	vld [tilespmem:s7+$0xF0]  }
0x798: {  	[tilespmem:s7+$0x90] =	vst v4;
	v4 =	vmul.f32 v9, v3;
	v9 =	vld [tilespmem:s7+$0x100]  }
0x799: {  	[tilespmem:s7+$0xA0] =	vst v0;
	v0 =	vmul.f32 v5, v3;
	v5 =	vld [tilespmem:s7+$0x110]  }
0x79a: {  	[tilespmem:s7+$0xB0] =	vst v4;
	v4 =	vmul.f32 v6, v3;
	v6 =	vld [tilespmem:s7+$0x120]  }
0x79b: {  	[tilespmem:s7+$0xC0] =	vst v0;
	v0 =	vmul.f32 v8, v3;
	v8 =	vld [tilespmem:s7+$0x130]  }
0x79c: {  	[tilespmem:s7+$0xD0] =	vst v4;
	v3 =	vmul.f32 v7, v3;
	v4 =	vld [tilespmem:s7+$0x140]  }
0x79d: {  	v7 =	vld [tilespmem:s7+$0x150];
	[tilespmem:s7+$0xE0] =	vst v0;
	v0 =	vmul.f32 v9, v2  }
0x79e: {  	[tilespmem:s7+$0xF0] =	vst v3;
	v3 =	vmul.f32 v5, v2;
	v5 =	vld [tilespmem:s7+$0x160]  }
0x79f: {  	[tilespmem:s7+$0x100] =	vst v0;
	v0 =	vmul.f32 v6, v2;
	v6 =	vld [tilespmem:s7+$0x180]  }
0x7a0: {  	[tilespmem:s7+$0x110] =	vst v3;
	v3 =	vmul.f32 v8, v2;
	v8 =	vld [tilespmem:s7+$0x190]  }
0x7a1: {  	[tilespmem:s7+$0x120] =	vst v0;
	v0 =	vmul.f32 v4, v2;
	v4 =	vld [tilespmem:s7+$0x1A0]  }
0x7a2: {  	[tilespmem:s7+$0x130] =	vst v3;
	v3 =	vmul.f32 v7, v2;
	v7 =	vld [tilespmem:s7+$0x1B0]  }
0x7a3: {  	[tilespmem:s7+$0x140] =	vst v0;
	v0 =	vmul.f32 v5, v2;
	v2 =	vld [tilespmem:s7+$0x1C0]  }
0x7a4: {  	v5 =	vld [tilespmem:s7+$0x1D0];
	[tilespmem:s7+$0x150] =	vst v3;
	v3 =	vmul.f32 v6, v1  }
0x7a5: {  	v6 =	vld [tilespmem:s7+$0x1E0];
	[tilespmem:s7+$0x160] =	vst v0;
	v0 =	vmul.f32 v8, v1  }
0x7a6: {  	[tilespmem:s7+$0x180] =	vst v3;
	v3 =	vmul.f32 v4, v1;
	v4 =	vld [tilespmem:s7+$0x1F0]  }
0x7a7: {  	[tilespmem:s7+$0x190] =	vst v0;
	v0 =	vmul.f32 v7, v1  }
0x7a8: {  	[tilespmem:s7+$0x1A0] =	vst v3;
	v2 =	vmul.f32 v2, v1  }
0x7a9: {  	[tilespmem:s7+$0x1B0] =	vst v0;
	v0 =	vmul.f32 v5, v1  }
0x7aa: {  	[tilespmem:s7+$0x1C0] =	vst v2;
	v2 =	vmul.f32 v6, v1  }
0x7ab: {  	s2 =	simm.s32 $0x0;
	[tilespmem:s7+$0x1D0] =	vst v0;
	v0 =	vmul.f32 v4, v1  }
0x7ac: {  	v1 =	vmov s2;
	[tilespmem:s7+$0x1E0] =	vst v2  }
0x7ad: {  	[tilespmem:s7+$0x1F0] =	vst v0;
	v0 =	vadd.s32 $0x26C0, v1  }
0x7ae: {  	_ =	swait.ge [sflag:s17], $0x28;
	v0 =	vand.u32 $0xFFFFFFF8, v0  }
0x7af: {  	[sflag:s17] =	ssyncset.done $0x0;
	v0 =	vbroadcast v0, $0x0  }
0x7b0: {  	s30 =	simm.s32 $0x5000;
	s31 =	simm.s32 $0x7980;
	[sflag:s17] =	ssyncadd.s32 $0xFFFFFFD8  }
0x7b1: {  	[spmem:s4] =	stream.indirect.scatter.add.f32 [tilespmem:s31], [sflag:$0xD], $0x80, s30, s26, $0xb8;
	[tilespmem:$0x1EE00] =	vst v63  }
0x7b2: {  	_ =	swait.ge [sflag:s18], $0x1400  }
0x7b3: {  	[sflag:s18] =	ssyncset.done $0x0  }
0x7b4: {  	[sflag:s18] =	ssyncadd.s32 $0xFFFFEC00  }
0x7b5: {  	s9 =	simm.s32 $0x6;
	s28 =	simm.s32 $0x8F80;
	v0 =	vld.idx.msk [tilespmem:v0+s24+$0x0], $0xffff  }
0x7b6: {  	v1 =	vmov s9;
	s7 =	simm.s32 $0x1;
	v3 =	vld [tilespmem:s28+$0x170]  }
0x7b7: {  	v1 =	vadd.s32 $0x26C0, v1;
	v2 =	vmov s7;
	v4 =	vld [tilespmem:s28+$0xFFFFFE00]  }
0x7b8: {  	v1 =	vand.u32 $0xFFFFFFFE, v1;
	v2 =	vadd.s32 $0x26C0, v2;
	v5 =	vld [tilespmem:s28+$0xFFFFFE10]  }
0x7b9: {  	v1 =	vbroadcast v1, $0x0;
	v2 =	vand.u32 $0xFFFFFFF9, v2;
	v6 =	vld [tilespmem:s28+$0xFFFFFE20]  }
0x7ba: {  	v2 =	vbroadcast v2, $0x0;
	v7 =	vld [tilespmem:s28+$0xFFFFFE30]  }
0x7bb: {  	v8 =	vld [tilespmem:s28+$0xFFFFFE40]  }
0x7bc: {  	v9 =	vld [tilespmem:s28+$0xFFFFFE50]  }
0x7bd: {  	v10 =	vld [tilespmem:s28+$0xFFFFFE60]  }
0x7be: {  	v12 =	vld [tilespmem:s28+$0xFFFFFE80]  }
0x7bf: {  	v1 =	vld.idx.msk [tilespmem:v1+s24+$0x0], $0xffff  }
0x7c0: {  	v2 =	vld.idx.msk [tilespmem:v2+s24+$0x0], $0xffff;
	v4 =	vmul.f32 v4, v0  }
0x7c1: {  	v13 =	vld [tilespmem:s28+$0xFFFFFE90];
	v5 =	vmul.f32 v5, v0  }
0x7c2: {  	s9 =	simm.s32 $0x2;
	v14 =	vld [tilespmem:s28+$0xFFFFFEA0];
	v7 =	vmul.f32 v7, v0;
	[tilespmem:s28+$0xFFFFFE00] =	vst v4  }
0x7c3: {  	v11 =	vmov s9;
	v15 =	vld [tilespmem:s28+$0xFFFFFEB0];
	v8 =	vmul.f32 v8, v0;
	[tilespmem:s28+$0xFFFFFE10] =	vst v5  }
0x7c4: {  	v3 =	vmul.f32 v3, v1;
	v4 =	vadd.s32 $0x26C0, v11;
	v11 =	vld [tilespmem:s28+$0xFFFFFE70];
	[tilespmem:s28+$0xFFFFFE30] =	vst v7  }
0x7c5: {  	v5 =	vmul.f32 v12, v2;
	v12 =	vld [tilespmem:s28+$0xFFFFFED0];
	[tilespmem:s28+$0xFFFFFE40] =	vst v8  }
0x7c6: {  	v7 =	vmul.f32 v9, v0;
	v9 =	vld [tilespmem:s28+$0xFFFFFEF0];
	v4 =	vand.u32 $0xFFFFFFFA, v4;
	[tilespmem:s28+$0x170] =	vst v3  }
0x7c7: {  	v8 =	vmul.f32 v10, v0;
	v10 =	vld [tilespmem:s28+$0xFFFFFF00];
	v4 =	vbroadcast v4, $0x0;
	[tilespmem:s28+$0xFFFFFE80] =	vst v5  }
0x7c8: {  	v3 =	vmul.f32 v6, v0;
	v6 =	vld [tilespmem:s28+$0xFFFFFEC0];
	[tilespmem:s28+$0xFFFFFE50] =	vst v7  }
0x7c9: {  	s30 =	simm.s32 $0x3;
	v7 =	vld [tilespmem:s28+$0xFFFFFF10];
	[tilespmem:s28+$0xFFFFFE60] =	vst v8;
	v8 =	vmul.f32 v13, v2  }
0x7ca: {  	v59 =	vmov s30;
	v13 =	vld [tilespmem:s28+$0xFFFFFF30];
	[tilespmem:s28+$0xFFFFFE20] =	vst v3  }
0x7cb: {  	v5 =	vadd.s32 $0x26C0, v59;
	v3 =	vld [tilespmem:s28+$0xFFFFFEE0];
	[tilespmem:s28+$0xFFFFFE90] =	vst v8;
	v8 =	vmul.f32 v15, v2  }
0x7cc: {  	v5 =	vand.u32 $0xFFFFFFFB, v5;
	v0 =	vmul.f32 v11, v0;
	v11 =	vld [tilespmem:s28+$0xFFFFFF20]  }
0x7cd: {  	v5 =	vbroadcast v5, $0x0;
	v12 =	vmul.f32 v12, v2;
	[tilespmem:s28+$0xFFFFFEB0] =	vst v8;
	v4 =	vld.idx.msk [tilespmem:v4+s24+$0x0], $0xffff  }
0x7ce: {  	v6 =	vmul.f32 v6, v2;
	v8 =	vld [tilespmem:s28+$0xFFFFFF60];
	[tilespmem:s28+$0xFFFFFE70] =	vst v0  }
0x7cf: {  	v0 =	vmul.f32 v14, v2;
	v14 =	vld [tilespmem:s28+$0xFFFFFF40];
	[tilespmem:s28+$0xFFFFFED0] =	vst v12  }
0x7d0: {  	v12 =	vld [tilespmem:s28+$0xFFFFFFB0];
	[tilespmem:s28+$0xFFFFFEC0] =	vst v6;
	v3 =	vmul.f32 v3, v2  }
0x7d1: {  	v6 =	vld [tilespmem:s28+$0xFFFFFF70];
	v2 =	vmul.f32 v9, v2;
	[tilespmem:s28+$0xFFFFFEA0] =	vst v0  }
0x7d2: {  	v9 =	vld [tilespmem:s28+$0xFFFFFF80];
	[tilespmem:s28+$0xFFFFFEE0] =	vst v3;
	v0 =	vmul.f32 v10, v4  }
0x7d3: {  	s31 =	simm.s32 $0x4;
	v5 =	vld.idx.msk [tilespmem:v5+s24+$0x0], $0xffff;
	[tilespmem:s28+$0xFFFFFEF0] =	vst v2;
	v3 =	vmul.f32 v7, v4  }
0x7d4: {  	v15 =	vmov s31;
	v10 =	vld [tilespmem:s28+$0xFFFFFF50];
	v2 =	vmul.f32 v11, v4;
	[tilespmem:s28+$0xFFFFFF00] =	vst v0  }
0x7d5: {  	v7 =	vld [tilespmem:s28+$0xFFFFFF90];
	v8 =	vmul.f32 v8, v4;
	v0 =	vadd.s32 $0x26C0, v15;
	[tilespmem:s28+$0xFFFFFF10] =	vst v3  }
0x7d6: {  	v11 =	vld [tilespmem:s28+$0xFFFFFFA0];
	v3 =	vmul.f32 v13, v4;
	[tilespmem:s28+$0xFFFFFF20] =	vst v2;
	v0 =	vand.u32 $0xFFFFFFFC, v0  }
0x7d7: {  	v2 =	vmul.f32 v14, v4;
	v13 =	vld [tilespmem:s28+$0xFFFFFFC0];
	[tilespmem:s28+$0xFFFFFF60] =	vst v8;
	v0 =	vbroadcast v0, $0x0  }
0x7d8: {  	v8 =	vld [tilespmem:s28+$0x0];
	[tilespmem:s28+$0xFFFFFF30] =	vst v3;
	v3 =	vmul.f32 v9, v5  }
0x7d9: {  	v9 =	vld [tilespmem:s28+$0xFFFFFFD0];
	[tilespmem:s28+$0xFFFFFF40] =	vst v2;
	v10 =	vmul.f32 v10, v4  }
0x7da: {  	s2 =	simm.s32 $0x5;
	v2 =	vld [tilespmem:s28+$0xFFFFFFE0];
	v4 =	vmul.f32 v6, v4;
	[tilespmem:s28+$0xFFFFFF80] =	vst v3  }
0x7db: {  	v14 =	vmov s2;
	v6 =	vld [tilespmem:s28+$0xFFFFFFF0];
	v7 =	vmul.f32 v7, v5;
	[tilespmem:s28+$0xFFFFFF50] =	vst v10  }
0x7dc: {  	v3 =	vadd.s32 $0x26C0, v14;
	[tilespmem:s28+$0xFFFFFF70] =	vst v4;
	v4 =	vmul.f32 v11, v5;
	v10 =	vld [tilespmem:s28+$0x10]  }
0x7dd: {  	v3 =	vand.u32 $0xFFFFFFFD, v3;
	[tilespmem:s28+$0xFFFFFF90] =	vst v7;
	v7 =	vmul.f32 v12, v5;
	v0 =	vld.idx.msk [tilespmem:v0+s24+$0x0], $0xffff  }
0x7de: {  	v11 =	vld [tilespmem:s28+$0x20];
	v3 =	vbroadcast v3, $0x0;
	[tilespmem:s28+$0xFFFFFFA0] =	vst v4;
	v4 =	vmul.f32 v13, v5  }
0x7df: {  	v12 =	vld [tilespmem:s28+$0x30];
	[tilespmem:s28+$0xFFFFFFB0] =	vst v7;
	v7 =	vmul.f32 v9, v5  }
0x7e0: {  	v2 =	vmul.f32 v2, v5;
	v5 =	vmul.f32 v6, v5;
	v6 =	vld [tilespmem:s28+$0x70];
	[tilespmem:s28+$0xFFFFFFC0] =	vst v4  }
0x7e1: {  	v9 =	vld [tilespmem:s28+$0x40];
	[tilespmem:s28+$0xFFFFFFD0] =	vst v7  }
0x7e2: {  	v7 =	vld [tilespmem:s28+$0x60];
	[tilespmem:s28+$0xFFFFFFE0] =	vst v2;
	v4 =	vmul.f32 v8, v0  }
0x7e3: {  	[tilespmem:s28+$0xFFFFFFF0] =	vst v5;
	v8 =	vld [tilespmem:s28+$0x50];
	v2 =	vmul.f32 v10, v0  }
0x7e4: {  	s7 =	simm.s32 $0x7;
	v3 =	vld.idx.msk [tilespmem:v3+s24+$0x0], $0xffff;
	v5 =	vmul.f32 v11, v0;
	[tilespmem:s28+$0x0] =	vst v4  }
0x7e5: {  	v10 =	vld [tilespmem:s28+$0x80];
	v6 =	vmul.f32 v6, v0;
	v4 =	vmov s7;
	[tilespmem:s28+$0x10] =	vst v2  }
0x7e6: {  	v11 =	vld [tilespmem:s28+$0x90];
	v2 =	vmul.f32 v12, v0;
	[tilespmem:s28+$0x20] =	vst v5;
	v4 =	vadd.s32 $0x26C0, v4  }
0x7e7: {  	v5 =	vmul.f32 v9, v0;
	v9 =	vld [tilespmem:s28+$0xA0];
	[tilespmem:s28+$0x70] =	vst v6;
	v4 =	vbroadcast v4, $0x0  }
0x7e8: {  	v6 =	vld [tilespmem:s28+$0xF0];
	[tilespmem:s28+$0x30] =	vst v2;
	v2 =	vmul.f32 v8, v0  }
0x7e9: {  	[tilespmem:s28+$0x40] =	vst v5;
	v5 =	vmul.f32 v7, v0;
	v7 =	vld [tilespmem:s28+$0xC0]  }
0x7ea: {  	v8 =	vld [tilespmem:s28+$0xB0];
	[tilespmem:s28+$0x50] =	vst v2;
	v2 =	vmul.f32 v10, v3  }
0x7eb: {  	[tilespmem:s28+$0x60] =	vst v5;
	v5 =	vld [tilespmem:s28+$0xE0]  }
0x7ec: {  	v10 =	vld [tilespmem:s28+$0xD0];
	[tilespmem:s28+$0x80] =	vst v2;
	v2 =	vmul.f32 v9, v3  }
0x7ed: {  	v0 =	vld.idx.msk [tilespmem:v4+s24+$0x0], $0xffff;
	v4 =	vmul.f32 v11, v3  }
0x7ee: {  	[tilespmem:s28+$0xA0] =	vst v2;
	v2 =	vmul.f32 v7, v3;
	v7 =	vld [tilespmem:s28+$0x110]  }
0x7ef: {  	s31 =	simm.s32 $0xF;
	[tilespmem:s28+$0x90] =	vst v4;
	v4 =	vmul.f32 v8, v3;
	v8 =	vld [tilespmem:s28+$0x100]  }
0x7f0: {  	s7 =	simm.s32 $0xB;
	v12 =	vmov s31;
	s31 =	simm.s32 $0xD;
	[tilespmem:s28+$0xC0] =	vst v2;
	v2 =	vmul.f32 v5, v3  }
0x7f1: {  	s9 =	simm.s32 $0x8;
	s30 =	simm.s32 $0x9;
	v14 =	vmov s7;
	v60 =	vmov s31;
	v5 =	vld [tilespmem:s28+$0x130];
	[tilespmem:s28+$0xB0] =	vst v4;
	v4 =	vmul.f32 v10, v3  }
0x7f2: {  	v9 =	vmov s9;
	s9 =	simm.s32 $0xA;
	v11 =	vmov s30;
	s30 =	simm.s32 $0xC;
	v10 =	vld [tilespmem:s28+$0x120];
	v3 =	vmul.f32 v6, v3;
	[tilespmem:s28+$0xE0] =	vst v2  }
0x7f3: {  	v9 =	vadd.s32 $0x26C0, v9;
	v13 =	vmov s9;
	v15 =	vmov s30;
	[tilespmem:s28+$0xD0] =	vst v4;
	v4 =	vld [tilespmem:s28+$0x140]  }
0x7f4: {  	v11 =	vadd.s32 $0x26C0, v11;
	[tilespmem:s28+$0xF0] =	vst v3;
	v3 =	vmul.f32 v7, v1;
	v2 =	vmul.f32 v8, v1;
	v8 =	vld [tilespmem:s28+$0x150]  }
0x7f5: {  	v61 =	vld [tilespmem:s28+$0x160];
	v11 =	vand.u32 $0xFFFFFFF9, v11;
	v6 =	vand.u32 $0xFFFFFFF8, v9;
	v9 =	vadd.s32 $0x26C0, v12  }
0x7f6: {  	v12 =	vadd.s32 $0x26C0, v13;
	v7 =	vadd.s32 $0x26C0, v14;
	v14 =	vld [tilespmem:s28+$0x180];
	[tilespmem:s28+$0x110] =	vst v3;
	v62 =	vmul.f32 v5, v1  }
0x7f7: {  	v13 =	vadd.s32 $0x26C0, v15;
	v5 =	vld [tilespmem:s28+$0x190];
	v3 =	vbroadcast v9, $0x0;
	[tilespmem:s28+$0x100] =	vst v2;
	v10 =	vmul.f32 v10, v1  }
0x7f8: {  	v15 =	vadd.s32 $0x26C0, v60;
	v2 =	vbroadcast v6, $0x0;
	v6 =	vld [tilespmem:s28+$0x1A0];
	[tilespmem:s28+$0x130] =	vst v62;
	v9 =	vmul.f32 v4, v1  }
0x7f9: {  	[tilespmem:s28+$0x120] =	vst v10;
	v10 =	vand.u32 $0xFFFFFFFA, v12;
	v12 =	vand.u32 $0xFFFFFFFB, v7;
	v7 =	vld [tilespmem:s28+$0x1B0];
	v63 =	vmul.f32 v8, v1  }
0x7fa: {  	v13 =	vand.u32 $0xFFFFFFFC, v13;
	v4 =	vbroadcast v11, $0x0;
	v11 =	vmul.f32 v61, v1;
	v8 =	vld [tilespmem:s28+$0x1C0];
	[tilespmem:s28+$0x140] =	vst v9  }
0x7fb: {  	s0 =	simm.s32 $0xE;
	s2 =	simm.s32 $0x10;
	v14 =	vmul.f32 v14, v0;
	v10 =	vbroadcast v10, $0x0;
	v1 =	vand.u32 $0xFFFFFFFD, v15;
	v9 =	vld [tilespmem:s28+$0x1D0];
	[tilespmem:s28+$0x150] =	vst v63  }
.LBB2_24:
0x7fc: {  	p3 =	slt.u32 s2, $0x20;
	v12 =	vbroadcast v12, $0x0;
	v15 =	vmov s0;
	[tilespmem:s28+$0x160] =	vst v11;
	v5 =	vmul.f32 v5, v0;
	v11 =	vld [tilespmem:s28+$0x1E0]  }
0x7fd: {  	v13 =	vbroadcast v13, $0x0;
	v15 =	vadd.s32 $0x26C0, v15;
	[tilespmem:s28+$0x180] =	vst v14;
	v6 =	vmul.f32 v6, v0;
	v14 =	vld [tilespmem:s28+$0x1F0]  }
0x7fe: {  	v1 =	vbroadcast v1, $0x0;
	v16 =	vld.idx.msk [tilespmem:v2+s24+$0x0], $0xffff;
	v2 =	vand.u32 $0xFFFFFFFE, v15;
	[tilespmem:s28+$0x190] =	vst v5;
	v5 =	vmul.f32 v7, v0  }
0x7ff: {  	v7 =	vbroadcast v2, $0x0;
	v15 =	vld.idx.msk [tilespmem:v3+s24+$0x0], $0xffff;
	[tilespmem:s28+$0x1A0] =	vst v6;
	v2 =	vmul.f32 v8, v0  }
0x800: {  	v6 =	vld.idx.msk [tilespmem:v4+s24+$0x0], $0xffff;
	[tilespmem:s28+$0x1B0] =	vst v5;
	v3 =	vmul.f32 v9, v0  }
0x801: {  	v5 =	vld.idx.msk [tilespmem:v10+s24+$0x0], $0xffff;
	[tilespmem:s28+$0x1C0] =	vst v2;
	v2 =	vmul.f32 v11, v0  }
0x802: {  	v4 =	vld.idx.msk [tilespmem:v12+s24+$0x0], $0xffff;
	[tilespmem:s28+$0x1D0] =	vst v3;
	v8 =	vmul.f32 v14, v0  }
0x803: {  	v3 =	vld.idx.msk [tilespmem:v13+s24+$0x0], $0xffff;
	[tilespmem:s28+$0x1E0] =	vst v2  }
0x804: {  	v2 =	vld.idx.msk [tilespmem:v1+s24+$0x0], $0xffff;
	[tilespmem:s28+$0x1F0] =	vst v8  }
0x805: {  	s28 =	sadd.s32 $0x400, s28;
	v0 =	vmov v15;
	v1 =	vld.idx.msk [tilespmem:v7+s24+$0x0], $0xffff  }
0x806: {  	v7 =	vld [tilespmem:s28+$0x170]  }
0x807: {  	v8 =	vld [tilespmem:s28+$0xFFFFFE00]  }
0x808: {  	v9 =	vld [tilespmem:s28+$0xFFFFFE10]  }
0x809: {  	v10 =	vld [tilespmem:s28+$0xFFFFFE20]  }
0x80a: {  	v11 =	vld [tilespmem:s28+$0xFFFFFE30]  }
0x80b: {  	v12 =	vld [tilespmem:s28+$0xFFFFFE40];
	v7 =	vmul.f32 v7, v1  }
0x80c: {  	v8 =	vmul.f32 v8, v16;
	v13 =	vld [tilespmem:s28+$0xFFFFFE50]  }
0x80d: {  	v9 =	vmul.f32 v9, v16;
	v14 =	vld [tilespmem:s28+$0xFFFFFE60];
	[tilespmem:s28+$0x170] =	vst v7  }
0x80e: {  	[tilespmem:s28+$0xFFFFFE00] =	vst v8;
	v7 =	vmul.f32 v10, v16;
	v8 =	vld [tilespmem:s28+$0xFFFFFE70]  }
0x80f: {  	[tilespmem:s28+$0xFFFFFE10] =	vst v9;
	v9 =	vmul.f32 v11, v16;
	v10 =	vld [tilespmem:s28+$0xFFFFFE80]  }
0x810: {  	[tilespmem:s28+$0xFFFFFE20] =	vst v7;
	v7 =	vmul.f32 v12, v16;
	v11 =	vld [tilespmem:s28+$0xFFFFFE90]  }
0x811: {  	[tilespmem:s28+$0xFFFFFE30] =	vst v9;
	v9 =	vmul.f32 v13, v16;
	v12 =	vld [tilespmem:s28+$0xFFFFFEA0]  }
0x812: {  	[tilespmem:s28+$0xFFFFFE40] =	vst v7;
	v7 =	vmul.f32 v14, v16;
	v13 =	vld [tilespmem:s28+$0xFFFFFEB0]  }
0x813: {  	[tilespmem:s28+$0xFFFFFE50] =	vst v9;
	v8 =	vmul.f32 v8, v16;
	v9 =	vld [tilespmem:s28+$0xFFFFFEC0]  }
0x814: {  	[tilespmem:s28+$0xFFFFFE60] =	vst v7;
	v7 =	vmul.f32 v10, v6;
	v10 =	vld [tilespmem:s28+$0xFFFFFED0]  }
0x815: {  	[tilespmem:s28+$0xFFFFFE70] =	vst v8;
	v8 =	vmul.f32 v11, v6;
	v11 =	vld [tilespmem:s28+$0xFFFFFEE0]  }
0x816: {  	[tilespmem:s28+$0xFFFFFE80] =	vst v7;
	v7 =	vmul.f32 v12, v6;
	v12 =	vld [tilespmem:s28+$0xFFFFFEF0]  }
0x817: {  	[tilespmem:s28+$0xFFFFFE90] =	vst v8;
	v8 =	vmul.f32 v13, v6;
	v13 =	vld [tilespmem:s28+$0xFFFFFF00]  }
0x818: {  	[tilespmem:s28+$0xFFFFFEA0] =	vst v7;
	v7 =	vmul.f32 v9, v6;
	v9 =	vld [tilespmem:s28+$0xFFFFFF10]  }
0x819: {  	[tilespmem:s28+$0xFFFFFEB0] =	vst v8;
	v8 =	vmul.f32 v10, v6;
	v10 =	vld [tilespmem:s28+$0xFFFFFF20]  }
0x81a: {  	[tilespmem:s28+$0xFFFFFEC0] =	vst v7;
	v7 =	vmul.f32 v11, v6;
	v11 =	vld [tilespmem:s28+$0xFFFFFF30]  }
0x81b: {  	[tilespmem:s28+$0xFFFFFED0] =	vst v8;
	v6 =	vmul.f32 v12, v6;
	v8 =	vld [tilespmem:s28+$0xFFFFFF40]  }
0x81c: {  	[tilespmem:s28+$0xFFFFFEE0] =	vst v7;
	v7 =	vmul.f32 v13, v5;
	v12 =	vld [tilespmem:s28+$0xFFFFFF50]  }
0x81d: {  	[tilespmem:s28+$0xFFFFFEF0] =	vst v6;
	v6 =	vmul.f32 v9, v5;
	v9 =	vld [tilespmem:s28+$0xFFFFFF60]  }
0x81e: {  	[tilespmem:s28+$0xFFFFFF00] =	vst v7;
	v7 =	vmul.f32 v10, v5;
	v10 =	vld [tilespmem:s28+$0xFFFFFF70]  }
0x81f: {  	[tilespmem:s28+$0xFFFFFF10] =	vst v6;
	v6 =	vmul.f32 v11, v5;
	v11 =	vld [tilespmem:s28+$0xFFFFFF80]  }
0x820: {  	[tilespmem:s28+$0xFFFFFF20] =	vst v7;
	v7 =	vmul.f32 v8, v5;
	v8 =	vld [tilespmem:s28+$0xFFFFFF90]  }
0x821: {  	[tilespmem:s28+$0xFFFFFF30] =	vst v6;
	v6 =	vmul.f32 v12, v5;
	v12 =	vld [tilespmem:s28+$0xFFFFFFA0]  }
0x822: {  	[tilespmem:s28+$0xFFFFFF40] =	vst v7;
	v7 =	vmul.f32 v9, v5;
	v9 =	vld [tilespmem:s28+$0xFFFFFFB0]  }
0x823: {  	[tilespmem:s28+$0xFFFFFF50] =	vst v6;
	v5 =	vmul.f32 v10, v5;
	v6 =	vld [tilespmem:s28+$0xFFFFFFC0]  }
0x824: {  	[tilespmem:s28+$0xFFFFFF60] =	vst v7;
	v7 =	vmul.f32 v11, v4;
	v10 =	vld [tilespmem:s28+$0xFFFFFFD0]  }
0x825: {  	[tilespmem:s28+$0xFFFFFF70] =	vst v5;
	v5 =	vmul.f32 v8, v4;
	v8 =	vld [tilespmem:s28+$0xFFFFFFE0]  }
0x826: {  	[tilespmem:s28+$0xFFFFFF80] =	vst v7;
	v7 =	vmul.f32 v12, v4;
	v11 =	vld [tilespmem:s28+$0xFFFFFFF0]  }
0x827: {  	[tilespmem:s28+$0xFFFFFF90] =	vst v5;
	v5 =	vmul.f32 v9, v4;
	v9 =	vld [tilespmem:s28+$0x0]  }
0x828: {  	[tilespmem:s28+$0xFFFFFFA0] =	vst v7;
	v6 =	vmul.f32 v6, v4;
	v7 =	vld [tilespmem:s28+$0x10]  }
0x829: {  	[tilespmem:s28+$0xFFFFFFB0] =	vst v5;
	v5 =	vmul.f32 v10, v4;
	v10 =	vld [tilespmem:s28+$0x20]  }
0x82a: {  	[tilespmem:s28+$0xFFFFFFC0] =	vst v6;
	v6 =	vmul.f32 v8, v4;
	v8 =	vld [tilespmem:s28+$0x30]  }
0x82b: {  	[tilespmem:s28+$0xFFFFFFD0] =	vst v5;
	v4 =	vmul.f32 v11, v4;
	v5 =	vld [tilespmem:s28+$0x40]  }
0x82c: {  	[tilespmem:s28+$0xFFFFFFE0] =	vst v6;
	v6 =	vmul.f32 v9, v3;
	v9 =	vld [tilespmem:s28+$0x50]  }
0x82d: {  	[tilespmem:s28+$0xFFFFFFF0] =	vst v4;
	v4 =	vmul.f32 v7, v3;
	v7 =	vld [tilespmem:s28+$0x60]  }
0x82e: {  	[tilespmem:s28+$0x0] =	vst v6;
	v6 =	vmul.f32 v10, v3;
	v10 =	vld [tilespmem:s28+$0x70]  }
0x82f: {  	[tilespmem:s28+$0x10] =	vst v4;
	v4 =	vmul.f32 v8, v3;
	v8 =	vld [tilespmem:s28+$0x80]  }
0x830: {  	[tilespmem:s28+$0x20] =	vst v6;
	v5 =	vmul.f32 v5, v3;
	v6 =	vld [tilespmem:s28+$0x90]  }
0x831: {  	[tilespmem:s28+$0x30] =	vst v4;
	v4 =	vmul.f32 v9, v3;
	v9 =	vld [tilespmem:s28+$0xA0]  }
0x832: {  	[tilespmem:s28+$0x40] =	vst v5;
	v5 =	vmul.f32 v7, v3;
	v7 =	vld [tilespmem:s28+$0xB0]  }
0x833: {  	[tilespmem:s28+$0x50] =	vst v4;
	v3 =	vmul.f32 v10, v3;
	v4 =	vld [tilespmem:s28+$0xC0]  }
0x834: {  	[tilespmem:s28+$0x60] =	vst v5;
	v5 =	vmul.f32 v8, v2;
	v8 =	vld [tilespmem:s28+$0xD0]  }
0x835: {  	[tilespmem:s28+$0x70] =	vst v3;
	v3 =	vmul.f32 v6, v2;
	v6 =	vld [tilespmem:s28+$0xE0]  }
0x836: {  	[tilespmem:s28+$0x80] =	vst v5;
	v5 =	vmul.f32 v9, v2;
	v9 =	vld [tilespmem:s28+$0xF0]  }
0x837: {  	v10 =	vmov s2;
	[tilespmem:s28+$0x90] =	vst v3;
	v3 =	vmul.f32 v7, v2;
	v7 =	vld [tilespmem:s28+$0x100]  }
0x838: {  	s0 =	sadd.s32 $0x1, s2;
	s7 =	sadd.s32 $0x7, s2;
	v10 =	vadd.s32 $0x26C0, v10;
	[tilespmem:s28+$0xA0] =	vst v5;
	v4 =	vmul.f32 v4, v2;
	v5 =	vld [tilespmem:s28+$0x110]  }
0x839: {  	s9 =	sadd.s32 $0x3, s2;
	v12 =	vmov s7;
	v11 =	vmov s0;
	s0 =	sadd.s32 $0x2, s2;
	[tilespmem:s28+$0xB0] =	vst v3;
	v3 =	vmul.f32 v8, v2;
	v8 =	vld [tilespmem:s28+$0x120]  }
0x83a: {  	v14 =	vmov s9;
	s7 =	sadd.s32 $0x5, s2;
	v13 =	vmov s0;
	s0 =	sadd.s32 $0x4, s2;
	[tilespmem:s28+$0xC0] =	vst v4;
	v4 =	vmul.f32 v6, v2;
	v6 =	vld [tilespmem:s28+$0x130]  }
0x83b: {  	v16 =	vmov s7;
	v15 =	vmov s0;
	[tilespmem:s28+$0xD0] =	vst v3;
	v2 =	vmul.f32 v9, v2;
	v9 =	vld [tilespmem:s28+$0x140]  }
0x83c: {  	v3 =	vand.u32 $0xFFFFFFF8, v10;
	v10 =	vadd.s32 $0x26C0, v12;
	[tilespmem:s28+$0xE0] =	vst v4;
	v4 =	vmul.f32 v7, v1;
	v7 =	vld [tilespmem:s28+$0x150]  }
0x83d: {  	v11 =	vadd.s32 $0x26C0, v11;
	v12 =	vadd.s32 $0x26C0, v13;
	[tilespmem:s28+$0xF0] =	vst v2;
	v5 =	vmul.f32 v5, v1;
	v17 =	vld [tilespmem:s28+$0x160]  }
0x83e: {  	v13 =	vadd.s32 $0x26C0, v14;
	v14 =	vadd.s32 $0x26C0, v15;
	[tilespmem:s28+$0x100] =	vst v4;
	v4 =	vmul.f32 v8, v1;
	v15 =	vld [tilespmem:s28+$0x180]  }
.Ltmp13:
0x83f: {  	v16 =	vadd.s32 $0x26C0, v16;
	v2 =	vbroadcast v3, $0x0;
	[tilespmem:s28+$0x110] =	vst v5;
	v8 =	vmul.f32 v6, v1;
	v5 =	vld [tilespmem:s28+$0x190];
	(pc) =	sbr.rel @p3 .LBB2_24-.Ltmp13, $4  }
0x840: {  	v11 =	vand.u32 $0xFFFFFFF9, v11;
	v3 =	vbroadcast v10, $0x0;
	[tilespmem:s28+$0x120] =	vst v4;
	v9 =	vmul.f32 v9, v1;
	v6 =	vld [tilespmem:s28+$0x1A0]  }
0x841: {  	v10 =	vand.u32 $0xFFFFFFFA, v12;
	v12 =	vand.u32 $0xFFFFFFFB, v13;
	[tilespmem:s28+$0x130] =	vst v8;
	v18 =	vmul.f32 v7, v1;
	v7 =	vld [tilespmem:s28+$0x1B0]  }
0x842: {  	v13 =	vand.u32 $0xFFFFFFFC, v14;
	v4 =	vbroadcast v11, $0x0;
	[tilespmem:s28+$0x140] =	vst v9;
	v11 =	vmul.f32 v17, v1;
	v8 =	vld [tilespmem:s28+$0x1C0]  }
0x843: {  	s0 =	sadd.s32 $0x6, s2;
	s2 =	sadd.s32 $0x8, s2;
	v10 =	vbroadcast v10, $0x0;
	v1 =	vand.u32 $0xFFFFFFFD, v16;
	[tilespmem:s28+$0x150] =	vst v18;
	v14 =	vmul.f32 v15, v0;
	v9 =	vld [tilespmem:s28+$0x1D0]  }
0x844: {  	_ =	sdelay $0x1  }
0x845: {  	v15 =	vld [tilespmem:s28+$0x1E0]  }
0x846: {  	v58 =	vld [tilespmem:s28+$0x1F0]  }
0x847: {  	v16 =	vmov s0;
	v17 =	vld.idx.msk [tilespmem:v2+s24+$0x0], $0xffff  }
0x848: {  	v18 =	vld.idx.msk [tilespmem:v4+s24+$0x0], $0xffff;
	[tilespmem:s28+$0x180] =	vst v14;
	v14 =	vadd.s32 $0x26C0, v16  }
0x849: {  	v2 =	vbroadcast v1, $0x0;
	v5 =	vmul.f32 v5, v0;
	s7 =	sadd.s32 $0x400, s28;
	v10 =	vld.idx.msk [tilespmem:v10+s24+$0x0], $0xffff;
	v1 =	vand.u32 $0xFFFFFFFE, v14  }
0x84a: {  	v12 =	vbroadcast v12, $0x0;
	[tilespmem:s28+$0x160] =	vst v11;
	v11 =	vld [tilespmem:s7+$0xFFFFFE20];
	v14 =	vbroadcast v1, $0x0  }
0x84b: {  	v6 =	vmul.f32 v6, v0;
	[tilespmem:s28+$0x190] =	vst v5;
	v5 =	vmul.f32 v7, v0;
	v7 =	vld [tilespmem:s7+$0x170]  }
0x84c: {  	v13 =	vbroadcast v13, $0x0;
	v1 =	vld.idx.msk [tilespmem:v3+s24+$0x0], $0xffff  }
0x84d: {  	[tilespmem:s28+$0x1A0] =	vst v6;
	v6 =	vmul.f32 v8, v0;
	v8 =	vld [tilespmem:s7+$0xFFFFFE00]  }
0x84e: {  	[tilespmem:s28+$0x1B0] =	vst v5;
	v5 =	vmul.f32 v9, v0;
	v9 =	vld [tilespmem:s7+$0xFFFFFE10]  }
0x84f: {  	v3 =	vld.idx.msk [tilespmem:v2+s24+$0x0], $0xffff  }
0x850: {  	v2 =	vld.idx.msk [tilespmem:v14+s24+$0x0], $0xffff  }
0x851: {  	[tilespmem:s28+$0x1C0] =	vst v6;
	v6 =	vmul.f32 v15, v0;
	v12 =	vld.idx.msk [tilespmem:v12+s24+$0x0], $0xffff  }
0x852: {  	v0 =	vmul.f32 v58, v0;
	v4 =	vld.idx.msk [tilespmem:v13+s24+$0x0], $0xffff;
	[tilespmem:s28+$0x1D0] =	vst v5  }
0x853: {  	v5 =	vld [tilespmem:s7+$0xFFFFFE30];
	[tilespmem:s28+$0x1E0] =	vst v6  }
0x854: {  	v6 =	vld [tilespmem:s7+$0xFFFFFE40];
	[tilespmem:s28+$0x1F0] =	vst v0;
	v0 =	vmul.f32 v8, v17  }
0x855: {  	v8 =	vld [tilespmem:s7+$0xFFFFFE50];
	v7 =	vmul.f32 v7, v2  }
0x856: {  	v13 =	vld [tilespmem:s7+$0xFFFFFE60];
	v9 =	vmul.f32 v9, v17;
	[tilespmem:s7+$0xFFFFFE00] =	vst v0  }
0x857: {  	v0 =	vmul.f32 v11, v17;
	[tilespmem:s7+$0x170] =	vst v7;
	v7 =	vld [tilespmem:s7+$0xFFFFFE70]  }
0x858: {  	[tilespmem:s7+$0xFFFFFE10] =	vst v9;
	v5 =	vmul.f32 v5, v17;
	v9 =	vld [tilespmem:s7+$0xFFFFFE80]  }
0x859: {  	[tilespmem:s7+$0xFFFFFE20] =	vst v0;
	v0 =	vmul.f32 v6, v17;
	v6 =	vld [tilespmem:s7+$0xFFFFFE90]  }
0x85a: {  	[tilespmem:s7+$0xFFFFFE30] =	vst v5;
	v5 =	vmul.f32 v8, v17;
	v8 =	vld [tilespmem:s7+$0xFFFFFEA0]  }
0x85b: {  	v11 =	vld [tilespmem:s7+$0xFFFFFEB0];
	[tilespmem:s7+$0xFFFFFE40] =	vst v0;
	v0 =	vmul.f32 v13, v17  }
0x85c: {  	[tilespmem:s7+$0xFFFFFE50] =	vst v5;
	v5 =	vmul.f32 v7, v17;
	v7 =	vld [tilespmem:s7+$0xFFFFFEC0]  }
0x85d: {  	[tilespmem:s7+$0xFFFFFE60] =	vst v0;
	v0 =	vmul.f32 v9, v18;
	v9 =	vld [tilespmem:s7+$0xFFFFFED0]  }
0x85e: {  	[tilespmem:s7+$0xFFFFFE70] =	vst v5;
	v5 =	vmul.f32 v6, v18;
	v6 =	vld [tilespmem:s7+$0xFFFFFEE0]  }
0x85f: {  	[tilespmem:s7+$0xFFFFFE80] =	vst v0;
	v0 =	vmul.f32 v8, v18;
	v8 =	vld [tilespmem:s7+$0xFFFFFEF0]  }
0x860: {  	[tilespmem:s7+$0xFFFFFE90] =	vst v5;
	v5 =	vmul.f32 v11, v18;
	v11 =	vld [tilespmem:s7+$0xFFFFFF00]  }
0x861: {  	[tilespmem:s7+$0xFFFFFEA0] =	vst v0;
	v0 =	vmul.f32 v7, v18;
	v7 =	vld [tilespmem:s7+$0xFFFFFF10]  }
0x862: {  	[tilespmem:s7+$0xFFFFFEB0] =	vst v5;
	v5 =	vmul.f32 v9, v18;
	v9 =	vld [tilespmem:s7+$0xFFFFFF20]  }
0x863: {  	[tilespmem:s7+$0xFFFFFEC0] =	vst v0;
	v0 =	vmul.f32 v6, v18;
	v6 =	vld [tilespmem:s7+$0xFFFFFF30]  }
0x864: {  	[tilespmem:s7+$0xFFFFFED0] =	vst v5;
	v5 =	vmul.f32 v8, v18;
	v8 =	vld [tilespmem:s7+$0xFFFFFF40]  }
0x865: {  	[tilespmem:s7+$0xFFFFFEE0] =	vst v0;
	v0 =	vmul.f32 v11, v10;
	v11 =	vld [tilespmem:s7+$0xFFFFFF50]  }
0x866: {  	[tilespmem:s7+$0xFFFFFEF0] =	vst v5;
	v5 =	vmul.f32 v7, v10;
	v7 =	vld [tilespmem:s7+$0xFFFFFF60]  }
0x867: {  	[tilespmem:s7+$0xFFFFFF00] =	vst v0;
	v0 =	vmul.f32 v9, v10;
	v9 =	vld [tilespmem:s7+$0xFFFFFF70]  }
0x868: {  	[tilespmem:s7+$0xFFFFFF10] =	vst v5;
	v5 =	vmul.f32 v6, v10;
	v6 =	vld [tilespmem:s7+$0xFFFFFF80]  }
0x869: {  	[tilespmem:s7+$0xFFFFFF20] =	vst v0;
	v0 =	vmul.f32 v8, v10;
	v8 =	vld [tilespmem:s7+$0xFFFFFF90]  }
0x86a: {  	[tilespmem:s7+$0xFFFFFF30] =	vst v5;
	v5 =	vmul.f32 v11, v10;
	v11 =	vld [tilespmem:s7+$0xFFFFFFA0]  }
0x86b: {  	[tilespmem:s7+$0xFFFFFF40] =	vst v0;
	v0 =	vmul.f32 v7, v10;
	v7 =	vld [tilespmem:s7+$0xFFFFFFB0]  }
0x86c: {  	[tilespmem:s7+$0xFFFFFF50] =	vst v5;
	v5 =	vmul.f32 v9, v10;
	v9 =	vld [tilespmem:s7+$0xFFFFFFC0]  }
0x86d: {  	[tilespmem:s7+$0xFFFFFF60] =	vst v0;
	v0 =	vmul.f32 v6, v12;
	v6 =	vld [tilespmem:s7+$0xFFFFFFD0]  }
0x86e: {  	[tilespmem:s7+$0xFFFFFF70] =	vst v5;
	v5 =	vmul.f32 v8, v12;
	v8 =	vld [tilespmem:s7+$0xFFFFFFE0]  }
0x86f: {  	v10 =	vld [tilespmem:s7+$0xFFFFFFF0];
	[tilespmem:s7+$0xFFFFFF80] =	vst v0;
	v0 =	vmul.f32 v11, v12  }
0x870: {  	[tilespmem:s7+$0xFFFFFF90] =	vst v5;
	v5 =	vmul.f32 v7, v12;
	v7 =	vld [tilespmem:s7+$0x0]  }
0x871: {  	[tilespmem:s7+$0xFFFFFFA0] =	vst v0;
	v0 =	vmul.f32 v9, v12;
	v9 =	vld [tilespmem:s7+$0x10]  }
0x872: {  	[tilespmem:s7+$0xFFFFFFB0] =	vst v5;
	v5 =	vmul.f32 v6, v12;
	v6 =	vld [tilespmem:s7+$0x20]  }
0x873: {  	[tilespmem:s7+$0xFFFFFFC0] =	vst v0;
	v0 =	vmul.f32 v8, v12;
	v8 =	vld [tilespmem:s7+$0x30]  }
0x874: {  	[tilespmem:s7+$0xFFFFFFD0] =	vst v5;
	v5 =	vmul.f32 v10, v12;
	v10 =	vld [tilespmem:s7+$0x40]  }
0x875: {  	[tilespmem:s7+$0xFFFFFFE0] =	vst v0;
	v0 =	vmul.f32 v7, v4;
	v7 =	vld [tilespmem:s7+$0x50]  }
0x876: {  	[tilespmem:s7+$0xFFFFFFF0] =	vst v5;
	v5 =	vmul.f32 v9, v4;
	v9 =	vld [tilespmem:s7+$0x60]  }
0x877: {  	[tilespmem:s7+$0x0] =	vst v0;
	v0 =	vmul.f32 v6, v4;
	v6 =	vld [tilespmem:s7+$0x70]  }
0x878: {  	[tilespmem:s7+$0x10] =	vst v5;
	v5 =	vmul.f32 v8, v4;
	v8 =	vld [tilespmem:s7+$0x80]  }
0x879: {  	[tilespmem:s7+$0x20] =	vst v0;
	v0 =	vmul.f32 v10, v4;
	v10 =	vld [tilespmem:s7+$0x90]  }
0x87a: {  	[tilespmem:s7+$0x30] =	vst v5;
	v5 =	vmul.f32 v7, v4;
	v7 =	vld [tilespmem:s7+$0xA0]  }
0x87b: {  	[tilespmem:s7+$0x40] =	vst v0;
	v0 =	vmul.f32 v9, v4;
	v9 =	vld [tilespmem:s7+$0xB0]  }
0x87c: {  	[tilespmem:s7+$0x50] =	vst v5;
	v4 =	vmul.f32 v6, v4;
	v5 =	vld [tilespmem:s7+$0xC0]  }
0x87d: {  	v6 =	vld [tilespmem:s7+$0xD0];
	[tilespmem:s7+$0x60] =	vst v0;
	v0 =	vmul.f32 v8, v3  }
0x87e: {  	v8 =	vld [tilespmem:s7+$0xE0];
	[tilespmem:s7+$0x70] =	vst v4;
	v4 =	vmul.f32 v10, v3  }
0x87f: {  	[tilespmem:s7+$0x80] =	vst v0;
	v0 =	vmul.f32 v7, v3;
	v7 =	vld [tilespmem:s7+$0xF0]  }
0x880: {  	[tilespmem:s7+$0x90] =	vst v4;
	v4 =	vmul.f32 v9, v3;
	v9 =	vld [tilespmem:s7+$0x100]  }
0x881: {  	[tilespmem:s7+$0xA0] =	vst v0;
	v0 =	vmul.f32 v5, v3;
	v5 =	vld [tilespmem:s7+$0x110]  }
0x882: {  	[tilespmem:s7+$0xB0] =	vst v4;
	v4 =	vmul.f32 v6, v3;
	v6 =	vld [tilespmem:s7+$0x120]  }
0x883: {  	[tilespmem:s7+$0xC0] =	vst v0;
	v0 =	vmul.f32 v8, v3;
	v8 =	vld [tilespmem:s7+$0x130]  }
0x884: {  	[tilespmem:s7+$0xD0] =	vst v4;
	v3 =	vmul.f32 v7, v3;
	v4 =	vld [tilespmem:s7+$0x140]  }
0x885: {  	v7 =	vld [tilespmem:s7+$0x150];
	[tilespmem:s7+$0xE0] =	vst v0;
	v0 =	vmul.f32 v9, v2  }
0x886: {  	[tilespmem:s7+$0xF0] =	vst v3;
	v3 =	vmul.f32 v5, v2;
	v5 =	vld [tilespmem:s7+$0x160]  }
0x887: {  	[tilespmem:s7+$0x100] =	vst v0;
	v0 =	vmul.f32 v6, v2;
	v6 =	vld [tilespmem:s7+$0x180]  }
0x888: {  	[tilespmem:s7+$0x110] =	vst v3;
	v3 =	vmul.f32 v8, v2;
	v8 =	vld [tilespmem:s7+$0x190]  }
0x889: {  	[tilespmem:s7+$0x120] =	vst v0;
	v0 =	vmul.f32 v4, v2;
	v4 =	vld [tilespmem:s7+$0x1A0]  }
0x88a: {  	[tilespmem:s7+$0x130] =	vst v3;
	v3 =	vmul.f32 v7, v2;
	v7 =	vld [tilespmem:s7+$0x1B0]  }
0x88b: {  	[tilespmem:s7+$0x140] =	vst v0;
	v0 =	vmul.f32 v5, v2;
	v2 =	vld [tilespmem:s7+$0x1C0]  }
0x88c: {  	v5 =	vld [tilespmem:s7+$0x1D0];
	[tilespmem:s7+$0x150] =	vst v3;
	v3 =	vmul.f32 v6, v1  }
0x88d: {  	v6 =	vld [tilespmem:s7+$0x1E0];
	[tilespmem:s7+$0x160] =	vst v0;
	v0 =	vmul.f32 v8, v1  }
0x88e: {  	[tilespmem:s7+$0x180] =	vst v3;
	v3 =	vmul.f32 v4, v1;
	v4 =	vld [tilespmem:s7+$0x1F0]  }
0x88f: {  	[tilespmem:s7+$0x190] =	vst v0;
	v0 =	vmul.f32 v7, v1  }
0x890: {  	[tilespmem:s7+$0x1A0] =	vst v3;
	v2 =	vmul.f32 v2, v1  }
0x891: {  	[tilespmem:s7+$0x1B0] =	vst v0;
	v0 =	vmul.f32 v5, v1  }
0x892: {  	[tilespmem:s7+$0x1C0] =	vst v2;
	v2 =	vmul.f32 v6, v1  }
0x893: {  	s2 =	simm.s32 $0x0;
	[tilespmem:s7+$0x1D0] =	vst v0;
	v0 =	vmul.f32 v4, v1  }
0x894: {  	v1 =	vmov s2;
	[tilespmem:s7+$0x1E0] =	vst v2  }
0x895: {  	[tilespmem:s7+$0x1F0] =	vst v0;
	v0 =	vadd.s32 $0x26E8, v1  }
0x896: {  	_ =	swait.ge [sflag:s19], $0x28;
	v0 =	vand.u32 $0xFFFFFFF8, v0  }
0x897: {  	[sflag:s19] =	ssyncset.done $0x0;
	v0 =	vbroadcast v0, $0x0  }
0x898: {  	s30 =	simm.s32 $0x5080;
	s31 =	simm.s32 $0x8D80;
	[sflag:s19] =	ssyncadd.s32 $0xFFFFFFD8  }
0x899: {  	[spmem:s4] =	stream.indirect.scatter.add.f32 [tilespmem:s31], [sflag:$0xE], $0x80, s30, s26, $0xb8;
	[tilespmem:$0x1EE00] =	vst v63  }
0x89a: {  	_ =	swait.ge [sflag:s21], $0x1400  }
0x89b: {  	[sflag:s21] =	ssyncset.done $0x0  }
0x89c: {  	[sflag:s21] =	ssyncadd.s32 $0xFFFFEC00  }
0x89d: {  	s9 =	simm.s32 $0x6;
	s28 =	simm.s32 $0xA380;
	v0 =	vld.idx.msk [tilespmem:v0+s24+$0x0], $0xffff  }
0x89e: {  	v1 =	vmov s9;
	s7 =	simm.s32 $0x1;
	v3 =	vld [tilespmem:s28+$0x170]  }
0x89f: {  	v1 =	vadd.s32 $0x26E8, v1;
	v2 =	vmov s7;
	v4 =	vld [tilespmem:s28+$0xFFFFFE00]  }
0x8a0: {  	v1 =	vand.u32 $0xFFFFFFFE, v1;
	v2 =	vadd.s32 $0x26E8, v2;
	v5 =	vld [tilespmem:s28+$0xFFFFFE10]  }
0x8a1: {  	v1 =	vbroadcast v1, $0x0;
	v2 =	vand.u32 $0xFFFFFFF9, v2;
	v6 =	vld [tilespmem:s28+$0xFFFFFE20]  }
0x8a2: {  	v2 =	vbroadcast v2, $0x0;
	v7 =	vld [tilespmem:s28+$0xFFFFFE30]  }
0x8a3: {  	v8 =	vld [tilespmem:s28+$0xFFFFFE40]  }
0x8a4: {  	v9 =	vld [tilespmem:s28+$0xFFFFFE50]  }
0x8a5: {  	v10 =	vld [tilespmem:s28+$0xFFFFFE60]  }
0x8a6: {  	v12 =	vld [tilespmem:s28+$0xFFFFFE80]  }
0x8a7: {  	v1 =	vld.idx.msk [tilespmem:v1+s24+$0x0], $0xffff  }
0x8a8: {  	v2 =	vld.idx.msk [tilespmem:v2+s24+$0x0], $0xffff;
	v4 =	vmul.f32 v4, v0  }
0x8a9: {  	v13 =	vld [tilespmem:s28+$0xFFFFFE90];
	v5 =	vmul.f32 v5, v0  }
0x8aa: {  	s9 =	simm.s32 $0x2;
	v14 =	vld [tilespmem:s28+$0xFFFFFEA0];
	v7 =	vmul.f32 v7, v0;
	[tilespmem:s28+$0xFFFFFE00] =	vst v4  }
0x8ab: {  	v11 =	vmov s9;
	v15 =	vld [tilespmem:s28+$0xFFFFFEB0];
	v8 =	vmul.f32 v8, v0;
	[tilespmem:s28+$0xFFFFFE10] =	vst v5  }
0x8ac: {  	v3 =	vmul.f32 v3, v1;
	v4 =	vadd.s32 $0x26E8, v11;
	v11 =	vld [tilespmem:s28+$0xFFFFFE70];
	[tilespmem:s28+$0xFFFFFE30] =	vst v7  }
0x8ad: {  	v5 =	vmul.f32 v12, v2;
	v12 =	vld [tilespmem:s28+$0xFFFFFED0];
	[tilespmem:s28+$0xFFFFFE40] =	vst v8  }
0x8ae: {  	v7 =	vmul.f32 v9, v0;
	v9 =	vld [tilespmem:s28+$0xFFFFFEF0];
	v4 =	vand.u32 $0xFFFFFFFA, v4;
	[tilespmem:s28+$0x170] =	vst v3  }
0x8af: {  	v8 =	vmul.f32 v10, v0;
	v10 =	vld [tilespmem:s28+$0xFFFFFF00];
	v4 =	vbroadcast v4, $0x0;
	[tilespmem:s28+$0xFFFFFE80] =	vst v5  }
0x8b0: {  	v3 =	vmul.f32 v6, v0;
	v6 =	vld [tilespmem:s28+$0xFFFFFEC0];
	[tilespmem:s28+$0xFFFFFE50] =	vst v7  }
0x8b1: {  	s30 =	simm.s32 $0x3;
	v7 =	vld [tilespmem:s28+$0xFFFFFF10];
	[tilespmem:s28+$0xFFFFFE60] =	vst v8;
	v8 =	vmul.f32 v13, v2  }
0x8b2: {  	v59 =	vmov s30;
	v13 =	vld [tilespmem:s28+$0xFFFFFF30];
	[tilespmem:s28+$0xFFFFFE20] =	vst v3  }
0x8b3: {  	v5 =	vadd.s32 $0x26E8, v59;
	v3 =	vld [tilespmem:s28+$0xFFFFFEE0];
	[tilespmem:s28+$0xFFFFFE90] =	vst v8;
	v8 =	vmul.f32 v15, v2  }
0x8b4: {  	v5 =	vand.u32 $0xFFFFFFFB, v5;
	v0 =	vmul.f32 v11, v0;
	v11 =	vld [tilespmem:s28+$0xFFFFFF20]  }
0x8b5: {  	v5 =	vbroadcast v5, $0x0;
	v12 =	vmul.f32 v12, v2;
	[tilespmem:s28+$0xFFFFFEB0] =	vst v8;
	v4 =	vld.idx.msk [tilespmem:v4+s24+$0x0], $0xffff  }
0x8b6: {  	v6 =	vmul.f32 v6, v2;
	v8 =	vld [tilespmem:s28+$0xFFFFFF60];
	[tilespmem:s28+$0xFFFFFE70] =	vst v0  }
0x8b7: {  	v0 =	vmul.f32 v14, v2;
	v14 =	vld [tilespmem:s28+$0xFFFFFF40];
	[tilespmem:s28+$0xFFFFFED0] =	vst v12  }
0x8b8: {  	v12 =	vld [tilespmem:s28+$0xFFFFFFB0];
	[tilespmem:s28+$0xFFFFFEC0] =	vst v6;
	v3 =	vmul.f32 v3, v2  }
0x8b9: {  	v6 =	vld [tilespmem:s28+$0xFFFFFF70];
	v2 =	vmul.f32 v9, v2;
	[tilespmem:s28+$0xFFFFFEA0] =	vst v0  }
0x8ba: {  	v9 =	vld [tilespmem:s28+$0xFFFFFF80];
	[tilespmem:s28+$0xFFFFFEE0] =	vst v3;
	v0 =	vmul.f32 v10, v4  }
0x8bb: {  	s31 =	simm.s32 $0x4;
	v5 =	vld.idx.msk [tilespmem:v5+s24+$0x0], $0xffff;
	[tilespmem:s28+$0xFFFFFEF0] =	vst v2;
	v3 =	vmul.f32 v7, v4  }
0x8bc: {  	v15 =	vmov s31;
	v10 =	vld [tilespmem:s28+$0xFFFFFF50];
	v2 =	vmul.f32 v11, v4;
	[tilespmem:s28+$0xFFFFFF00] =	vst v0  }
0x8bd: {  	v7 =	vld [tilespmem:s28+$0xFFFFFF90];
	v8 =	vmul.f32 v8, v4;
	v0 =	vadd.s32 $0x26E8, v15;
	[tilespmem:s28+$0xFFFFFF10] =	vst v3  }
0x8be: {  	v11 =	vld [tilespmem:s28+$0xFFFFFFA0];
	v3 =	vmul.f32 v13, v4;
	[tilespmem:s28+$0xFFFFFF20] =	vst v2;
	v0 =	vand.u32 $0xFFFFFFFC, v0  }
0x8bf: {  	v2 =	vmul.f32 v14, v4;
	v13 =	vld [tilespmem:s28+$0xFFFFFFC0];
	[tilespmem:s28+$0xFFFFFF60] =	vst v8;
	v0 =	vbroadcast v0, $0x0  }
0x8c0: {  	v8 =	vld [tilespmem:s28+$0x0];
	[tilespmem:s28+$0xFFFFFF30] =	vst v3;
	v3 =	vmul.f32 v9, v5  }
0x8c1: {  	v9 =	vld [tilespmem:s28+$0xFFFFFFD0];
	[tilespmem:s28+$0xFFFFFF40] =	vst v2;
	v10 =	vmul.f32 v10, v4  }
0x8c2: {  	s2 =	simm.s32 $0x5;
	v2 =	vld [tilespmem:s28+$0xFFFFFFE0];
	v4 =	vmul.f32 v6, v4;
	[tilespmem:s28+$0xFFFFFF80] =	vst v3  }
0x8c3: {  	v14 =	vmov s2;
	v6 =	vld [tilespmem:s28+$0xFFFFFFF0];
	v7 =	vmul.f32 v7, v5;
	[tilespmem:s28+$0xFFFFFF50] =	vst v10  }
0x8c4: {  	v3 =	vadd.s32 $0x26E8, v14;
	[tilespmem:s28+$0xFFFFFF70] =	vst v4;
	v4 =	vmul.f32 v11, v5;
	v10 =	vld [tilespmem:s28+$0x10]  }
0x8c5: {  	v3 =	vand.u32 $0xFFFFFFFD, v3;
	[tilespmem:s28+$0xFFFFFF90] =	vst v7;
	v7 =	vmul.f32 v12, v5;
	v0 =	vld.idx.msk [tilespmem:v0+s24+$0x0], $0xffff  }
0x8c6: {  	v11 =	vld [tilespmem:s28+$0x20];
	v3 =	vbroadcast v3, $0x0;
	[tilespmem:s28+$0xFFFFFFA0] =	vst v4;
	v4 =	vmul.f32 v13, v5  }
0x8c7: {  	v12 =	vld [tilespmem:s28+$0x30];
	[tilespmem:s28+$0xFFFFFFB0] =	vst v7;
	v7 =	vmul.f32 v9, v5  }
0x8c8: {  	v2 =	vmul.f32 v2, v5;
	v5 =	vmul.f32 v6, v5;
	v6 =	vld [tilespmem:s28+$0x70];
	[tilespmem:s28+$0xFFFFFFC0] =	vst v4  }
0x8c9: {  	v9 =	vld [tilespmem:s28+$0x40];
	[tilespmem:s28+$0xFFFFFFD0] =	vst v7  }
0x8ca: {  	v7 =	vld [tilespmem:s28+$0x60];
	[tilespmem:s28+$0xFFFFFFE0] =	vst v2;
	v4 =	vmul.f32 v8, v0  }
0x8cb: {  	[tilespmem:s28+$0xFFFFFFF0] =	vst v5;
	v8 =	vld [tilespmem:s28+$0x50];
	v2 =	vmul.f32 v10, v0  }
0x8cc: {  	s7 =	simm.s32 $0x7;
	v3 =	vld.idx.msk [tilespmem:v3+s24+$0x0], $0xffff;
	v5 =	vmul.f32 v11, v0;
	[tilespmem:s28+$0x0] =	vst v4  }
0x8cd: {  	v10 =	vld [tilespmem:s28+$0x80];
	v6 =	vmul.f32 v6, v0;
	v4 =	vmov s7;
	[tilespmem:s28+$0x10] =	vst v2  }
0x8ce: {  	v11 =	vld [tilespmem:s28+$0x90];
	v2 =	vmul.f32 v12, v0;
	[tilespmem:s28+$0x20] =	vst v5;
	v4 =	vadd.s32 $0x26E8, v4  }
0x8cf: {  	v5 =	vmul.f32 v9, v0;
	v9 =	vld [tilespmem:s28+$0xA0];
	[tilespmem:s28+$0x70] =	vst v6;
	v4 =	vbroadcast v4, $0x0  }
0x8d0: {  	v6 =	vld [tilespmem:s28+$0xF0];
	[tilespmem:s28+$0x30] =	vst v2;
	v2 =	vmul.f32 v8, v0  }
0x8d1: {  	[tilespmem:s28+$0x40] =	vst v5;
	v5 =	vmul.f32 v7, v0;
	v7 =	vld [tilespmem:s28+$0xC0]  }
0x8d2: {  	v8 =	vld [tilespmem:s28+$0xB0];
	[tilespmem:s28+$0x50] =	vst v2;
	v2 =	vmul.f32 v10, v3  }
0x8d3: {  	[tilespmem:s28+$0x60] =	vst v5;
	v5 =	vld [tilespmem:s28+$0xE0]  }
0x8d4: {  	v10 =	vld [tilespmem:s28+$0xD0];
	[tilespmem:s28+$0x80] =	vst v2;
	v2 =	vmul.f32 v9, v3  }
0x8d5: {  	v0 =	vld.idx.msk [tilespmem:v4+s24+$0x0], $0xffff;
	v4 =	vmul.f32 v11, v3  }
0x8d6: {  	[tilespmem:s28+$0xA0] =	vst v2;
	v2 =	vmul.f32 v7, v3;
	v7 =	vld [tilespmem:s28+$0x110]  }
0x8d7: {  	s31 =	simm.s32 $0xF;
	[tilespmem:s28+$0x90] =	vst v4;
	v4 =	vmul.f32 v8, v3;
	v8 =	vld [tilespmem:s28+$0x100]  }
0x8d8: {  	s7 =	simm.s32 $0xB;
	v12 =	vmov s31;
	s31 =	simm.s32 $0xD;
	[tilespmem:s28+$0xC0] =	vst v2;
	v2 =	vmul.f32 v5, v3  }
0x8d9: {  	s9 =	simm.s32 $0x8;
	s30 =	simm.s32 $0x9;
	v14 =	vmov s7;
	v60 =	vmov s31;
	v5 =	vld [tilespmem:s28+$0x130];
	[tilespmem:s28+$0xB0] =	vst v4;
	v4 =	vmul.f32 v10, v3  }
0x8da: {  	v9 =	vmov s9;
	s9 =	simm.s32 $0xA;
	v11 =	vmov s30;
	s30 =	simm.s32 $0xC;
	v10 =	vld [tilespmem:s28+$0x120];
	v3 =	vmul.f32 v6, v3;
	[tilespmem:s28+$0xE0] =	vst v2  }
0x8db: {  	v9 =	vadd.s32 $0x26E8, v9;
	v13 =	vmov s9;
	v15 =	vmov s30;
	[tilespmem:s28+$0xD0] =	vst v4;
	v4 =	vld [tilespmem:s28+$0x140]  }
0x8dc: {  	v11 =	vadd.s32 $0x26E8, v11;
	[tilespmem:s28+$0xF0] =	vst v3;
	v3 =	vmul.f32 v7, v1;
	v2 =	vmul.f32 v8, v1;
	v8 =	vld [tilespmem:s28+$0x150]  }
0x8dd: {  	v61 =	vld [tilespmem:s28+$0x160];
	v11 =	vand.u32 $0xFFFFFFF9, v11;
	v6 =	vand.u32 $0xFFFFFFF8, v9;
	v9 =	vadd.s32 $0x26E8, v12  }
0x8de: {  	v12 =	vadd.s32 $0x26E8, v13;
	v7 =	vadd.s32 $0x26E8, v14;
	v14 =	vld [tilespmem:s28+$0x180];
	[tilespmem:s28+$0x110] =	vst v3;
	v62 =	vmul.f32 v5, v1  }
0x8df: {  	v13 =	vadd.s32 $0x26E8, v15;
	v5 =	vld [tilespmem:s28+$0x190];
	v3 =	vbroadcast v9, $0x0;
	[tilespmem:s28+$0x100] =	vst v2;
	v10 =	vmul.f32 v10, v1  }
0x8e0: {  	v15 =	vadd.s32 $0x26E8, v60;
	v2 =	vbroadcast v6, $0x0;
	v6 =	vld [tilespmem:s28+$0x1A0];
	[tilespmem:s28+$0x130] =	vst v62;
	v9 =	vmul.f32 v4, v1  }
0x8e1: {  	[tilespmem:s28+$0x120] =	vst v10;
	v10 =	vand.u32 $0xFFFFFFFA, v12;
	v12 =	vand.u32 $0xFFFFFFFB, v7;
	v7 =	vld [tilespmem:s28+$0x1B0];
	v63 =	vmul.f32 v8, v1  }
0x8e2: {  	v13 =	vand.u32 $0xFFFFFFFC, v13;
	v4 =	vbroadcast v11, $0x0;
	v11 =	vmul.f32 v61, v1;
	v8 =	vld [tilespmem:s28+$0x1C0];
	[tilespmem:s28+$0x140] =	vst v9  }
0x8e3: {  	s0 =	simm.s32 $0xE;
	s2 =	simm.s32 $0x10;
	v14 =	vmul.f32 v14, v0;
	v10 =	vbroadcast v10, $0x0;
	v1 =	vand.u32 $0xFFFFFFFD, v15;
	v9 =	vld [tilespmem:s28+$0x1D0];
	[tilespmem:s28+$0x150] =	vst v63  }
.LBB2_26:
0x8e4: {  	p3 =	slt.u32 s2, $0x20;
	v12 =	vbroadcast v12, $0x0;
	v15 =	vmov s0;
	[tilespmem:s28+$0x160] =	vst v11;
	v5 =	vmul.f32 v5, v0;
	v11 =	vld [tilespmem:s28+$0x1E0]  }
0x8e5: {  	v13 =	vbroadcast v13, $0x0;
	v15 =	vadd.s32 $0x26E8, v15;
	[tilespmem:s28+$0x180] =	vst v14;
	v6 =	vmul.f32 v6, v0;
	v14 =	vld [tilespmem:s28+$0x1F0]  }
0x8e6: {  	v1 =	vbroadcast v1, $0x0;
	v16 =	vld.idx.msk [tilespmem:v2+s24+$0x0], $0xffff;
	v2 =	vand.u32 $0xFFFFFFFE, v15;
	[tilespmem:s28+$0x190] =	vst v5;
	v5 =	vmul.f32 v7, v0  }
0x8e7: {  	v7 =	vbroadcast v2, $0x0;
	v15 =	vld.idx.msk [tilespmem:v3+s24+$0x0], $0xffff;
	[tilespmem:s28+$0x1A0] =	vst v6;
	v2 =	vmul.f32 v8, v0  }
0x8e8: {  	v6 =	vld.idx.msk [tilespmem:v4+s24+$0x0], $0xffff;
	[tilespmem:s28+$0x1B0] =	vst v5;
	v3 =	vmul.f32 v9, v0  }
0x8e9: {  	v5 =	vld.idx.msk [tilespmem:v10+s24+$0x0], $0xffff;
	[tilespmem:s28+$0x1C0] =	vst v2;
	v2 =	vmul.f32 v11, v0  }
0x8ea: {  	v4 =	vld.idx.msk [tilespmem:v12+s24+$0x0], $0xffff;
	[tilespmem:s28+$0x1D0] =	vst v3;
	v8 =	vmul.f32 v14, v0  }
0x8eb: {  	v3 =	vld.idx.msk [tilespmem:v13+s24+$0x0], $0xffff;
	[tilespmem:s28+$0x1E0] =	vst v2  }
0x8ec: {  	v2 =	vld.idx.msk [tilespmem:v1+s24+$0x0], $0xffff;
	[tilespmem:s28+$0x1F0] =	vst v8  }
0x8ed: {  	s28 =	sadd.s32 $0x400, s28;
	v0 =	vmov v15;
	v1 =	vld.idx.msk [tilespmem:v7+s24+$0x0], $0xffff  }
0x8ee: {  	v7 =	vld [tilespmem:s28+$0x170]  }
0x8ef: {  	v8 =	vld [tilespmem:s28+$0xFFFFFE00]  }
0x8f0: {  	v9 =	vld [tilespmem:s28+$0xFFFFFE10]  }
0x8f1: {  	v10 =	vld [tilespmem:s28+$0xFFFFFE20]  }
0x8f2: {  	v11 =	vld [tilespmem:s28+$0xFFFFFE30]  }
0x8f3: {  	v12 =	vld [tilespmem:s28+$0xFFFFFE40];
	v7 =	vmul.f32 v7, v1  }
0x8f4: {  	v8 =	vmul.f32 v8, v16;
	v13 =	vld [tilespmem:s28+$0xFFFFFE50]  }
0x8f5: {  	v9 =	vmul.f32 v9, v16;
	v14 =	vld [tilespmem:s28+$0xFFFFFE60];
	[tilespmem:s28+$0x170] =	vst v7  }
0x8f6: {  	[tilespmem:s28+$0xFFFFFE00] =	vst v8;
	v7 =	vmul.f32 v10, v16;
	v8 =	vld [tilespmem:s28+$0xFFFFFE70]  }
0x8f7: {  	[tilespmem:s28+$0xFFFFFE10] =	vst v9;
	v9 =	vmul.f32 v11, v16;
	v10 =	vld [tilespmem:s28+$0xFFFFFE80]  }
0x8f8: {  	[tilespmem:s28+$0xFFFFFE20] =	vst v7;
	v7 =	vmul.f32 v12, v16;
	v11 =	vld [tilespmem:s28+$0xFFFFFE90]  }
0x8f9: {  	[tilespmem:s28+$0xFFFFFE30] =	vst v9;
	v9 =	vmul.f32 v13, v16;
	v12 =	vld [tilespmem:s28+$0xFFFFFEA0]  }
0x8fa: {  	[tilespmem:s28+$0xFFFFFE40] =	vst v7;
	v7 =	vmul.f32 v14, v16;
	v13 =	vld [tilespmem:s28+$0xFFFFFEB0]  }
0x8fb: {  	[tilespmem:s28+$0xFFFFFE50] =	vst v9;
	v8 =	vmul.f32 v8, v16;
	v9 =	vld [tilespmem:s28+$0xFFFFFEC0]  }
0x8fc: {  	[tilespmem:s28+$0xFFFFFE60] =	vst v7;
	v7 =	vmul.f32 v10, v6;
	v10 =	vld [tilespmem:s28+$0xFFFFFED0]  }
0x8fd: {  	[tilespmem:s28+$0xFFFFFE70] =	vst v8;
	v8 =	vmul.f32 v11, v6;
	v11 =	vld [tilespmem:s28+$0xFFFFFEE0]  }
0x8fe: {  	[tilespmem:s28+$0xFFFFFE80] =	vst v7;
	v7 =	vmul.f32 v12, v6;
	v12 =	vld [tilespmem:s28+$0xFFFFFEF0]  }
0x8ff: {  	[tilespmem:s28+$0xFFFFFE90] =	vst v8;
	v8 =	vmul.f32 v13, v6;
	v13 =	vld [tilespmem:s28+$0xFFFFFF00]  }
0x900: {  	[tilespmem:s28+$0xFFFFFEA0] =	vst v7;
	v7 =	vmul.f32 v9, v6;
	v9 =	vld [tilespmem:s28+$0xFFFFFF10]  }
0x901: {  	[tilespmem:s28+$0xFFFFFEB0] =	vst v8;
	v8 =	vmul.f32 v10, v6;
	v10 =	vld [tilespmem:s28+$0xFFFFFF20]  }
0x902: {  	[tilespmem:s28+$0xFFFFFEC0] =	vst v7;
	v7 =	vmul.f32 v11, v6;
	v11 =	vld [tilespmem:s28+$0xFFFFFF30]  }
0x903: {  	[tilespmem:s28+$0xFFFFFED0] =	vst v8;
	v6 =	vmul.f32 v12, v6;
	v8 =	vld [tilespmem:s28+$0xFFFFFF40]  }
0x904: {  	[tilespmem:s28+$0xFFFFFEE0] =	vst v7;
	v7 =	vmul.f32 v13, v5;
	v12 =	vld [tilespmem:s28+$0xFFFFFF50]  }
0x905: {  	[tilespmem:s28+$0xFFFFFEF0] =	vst v6;
	v6 =	vmul.f32 v9, v5;
	v9 =	vld [tilespmem:s28+$0xFFFFFF60]  }
0x906: {  	[tilespmem:s28+$0xFFFFFF00] =	vst v7;
	v7 =	vmul.f32 v10, v5;
	v10 =	vld [tilespmem:s28+$0xFFFFFF70]  }
0x907: {  	[tilespmem:s28+$0xFFFFFF10] =	vst v6;
	v6 =	vmul.f32 v11, v5;
	v11 =	vld [tilespmem:s28+$0xFFFFFF80]  }
0x908: {  	[tilespmem:s28+$0xFFFFFF20] =	vst v7;
	v7 =	vmul.f32 v8, v5;
	v8 =	vld [tilespmem:s28+$0xFFFFFF90]  }
0x909: {  	[tilespmem:s28+$0xFFFFFF30] =	vst v6;
	v6 =	vmul.f32 v12, v5;
	v12 =	vld [tilespmem:s28+$0xFFFFFFA0]  }
0x90a: {  	[tilespmem:s28+$0xFFFFFF40] =	vst v7;
	v7 =	vmul.f32 v9, v5;
	v9 =	vld [tilespmem:s28+$0xFFFFFFB0]  }
0x90b: {  	[tilespmem:s28+$0xFFFFFF50] =	vst v6;
	v5 =	vmul.f32 v10, v5;
	v6 =	vld [tilespmem:s28+$0xFFFFFFC0]  }
0x90c: {  	[tilespmem:s28+$0xFFFFFF60] =	vst v7;
	v7 =	vmul.f32 v11, v4;
	v10 =	vld [tilespmem:s28+$0xFFFFFFD0]  }
0x90d: {  	[tilespmem:s28+$0xFFFFFF70] =	vst v5;
	v5 =	vmul.f32 v8, v4;
	v8 =	vld [tilespmem:s28+$0xFFFFFFE0]  }
0x90e: {  	[tilespmem:s28+$0xFFFFFF80] =	vst v7;
	v7 =	vmul.f32 v12, v4;
	v11 =	vld [tilespmem:s28+$0xFFFFFFF0]  }
0x90f: {  	[tilespmem:s28+$0xFFFFFF90] =	vst v5;
	v5 =	vmul.f32 v9, v4;
	v9 =	vld [tilespmem:s28+$0x0]  }
0x910: {  	[tilespmem:s28+$0xFFFFFFA0] =	vst v7;
	v6 =	vmul.f32 v6, v4;
	v7 =	vld [tilespmem:s28+$0x10]  }
0x911: {  	[tilespmem:s28+$0xFFFFFFB0] =	vst v5;
	v5 =	vmul.f32 v10, v4;
	v10 =	vld [tilespmem:s28+$0x20]  }
0x912: {  	[tilespmem:s28+$0xFFFFFFC0] =	vst v6;
	v6 =	vmul.f32 v8, v4;
	v8 =	vld [tilespmem:s28+$0x30]  }
0x913: {  	[tilespmem:s28+$0xFFFFFFD0] =	vst v5;
	v4 =	vmul.f32 v11, v4;
	v5 =	vld [tilespmem:s28+$0x40]  }
0x914: {  	[tilespmem:s28+$0xFFFFFFE0] =	vst v6;
	v6 =	vmul.f32 v9, v3;
	v9 =	vld [tilespmem:s28+$0x50]  }
0x915: {  	[tilespmem:s28+$0xFFFFFFF0] =	vst v4;
	v4 =	vmul.f32 v7, v3;
	v7 =	vld [tilespmem:s28+$0x60]  }
0x916: {  	[tilespmem:s28+$0x0] =	vst v6;
	v6 =	vmul.f32 v10, v3;
	v10 =	vld [tilespmem:s28+$0x70]  }
0x917: {  	[tilespmem:s28+$0x10] =	vst v4;
	v4 =	vmul.f32 v8, v3;
	v8 =	vld [tilespmem:s28+$0x80]  }
0x918: {  	[tilespmem:s28+$0x20] =	vst v6;
	v5 =	vmul.f32 v5, v3;
	v6 =	vld [tilespmem:s28+$0x90]  }
0x919: {  	[tilespmem:s28+$0x30] =	vst v4;
	v4 =	vmul.f32 v9, v3;
	v9 =	vld [tilespmem:s28+$0xA0]  }
0x91a: {  	[tilespmem:s28+$0x40] =	vst v5;
	v5 =	vmul.f32 v7, v3;
	v7 =	vld [tilespmem:s28+$0xB0]  }
0x91b: {  	[tilespmem:s28+$0x50] =	vst v4;
	v3 =	vmul.f32 v10, v3;
	v4 =	vld [tilespmem:s28+$0xC0]  }
0x91c: {  	[tilespmem:s28+$0x60] =	vst v5;
	v5 =	vmul.f32 v8, v2;
	v8 =	vld [tilespmem:s28+$0xD0]  }
0x91d: {  	[tilespmem:s28+$0x70] =	vst v3;
	v3 =	vmul.f32 v6, v2;
	v6 =	vld [tilespmem:s28+$0xE0]  }
0x91e: {  	[tilespmem:s28+$0x80] =	vst v5;
	v5 =	vmul.f32 v9, v2;
	v9 =	vld [tilespmem:s28+$0xF0]  }
0x91f: {  	v10 =	vmov s2;
	[tilespmem:s28+$0x90] =	vst v3;
	v3 =	vmul.f32 v7, v2;
	v7 =	vld [tilespmem:s28+$0x100]  }
0x920: {  	s0 =	sadd.s32 $0x1, s2;
	s7 =	sadd.s32 $0x7, s2;
	v10 =	vadd.s32 $0x26E8, v10;
	[tilespmem:s28+$0xA0] =	vst v5;
	v4 =	vmul.f32 v4, v2;
	v5 =	vld [tilespmem:s28+$0x110]  }
0x921: {  	s9 =	sadd.s32 $0x3, s2;
	v12 =	vmov s7;
	v11 =	vmov s0;
	s0 =	sadd.s32 $0x2, s2;
	[tilespmem:s28+$0xB0] =	vst v3;
	v3 =	vmul.f32 v8, v2;
	v8 =	vld [tilespmem:s28+$0x120]  }
0x922: {  	v14 =	vmov s9;
	s7 =	sadd.s32 $0x5, s2;
	v13 =	vmov s0;
	s0 =	sadd.s32 $0x4, s2;
	[tilespmem:s28+$0xC0] =	vst v4;
	v4 =	vmul.f32 v6, v2;
	v6 =	vld [tilespmem:s28+$0x130]  }
0x923: {  	v16 =	vmov s7;
	v15 =	vmov s0;
	[tilespmem:s28+$0xD0] =	vst v3;
	v2 =	vmul.f32 v9, v2;
	v9 =	vld [tilespmem:s28+$0x140]  }
0x924: {  	v3 =	vand.u32 $0xFFFFFFF8, v10;
	v10 =	vadd.s32 $0x26E8, v12;
	[tilespmem:s28+$0xE0] =	vst v4;
	v4 =	vmul.f32 v7, v1;
	v7 =	vld [tilespmem:s28+$0x150]  }
0x925: {  	v11 =	vadd.s32 $0x26E8, v11;
	v12 =	vadd.s32 $0x26E8, v13;
	[tilespmem:s28+$0xF0] =	vst v2;
	v5 =	vmul.f32 v5, v1;
	v17 =	vld [tilespmem:s28+$0x160]  }
0x926: {  	v13 =	vadd.s32 $0x26E8, v14;
	v14 =	vadd.s32 $0x26E8, v15;
	[tilespmem:s28+$0x100] =	vst v4;
	v4 =	vmul.f32 v8, v1;
	v15 =	vld [tilespmem:s28+$0x180]  }
.Ltmp14:
0x927: {  	v16 =	vadd.s32 $0x26E8, v16;
	v2 =	vbroadcast v3, $0x0;
	[tilespmem:s28+$0x110] =	vst v5;
	v8 =	vmul.f32 v6, v1;
	v5 =	vld [tilespmem:s28+$0x190];
	(pc) =	sbr.rel @p3 .LBB2_26-.Ltmp14, $4  }
0x928: {  	v11 =	vand.u32 $0xFFFFFFF9, v11;
	v3 =	vbroadcast v10, $0x0;
	[tilespmem:s28+$0x120] =	vst v4;
	v9 =	vmul.f32 v9, v1;
	v6 =	vld [tilespmem:s28+$0x1A0]  }
0x929: {  	v10 =	vand.u32 $0xFFFFFFFA, v12;
	v12 =	vand.u32 $0xFFFFFFFB, v13;
	[tilespmem:s28+$0x130] =	vst v8;
	v18 =	vmul.f32 v7, v1;
	v7 =	vld [tilespmem:s28+$0x1B0]  }
0x92a: {  	v13 =	vand.u32 $0xFFFFFFFC, v14;
	v4 =	vbroadcast v11, $0x0;
	[tilespmem:s28+$0x140] =	vst v9;
	v11 =	vmul.f32 v17, v1;
	v8 =	vld [tilespmem:s28+$0x1C0]  }
0x92b: {  	s0 =	sadd.s32 $0x6, s2;
	s2 =	sadd.s32 $0x8, s2;
	v10 =	vbroadcast v10, $0x0;
	v1 =	vand.u32 $0xFFFFFFFD, v16;
	[tilespmem:s28+$0x150] =	vst v18;
	v14 =	vmul.f32 v15, v0;
	v9 =	vld [tilespmem:s28+$0x1D0]  }
0x92c: {  	_ =	sdelay $0x1  }
0x92d: {  	v15 =	vld [tilespmem:s28+$0x1E0]  }
0x92e: {  	v36 =	vld [tilespmem:s28+$0x1F0]  }
0x92f: {  	v17 =	vld.idx.msk [tilespmem:v2+s24+$0x0], $0xffff  }
0x930: {  	v37 =	vbroadcast v1, $0x0;
	v1 =	vld.idx.msk [tilespmem:v3+s24+$0x0], $0xffff  }
0x931: {  	v18 =	vld.idx.msk [tilespmem:v4+s24+$0x0], $0xffff  }
0x932: {  	s9 =	sadd.s32 $0x400, s28;
	v10 =	vld.idx.msk [tilespmem:v10+s24+$0x0], $0xffff  }
0x933: {  	v40 =	vld [tilespmem:s9+$0x170]  }
0x934: {  	v42 =	vld [tilespmem:s9+$0xFFFFFE00]  }
0x935: {  	v5 =	vmul.f32 v5, v0;
	[tilespmem:s28+$0x160] =	vst v11;
	v44 =	vld [tilespmem:s9+$0xFFFFFE10]  }
0x936: {  	[tilespmem:s28+$0x180] =	vst v14;
	v6 =	vmul.f32 v6, v0;
	v46 =	vld [tilespmem:s9+$0xFFFFFE20]  }
0x937: {  	v48 =	vld [tilespmem:s9+$0xFFFFFE30];
	[tilespmem:s28+$0x190] =	vst v5;
	v39 =	vmul.f32 v7, v0  }
0x938: {  	v49 =	vld [tilespmem:s9+$0xFFFFFE40];
	[tilespmem:s28+$0x1A0] =	vst v6;
	v41 =	vmul.f32 v8, v0  }
0x939: {  	v51 =	vld [tilespmem:s9+$0xFFFFFE50];
	[tilespmem:s28+$0x1B0] =	vst v39;
	v43 =	vmul.f32 v9, v0  }
0x93a: {  	v52 =	vld [tilespmem:s9+$0xFFFFFE60];
	[tilespmem:s28+$0x1C0] =	vst v41;
	v45 =	vmul.f32 v15, v0  }
0x93b: {  	v54 =	vld [tilespmem:s9+$0xFFFFFE70];
	v47 =	vmul.f32 v36, v0;
	[tilespmem:s28+$0x1D0] =	vst v43  }
0x93c: {  	v55 =	vld [tilespmem:s9+$0xFFFFFE80];
	v50 =	vmul.f32 v42, v17;
	[tilespmem:s28+$0x1E0] =	vst v45  }
0x93d: {  	v57 =	vld [tilespmem:s9+$0xFFFFFE90];
	v9 =	vmul.f32 v44, v17;
	[tilespmem:s28+$0x1F0] =	vst v47  }
0x93e: {  	v13 =	vbroadcast v13, $0x0;
	v59 =	vld [tilespmem:s9+$0xFFFFFEA0];
	v53 =	vmul.f32 v46, v17;
	[tilespmem:s9+$0xFFFFFE00] =	vst v50  }
0x93f: {  	v61 =	vld [tilespmem:s9+$0xFFFFFEB0];
	v5 =	vmul.f32 v48, v17;
	[tilespmem:s9+$0xFFFFFE10] =	vst v9  }
0x940: {  	v16 =	vmov s0;
	v63 =	vld [tilespmem:s9+$0xFFFFFEC0];
	v56 =	vmul.f32 v49, v17;
	[tilespmem:s9+$0xFFFFFE20] =	vst v53  }
0x941: {  	v35 =	vadd.s32 $0x26E8, v16;
	v16 =	vld [tilespmem:s9+$0xFFFFFEE0];
	v58 =	vmul.f32 v51, v17;
	[tilespmem:s9+$0xFFFFFE30] =	vst v5  }
0x942: {  	v19 =	vld [tilespmem:s9+$0xFFFFFEF0];
	v60 =	vmul.f32 v52, v17;
	[tilespmem:s9+$0xFFFFFE40] =	vst v56  }
0x943: {  	v21 =	vld [tilespmem:s9+$0xFFFFFF00];
	v62 =	vmul.f32 v54, v17;
	[tilespmem:s9+$0xFFFFFE50] =	vst v58  }
0x944: {  	v4 =	vld.idx.msk [tilespmem:v13+s24+$0x0], $0xffff;
	v13 =	vmul.f32 v55, v18;
	[tilespmem:s9+$0xFFFFFE60] =	vst v60  }
0x945: {  	v12 =	vbroadcast v12, $0x0;
	v23 =	vld [tilespmem:s9+$0xFFFFFF10];
	v15 =	vmul.f32 v57, v18;
	[tilespmem:s9+$0xFFFFFE70] =	vst v62  }
0x946: {  	v25 =	vld [tilespmem:s9+$0xFFFFFF20];
	v17 =	vmul.f32 v59, v18;
	[tilespmem:s9+$0xFFFFFE80] =	vst v13  }
0x947: {  	v27 =	vld [tilespmem:s9+$0xFFFFFF30];
	v20 =	vmul.f32 v61, v18;
	[tilespmem:s9+$0xFFFFFE90] =	vst v15  }
0x948: {  	v29 =	vld [tilespmem:s9+$0xFFFFFF40];
	v22 =	vmul.f32 v63, v18;
	[tilespmem:s9+$0xFFFFFEA0] =	vst v17  }
0x949: {  	v33 =	vld [tilespmem:s9+$0xFFFFFF60];
	v26 =	vmul.f32 v16, v18;
	[tilespmem:s9+$0xFFFFFEB0] =	vst v20  }
0x94a: {  	v38 =	vand.u32 $0xFFFFFFFE, v35;
	v35 =	vld [tilespmem:s9+$0xFFFFFF70];
	v28 =	vmul.f32 v19, v18;
	[tilespmem:s9+$0xFFFFFEC0] =	vst v22  }
0x94b: {  	v12 =	vld.idx.msk [tilespmem:v12+s24+$0x0], $0xffff;
	v30 =	vmul.f32 v21, v10;
	[tilespmem:s9+$0xFFFFFEE0] =	vst v26  }
0x94c: {  	v3 =	vld.idx.msk [tilespmem:v37+s24+$0x0], $0xffff;
	v32 =	vmul.f32 v23, v10;
	[tilespmem:s9+$0xFFFFFEF0] =	vst v28  }
0x94d: {  	v34 =	vmul.f32 v25, v10;
	v37 =	vld [tilespmem:s9+$0xFFFFFF80];
	[tilespmem:s9+$0xFFFFFF00] =	vst v30  }
0x94e: {  	v39 =	vld [tilespmem:s9+$0xFFFFFF90];
	v36 =	vmul.f32 v27, v10;
	[tilespmem:s9+$0xFFFFFF10] =	vst v32  }
0x94f: {  	v14 =	vbroadcast v38, $0x0;
	v41 =	vld [tilespmem:s9+$0xFFFFFFA0];
	v38 =	vmul.f32 v29, v10;
	[tilespmem:s9+$0xFFFFFF20] =	vst v34  }
0x950: {  	v42 =	vmul.f32 v33, v10;
	v43 =	vld [tilespmem:s9+$0xFFFFFFB0];
	[tilespmem:s9+$0xFFFFFF30] =	vst v36  }
0x951: {  	v49 =	vld [tilespmem:s9+$0xFFFFFFE0];
	v44 =	vmul.f32 v35, v10;
	[tilespmem:s9+$0xFFFFFF40] =	vst v38  }
0x952: {  	v51 =	vld [tilespmem:s9+$0xFFFFFFF0];
	[tilespmem:s9+$0xFFFFFF60] =	vst v42;
	v46 =	vmul.f32 v37, v12  }
0x953: {  	v59 =	vld [tilespmem:s9+$0x30];
	[tilespmem:s9+$0xFFFFFF70] =	vst v44;
	v48 =	vmul.f32 v39, v12  }
0x954: {  	v63 =	vld [tilespmem:s9+$0x50];
	v50 =	vmul.f32 v41, v12;
	[tilespmem:s9+$0xFFFFFF80] =	vst v46  }
0x955: {  	v19 =	vld [tilespmem:s9+$0x90];
	v52 =	vmul.f32 v43, v12;
	[tilespmem:s9+$0xFFFFFF90] =	vst v48  }
0x956: {  	v21 =	vld [tilespmem:s9+$0xA0];
	v58 =	vmul.f32 v49, v12;
	[tilespmem:s9+$0xFFFFFFA0] =	vst v50  }
0x957: {  	v45 =	vld [tilespmem:s9+$0xFFFFFFC0];
	v60 =	vmul.f32 v51, v12;
	[tilespmem:s9+$0xFFFFFFB0] =	vst v52  }
0x958: {  	v47 =	vld [tilespmem:s9+$0xFFFFFFD0];
	v16 =	vmul.f32 v59, v4;
	[tilespmem:s9+$0xFFFFFFE0] =	vst v58  }
0x959: {  	v55 =	vld [tilespmem:s9+$0x10];
	v20 =	vmul.f32 v63, v4;
	[tilespmem:s9+$0xFFFFFFF0] =	vst v60  }
0x95a: {  	v53 =	vld [tilespmem:s9+$0x0];
	v27 =	vmul.f32 v19, v3;
	[tilespmem:s9+$0x30] =	vst v16  }
0x95b: {  	v13 =	vld [tilespmem:s9+$0x60];
	v29 =	vmul.f32 v21, v3;
	[tilespmem:s9+$0x50] =	vst v20  }
0x95c: {  	v17 =	vld [tilespmem:s9+$0x80];
	v54 =	vmul.f32 v45, v12;
	[tilespmem:s9+$0x90] =	vst v27  }
0x95d: {  	v26 =	vld [tilespmem:s9+$0xD0];
	v56 =	vmul.f32 v47, v12;
	[tilespmem:s9+$0xA0] =	vst v29  }
0x95e: {  	v28 =	vld [tilespmem:s9+$0xE0];
	v12 =	vmul.f32 v55, v4;
	[tilespmem:s9+$0xFFFFFFC0] =	vst v54  }
0x95f: {  	v2 =	vld.idx.msk [tilespmem:v14+s24+$0x0], $0xffff;
	v62 =	vmul.f32 v53, v4;
	[tilespmem:s9+$0xFFFFFFD0] =	vst v56  }
0x960: {  	v14 =	vld [tilespmem:s9+$0xFFFFFED0];
	v22 =	vmul.f32 v13, v4;
	[tilespmem:s9+$0x10] =	vst v12  }
0x961: {  	v31 =	vld [tilespmem:s9+$0xFFFFFF50];
	v25 =	vmul.f32 v17, v3;
	[tilespmem:s9+$0x0] =	vst v62  }
0x962: {  	v57 =	vld [tilespmem:s9+$0x20];
	v35 =	vmul.f32 v26, v3;
	[tilespmem:s9+$0x60] =	vst v22  }
0x963: {  	v61 =	vld [tilespmem:s9+$0x40];
	v37 =	vmul.f32 v28, v3;
	[tilespmem:s9+$0x80] =	vst v25  }
0x964: {  	v15 =	vld [tilespmem:s9+$0x70];
	v7 =	vmul.f32 v40, v2;
	[tilespmem:s9+$0xD0] =	vst v35  }
0x965: {  	v23 =	vld [tilespmem:s9+$0xB0];
	v24 =	vmul.f32 v14, v18;
	[tilespmem:s9+$0xE0] =	vst v37  }
0x966: {  	v34 =	vld [tilespmem:s9+$0x110];
	v40 =	vmul.f32 v31, v10;
	[tilespmem:s9+$0x170] =	vst v7  }
0x967: {  	v36 =	vld [tilespmem:s9+$0x120];
	v14 =	vmul.f32 v57, v4;
	[tilespmem:s9+$0xFFFFFED0] =	vst v24  }
0x968: {  	v38 =	vld [tilespmem:s9+$0x130];
	v18 =	vmul.f32 v61, v4;
	[tilespmem:s9+$0xFFFFFF50] =	vst v40  }
0x969: {  	v32 =	vld [tilespmem:s9+$0x100];
	v4 =	vmul.f32 v15, v4;
	[tilespmem:s9+$0x20] =	vst v14  }
0x96a: {  	v39 =	vld [tilespmem:s9+$0x140];
	v31 =	vmul.f32 v23, v3;
	[tilespmem:s9+$0x40] =	vst v18  }
0x96b: {  	v41 =	vld [tilespmem:s9+$0x150];
	v42 =	vmul.f32 v34, v2;
	[tilespmem:s9+$0x70] =	vst v4  }
0x96c: {  	v43 =	vld [tilespmem:s9+$0x160];
	v44 =	vmul.f32 v36, v2;
	[tilespmem:s9+$0xB0] =	vst v31  }
0x96d: {  	v49 =	vld [tilespmem:s9+$0x1A0];
	v46 =	vmul.f32 v38, v2;
	[tilespmem:s9+$0x110] =	vst v42  }
0x96e: {  	v51 =	vld [tilespmem:s9+$0x1B0];
	v40 =	vmul.f32 v32, v2;
	[tilespmem:s9+$0x120] =	vst v44  }
0x96f: {  	v59 =	vld [tilespmem:s9+$0x1F0];
	v48 =	vmul.f32 v39, v2;
	[tilespmem:s9+$0x130] =	vst v46  }
0x970: {  	v45 =	vld [tilespmem:s9+$0x180];
	v50 =	vmul.f32 v41, v2;
	[tilespmem:s9+$0x100] =	vst v40  }
0x971: {  	v47 =	vld [tilespmem:s9+$0x190];
	v52 =	vmul.f32 v43, v2;
	[tilespmem:s9+$0x140] =	vst v48  }
0x972: {  	v55 =	vld [tilespmem:s9+$0x1D0];
	v58 =	vmul.f32 v49, v1;
	[tilespmem:s9+$0x150] =	vst v50  }
0x973: {  	v53 =	vld [tilespmem:s9+$0x1C0];
	v60 =	vmul.f32 v51, v1;
	[tilespmem:s9+$0x160] =	vst v52  }
0x974: {  	v57 =	vld [tilespmem:s9+$0x1E0];
	v63 =	vmul.f32 v59, v1;
	[tilespmem:s9+$0x1A0] =	vst v58  }
0x975: {  	v24 =	vld [tilespmem:s9+$0xC0];
	v54 =	vmul.f32 v45, v1;
	[tilespmem:s9+$0x1B0] =	vst v60  }
0x976: {  	v30 =	vld [tilespmem:s9+$0xF0];
	v56 =	vmul.f32 v47, v1;
	[tilespmem:s9+$0x1F0] =	vst v63  }
0x977: {  	v61 =	vmul.f32 v55, v1;
	[tilespmem:s9+$0x180] =	vst v54  }
0x978: {  	v2 =	vmul.f32 v53, v1;
	[tilespmem:s9+$0x190] =	vst v56  }
0x979: {  	v62 =	vmul.f32 v57, v1;
	[tilespmem:s9+$0x1D0] =	vst v61  }
0x97a: {  	[tilespmem:s9+$0x1C0] =	vst v2;
	v33 =	vmul.f32 v24, v3  }
0x97b: {  	v3 =	vmul.f32 v30, v3;
	[tilespmem:s9+$0x1E0] =	vst v62  }
0x97c: {  	[tilespmem:s9+$0xC0] =	vst v33  }
0x97d: {  	[tilespmem:s9+$0xF0] =	vst v3  }
0x97e: {  	_ =	swait.ge [sflag:s10], $0x28  }
0x97f: {  	[sflag:s10] =	ssyncset.done $0x0  }
0x980: {  	[sflag:s10] =	ssyncadd.s32 $0xFFFFFFD8  }
0x981: {  	[spmem:s4] =	stream.indirect.scatter.add.f32 [tilespmem:s29], [sflag:$0xF], $0x80, s12, s26, $0xb8;
	[tilespmem:$0x1EE00] =	vst v63  }
0x982: {  	_ =	swait.ge [sflag:s8], $0x1400  }
0x983: {  	[sflag:s8] =	ssyncset.done $0x0  }
0x984: {  	[sflag:s8] =	ssyncadd.s32 $0xFFFFEC00  }
0x985: {  	_ =	swait.ge [sflag:s20], $0x1400  }
0x986: {  	[sflag:s20] =	ssyncset.done $0x0  }
0x987: {  	[sflag:s20] =	ssyncadd.s32 $0xFFFFEC00  }
0x988: {  	_ =	swait.ge [sflag:s22], $0x1400  }
0x989: {  	[sflag:s22] =	ssyncset.done $0x0  }
0x98a: {  	[sflag:s22] =	ssyncadd.s32 $0xFFFFEC00  }
0x98b: {  	_ =	swait.ge [sflag:s23], $0x1400  }
0x98c: {  	[sflag:s23] =	ssyncset.done $0x0  }
0x98d: {  	[sflag:s23] =	ssyncadd.s32 $0xFFFFEC00  }
0x98e: {  	_ =	swait.ge [sflag:s25], $0x1400  }
0x98f: {  	[sflag:s25] =	ssyncset.done $0x0  }
0x990: {  	[sflag:s25] =	ssyncadd.s32 $0xFFFFEC00  }
0x991: {  	[bflag:$0x0] =	sbarrier.arrive $0xFFFF  }
0x992: {  	s28 =	rddreg [dreg:$0x13]  }
0x993: {  	s2 =	rddreg [dreg:$0x10]  }
0x994: {  	s9 =	rddreg [dreg:$0x15];
	s0 =	sor.u32 $0x1C10, s28  }
0x995: {  	[hbm:s2], [sflag:s0] =	dma.local [spmem:s9], $0x2700  }
0x996: {  	_ =	swait.ge [sflag:s11], $0x2700  }
0x997: {  	[sflag:s11] =	ssyncset.done $0x0;
	s2 =	rddreg [dreg:$0x7]  }
0x998: {  	s7 =	rddreg [dreg:$0x11];
	[sflag:s11] =	ssyncadd.s32 $0xFFFFD900;
	s2 =	sshrl.u32 @!p1 s2, $0x3  }
0x999: {  	[hbm:s7], [sflag:s0] =	dma.local @!p1 [spmem:s2], $0x100  }
0x99a: {  	s0 =	simm.s32 @!p1 $0x10  }
0x99b: {  	_ =	swait.ge @!p1 [sflag:s0], $0x100  }
0x99c: {  	s30 =	rddreg [dreg:$0x16]  }
0x99d: {  	s31 =	rddreg [dreg:$0x12];
	s7 =	sadd.s32 $0x1, s30  }
0x99e: {  	p3 =	sne.s32 s7, s31  }
.Ltmp15:
0x99f: {  	_ = 	snop;
	(pc) =	sbr.rel @p3 .LBB2_1-.Ltmp15, $3  }
0x9a0: {  	_ =	sdelay $0x1  }
0x9a1: {  	[sflag:s0] =	ssyncset.done @!p1 $0x0  }
0x9a2: {  	[sflag:s0] =	ssyncadd.s32 @!p1 $0xFFFFFF00  }
0x9a3: {  	_ =	sfence.sel $0x180000  }
0x9a4: {  	[bflag:$0x0] =	sbarrier.arrive $0xFFFF  }
0x9a5: {  	_ =	strace $0x90000047  }
0x9a6: {  	[bflag:$0x2] =	sbarrier.arrive $0xFFFF  }
0x9a7: {  	s0 =	rddreg [dreg:$0x5]  }
0x9a8: {  	s0 =	sadd.s32 @!p1 $0x100000, s0  }
0x9a9: {  	[sflag:s0] =	ssyncadd.tile.s32 @!p1 $0x1;
	_ =	shalt  }
.Lfunc_end2:
_tile_overlayer_lowered:
.L_overlay_start_2:
0x9aa: {  	(tag) =	ssettag $0x2  }
0x9ab: {  	s0 =	rddreg [dreg:$0x0];
	s2 =	stileid.u32  }
0x9ac: {  	s1 =	rddreg [dreg:$0x1];
	p0 =	sne.s32 s2, $0x0  }
0x9ad: {  	s3 =	rddreg [dreg:$0x2];
	[bflag:$0x3] =	sbarrier.arrive $0xFFFF;
	s2 =	simm.s32 @!p0 $0x1C10  }
0x9ae: {  	[timem:s3], [sflag:s2] =	dma.local @!p0 [hbm:s0], s1  }
0x9af: {  	s0 =	simm.s32 @!p0 $0x10  }
0x9b0: {  	_ =	swait.ge @!p0 [sflag:s0], s1  }
0x9b1: {  	s1 =	ssub.s32 @!p0 $0x0, s1;
	[sflag:s0] =	ssyncset.done @!p0 $0x0  }
0x9b2: {  	[sflag:s0] =	ssyncadd.s32 @!p0 s1  }
0x9b3: {  	[bflag:$0x3] =	sbarrier.arrive $0xFFFF  }
0x9b4: {  	_ =	shalt  }

</sc_bundles>
